<compile_context>
chip_gen: v7x
topology: tpu7x:2x2x1
jax: 0.10.2.dev20260603
libtpu: 0.0.44.dev20260713+nightly
codegen_flags: <defaults>
</compile_context>

<pallas_src>
import functools

import jax
import jax.numpy as jnp
from jax import lax
from jax.experimental import pallas as pl
from jax.experimental.pallas import tpu as pltpu
from jax.experimental.pallas import tpu_sc as plsc

_B, _L = 4096, 200
_WDIM, _PDIM = 64, 5
_FDIM = _WDIM + 2 * _PDIM
_N = _B * _L
_NW = 32
_CHUNK = 128
_SPAN = 2
_ROWS_STEP = _CHUNK * _SPAN
_STEPS = _N // (_NW * _ROWS_STEP)
_G = _N // _ROWS_STEP
_HALF = _STEPS // 2


def _body(idx_h, wtab_h, p1tab_h, p2tab_h, out_h,
          ibuf0_v, ibuf1_v, wbuf0_v, wbuf1_v, pbuf0_v, pbuf1_v,
          p1tab_v, p2tab_v, sem_g, sem_o):
    wid = lax.axis_index("s") * 2 + lax.axis_index("c")
    pltpu.sync_copy(p1tab_h, p1tab_v)
    pltpu.sync_copy(p2tab_h, p2tab_v)

    bufs = ((ibuf0_v, wbuf0_v, pbuf0_v, 0), (ibuf1_v, wbuf1_v, pbuf1_v, 1))

    def fire_gathers(g, b):
        ibuf_v, wbuf_v, _, k = bufs[b]
        pltpu.sync_copy(idx_h.at[g], ibuf_v)
        for c in range(_SPAN):
            pltpu.async_copy(wtab_h.at[ibuf_v.at[0, c]],
                             wbuf_v.at[c], sem_g.at[k])

    def drain_gathers(b):
        ibuf_v, wbuf_v, _, k = bufs[b]
        for c in range(_SPAN):
            pltpu.make_async_copy(wtab_h.at[ibuf_v.at[0, c]],
                                  wbuf_v.at[c], sem_g.at[k]).wait()

    def pos_assemble(b):
        ibuf_v, _, pbuf_v, _ = bufs[b]
        for c in range(_SPAN):
            cs = jnp.full((16,), c, jnp.int32)
            for j in range(_CHUNK // 16):
                rows = lax.iota(jnp.int32, 16) + (j * 16)
                f1 = ibuf_v[1, c, pl.ds(j * 16, 16)] * _PDIM
                f2 = ibuf_v[2, c, pl.ds(j * 16, 16)] * _PDIM
                for t in range(_PDIM):
                    v1 = plsc.load_gather(p1tab_v, [f1 + t])
                    plsc.store_scatter(
                        pbuf_v,
                        [cs, rows, jnp.full((16,), t, jnp.int32)], v1)
                    v2 = plsc.load_gather(p2tab_v, [f2 + t])
                    plsc.store_scatter(
                        pbuf_v,
                        [cs, rows,
                         jnp.full((16,), _PDIM + t, jnp.int32)], v2)

    def wait_out(g, b):
        _, wbuf_v, pbuf_v, k = bufs[b]
        for c in range(_SPAN):
            pltpu.make_async_copy(wbuf_v.at[c], out_h.at[g, c, :, 0:_WDIM],
                                  sem_o.at[k]).wait()
            pltpu.make_async_copy(pbuf_v.at[c],
                                  out_h.at[g, c, :, _WDIM:_FDIM],
                                  sem_o.at[k]).wait()

    def write_out_async(g, b):
        _, wbuf_v, pbuf_v, k = bufs[b]
        for c in range(_SPAN):
            pltpu.async_copy(wbuf_v.at[c], out_h.at[g, c, :, 0:_WDIM],
                             sem_o.at[k])
            pltpu.async_copy(pbuf_v.at[c], out_h.at[g, c, :, _WDIM:_FDIM],
                             sem_o.at[k])

    def write_out_sync(g, b):
        _, wbuf_v, pbuf_v, _ = bufs[b]
        for c in range(_SPAN):
            pltpu.sync_copy(wbuf_v.at[c], out_h.at[g, c, :, 0:_WDIM])
            pltpu.sync_copy(pbuf_v.at[c], out_h.at[g, c, :, _WDIM:_FDIM])

    g0 = wid * _STEPS
    fire_gathers(g0, 0)

    def pair(i, carry):
        g = g0 + 2 * i

        drain_gathers(0)
        fire_gathers(g + 1, 1)

        @pl.when(i >= 1)
        def _():
            wait_out(g, 0)
        pos_assemble(0)

        @pl.when(i < _HALF - 1)
        def _():
            write_out_async(g, 0)

        @pl.when(i == _HALF - 1)
        def _():
            write_out_sync(g, 0)

        drain_gathers(1)

        @pl.when(i < _HALF - 1)
        def _():
            fire_gathers(g + 2, 0)

        @pl.when(i >= 1)
        def _():
            wait_out(g + 1, 1)
        pos_assemble(1)

        @pl.when(i < _HALF - 1)
        def _():
            write_out_async(g + 1, 1)

        @pl.when(i == _HALF - 1)
        def _():
            write_out_sync(g + 1, 1)

        return carry

    lax.fori_loop(0, _HALF, pair, 0)


def kernel(word, pos1, pos2, word_table, pos1_table, pos2_table):
    idx = jnp.stack(
        [jnp.asarray(word, jnp.int32).reshape(_G, _SPAN, _CHUNK),
         jnp.asarray(pos1, jnp.int32).reshape(_G, _SPAN, _CHUNK),
         jnp.asarray(pos2, jnp.int32).reshape(_G, _SPAN, _CHUNK)],
        axis=1)

    mesh = plsc.VectorSubcoreMesh(core_axis_name="c", subcore_axis_name="s")
    f = pl.kernel(
        _body,
        out_type=jax.ShapeDtypeStruct((_G, _SPAN, _CHUNK, _FDIM), jnp.float32),
        mesh=mesh,
        compiler_params=pltpu.CompilerParams(
            needs_layout_passes=False, use_tc_tiling_on_sc=False),
        scratch_types=[
            pltpu.VMEM((3, _SPAN, _CHUNK), jnp.int32),
            pltpu.VMEM((3, _SPAN, _CHUNK), jnp.int32),
            pltpu.VMEM((_SPAN, _CHUNK, _WDIM), jnp.float32),
            pltpu.VMEM((_SPAN, _CHUNK, _WDIM), jnp.float32),
            pltpu.VMEM((_SPAN, _CHUNK, 2 * _PDIM), jnp.float32),
            pltpu.VMEM((_SPAN, _CHUNK, 2 * _PDIM), jnp.float32),
            pltpu.VMEM((2 * _L * _PDIM,), jnp.float32),
            pltpu.VMEM((2 * _L * _PDIM,), jnp.float32),
            pltpu.SemaphoreType.DMA((2,)),
            pltpu.SemaphoreType.DMA((2,)),
        ],
    )
    out = f(idx, word_table,
            pos1_table.reshape(-1), pos2_table.reshape(-1))
    return out.reshape(_B, _L, _FDIM)

# --- scband reference (transcript-rebuilt; emitter-appended) ---
"""Pipeline reference for scband-embedding-32212254720051 (READ-ONLY COPY).

The authoritative reference and input builder live on the scoring server;
editing this copy changes nothing except your own understanding.
"""

import jax, jax.numpy as jnp
import numpy as np

B, L = 4096, 200
VOCAB, WDIM = 1000000, 64
MAX_LEN, PDIM = 200, 5

def setup_inputs(seed: int = 0) -> dict:
    key = jax.random.key(seed)
    k1, k2, k3, k4, k5, k6 = jax.random.split(key, 6)
    word = jax.random.randint(k1, (B, L), 0, VOCAB)
    pos1 = jax.random.randint(k2, (B, L), 0, 2 * MAX_LEN)
    pos2 = jax.random.randint(k3, (B, L), 0, 2 * MAX_LEN)
    word_table = jax.random.normal(k4, (VOCAB, WDIM), dtype=jnp.float32) * 0.02
    pos1_table = jax.random.normal(k5, (2 * MAX_LEN, PDIM), dtype=jnp.float32) * 0.02
    pos1_table = pos1_table.at[0].set(0.0)  # padding_idx=0
    pos2_table = jax.random.normal(k6, (2 * MAX_LEN, PDIM), dtype=jnp.float32) * 0.02
    pos2_table = pos2_table.at[0].set(0.0)  # padding_idx=0
    return {
        "word": word,
        "pos1": pos1,
        "pos2": pos2,
        "word_table": word_table,
        "pos1_table": pos1_table,
        "pos2_table": pos2_table,
    }

def reference(word, pos1, pos2, word_table, pos1_table, pos2_table):
    # word_embedding(word): gather word vectors
    we = jnp.take(word_table, word, axis=0)          # [B, L, WDIM]
    # pos1_embedding(pos1), pos2_embedding(pos2): gather positional vectors
    p1 = jnp.take(pos1_table, pos1, axis=0)          # [B, L, PDIM]
    p2 = jnp.take(pos2_table, pos2, axis=0)          # [B, L, PDIM]
    # concat along feature dim (dim=2)
    x = jnp.concatenate([we, p1, p2], axis=2)        # [B, L, WDIM + 2*PDIM]
    return x

if __name__ == "__main__":
    import jax
    _d = setup_inputs()
    print(jax.jit(kernel)(*tuple(_d.values())))

</pallas_src>

<mosaic_0001>
#map = affine_map<(d0, d1) -> (0, 0, 0, 0)>
#map1 = affine_map<(d0, d1) -> (0, 0)>
#map2 = affine_map<(d0, d1) -> (0)>
module attributes {stable_mosaic.version = 14 : i64} {
  func.func @_body(%arg0: i32, %arg1: i32, %arg2: memref<3200x3x2x128xi32, #tpu.memory_space<hbm>>, %arg3: memref<1000000x64xf32, #tpu.memory_space<hbm>>, %arg4: memref<2000xf32, #tpu.memory_space<hbm>>, %arg5: memref<2000xf32, #tpu.memory_space<hbm>>, %arg6: memref<3200x2x128x74xf32, #tpu.memory_space<hbm>>, %arg7: memref<3x2x128xi32, #tpu.memory_space<vmem>>, %arg8: memref<3x2x128xi32, #tpu.memory_space<vmem>>, %arg9: memref<2x128x64xf32, #tpu.memory_space<vmem>>, %arg10: memref<2x128x64xf32, #tpu.memory_space<vmem>>, %arg11: memref<2x128x10xf32, #tpu.memory_space<vmem>>, %arg12: memref<2x128x10xf32, #tpu.memory_space<vmem>>, %arg13: memref<2000xf32, #tpu.memory_space<vmem>>, %arg14: memref<2000xf32, #tpu.memory_space<vmem>>, %arg15: memref<2x!tpu.dma_semaphore, #tpu.memory_space<semaphore_mem>>, %arg16: memref<2x!tpu.dma_semaphore, #tpu.memory_space<semaphore_mem>>) attributes {dimension_semantics = [#tpu.dimension_semantics<core_parallel>, #tpu.dimension_semantics<subcore_parallel>], iteration_bounds = array<i64: 2, 16>, scalar_prefetch = 0 : i64, scratch_operands = 10 : i64, tpu.core_type = #tpu.core_type<sc_vector_subcore>, window_params = [{transform_indices = #map}, {transform_indices = #map1}, {transform_indices = #map2}, {transform_indices = #map2}, {transform_indices = #map}]} {
    %mul3A = arith.constant 2 : i32
    %mul3A_0 = arith.muli %arg1, %mul3A : i32
    %add3A = arith.addi %mul3A_0, %arg0 : i32
    "tpu.region"() ({
      %run_scoped3A = tpu.sem_alloc : memref<!tpu.dma_semaphore, #tpu.memory_space<semaphore_mem>>
      tpu.enqueue_dma source(%arg4 : memref<2000xf32, #tpu.memory_space<hbm>>) target(%arg13 : memref<2000xf32, #tpu.memory_space<vmem>>) target_semaphore(%run_scoped3A : memref<!tpu.dma_semaphore, #tpu.memory_space<semaphore_mem>>)
      tpu.wait_dma2 semaphore(%run_scoped3A : memref<!tpu.dma_semaphore, #tpu.memory_space<semaphore_mem>>) src(%arg4 : memref<2000xf32, #tpu.memory_space<hbm>>) dst(%arg13 : memref<2000xf32, #tpu.memory_space<vmem>>)
      tpu.yield
    }) : () -> ()
    "tpu.region"() ({
      %run_scoped3A = tpu.sem_alloc : memref<!tpu.dma_semaphore, #tpu.memory_space<semaphore_mem>>
      tpu.enqueue_dma source(%arg5 : memref<2000xf32, #tpu.memory_space<hbm>>) target(%arg14 : memref<2000xf32, #tpu.memory_space<vmem>>) target_semaphore(%run_scoped3A : memref<!tpu.dma_semaphore, #tpu.memory_space<semaphore_mem>>)
      tpu.wait_dma2 semaphore(%run_scoped3A : memref<!tpu.dma_semaphore, #tpu.memory_space<semaphore_mem>>) src(%arg5 : memref<2000xf32, #tpu.memory_space<hbm>>) dst(%arg14 : memref<2000xf32, #tpu.memory_space<vmem>>)
      tpu.yield
    }) : () -> ()
    %mul3A_1 = arith.constant 100 : i32
    %mul3A_2 = arith.muli %add3A, %mul3A_1 : i32
    "tpu.region"() ({
      %run_scoped3A = tpu.sem_alloc : memref<!tpu.dma_semaphore, #tpu.memory_space<semaphore_mem>>
      %dma_start3A_39 = arith.constant 0 : i32
      %dma_start3A_40 = arith.constant 0 : i32
      %dma_start3A_41 = arith.constant 0 : i32
      %dma_start3A_42 = tpu.memref_slice %arg2[%mul3A_2, %dma_start3A_39, %dma_start3A_40, %dma_start3A_41] : memref<3200x3x2x128xi32, #tpu.memory_space<hbm>> -> memref<1x3x2x128xi32, #tpu.memory_space<hbm>>
      %dma_start3A_43 = tpu.memref_squeeze %dma_start3A_42 : memref<1x3x2x128xi32, #tpu.memory_space<hbm>> -> memref<3x2x128xi32, #tpu.memory_space<hbm>>
      %dma_start3A_44 = arith.constant 0 : i32
      %dma_start3A_45 = arith.constant 0 : i32
      %dma_start3A_46 = arith.constant 0 : i32
      %dma_start3A_47 = tpu.memref_slice %arg2[%mul3A_2, %dma_start3A_44, %dma_start3A_45, %dma_start3A_46] : memref<3200x3x2x128xi32, #tpu.memory_space<hbm>> -> memref<1x3x2x128xi32, #tpu.memory_space<hbm>>
      %dma_start3A_48 = tpu.memref_squeeze %dma_start3A_47 : memref<1x3x2x128xi32, #tpu.memory_space<hbm>> -> memref<3x2x128xi32, #tpu.memory_space<hbm>>
      tpu.enqueue_dma source(%dma_start3A_48 : memref<3x2x128xi32, #tpu.memory_space<hbm>>) target(%arg7 : memref<3x2x128xi32, #tpu.memory_space<vmem>>) target_semaphore(%run_scoped3A : memref<!tpu.dma_semaphore, #tpu.memory_space<semaphore_mem>>)
      %dma_wait3A = arith.constant 0 : i32
      %dma_wait3A_49 = arith.constant 0 : i32
      %dma_wait3A_50 = arith.constant 0 : i32
      %dma_wait3A_51 = tpu.memref_slice %arg2[%mul3A_2, %dma_wait3A, %dma_wait3A_49, %dma_wait3A_50] : memref<3200x3x2x128xi32, #tpu.memory_space<hbm>> -> memref<1x3x2x128xi32, #tpu.memory_space<hbm>>
      %dma_wait3A_52 = tpu.memref_squeeze %dma_wait3A_51 : memref<1x3x2x128xi32, #tpu.memory_space<hbm>> -> memref<3x2x128xi32, #tpu.memory_space<hbm>>
      %dma_wait3A_53 = arith.constant 0 : i32
      %dma_wait3A_54 = arith.constant 0 : i32
      %dma_wait3A_55 = arith.constant 0 : i32
      %dma_wait3A_56 = tpu.memref_slice %arg2[%mul3A_2, %dma_wait3A_53, %dma_wait3A_54, %dma_wait3A_55] : memref<3200x3x2x128xi32, #tpu.memory_space<hbm>> -> memref<1x3x2x128xi32, #tpu.memory_space<hbm>>
      %dma_wait3A_57 = tpu.memref_squeeze %dma_wait3A_56 : memref<1x3x2x128xi32, #tpu.memory_space<hbm>> -> memref<3x2x128xi32, #tpu.memory_space<hbm>>
      tpu.wait_dma2 semaphore(%run_scoped3A : memref<!tpu.dma_semaphore, #tpu.memory_space<semaphore_mem>>) src(%dma_wait3A_57 : memref<3x2x128xi32, #tpu.memory_space<hbm>>) dst(%arg7 : memref<3x2x128xi32, #tpu.memory_space<vmem>>)
      tpu.yield
    }) : () -> ()
    %dma_start3A = arith.constant 0 : i32
    %dma_start3A_3 = arith.constant 0 : i32
    %dma_start3A_4 = arith.constant 0 : i32
    %dma_start3A_5 = arith.constant 0 : i32
    %dma_start3A_6 = arith.constant 0 : i32
    %dma_start3A_7 = arith.constant 0 : i32
    %dma_start3A_8 = tpu.memref_slice %arg9[%dma_start3A_4, %dma_start3A_6, %dma_start3A_7] : memref<2x128x64xf32, #tpu.memory_space<vmem>> -> memref<1x128x64xf32, #tpu.memory_space<vmem>>
    %dma_start3A_9 = tpu.memref_squeeze %dma_start3A_8 : memref<1x128x64xf32, #tpu.memory_space<vmem>> -> memref<128x64xf32, #tpu.memory_space<vmem>>
    %dma_start3A_10 = arith.constant 0 : i32
    %dma_start3A_11 = tpu.memref_slice %arg7[%dma_start3A, %dma_start3A_3, %dma_start3A_10] : memref<3x2x128xi32, #tpu.memory_space<vmem>> -> memref<1x1x128xi32, #tpu.memory_space<vmem>>
    %dma_start3A_12 = tpu.memref_squeeze %dma_start3A_11 : memref<1x1x128xi32, #tpu.memory_space<vmem>> -> memref<128xi32, #tpu.memory_space<vmem>>
    %dma_start3A_13 = arith.constant 0 : i32
    %dma_start3A_14 = arith.constant 0 : i32
    %dma_start3A_15 = tpu.memref_slice %arg3[%dma_start3A_13, %dma_start3A_14] : memref<1000000x64xf32, #tpu.memory_space<hbm>> -> memref<1000000x64xf32, #tpu.memory_space<hbm>>
    %dma_start3A_16 = tpu.memref_slice %arg15[%dma_start3A_5] : memref<2x!tpu.dma_semaphore, #tpu.memory_space<semaphore_mem>> -> memref<1x!tpu.dma_semaphore, #tpu.memory_space<semaphore_mem>>
    %dma_start3A_17 = tpu.memref_squeeze %dma_start3A_16 : memref<1x!tpu.dma_semaphore, #tpu.memory_space<semaphore_mem>> -> memref<!tpu.dma_semaphore, #tpu.memory_space<semaphore_mem>>
    tpu.enqueue_indirect_dma source(%dma_start3A_15 : memref<1000000x64xf32, #tpu.memory_space<hbm>>) target(%dma_start3A_9 : memref<128x64xf32, #tpu.memory_space<vmem>>) offsets(%dma_start3A_12 : memref<128xi32, #tpu.memory_space<vmem>>) semaphore(%dma_start3A_17 : memref<!tpu.dma_semaphore, #tpu.memory_space<semaphore_mem>>)
    %dma_start3A_18 = arith.constant 0 : i32
    %dma_start3A_19 = arith.constant 1 : i32
    %dma_start3A_20 = arith.constant 1 : i32
    %dma_start3A_21 = arith.constant 0 : i32
    %dma_start3A_22 = arith.constant 0 : i32
    %dma_start3A_23 = arith.constant 0 : i32
    %dma_start3A_24 = tpu.memref_slice %arg9[%dma_start3A_20, %dma_start3A_22, %dma_start3A_23] : memref<2x128x64xf32, #tpu.memory_space<vmem>> -> memref<1x128x64xf32, #tpu.memory_space<vmem>>
    %dma_start3A_25 = tpu.memref_squeeze %dma_start3A_24 : memref<1x128x64xf32, #tpu.memory_space<vmem>> -> memref<128x64xf32, #tpu.memory_space<vmem>>
    %dma_start3A_26 = arith.constant 0 : i32
    %dma_start3A_27 = tpu.memref_slice %arg7[%dma_start3A_18, %dma_start3A_19, %dma_start3A_26] : memref<3x2x128xi32, #tpu.memory_space<vmem>> -> memref<1x1x128xi32, #tpu.memory_space<vmem>>
    %dma_start3A_28 = tpu.memref_squeeze %dma_start3A_27 : memref<1x1x128xi32, #tpu.memory_space<vmem>> -> memref<128xi32, #tpu.memory_space<vmem>>
    %dma_start3A_29 = arith.constant 0 : i32
    %dma_start3A_30 = arith.constant 0 : i32
    %dma_start3A_31 = tpu.memref_slice %arg3[%dma_start3A_29, %dma_start3A_30] : memref<1000000x64xf32, #tpu.memory_space<hbm>> -> memref<1000000x64xf32, #tpu.memory_space<hbm>>
    %dma_start3A_32 = tpu.memref_slice %arg15[%dma_start3A_21] : memref<2x!tpu.dma_semaphore, #tpu.memory_space<semaphore_mem>> -> memref<1x!tpu.dma_semaphore, #tpu.memory_space<semaphore_mem>>
    %dma_start3A_33 = tpu.memref_squeeze %dma_start3A_32 : memref<1x!tpu.dma_semaphore, #tpu.memory_space<semaphore_mem>> -> memref<!tpu.dma_semaphore, #tpu.memory_space<semaphore_mem>>
    tpu.enqueue_indirect_dma source(%dma_start3A_31 : memref<1000000x64xf32, #tpu.memory_space<hbm>>) target(%dma_start3A_25 : memref<128x64xf32, #tpu.memory_space<vmem>>) offsets(%dma_start3A_28 : memref<128xi32, #tpu.memory_space<vmem>>) semaphore(%dma_start3A_33 : memref<!tpu.dma_semaphore, #tpu.memory_space<semaphore_mem>>)
    %scan3A = arith.constant 0 : i32
    %scan3A_34 = arith.constant 0 : i32
    %scan3A_35 = arith.constant 50 : i32
    %scan3A_36 = arith.addi %scan3A_34, %scan3A_35 : i32
    %scan3A_37 = arith.constant 1 : i32
    scf.for %scan3A_39 = %scan3A_34 to %scan3A_36 step %scan3A_37  : i32 {
      %mul3A_40 = arith.constant 2 : i32
      %mul3A_41 = arith.muli %mul3A_40, %scan3A_39 : i32
      %add3A_42 = arith.addi %mul3A_2, %mul3A_41 : i32
      %dma_wait3A = arith.constant 0 : i32
      %dma_wait3A_43 = arith.constant 0 : i32
      %dma_wait3A_44 = arith.constant 0 : i32
      %dma_wait3A_45 = arith.constant 0 : i32
      %dma_wait3A_46 = arith.constant 0 : i32
      %dma_wait3A_47 = arith.constant 0 : i32
      %dma_wait3A_48 = tpu.memref_slice %arg9[%dma_wait3A_44, %dma_wait3A_46, %dma_wait3A_47] : memref<2x128x64xf32, #tpu.memory_space<vmem>> -> memref<1x128x64xf32, #tpu.memory_space<vmem>>
      %dma_wait3A_49 = tpu.memref_squeeze %dma_wait3A_48 : memref<1x128x64xf32, #tpu.memory_space<vmem>> -> memref<128x64xf32, #tpu.memory_space<vmem>>
      %dma_wait3A_50 = arith.constant 0 : i32
      %dma_wait3A_51 = tpu.memref_slice %arg7[%dma_wait3A, %dma_wait3A_43, %dma_wait3A_50] : memref<3x2x128xi32, #tpu.memory_space<vmem>> -> memref<1x1x128xi32, #tpu.memory_space<vmem>>
      %dma_wait3A_52 = tpu.memref_squeeze %dma_wait3A_51 : memref<1x1x128xi32, #tpu.memory_space<vmem>> -> memref<128xi32, #tpu.memory_space<vmem>>
      %dma_wait3A_53 = arith.constant 0 : i32
      %dma_wait3A_54 = arith.constant 0 : i32
      %dma_wait3A_55 = tpu.memref_slice %arg3[%dma_wait3A_53, %dma_wait3A_54] : memref<1000000x64xf32, #tpu.memory_space<hbm>> -> memref<1000000x64xf32, #tpu.memory_space<hbm>>
      %dma_wait3A_56 = tpu.memref_slice %arg15[%dma_wait3A_45] : memref<2x!tpu.dma_semaphore, #tpu.memory_space<semaphore_mem>> -> memref<1x!tpu.dma_semaphore, #tpu.memory_space<semaphore_mem>>
      %dma_wait3A_57 = tpu.memref_squeeze %dma_wait3A_56 : memref<1x!tpu.dma_semaphore, #tpu.memory_space<semaphore_mem>> -> memref<!tpu.dma_semaphore, #tpu.memory_space<semaphore_mem>>
      tpu.wait_indirect_dma semaphore(%dma_wait3A_57 : memref<!tpu.dma_semaphore, #tpu.memory_space<semaphore_mem>>) src(%dma_wait3A_55 : memref<1000000x64xf32, #tpu.memory_space<hbm>>) dst(%dma_wait3A_49 : memref<128x64xf32, #tpu.memory_space<vmem>>)
      %dma_wait3A_58 = arith.constant 0 : i32
      %dma_wait3A_59 = arith.constant 1 : i32
      %dma_wait3A_60 = arith.constant 1 : i32
      %dma_wait3A_61 = arith.constant 0 : i32
      %dma_wait3A_62 = arith.constant 0 : i32
      %dma_wait3A_63 = arith.constant 0 : i32
      %dma_wait3A_64 = tpu.memref_slice %arg9[%dma_wait3A_60, %dma_wait3A_62, %dma_wait3A_63] : memref<2x128x64xf32, #tpu.memory_space<vmem>> -> memref<1x128x64xf32, #tpu.memory_space<vmem>>
      %dma_wait3A_65 = tpu.memref_squeeze %dma_wait3A_64 : memref<1x128x64xf32, #tpu.memory_space<vmem>> -> memref<128x64xf32, #tpu.memory_space<vmem>>
      %dma_wait3A_66 = arith.constant 0 : i32
      %dma_wait3A_67 = tpu.memref_slice %arg7[%dma_wait3A_58, %dma_wait3A_59, %dma_wait3A_66] : memref<3x2x128xi32, #tpu.memory_space<vmem>> -> memref<1x1x128xi32, #tpu.memory_space<vmem>>
      %dma_wait3A_68 = tpu.memref_squeeze %dma_wait3A_67 : memref<1x1x128xi32, #tpu.memory_space<vmem>> -> memref<128xi32, #tpu.memory_space<vmem>>
      %dma_wait3A_69 = arith.constant 0 : i32
      %dma_wait3A_70 = arith.constant 0 : i32
      %dma_wait3A_71 = tpu.memref_slice %arg3[%dma_wait3A_69, %dma_wait3A_70] : memref<1000000x64xf32, #tpu.memory_space<hbm>> -> memref<1000000x64xf32, #tpu.memory_space<hbm>>
      %dma_wait3A_72 = tpu.memref_slice %arg15[%dma_wait3A_61] : memref<2x!tpu.dma_semaphore, #tpu.memory_space<semaphore_mem>> -> memref<1x!tpu.dma_semaphore, #tpu.memory_space<semaphore_mem>>
      %dma_wait3A_73 = tpu.memref_squeeze %dma_wait3A_72 : memref<1x!tpu.dma_semaphore, #tpu.memory_space<semaphore_mem>> -> memref<!tpu.dma_semaphore, #tpu.memory_space<semaphore_mem>>
      tpu.wait_indirect_dma semaphore(%dma_wait3A_73 : memref<!tpu.dma_semaphore, #tpu.memory_space<semaphore_mem>>) src(%dma_wait3A_71 : memref<1000000x64xf32, #tpu.memory_space<hbm>>) dst(%dma_wait3A_65 : memref<128x64xf32, #tpu.memory_space<vmem>>)
      %add3A_74 = arith.constant 1 : i32
      %add3A_75 = arith.addi %add3A_42, %add3A_74 : i32
      "tpu.region"() ({
        %run_scoped3A = tpu.sem_alloc : memref<!tpu.dma_semaphore, #tpu.memory_space<semaphore_mem>>
        %dma_start3A_2798 = arith.constant 0 : i32
        %dma_start3A_2799 = arith.constant 0 : i32
        %dma_start3A_2800 = arith.constant 0 : i32
        %dma_start3A_2801 = tpu.memref_slice %arg2[%add3A_75, %dma_start3A_2798, %dma_start3A_2799, %dma_start3A_2800] : memref<3200x3x2x128xi32, #tpu.memory_space<hbm>> -> memref<1x3x2x128xi32, #tpu.memory_space<hbm>>
        %dma_start3A_2802 = tpu.memref_squeeze %dma_start3A_2801 : memref<1x3x2x128xi32, #tpu.memory_space<hbm>> -> memref<3x2x128xi32, #tpu.memory_space<hbm>>
        %dma_start3A_2803 = arith.constant 0 : i32
        %dma_start3A_2804 = arith.constant 0 : i32
        %dma_start3A_2805 = arith.constant 0 : i32
        %dma_start3A_2806 = tpu.memref_slice %arg2[%add3A_75, %dma_start3A_2803, %dma_start3A_2804, %dma_start3A_2805] : memref<3200x3x2x128xi32, #tpu.memory_space<hbm>> -> memref<1x3x2x128xi32, #tpu.memory_space<hbm>>
        %dma_start3A_2807 = tpu.memref_squeeze %dma_start3A_2806 : memref<1x3x2x128xi32, #tpu.memory_space<hbm>> -> memref<3x2x128xi32, #tpu.memory_space<hbm>>
        tpu.enqueue_dma source(%dma_start3A_2807 : memref<3x2x128xi32, #tpu.memory_space<hbm>>) target(%arg8 : memref<3x2x128xi32, #tpu.memory_space<vmem>>) target_semaphore(%run_scoped3A : memref<!tpu.dma_semaphore, #tpu.memory_space<semaphore_mem>>)
        %dma_wait3A_2808 = arith.constant 0 : i32
        %dma_wait3A_2809 = arith.constant 0 : i32
        %dma_wait3A_2810 = arith.constant 0 : i32
        %dma_wait3A_2811 = tpu.memref_slice %arg2[%add3A_75, %dma_wait3A_2808, %dma_wait3A_2809, %dma_wait3A_2810] : memref<3200x3x2x128xi32, #tpu.memory_space<hbm>> -> memref<1x3x2x128xi32, #tpu.memory_space<hbm>>
        %dma_wait3A_2812 = tpu.memref_squeeze %dma_wait3A_2811 : memref<1x3x2x128xi32, #tpu.memory_space<hbm>> -> memref<3x2x128xi32, #tpu.memory_space<hbm>>
        %dma_wait3A_2813 = arith.constant 0 : i32
        %dma_wait3A_2814 = arith.constant 0 : i32
        %dma_wait3A_2815 = arith.constant 0 : i32
        %dma_wait3A_2816 = tpu.memref_slice %arg2[%add3A_75, %dma_wait3A_2813, %dma_wait3A_2814, %dma_wait3A_2815] : memref<3200x3x2x128xi32, #tpu.memory_space<hbm>> -> memref<1x3x2x128xi32, #tpu.memory_space<hbm>>
        %dma_wait3A_2817 = tpu.memref_squeeze %dma_wait3A_2816 : memref<1x3x2x128xi32, #tpu.memory_space<hbm>> -> memref<3x2x128xi32, #tpu.memory_space<hbm>>
        tpu.wait_dma2 semaphore(%run_scoped3A : memref<!tpu.dma_semaphore, #tpu.memory_space<semaphore_mem>>) src(%dma_wait3A_2817 : memref<3x2x128xi32, #tpu.memory_space<hbm>>) dst(%arg8 : memref<3x2x128xi32, #tpu.memory_space<vmem>>)
        tpu.yield
      }) : () -> ()
      %dma_start3A_76 = arith.constant 0 : i32
      %dma_start3A_77 = arith.constant 0 : i32
      %dma_start3A_78 = arith.constant 0 : i32
      %dma_start3A_79 = arith.constant 1 : i32
      %dma_start3A_80 = arith.constant 0 : i32
      %dma_start3A_81 = arith.constant 0 : i32
      %dma_start3A_82 = tpu.memref_slice %arg10[%dma_start3A_78, %dma_start3A_80, %dma_start3A_81] : memref<2x128x64xf32, #tpu.memory_space<vmem>> -> memref<1x128x64xf32, #tpu.memory_space<vmem>>
      %dma_start3A_83 = tpu.memref_squeeze %dma_start3A_82 : memref<1x128x64xf32, #tpu.memory_space<vmem>> -> memref<128x64xf32, #tpu.memory_space<vmem>>
      %dma_start3A_84 = arith.constant 0 : i32
      %dma_start3A_85 = tpu.memref_slice %arg8[%dma_start3A_76, %dma_start3A_77, %dma_start3A_84] : memref<3x2x128xi32, #tpu.memory_space<vmem>> -> memref<1x1x128xi32, #tpu.memory_space<vmem>>
      %dma_start3A_86 = tpu.memref_squeeze %dma_start3A_85 : memref<1x1x128xi32, #tpu.memory_space<vmem>> -> memref<128xi32, #tpu.memory_space<vmem>>
      %dma_start3A_87 = arith.constant 0 : i32
      %dma_start3A_88 = arith.constant 0 : i32
      %dma_start3A_89 = tpu.memref_slice %arg3[%dma_start3A_87, %dma_start3A_88] : memref<1000000x64xf32, #tpu.memory_space<hbm>> -> memref<1000000x64xf32, #tpu.memory_space<hbm>>
      %dma_start3A_90 = tpu.memref_slice %arg15[%dma_start3A_79] : memref<2x!tpu.dma_semaphore, #tpu.memory_space<semaphore_mem>> -> memref<1x!tpu.dma_semaphore, #tpu.memory_space<semaphore_mem>>
      %dma_start3A_91 = tpu.memref_squeeze %dma_start3A_90 : memref<1x!tpu.dma_semaphore, #tpu.memory_space<semaphore_mem>> -> memref<!tpu.dma_semaphore, #tpu.memory_space<semaphore_mem>>
      tpu.enqueue_indirect_dma source(%dma_start3A_89 : memref<1000000x64xf32, #tpu.memory_space<hbm>>) target(%dma_start3A_83 : memref<128x64xf32, #tpu.memory_space<vmem>>) offsets(%dma_start3A_86 : memref<128xi32, #tpu.memory_space<vmem>>) semaphore(%dma_start3A_91 : memref<!tpu.dma_semaphore, #tpu.memory_space<semaphore_mem>>)
      %dma_start3A_92 = arith.constant 0 : i32
      %dma_start3A_93 = arith.constant 1 : i32
      %dma_start3A_94 = arith.constant 1 : i32
      %dma_start3A_95 = arith.constant 1 : i32
      %dma_start3A_96 = arith.constant 0 : i32
      %dma_start3A_97 = arith.constant 0 : i32
      %dma_start3A_98 = tpu.memref_slice %arg10[%dma_start3A_94, %dma_start3A_96, %dma_start3A_97] : memref<2x128x64xf32, #tpu.memory_space<vmem>> -> memref<1x128x64xf32, #tpu.memory_space<vmem>>
      %dma_start3A_99 = tpu.memref_squeeze %dma_start3A_98 : memref<1x128x64xf32, #tpu.memory_space<vmem>> -> memref<128x64xf32, #tpu.memory_space<vmem>>
      %dma_start3A_100 = arith.constant 0 : i32
      %dma_start3A_101 = tpu.memref_slice %arg8[%dma_start3A_92, %dma_start3A_93, %dma_start3A_100] : memref<3x2x128xi32, #tpu.memory_space<vmem>> -> memref<1x1x128xi32, #tpu.memory_space<vmem>>
      %dma_start3A_102 = tpu.memref_squeeze %dma_start3A_101 : memref<1x1x128xi32, #tpu.memory_space<vmem>> -> memref<128xi32, #tpu.memory_space<vmem>>
      %dma_start3A_103 = arith.constant 0 : i32
      %dma_start3A_104 = arith.constant 0 : i32
      %dma_start3A_105 = tpu.memref_slice %arg3[%dma_start3A_103, %dma_start3A_104] : memref<1000000x64xf32, #tpu.memory_space<hbm>> -> memref<1000000x64xf32, #tpu.memory_space<hbm>>
      %dma_start3A_106 = tpu.memref_slice %arg15[%dma_start3A_95] : memref<2x!tpu.dma_semaphore, #tpu.memory_space<semaphore_mem>> -> memref<1x!tpu.dma_semaphore, #tpu.memory_space<semaphore_mem>>
      %dma_start3A_107 = tpu.memref_squeeze %dma_start3A_106 : memref<1x!tpu.dma_semaphore, #tpu.memory_space<semaphore_mem>> -> memref<!tpu.dma_semaphore, #tpu.memory_space<semaphore_mem>>
      tpu.enqueue_indirect_dma source(%dma_start3A_105 : memref<1000000x64xf32, #tpu.memory_space<hbm>>) target(%dma_start3A_99 : memref<128x64xf32, #tpu.memory_space<vmem>>) offsets(%dma_start3A_102 : memref<128xi32, #tpu.memory_space<vmem>>) semaphore(%dma_start3A_107 : memref<!tpu.dma_semaphore, #tpu.memory_space<semaphore_mem>>)
      %ge3A = arith.constant 1 : i32
      %ge3A_108 = arith.cmpi sge, %scan3A_39, %ge3A : i32
      %convert_element_type3A = arith.extui %ge3A_108 : i1 to i32
      %cond3A = arith.constant 0 : i32
      %cond3A_109 = arith.cmpi ne, %convert_element_type3A, %cond3A : i32
      scf.if %cond3A_109 {
        %dma_wait3A_2798 = arith.constant 0 : i32
        %dma_wait3A_2799 = arith.constant 0 : i32
        %dma_wait3A_2800 = arith.constant 0 : i32
        %dma_wait3A_2801 = arith.constant 0 : i32
        %dma_wait3A_2802 = arith.constant 0 : i32
        %dma_wait3A_2803 = tpu.memref_slice %arg9[%dma_wait3A_2798, %dma_wait3A_2801, %dma_wait3A_2802] : memref<2x128x64xf32, #tpu.memory_space<vmem>> -> memref<1x128x64xf32, #tpu.memory_space<vmem>>
        %dma_wait3A_2804 = tpu.memref_squeeze %dma_wait3A_2803 : memref<1x128x64xf32, #tpu.memory_space<vmem>> -> memref<128x64xf32, #tpu.memory_space<vmem>>
        %dma_wait3A_2805 = arith.constant 0 : i32
        %dma_wait3A_2806 = arith.constant 0 : i32
        %dma_wait3A_2807 = tpu.memref_slice %arg6[%add3A_42, %dma_wait3A_2799, %dma_wait3A_2805, %dma_wait3A_2806] : memref<3200x2x128x74xf32, #tpu.memory_space<hbm>> -> memref<1x1x128x64xf32, #tpu.memory_space<hbm>>
        %dma_wait3A_2808 = tpu.memref_squeeze %dma_wait3A_2807 : memref<1x1x128x64xf32, #tpu.memory_space<hbm>> -> memref<128x64xf32, #tpu.memory_space<hbm>>
        %dma_wait3A_2809 = tpu.memref_slice %arg16[%dma_wait3A_2800] : memref<2x!tpu.dma_semaphore, #tpu.memory_space<semaphore_mem>> -> memref<1x!tpu.dma_semaphore, #tpu.memory_space<semaphore_mem>>
        %dma_wait3A_2810 = tpu.memref_squeeze %dma_wait3A_2809 : memref<1x!tpu.dma_semaphore, #tpu.memory_space<semaphore_mem>> -> memref<!tpu.dma_semaphore, #tpu.memory_space<semaphore_mem>>
        %dma_wait3A_2811 = arith.constant 0 : i32
        %dma_wait3A_2812 = arith.constant 0 : i32
        %dma_wait3A_2813 = tpu.memref_slice %arg6[%add3A_42, %dma_wait3A_2799, %dma_wait3A_2811, %dma_wait3A_2812] : memref<3200x2x128x74xf32, #tpu.memory_space<hbm>> -> memref<1x1x128x64xf32, #tpu.memory_space<hbm>>
        %dma_wait3A_2814 = tpu.memref_squeeze %dma_wait3A_2813 : memref<1x1x128x64xf32, #tpu.memory_space<hbm>> -> memref<128x64xf32, #tpu.memory_space<hbm>>
        %dma_wait3A_2815 = arith.constant 0 : i32
        %dma_wait3A_2816 = arith.constant 0 : i32
        %dma_wait3A_2817 = tpu.memref_slice %arg9[%dma_wait3A_2798, %dma_wait3A_2815, %dma_wait3A_2816] : memref<2x128x64xf32, #tpu.memory_space<vmem>> -> memref<1x128x64xf32, #tpu.memory_space<vmem>>
        %dma_wait3A_2818 = tpu.memref_squeeze %dma_wait3A_2817 : memref<1x128x64xf32, #tpu.memory_space<vmem>> -> memref<128x64xf32, #tpu.memory_space<vmem>>
        tpu.wait_dma2 semaphore(%dma_wait3A_2810 : memref<!tpu.dma_semaphore, #tpu.memory_space<semaphore_mem>>) src(%dma_wait3A_2818 : memref<128x64xf32, #tpu.memory_space<vmem>>) dst(%dma_wait3A_2814 : memref<128x64xf32, #tpu.memory_space<hbm>>)
        %dma_wait3A_2819 = arith.constant 0 : i32
        %dma_wait3A_2820 = arith.constant 0 : i32
        %dma_wait3A_2821 = arith.constant 0 : i32
        %dma_wait3A_2822 = arith.constant 0 : i32
        %dma_wait3A_2823 = arith.constant 0 : i32
        %dma_wait3A_2824 = tpu.memref_slice %arg11[%dma_wait3A_2819, %dma_wait3A_2822, %dma_wait3A_2823] : memref<2x128x10xf32, #tpu.memory_space<vmem>> -> memref<1x128x10xf32, #tpu.memory_space<vmem>>
        %dma_wait3A_2825 = tpu.memref_squeeze %dma_wait3A_2824 : memref<1x128x10xf32, #tpu.memory_space<vmem>> -> memref<128x10xf32, #tpu.memory_space<vmem>>
        %dma_wait3A_2826 = arith.constant 0 : i32
        %dma_wait3A_2827 = arith.constant 64 : i32
        %dma_wait3A_2828 = tpu.memref_slice %arg6[%add3A_42, %dma_wait3A_2820, %dma_wait3A_2826, %dma_wait3A_2827] : memref<3200x2x128x74xf32, #tpu.memory_space<hbm>> -> memref<1x1x128x10xf32, #tpu.memory_space<hbm>>
        %dma_wait3A_2829 = tpu.memref_squeeze %dma_wait3A_2828 : memref<1x1x128x10xf32, #tpu.memory_space<hbm>> -> memref<128x10xf32, #tpu.memory_space<hbm>>
        %dma_wait3A_2830 = tpu.memref_slice %arg16[%dma_wait3A_2821] : memref<2x!tpu.dma_semaphore, #tpu.memory_space<semaphore_mem>> -> memref<1x!tpu.dma_semaphore, #tpu.memory_space<semaphore_mem>>
        %dma_wait3A_2831 = tpu.memref_squeeze %dma_wait3A_2830 : memref<1x!tpu.dma_semaphore, #tpu.memory_space<semaphore_mem>> -> memref<!tpu.dma_semaphore, #tpu.memory_space<semaphore_mem>>
        %dma_wait3A_2832 = arith.constant 0 : i32
        %dma_wait3A_2833 = arith.constant 64 : i32
        %dma_wait3A_2834 = tpu.memref_slice %arg6[%add3A_42, %dma_wait3A_2820, %dma_wait3A_2832, %dma_wait3A_2833] : memref<3200x2x128x74xf32, #tpu.memory_space<hbm>> -> memref<1x1x128x10xf32, #tpu.memory_space<hbm>>
        %dma_wait3A_2835 = tpu.memref_squeeze %dma_wait3A_2834 : memref<1x1x128x10xf32, #tpu.memory_space<hbm>> -> memref<128x10xf32, #tpu.memory_space<hbm>>
        %dma_wait3A_2836 = arith.constant 0 : i32
        %dma_wait3A_2837 = arith.constant 0 : i32
        %dma_wait3A_2838 = tpu.memref_slice %arg11[%dma_wait3A_2819, %dma_wait3A_2836, %dma_wait3A_2837] : memref<2x128x10xf32, #tpu.memory_space<vmem>> -> memref<1x128x10xf32, #tpu.memory_space<vmem>>
        %dma_wait3A_2839 = tpu.memref_squeeze %dma_wait3A_2838 : memref<1x128x10xf32, #tpu.memory_space<vmem>> -> memref<128x10xf32, #tpu.memory_space<vmem>>
        tpu.wait_dma2 semaphore(%dma_wait3A_2831 : memref<!tpu.dma_semaphore, #tpu.memory_space<semaphore_mem>>) src(%dma_wait3A_2839 : memref<128x10xf32, #tpu.memory_space<vmem>>) dst(%dma_wait3A_2835 : memref<128x10xf32, #tpu.memory_space<hbm>>)
        %dma_wait3A_2840 = arith.constant 1 : i32
        %dma_wait3A_2841 = arith.constant 1 : i32
        %dma_wait3A_2842 = arith.constant 0 : i32
        %dma_wait3A_2843 = arith.constant 0 : i32
        %dma_wait3A_2844 = arith.constant 0 : i32
        %dma_wait3A_2845 = tpu.memref_slice %arg9[%dma_wait3A_2840, %dma_wait3A_2843, %dma_wait3A_2844] : memref<2x128x64xf32, #tpu.memory_space<vmem>> -> memref<1x128x64xf32, #tpu.memory_space<vmem>>
        %dma_wait3A_2846 = tpu.memref_squeeze %dma_wait3A_2845 : memref<1x128x64xf32, #tpu.memory_space<vmem>> -> memref<128x64xf32, #tpu.memory_space<vmem>>
        %dma_wait3A_2847 = arith.constant 0 : i32
        %dma_wait3A_2848 = arith.constant 0 : i32
        %dma_wait3A_2849 = tpu.memref_slice %arg6[%add3A_42, %dma_wait3A_2841, %dma_wait3A_2847, %dma_wait3A_2848] : memref<3200x2x128x74xf32, #tpu.memory_space<hbm>> -> memref<1x1x128x64xf32, #tpu.memory_space<hbm>>
        %dma_wait3A_2850 = tpu.memref_squeeze %dma_wait3A_2849 : memref<1x1x128x64xf32, #tpu.memory_space<hbm>> -> memref<128x64xf32, #tpu.memory_space<hbm>>
        %dma_wait3A_2851 = tpu.memref_slice %arg16[%dma_wait3A_2842] : memref<2x!tpu.dma_semaphore, #tpu.memory_space<semaphore_mem>> -> memref<1x!tpu.dma_semaphore, #tpu.memory_space<semaphore_mem>>
        %dma_wait3A_2852 = tpu.memref_squeeze %dma_wait3A_2851 : memref<1x!tpu.dma_semaphore, #tpu.memory_space<semaphore_mem>> -> memref<!tpu.dma_semaphore, #tpu.memory_space<semaphore_mem>>
        %dma_wait3A_2853 = arith.constant 0 : i32
        %dma_wait3A_2854 = arith.constant 0 : i32
        %dma_wait3A_2855 = tpu.memref_slice %arg6[%add3A_42, %dma_wait3A_2841, %dma_wait3A_2853, %dma_wait3A_2854] : memref<3200x2x128x74xf32, #tpu.memory_space<hbm>> -> memref<1x1x128x64xf32, #tpu.memory_space<hbm>>
        %dma_wait3A_2856 = tpu.memref_squeeze %dma_wait3A_2855 : memref<1x1x128x64xf32, #tpu.memory_space<hbm>> -> memref<128x64xf32, #tpu.memory_space<hbm>>
        %dma_wait3A_2857 = arith.constant 0 : i32
        %dma_wait3A_2858 = arith.constant 0 : i32
        %dma_wait3A_2859 = tpu.memref_slice %arg9[%dma_wait3A_2840, %dma_wait3A_2857, %dma_wait3A_2858] : memref<2x128x64xf32, #tpu.memory_space<vmem>> -> memref<1x128x64xf32, #tpu.memory_space<vmem>>
        %dma_wait3A_2860 = tpu.memref_squeeze %dma_wait3A_2859 : memref<1x128x64xf32, #tpu.memory_space<vmem>> -> memref<128x64xf32, #tpu.memory_space<vmem>>
        tpu.wait_dma2 semaphore(%dma_wait3A_2852 : memref<!tpu.dma_semaphore, #tpu.memory_space<semaphore_mem>>) src(%dma_wait3A_2860 : memref<128x64xf32, #tpu.memory_space<vmem>>) dst(%dma_wait3A_2856 : memref<128x64xf32, #tpu.memory_space<hbm>>)
        %dma_wait3A_2861 = arith.constant 1 : i32
        %dma_wait3A_2862 = arith.constant 1 : i32
        %dma_wait3A_2863 = arith.constant 0 : i32
        %dma_wait3A_2864 = arith.constant 0 : i32
        %dma_wait3A_2865 = arith.constant 0 : i32
        %dma_wait3A_2866 = tpu.memref_slice %arg11[%dma_wait3A_2861, %dma_wait3A_2864, %dma_wait3A_2865] : memref<2x128x10xf32, #tpu.memory_space<vmem>> -> memref<1x128x10xf32, #tpu.memory_space<vmem>>
        %dma_wait3A_2867 = tpu.memref_squeeze %dma_wait3A_2866 : memref<1x128x10xf32, #tpu.memory_space<vmem>> -> memref<128x10xf32, #tpu.memory_space<vmem>>
        %dma_wait3A_2868 = arith.constant 0 : i32
        %dma_wait3A_2869 = arith.constant 64 : i32
        %dma_wait3A_2870 = tpu.memref_slice %arg6[%add3A_42, %dma_wait3A_2862, %dma_wait3A_2868, %dma_wait3A_2869] : memref<3200x2x128x74xf32, #tpu.memory_space<hbm>> -> memref<1x1x128x10xf32, #tpu.memory_space<hbm>>
        %dma_wait3A_2871 = tpu.memref_squeeze %dma_wait3A_2870 : memref<1x1x128x10xf32, #tpu.memory_space<hbm>> -> memref<128x10xf32, #tpu.memory_space<hbm>>
        %dma_wait3A_2872 = tpu.memref_slice %arg16[%dma_wait3A_2863] : memref<2x!tpu.dma_semaphore, #tpu.memory_space<semaphore_mem>> -> memref<1x!tpu.dma_semaphore, #tpu.memory_space<semaphore_mem>>
        %dma_wait3A_2873 = tpu.memref_squeeze %dma_wait3A_2872 : memref<1x!tpu.dma_semaphore, #tpu.memory_space<semaphore_mem>> -> memref<!tpu.dma_semaphore, #tpu.memory_space<semaphore_mem>>
        %dma_wait3A_2874 = arith.constant 0 : i32
        %dma_wait3A_2875 = arith.constant 64 : i32
        %dma_wait3A_2876 = tpu.memref_slice %arg6[%add3A_42, %dma_wait3A_2862, %dma_wait3A_2874, %dma_wait3A_2875] : memref<3200x2x128x74xf32, #tpu.memory_space<hbm>> -> memref<1x1x128x10xf32, #tpu.memory_space<hbm>>
        %dma_wait3A_2877 = tpu.memref_squeeze %dma_wait3A_2876 : memref<1x1x128x10xf32, #tpu.memory_space<hbm>> -> memref<128x10xf32, #tpu.memory_space<hbm>>
        %dma_wait3A_2878 = arith.constant 0 : i32
        %dma_wait3A_2879 = arith.constant 0 : i32
        %dma_wait3A_2880 = tpu.memref_slice %arg11[%dma_wait3A_2861, %dma_wait3A_2878, %dma_wait3A_2879] : memref<2x128x10xf32, #tpu.memory_space<vmem>> -> memref<1x128x10xf32, #tpu.memory_space<vmem>>
        %dma_wait3A_2881 = tpu.memref_squeeze %dma_wait3A_2880 : memref<1x128x10xf32, #tpu.memory_space<vmem>> -> memref<128x10xf32, #tpu.memory_space<vmem>>
        tpu.wait_dma2 semaphore(%dma_wait3A_2873 : memref<!tpu.dma_semaphore, #tpu.memory_space<semaphore_mem>>) src(%dma_wait3A_2881 : memref<128x10xf32, #tpu.memory_space<vmem>>) dst(%dma_wait3A_2877 : memref<128x10xf32, #tpu.memory_space<hbm>>)
      } else {
      }
      %broadcast_in_dim3A = arith.constant 0 : i32
      %broadcast_in_dim3A_110 = vector.broadcast %broadcast_in_dim3A : i32 to vector<16xi32>
      %iota3A = tpu.iota {dimensions = array<i32: 0>} : vector<16xi32>
      %add3A_111 = arith.constant 0 : i32
      %add3A_112 = vector.broadcast %add3A_111 : i32 to vector<16xi32>
      %add3A_113 = arith.addi %iota3A, %add3A_112 : vector<16xi32>
      %get3A = arith.constant 1 : i32
      %get3A_114 = arith.constant 0 : i32
      %get3A_115 = arith.index_cast %get3A : i32 to index
      %get3A_116 = arith.index_cast %get3A_114 : i32 to index
      %get3A_117 = arith.constant 0 : index
      %get3A_118 = tpu.vector_load %arg7[%get3A_115, %get3A_116, %get3A_117] {strides = array<i32>} : memref<3x2x128xi32, #tpu.memory_space<vmem>>, vector<16xi32>,
      %mul3A_119 = arith.constant 5 : i32
      %mul3A_120 = vector.broadcast %mul3A_119 : i32 to vector<16xi32>
      %mul3A_121 = arith.muli %get3A_118, %mul3A_120 : vector<16xi32>
      %get3A_122 = arith.constant 2 : i32
      %get3A_123 = arith.constant 0 : i32
      %get3A_124 = arith.index_cast %get3A_122 : i32 to index
      %get3A_125 = arith.index_cast %get3A_123 : i32 to index
      %get3A_126 = arith.constant 0 : index
      %get3A_127 = tpu.vector_load %arg7[%get3A_124, %get3A_125, %get3A_126] {strides = array<i32>} : memref<3x2x128xi32, #tpu.memory_space<vmem>>, vector<16xi32>,
      %mul3A_128 = arith.constant 5 : i32
      %mul3A_129 = vector.broadcast %mul3A_128 : i32 to vector<16xi32>
      %mul3A_130 = arith.muli %get3A_127, %mul3A_129 : vector<16xi32>
      %add3A_131 = arith.constant 0 : i32
      %add3A_132 = vector.broadcast %add3A_131 : i32 to vector<16xi32>
      %add3A_133 = arith.addi %mul3A_121, %add3A_132 : vector<16xi32>
      %gather3A = tpu.vector_load_idx %arg13[%add3A_133] : memref<2000xf32, #tpu.memory_space<vmem>>[vector<16xi32>], vector<16xf32>,
      %broadcast_in_dim3A_134 = arith.constant 0 : i32
      %broadcast_in_dim3A_135 = vector.broadcast %broadcast_in_dim3A_134 : i32 to vector<16xi32>
      tpu.vector_store_idx %arg11[%broadcast_in_dim3A_110, %add3A_113, %broadcast_in_dim3A_135], %gather3A : memref<2x128x10xf32, #tpu.memory_space<vmem>>[vector<16xi32>, vector<16xi32>, vector<16xi32>], vector<16xf32>,
      %add3A_136 = arith.constant 0 : i32
      %add3A_137 = vector.broadcast %add3A_136 : i32 to vector<16xi32>
      %add3A_138 = arith.addi %mul3A_130, %add3A_137 : vector<16xi32>
      %gather3A_139 = tpu.vector_load_idx %arg14[%add3A_138] : memref<2000xf32, #tpu.memory_space<vmem>>[vector<16xi32>], vector<16xf32>,
      %broadcast_in_dim3A_140 = arith.constant 5 : i32
      %broadcast_in_dim3A_141 = vector.broadcast %broadcast_in_dim3A_140 : i32 to vector<16xi32>
      tpu.vector_store_idx %arg11[%broadcast_in_dim3A_110, %add3A_113, %broadcast_in_dim3A_141], %gather3A_139 : memref<2x128x10xf32, #tpu.memory_space<vmem>>[vector<16xi32>, vector<16xi32>, vector<16xi32>], vector<16xf32>,
      %add3A_142 = arith.constant 1 : i32
      %add3A_143 = vector.broadcast %add3A_142 : i32 to vector<16xi32>
      %add3A_144 = arith.addi %mul3A_121, %add3A_143 : vector<16xi32>
      %gather3A_145 = tpu.vector_load_idx %arg13[%add3A_144] : memref<2000xf32, #tpu.memory_space<vmem>>[vector<16xi32>], vector<16xf32>,
      %broadcast_in_dim3A_146 = arith.constant 1 : i32
      %broadcast_in_dim3A_147 = vector.broadcast %broadcast_in_dim3A_146 : i32 to vector<16xi32>
      tpu.vector_store_idx %arg11[%broadcast_in_dim3A_110, %add3A_113, %broadcast_in_dim3A_147], %gather3A_145 : memref<2x128x10xf32, #tpu.memory_space<vmem>>[vector<16xi32>, vector<16xi32>, vector<16xi32>], vector<16xf32>,
      %add3A_148 = arith.constant 1 : i32
      %add3A_149 = vector.broadcast %add3A_148 : i32 to vector<16xi32>
      %add3A_150 = arith.addi %mul3A_130, %add3A_149 : vector<16xi32>
      %gather3A_151 = tpu.vector_load_idx %arg14[%add3A_150] : memref<2000xf32, #tpu.memory_space<vmem>>[vector<16xi32>], vector<16xf32>,
      %broadcast_in_dim3A_152 = arith.constant 6 : i32
      %broadcast_in_dim3A_153 = vector.broadcast %broadcast_in_dim3A_152 : i32 to vector<16xi32>
      tpu.vector_store_idx %arg11[%broadcast_in_dim3A_110, %add3A_113, %broadcast_in_dim3A_153], %gather3A_151 : memref<2x128x10xf32, #tpu.memory_space<vmem>>[vector<16xi32>, vector<16xi32>, vector<16xi32>], vector<16xf32>,
      %add3A_154 = arith.constant 2 : i32
      %add3A_155 = vector.broadcast %add3A_154 : i32 to vector<16xi32>
      %add3A_156 = arith.addi %mul3A_121, %add3A_155 : vector<16xi32>
      %gather3A_157 = tpu.vector_load_idx %arg13[%add3A_156] : memref<2000xf32, #tpu.memory_space<vmem>>[vector<16xi32>], vector<16xf32>,
      %broadcast_in_dim3A_158 = arith.constant 2 : i32
      %broadcast_in_dim3A_159 = vector.broadcast %broadcast_in_dim3A_158 : i32 to vector<16xi32>
      tpu.vector_store_idx %arg11[%broadcast_in_dim3A_110, %add3A_113, %broadcast_in_dim3A_159], %gather3A_157 : memref<2x128x10xf32, #tpu.memory_space<vmem>>[vector<16xi32>, vector<16xi32>, vector<16xi32>], vector<16xf32>,
      %add3A_160 = arith.constant 2 : i32
      %add3A_161 = vector.broadcast %add3A_160 : i32 to vector<16xi32>
      %add3A_162 = arith.addi %mul3A_130, %add3A_161 : vector<16xi32>
      %gather3A_163 = tpu.vector_load_idx %arg14[%add3A_162] : memref<2000xf32, #tpu.memory_space<vmem>>[vector<16xi32>], vector<16xf32>,
      %broadcast_in_dim3A_164 = arith.constant 7 : i32
      %broadcast_in_dim3A_165 = vector.broadcast %broadcast_in_dim3A_164 : i32 to vector<16xi32>
      tpu.vector_store_idx %arg11[%broadcast_in_dim3A_110, %add3A_113, %broadcast_in_dim3A_165], %gather3A_163 : memref<2x128x10xf32, #tpu.memory_space<vmem>>[vector<16xi32>, vector<16xi32>, vector<16xi32>], vector<16xf32>,
      %add3A_166 = arith.constant 3 : i32
      %add3A_167 = vector.broadcast %add3A_166 : i32 to vector<16xi32>
      %add3A_168 = arith.addi %mul3A_121, %add3A_167 : vector<16xi32>
      %gather3A_169 = tpu.vector_load_idx %arg13[%add3A_168] : memref<2000xf32, #tpu.memory_space<vmem>>[vector<16xi32>], vector<16xf32>,
      %broadcast_in_dim3A_170 = arith.constant 3 : i32
      %broadcast_in_dim3A_171 = vector.broadcast %broadcast_in_dim3A_170 : i32 to vector<16xi32>
      tpu.vector_store_idx %arg11[%broadcast_in_dim3A_110, %add3A_113, %broadcast_in_dim3A_171], %gather3A_169 : memref<2x128x10xf32, #tpu.memory_space<vmem>>[vector<16xi32>, vector<16xi32>, vector<16xi32>], vector<16xf32>,
      %add3A_172 = arith.constant 3 : i32
      %add3A_173 = vector.broadcast %add3A_172 : i32 to vector<16xi32>
      %add3A_174 = arith.addi %mul3A_130, %add3A_173 : vector<16xi32>
      %gather3A_175 = tpu.vector_load_idx %arg14[%add3A_174] : memref<2000xf32, #tpu.memory_space<vmem>>[vector<16xi32>], vector<16xf32>,
      %broadcast_in_dim3A_176 = arith.constant 8 : i32
      %broadcast_in_dim3A_177 = vector.broadcast %broadcast_in_dim3A_176 : i32 to vector<16xi32>
      tpu.vector_store_idx %arg11[%broadcast_in_dim3A_110, %add3A_113, %broadcast_in_dim3A_177], %gather3A_175 : memref<2x128x10xf32, #tpu.memory_space<vmem>>[vector<16xi32>, vector<16xi32>, vector<16xi32>], vector<16xf32>,
      %add3A_178 = arith.constant 4 : i32
      %add3A_179 = vector.broadcast %add3A_178 : i32 to vector<16xi32>
      %add3A_180 = arith.addi %mul3A_121, %add3A_179 : vector<16xi32>
      %gather3A_181 = tpu.vector_load_idx %arg13[%add3A_180] : memref<2000xf32, #tpu.memory_space<vmem>>[vector<16xi32>], vector<16xf32>,
      %broadcast_in_dim3A_182 = arith.constant 4 : i32
      %broadcast_in_dim3A_183 = vector.broadcast %broadcast_in_dim3A_182 : i32 to vector<16xi32>
      tpu.vector_store_idx %arg11[%broadcast_in_dim3A_110, %add3A_113, %broadcast_in_dim3A_183], %gather3A_181 : memref<2x128x10xf32, #tpu.memory_space<vmem>>[vector<16xi32>, vector<16xi32>, vector<16xi32>], vector<16xf32>,
      %add3A_184 = arith.constant 4 : i32
      %add3A_185 = vector.broadcast %add3A_184 : i32 to vector<16xi32>
      %add3A_186 = arith.addi %mul3A_130, %add3A_185 : vector<16xi32>
      %gather3A_187 = tpu.vector_load_idx %arg14[%add3A_186] : memref<2000xf32, #tpu.memory_space<vmem>>[vector<16xi32>], vector<16xf32>,
      %broadcast_in_dim3A_188 = arith.constant 9 : i32
      %broadcast_in_dim3A_189 = vector.broadcast %broadcast_in_dim3A_188 : i32 to vector<16xi32>
      tpu.vector_store_idx %arg11[%broadcast_in_dim3A_110, %add3A_113, %broadcast_in_dim3A_189], %gather3A_187 : memref<2x128x10xf32, #tpu.memory_space<vmem>>[vector<16xi32>, vector<16xi32>, vector<16xi32>], vector<16xf32>,
      %iota3A_190 = tpu.iota {dimensions = array<i32: 0>} : vector<16xi32>
      %add3A_191 = arith.constant 16 : i32
      %add3A_192 = vector.broadcast %add3A_191 : i32 to vector<16xi32>
      %add3A_193 = arith.addi %iota3A_190, %add3A_192 : vector<16xi32>
      %get3A_194 = arith.constant 1 : i32
      %get3A_195 = arith.constant 0 : i32
      %get3A_196 = arith.index_cast %get3A_194 : i32 to index
      %get3A_197 = arith.index_cast %get3A_195 : i32 to index
      %get3A_198 = arith.constant 16 : index
      %get3A_199 = tpu.vector_load %arg7[%get3A_196, %get3A_197, %get3A_198] {strides = array<i32>} : memref<3x2x128xi32, #tpu.memory_space<vmem>>, vector<16xi32>,
      %mul3A_200 = arith.constant 5 : i32
      %mul3A_201 = vector.broadcast %mul3A_200 : i32 to vector<16xi32>
      %mul3A_202 = arith.muli %get3A_199, %mul3A_201 : vector<16xi32>
      %get3A_203 = arith.constant 2 : i32
      %get3A_204 = arith.constant 0 : i32
      %get3A_205 = arith.index_cast %get3A_203 : i32 to index
      %get3A_206 = arith.index_cast %get3A_204 : i32 to index
      %get3A_207 = arith.constant 16 : index
      %get3A_208 = tpu.vector_load %arg7[%get3A_205, %get3A_206, %get3A_207] {strides = array<i32>} : memref<3x2x128xi32, #tpu.memory_space<vmem>>, vector<16xi32>,
      %mul3A_209 = arith.constant 5 : i32
      %mul3A_210 = vector.broadcast %mul3A_209 : i32 to vector<16xi32>
      %mul3A_211 = arith.muli %get3A_208, %mul3A_210 : vector<16xi32>
      %add3A_212 = arith.constant 0 : i32
      %add3A_213 = vector.broadcast %add3A_212 : i32 to vector<16xi32>
      %add3A_214 = arith.addi %mul3A_202, %add3A_213 : vector<16xi32>
      %gather3A_215 = tpu.vector_load_idx %arg13[%add3A_214] : memref<2000xf32, #tpu.memory_space<vmem>>[vector<16xi32>], vector<16xf32>,
      %broadcast_in_dim3A_216 = arith.constant 0 : i32
      %broadcast_in_dim3A_217 = vector.broadcast %broadcast_in_dim3A_216 : i32 to vector<16xi32>
      tpu.vector_store_idx %arg11[%broadcast_in_dim3A_110, %add3A_193, %broadcast_in_dim3A_217], %gather3A_215 : memref<2x128x10xf32, #tpu.memory_space<vmem>>[vector<16xi32>, vector<16xi32>, vector<16xi32>], vector<16xf32>,
      %add3A_218 = arith.constant 0 : i32
      %add3A_219 = vector.broadcast %add3A_218 : i32 to vector<16xi32>
      %add3A_220 = arith.addi %mul3A_211, %add3A_219 : vector<16xi32>
      %gather3A_221 = tpu.vector_load_idx %arg14[%add3A_220] : memref<2000xf32, #tpu.memory_space<vmem>>[vector<16xi32>], vector<16xf32>,
      %broadcast_in_dim3A_222 = arith.constant 5 : i32
      %broadcast_in_dim3A_223 = vector.broadcast %broadcast_in_dim3A_222 : i32 to vector<16xi32>
      tpu.vector_store_idx %arg11[%broadcast_in_dim3A_110, %add3A_193, %broadcast_in_dim3A_223], %gather3A_221 : memref<2x128x10xf32, #tpu.memory_space<vmem>>[vector<16xi32>, vector<16xi32>, vector<16xi32>], vector<16xf32>,
      %add3A_224 = arith.constant 1 : i32
      %add3A_225 = vector.broadcast %add3A_224 : i32 to vector<16xi32>
      %add3A_226 = arith.addi %mul3A_202, %add3A_225 : vector<16xi32>
      %gather3A_227 = tpu.vector_load_idx %arg13[%add3A_226] : memref<2000xf32, #tpu.memory_space<vmem>>[vector<16xi32>], vector<16xf32>,
      %broadcast_in_dim3A_228 = arith.constant 1 : i32
      %broadcast_in_dim3A_229 = vector.broadcast %broadcast_in_dim3A_228 : i32 to vector<16xi32>
      tpu.vector_store_idx %arg11[%broadcast_in_dim3A_110, %add3A_193, %broadcast_in_dim3A_229], %gather3A_227 : memref<2x128x10xf32, #tpu.memory_space<vmem>>[vector<16xi32>, vector<16xi32>, vector<16xi32>], vector<16xf32>,
      %add3A_230 = arith.constant 1 : i32
      %add3A_231 = vector.broadcast %add3A_230 : i32 to vector<16xi32>
      %add3A_232 = arith.addi %mul3A_211, %add3A_231 : vector<16xi32>
      %gather3A_233 = tpu.vector_load_idx %arg14[%add3A_232] : memref<2000xf32, #tpu.memory_space<vmem>>[vector<16xi32>], vector<16xf32>,
      %broadcast_in_dim3A_234 = arith.constant 6 : i32
      %broadcast_in_dim3A_235 = vector.broadcast %broadcast_in_dim3A_234 : i32 to vector<16xi32>
      tpu.vector_store_idx %arg11[%broadcast_in_dim3A_110, %add3A_193, %broadcast_in_dim3A_235], %gather3A_233 : memref<2x128x10xf32, #tpu.memory_space<vmem>>[vector<16xi32>, vector<16xi32>, vector<16xi32>], vector<16xf32>,
      %add3A_236 = arith.constant 2 : i32
      %add3A_237 = vector.broadcast %add3A_236 : i32 to vector<16xi32>
      %add3A_238 = arith.addi %mul3A_202, %add3A_237 : vector<16xi32>
      %gather3A_239 = tpu.vector_load_idx %arg13[%add3A_238] : memref<2000xf32, #tpu.memory_space<vmem>>[vector<16xi32>], vector<16xf32>,
      %broadcast_in_dim3A_240 = arith.constant 2 : i32
      %broadcast_in_dim3A_241 = vector.broadcast %broadcast_in_dim3A_240 : i32 to vector<16xi32>
      tpu.vector_store_idx %arg11[%broadcast_in_dim3A_110, %add3A_193, %broadcast_in_dim3A_241], %gather3A_239 : memref<2x128x10xf32, #tpu.memory_space<vmem>>[vector<16xi32>, vector<16xi32>, vector<16xi32>], vector<16xf32>,
      %add3A_242 = arith.constant 2 : i32
      %add3A_243 = vector.broadcast %add3A_242 : i32 to vector<16xi32>
      %add3A_244 = arith.addi %mul3A_211, %add3A_243 : vector<16xi32>
      %gather3A_245 = tpu.vector_load_idx %arg14[%add3A_244] : memref<2000xf32, #tpu.memory_space<vmem>>[vector<16xi32>], vector<16xf32>,
      %broadcast_in_dim3A_246 = arith.constant 7 : i32
      %broadcast_in_dim3A_247 = vector.broadcast %broadcast_in_dim3A_246 : i32 to vector<16xi32>
      tpu.vector_store_idx %arg11[%broadcast_in_dim3A_110, %add3A_193, %broadcast_in_dim3A_247], %gather3A_245 : memref<2x128x10xf32, #tpu.memory_space<vmem>>[vector<16xi32>, vector<16xi32>, vector<16xi32>], vector<16xf32>,
      %add3A_248 = arith.constant 3 : i32
      %add3A_249 = vector.broadcast %add3A_248 : i32 to vector<16xi32>
      %add3A_250 = arith.addi %mul3A_202, %add3A_249 : vector<16xi32>
      %gather3A_251 = tpu.vector_load_idx %arg13[%add3A_250] : memref<2000xf32, #tpu.memory_space<vmem>>[vector<16xi32>], vector<16xf32>,
      %broadcast_in_dim3A_252 = arith.constant 3 : i32
      %broadcast_in_dim3A_253 = vector.broadcast %broadcast_in_dim3A_252 : i32 to vector<16xi32>
      tpu.vector_store_idx %arg11[%broadcast_in_dim3A_110, %add3A_193, %broadcast_in_dim3A_253], %gather3A_251 : memref<2x128x10xf32, #tpu.memory_space<vmem>>[vector<16xi32>, vector<16xi32>, vector<16xi32>], vector<16xf32>,
      %add3A_254 = arith.constant 3 : i32
      %add3A_255 = vector.broadcast %add3A_254 : i32 to vector<16xi32>
      %add3A_256 = arith.addi %mul3A_211, %add3A_255 : vector<16xi32>
      %gather3A_257 = tpu.vector_load_idx %arg14[%add3A_256] : memref<2000xf32, #tpu.memory_space<vmem>>[vector<16xi32>], vector<16xf32>,
      %broadcast_in_dim3A_258 = arith.constant 8 : i32
      %broadcast_in_dim3A_259 = vector.broadcast %broadcast_in_dim3A_258 : i32 to vector<16xi32>
      tpu.vector_store_idx %arg11[%broadcast_in_dim3A_110, %add3A_193, %broadcast_in_dim3A_259], %gather3A_257 : memref<2x128x10xf32, #tpu.memory_space<vmem>>[vector<16xi32>, vector<16xi32>, vector<16xi32>], vector<16xf32>,
      %add3A_260 = arith.constant 4 : i32
      %add3A_261 = vector.broadcast %add3A_260 : i32 to vector<16xi32>
      %add3A_262 = arith.addi %mul3A_202, %add3A_261 : vector<16xi32>
      %gather3A_263 = tpu.vector_load_idx %arg13[%add3A_262] : memref<2000xf32, #tpu.memory_space<vmem>>[vector<16xi32>], vector<16xf32>,
      %broadcast_in_dim3A_264 = arith.constant 4 : i32
      %broadcast_in_dim3A_265 = vector.broadcast %broadcast_in_dim3A_264 : i32 to vector<16xi32>
      tpu.vector_store_idx %arg11[%broadcast_in_dim3A_110, %add3A_193, %broadcast_in_dim3A_265], %gather3A_263 : memref<2x128x10xf32, #tpu.memory_space<vmem>>[vector<16xi32>, vector<16xi32>, vector<16xi32>], vector<16xf32>,
      %add3A_266 = arith.constant 4 : i32
      %add3A_267 = vector.broadcast %add3A_266 : i32 to vector<16xi32>
      %add3A_268 = arith.addi %mul3A_211, %add3A_267 : vector<16xi32>
      %gather3A_269 = tpu.vector_load_idx %arg14[%add3A_268] : memref<2000xf32, #tpu.memory_space<vmem>>[vector<16xi32>], vector<16xf32>,
      %broadcast_in_dim3A_270 = arith.constant 9 : i32
      %broadcast_in_dim3A_271 = vector.broadcast %broadcast_in_dim3A_270 : i32 to vector<16xi32>
      tpu.vector_store_idx %arg11[%broadcast_in_dim3A_110, %add3A_193, %broadcast_in_dim3A_271], %gather3A_269 : memref<2x128x10xf32, #tpu.memory_space<vmem>>[vector<16xi32>, vector<16xi32>, vector<16xi32>], vector<16xf32>,
      %iota3A_272 = tpu.iota {dimensions = array<i32: 0>} : vector<16xi32>
      %add3A_273 = arith.constant 32 : i32
      %add3A_274 = vector.broadcast %add3A_273 : i32 to vector<16xi32>
      %add3A_275 = arith.addi %iota3A_272, %add3A_274 : vector<16xi32>
      %get3A_276 = arith.constant 1 : i32
      %get3A_277 = arith.constant 0 : i32
      %get3A_278 = arith.index_cast %get3A_276 : i32 to index
      %get3A_279 = arith.index_cast %get3A_277 : i32 to index
      %get3A_280 = arith.constant 32 : index
      %get3A_281 = tpu.vector_load %arg7[%get3A_278, %get3A_279, %get3A_280] {strides = array<i32>} : memref<3x2x128xi32, #tpu.memory_space<vmem>>, vector<16xi32>,
      %mul3A_282 = arith.constant 5 : i32
      %mul3A_283 = vector.broadcast %mul3A_282 : i32 to vector<16xi32>
      %mul3A_284 = arith.muli %get3A_281, %mul3A_283 : vector<16xi32>
      %get3A_285 = arith.constant 2 : i32
      %get3A_286 = arith.constant 0 : i32
      %get3A_287 = arith.index_cast %get3A_285 : i32 to index
      %get3A_288 = arith.index_cast %get3A_286 : i32 to index
      %get3A_289 = arith.constant 32 : index
      %get3A_290 = tpu.vector_load %arg7[%get3A_287, %get3A_288, %get3A_289] {strides = array<i32>} : memref<3x2x128xi32, #tpu.memory_space<vmem>>, vector<16xi32>,
      %mul3A_291 = arith.constant 5 : i32
      %mul3A_292 = vector.broadcast %mul3A_291 : i32 to vector<16xi32>
      %mul3A_293 = arith.muli %get3A_290, %mul3A_292 : vector<16xi32>
      %add3A_294 = arith.constant 0 : i32
      %add3A_295 = vector.broadcast %add3A_294 : i32 to vector<16xi32>
      %add3A_296 = arith.addi %mul3A_284, %add3A_295 : vector<16xi32>
      %gather3A_297 = tpu.vector_load_idx %arg13[%add3A_296] : memref<2000xf32, #tpu.memory_space<vmem>>[vector<16xi32>], vector<16xf32>,
      %broadcast_in_dim3A_298 = arith.constant 0 : i32
      %broadcast_in_dim3A_299 = vector.broadcast %broadcast_in_dim3A_298 : i32 to vector<16xi32>
      tpu.vector_store_idx %arg11[%broadcast_in_dim3A_110, %add3A_275, %broadcast_in_dim3A_299], %gather3A_297 : memref<2x128x10xf32, #tpu.memory_space<vmem>>[vector<16xi32>, vector<16xi32>, vector<16xi32>], vector<16xf32>,
      %add3A_300 = arith.constant 0 : i32
      %add3A_301 = vector.broadcast %add3A_300 : i32 to vector<16xi32>
      %add3A_302 = arith.addi %mul3A_293, %add3A_301 : vector<16xi32>
      %gather3A_303 = tpu.vector_load_idx %arg14[%add3A_302] : memref<2000xf32, #tpu.memory_space<vmem>>[vector<16xi32>], vector<16xf32>,
      %broadcast_in_dim3A_304 = arith.constant 5 : i32
      %broadcast_in_dim3A_305 = vector.broadcast %broadcast_in_dim3A_304 : i32 to vector<16xi32>
      tpu.vector_store_idx %arg11[%broadcast_in_dim3A_110, %add3A_275, %broadcast_in_dim3A_305], %gather3A_303 : memref<2x128x10xf32, #tpu.memory_space<vmem>>[vector<16xi32>, vector<16xi32>, vector<16xi32>], vector<16xf32>,
      %add3A_306 = arith.constant 1 : i32
      %add3A_307 = vector.broadcast %add3A_306 : i32 to vector<16xi32>
      %add3A_308 = arith.addi %mul3A_284, %add3A_307 : vector<16xi32>
      %gather3A_309 = tpu.vector_load_idx %arg13[%add3A_308] : memref<2000xf32, #tpu.memory_space<vmem>>[vector<16xi32>], vector<16xf32>,
      %broadcast_in_dim3A_310 = arith.constant 1 : i32
      %broadcast_in_dim3A_311 = vector.broadcast %broadcast_in_dim3A_310 : i32 to vector<16xi32>
      tpu.vector_store_idx %arg11[%broadcast_in_dim3A_110, %add3A_275, %broadcast_in_dim3A_311], %gather3A_309 : memref<2x128x10xf32, #tpu.memory_space<vmem>>[vector<16xi32>, vector<16xi32>, vector<16xi32>], vector<16xf32>,
      %add3A_312 = arith.constant 1 : i32
      %add3A_313 = vector.broadcast %add3A_312 : i32 to vector<16xi32>
      %add3A_314 = arith.addi %mul3A_293, %add3A_313 : vector<16xi32>
      %gather3A_315 = tpu.vector_load_idx %arg14[%add3A_314] : memref<2000xf32, #tpu.memory_space<vmem>>[vector<16xi32>], vector<16xf32>,
      %broadcast_in_dim3A_316 = arith.constant 6 : i32
      %broadcast_in_dim3A_317 = vector.broadcast %broadcast_in_dim3A_316 : i32 to vector<16xi32>
      tpu.vector_store_idx %arg11[%broadcast_in_dim3A_110, %add3A_275, %broadcast_in_dim3A_317], %gather3A_315 : memref<2x128x10xf32, #tpu.memory_space<vmem>>[vector<16xi32>, vector<16xi32>, vector<16xi32>], vector<16xf32>,
      %add3A_318 = arith.constant 2 : i32
      %add3A_319 = vector.broadcast %add3A_318 : i32 to vector<16xi32>
      %add3A_320 = arith.addi %mul3A_284, %add3A_319 : vector<16xi32>
      %gather3A_321 = tpu.vector_load_idx %arg13[%add3A_320] : memref<2000xf32, #tpu.memory_space<vmem>>[vector<16xi32>], vector<16xf32>,
      %broadcast_in_dim3A_322 = arith.constant 2 : i32
      %broadcast_in_dim3A_323 = vector.broadcast %broadcast_in_dim3A_322 : i32 to vector<16xi32>
      tpu.vector_store_idx %arg11[%broadcast_in_dim3A_110, %add3A_275, %broadcast_in_dim3A_323], %gather3A_321 : memref<2x128x10xf32, #tpu.memory_space<vmem>>[vector<16xi32>, vector<16xi32>, vector<16xi32>], vector<16xf32>,
      %add3A_324 = arith.constant 2 : i32
      %add3A_325 = vector.broadcast %add3A_324 : i32 to vector<16xi32>
      %add3A_326 = arith.addi %mul3A_293, %add3A_325 : vector<16xi32>
      %gather3A_327 = tpu.vector_load_idx %arg14[%add3A_326] : memref<2000xf32, #tpu.memory_space<vmem>>[vector<16xi32>], vector<16xf32>,
      %broadcast_in_dim3A_328 = arith.constant 7 : i32
      %broadcast_in_dim3A_329 = vector.broadcast %broadcast_in_dim3A_328 : i32 to vector<16xi32>
      tpu.vector_store_idx %arg11[%broadcast_in_dim3A_110, %add3A_275, %broadcast_in_dim3A_329], %gather3A_327 : memref<2x128x10xf32, #tpu.memory_space<vmem>>[vector<16xi32>, vector<16xi32>, vector<16xi32>], vector<16xf32>,
      %add3A_330 = arith.constant 3 : i32
      %add3A_331 = vector.broadcast %add3A_330 : i32 to vector<16xi32>
      %add3A_332 = arith.addi %mul3A_284, %add3A_331 : vector<16xi32>
      %gather3A_333 = tpu.vector_load_idx %arg13[%add3A_332] : memref<2000xf32, #tpu.memory_space<vmem>>[vector<16xi32>], vector<16xf32>,
      %broadcast_in_dim3A_334 = arith.constant 3 : i32
      %broadcast_in_dim3A_335 = vector.broadcast %broadcast_in_dim3A_334 : i32 to vector<16xi32>
      tpu.vector_store_idx %arg11[%broadcast_in_dim3A_110, %add3A_275, %broadcast_in_dim3A_335], %gather3A_333 : memref<2x128x10xf32, #tpu.memory_space<vmem>>[vector<16xi32>, vector<16xi32>, vector<16xi32>], vector<16xf32>,
      %add3A_336 = arith.constant 3 : i32
      %add3A_337 = vector.broadcast %add3A_336 : i32 to vector<16xi32>
      %add3A_338 = arith.addi %mul3A_293, %add3A_337 : vector<16xi32>
      %gather3A_339 = tpu.vector_load_idx %arg14[%add3A_338] : memref<2000xf32, #tpu.memory_space<vmem>>[vector<16xi32>], vector<16xf32>,
      %broadcast_in_dim3A_340 = arith.constant 8 : i32
      %broadcast_in_dim3A_341 = vector.broadcast %broadcast_in_dim3A_340 : i32 to vector<16xi32>
      tpu.vector_store_idx %arg11[%broadcast_in_dim3A_110, %add3A_275, %broadcast_in_dim3A_341], %gather3A_339 : memref<2x128x10xf32, #tpu.memory_space<vmem>>[vector<16xi32>, vector<16xi32>, vector<16xi32>], vector<16xf32>,
      %add3A_342 = arith.constant 4 : i32
      %add3A_343 = vector.broadcast %add3A_342 : i32 to vector<16xi32>
      %add3A_344 = arith.addi %mul3A_284, %add3A_343 : vector<16xi32>
      %gather3A_345 = tpu.vector_load_idx %arg13[%add3A_344] : memref<2000xf32, #tpu.memory_space<vmem>>[vector<16xi32>], vector<16xf32>,
      %broadcast_in_dim3A_346 = arith.constant 4 : i32
      %broadcast_in_dim3A_347 = vector.broadcast %broadcast_in_dim3A_346 : i32 to vector<16xi32>
      tpu.vector_store_idx %arg11[%broadcast_in_dim3A_110, %add3A_275, %broadcast_in_dim3A_347], %gather3A_345 : memref<2x128x10xf32, #tpu.memory_space<vmem>>[vector<16xi32>, vector<16xi32>, vector<16xi32>], vector<16xf32>,
      %add3A_348 = arith.constant 4 : i32
      %add3A_349 = vector.broadcast %add3A_348 : i32 to vector<16xi32>
      %add3A_350 = arith.addi %mul3A_293, %add3A_349 : vector<16xi32>
      %gather3A_351 = tpu.vector_load_idx %arg14[%add3A_350] : memref<2000xf32, #tpu.memory_space<vmem>>[vector<16xi32>], vector<16xf32>,
      %broadcast_in_dim3A_352 = arith.constant 9 : i32
      %broadcast_in_dim3A_353 = vector.broadcast %broadcast_in_dim3A_352 : i32 to vector<16xi32>
      tpu.vector_store_idx %arg11[%broadcast_in_dim3A_110, %add3A_275, %broadcast_in_dim3A_353], %gather3A_351 : memref<2x128x10xf32, #tpu.memory_space<vmem>>[vector<16xi32>, vector<16xi32>, vector<16xi32>], vector<16xf32>,
      %iota3A_354 = tpu.iota {dimensions = array<i32: 0>} : vector<16xi32>
      %add3A_355 = arith.constant 48 : i32
      %add3A_356 = vector.broadcast %add3A_355 : i32 to vector<16xi32>
      %add3A_357 = arith.addi %iota3A_354, %add3A_356 : vector<16xi32>
      %get3A_358 = arith.constant 1 : i32
      %get3A_359 = arith.constant 0 : i32
      %get3A_360 = arith.index_cast %get3A_358 : i32 to index
      %get3A_361 = arith.index_cast %get3A_359 : i32 to index
      %get3A_362 = arith.constant 48 : index
      %get3A_363 = tpu.vector_load %arg7[%get3A_360, %get3A_361, %get3A_362] {strides = array<i32>} : memref<3x2x128xi32, #tpu.memory_space<vmem>>, vector<16xi32>,
      %mul3A_364 = arith.constant 5 : i32
      %mul3A_365 = vector.broadcast %mul3A_364 : i32 to vector<16xi32>
      %mul3A_366 = arith.muli %get3A_363, %mul3A_365 : vector<16xi32>
      %get3A_367 = arith.constant 2 : i32
      %get3A_368 = arith.constant 0 : i32
      %get3A_369 = arith.index_cast %get3A_367 : i32 to index
      %get3A_370 = arith.index_cast %get3A_368 : i32 to index
      %get3A_371 = arith.constant 48 : index
      %get3A_372 = tpu.vector_load %arg7[%get3A_369, %get3A_370, %get3A_371] {strides = array<i32>} : memref<3x2x128xi32, #tpu.memory_space<vmem>>, vector<16xi32>,
      %mul3A_373 = arith.constant 5 : i32
      %mul3A_374 = vector.broadcast %mul3A_373 : i32 to vector<16xi32>
      %mul3A_375 = arith.muli %get3A_372, %mul3A_374 : vector<16xi32>
      %add3A_376 = arith.constant 0 : i32
      %add3A_377 = vector.broadcast %add3A_376 : i32 to vector<16xi32>
      %add3A_378 = arith.addi %mul3A_366, %add3A_377 : vector<16xi32>
      %gather3A_379 = tpu.vector_load_idx %arg13[%add3A_378] : memref<2000xf32, #tpu.memory_space<vmem>>[vector<16xi32>], vector<16xf32>,
      %broadcast_in_dim3A_380 = arith.constant 0 : i32
      %broadcast_in_dim3A_381 = vector.broadcast %broadcast_in_dim3A_380 : i32 to vector<16xi32>
      tpu.vector_store_idx %arg11[%broadcast_in_dim3A_110, %add3A_357, %broadcast_in_dim3A_381], %gather3A_379 : memref<2x128x10xf32, #tpu.memory_space<vmem>>[vector<16xi32>, vector<16xi32>, vector<16xi32>], vector<16xf32>,
      %add3A_382 = arith.constant 0 : i32
      %add3A_383 = vector.broadcast %add3A_382 : i32 to vector<16xi32>
      %add3A_384 = arith.addi %mul3A_375, %add3A_383 : vector<16xi32>
      %gather3A_385 = tpu.vector_load_idx %arg14[%add3A_384] : memref<2000xf32, #tpu.memory_space<vmem>>[vector<16xi32>], vector<16xf32>,
      %broadcast_in_dim3A_386 = arith.constant 5 : i32
      %broadcast_in_dim3A_387 = vector.broadcast %broadcast_in_dim3A_386 : i32 to vector<16xi32>
      tpu.vector_store_idx %arg11[%broadcast_in_dim3A_110, %add3A_357, %broadcast_in_dim3A_387], %gather3A_385 : memref<2x128x10xf32, #tpu.memory_space<vmem>>[vector<16xi32>, vector<16xi32>, vector<16xi32>], vector<16xf32>,
      %add3A_388 = arith.constant 1 : i32
      %add3A_389 = vector.broadcast %add3A_388 : i32 to vector<16xi32>
      %add3A_390 = arith.addi %mul3A_366, %add3A_389 : vector<16xi32>
      %gather3A_391 = tpu.vector_load_idx %arg13[%add3A_390] : memref<2000xf32, #tpu.memory_space<vmem>>[vector<16xi32>], vector<16xf32>,
      %broadcast_in_dim3A_392 = arith.constant 1 : i32
      %broadcast_in_dim3A_393 = vector.broadcast %broadcast_in_dim3A_392 : i32 to vector<16xi32>
      tpu.vector_store_idx %arg11[%broadcast_in_dim3A_110, %add3A_357, %broadcast_in_dim3A_393], %gather3A_391 : memref<2x128x10xf32, #tpu.memory_space<vmem>>[vector<16xi32>, vector<16xi32>, vector<16xi32>], vector<16xf32>,
      %add3A_394 = arith.constant 1 : i32
      %add3A_395 = vector.broadcast %add3A_394 : i32 to vector<16xi32>
      %add3A_396 = arith.addi %mul3A_375, %add3A_395 : vector<16xi32>
      %gather3A_397 = tpu.vector_load_idx %arg14[%add3A_396] : memref<2000xf32, #tpu.memory_space<vmem>>[vector<16xi32>], vector<16xf32>,
      %broadcast_in_dim3A_398 = arith.constant 6 : i32
      %broadcast_in_dim3A_399 = vector.broadcast %broadcast_in_dim3A_398 : i32 to vector<16xi32>
      tpu.vector_store_idx %arg11[%broadcast_in_dim3A_110, %add3A_357, %broadcast_in_dim3A_399], %gather3A_397 : memref<2x128x10xf32, #tpu.memory_space<vmem>>[vector<16xi32>, vector<16xi32>, vector<16xi32>], vector<16xf32>,
      %add3A_400 = arith.constant 2 : i32
      %add3A_401 = vector.broadcast %add3A_400 : i32 to vector<16xi32>
      %add3A_402 = arith.addi %mul3A_366, %add3A_401 : vector<16xi32>
      %gather3A_403 = tpu.vector_load_idx %arg13[%add3A_402] : memref<2000xf32, #tpu.memory_space<vmem>>[vector<16xi32>], vector<16xf32>,
      %broadcast_in_dim3A_404 = arith.constant 2 : i32
      %broadcast_in_dim3A_405 = vector.broadcast %broadcast_in_dim3A_404 : i32 to vector<16xi32>
      tpu.vector_store_idx %arg11[%broadcast_in_dim3A_110, %add3A_357, %broadcast_in_dim3A_405], %gather3A_403 : memref<2x128x10xf32, #tpu.memory_space<vmem>>[vector<16xi32>, vector<16xi32>, vector<16xi32>], vector<16xf32>,
      %add3A_406 = arith.constant 2 : i32
      %add3A_407 = vector.broadcast %add3A_406 : i32 to vector<16xi32>
      %add3A_408 = arith.addi %mul3A_375, %add3A_407 : vector<16xi32>
      %gather3A_409 = tpu.vector_load_idx %arg14[%add3A_408] : memref<2000xf32, #tpu.memory_space<vmem>>[vector<16xi32>], vector<16xf32>,
      %broadcast_in_dim3A_410 = arith.constant 7 : i32
      %broadcast_in_dim3A_411 = vector.broadcast %broadcast_in_dim3A_410 : i32 to vector<16xi32>
      tpu.vector_store_idx %arg11[%broadcast_in_dim3A_110, %add3A_357, %broadcast_in_dim3A_411], %gather3A_409 : memref<2x128x10xf32, #tpu.memory_space<vmem>>[vector<16xi32>, vector<16xi32>, vector<16xi32>], vector<16xf32>,
      %add3A_412 = arith.constant 3 : i32
      %add3A_413 = vector.broadcast %add3A_412 : i32 to vector<16xi32>
      %add3A_414 = arith.addi %mul3A_366, %add3A_413 : vector<16xi32>
      %gather3A_415 = tpu.vector_load_idx %arg13[%add3A_414] : memref<2000xf32, #tpu.memory_space<vmem>>[vector<16xi32>], vector<16xf32>,
      %broadcast_in_dim3A_416 = arith.constant 3 : i32
      %broadcast_in_dim3A_417 = vector.broadcast %broadcast_in_dim3A_416 : i32 to vector<16xi32>
      tpu.vector_store_idx %arg11[%broadcast_in_dim3A_110, %add3A_357, %broadcast_in_dim3A_417], %gather3A_415 : memref<2x128x10xf32, #tpu.memory_space<vmem>>[vector<16xi32>, vector<16xi32>, vector<16xi32>], vector<16xf32>,
      %add3A_418 = arith.constant 3 : i32
      %add3A_419 = vector.broadcast %add3A_418 : i32 to vector<16xi32>
      %add3A_420 = arith.addi %mul3A_375, %add3A_419 : vector<16xi32>
      %gather3A_421 = tpu.vector_load_idx %arg14[%add3A_420] : memref<2000xf32, #tpu.memory_space<vmem>>[vector<16xi32>], vector<16xf32>,
      %broadcast_in_dim3A_422 = arith.constant 8 : i32
      %broadcast_in_dim3A_423 = vector.broadcast %broadcast_in_dim3A_422 : i32 to vector<16xi32>
      tpu.vector_store_idx %arg11[%broadcast_in_dim3A_110, %add3A_357, %broadcast_in_dim3A_423], %gather3A_421 : memref<2x128x10xf32, #tpu.memory_space<vmem>>[vector<16xi32>, vector<16xi32>, vector<16xi32>], vector<16xf32>,
      %add3A_424 = arith.constant 4 : i32
      %add3A_425 = vector.broadcast %add3A_424 : i32 to vector<16xi32>
      %add3A_426 = arith.addi %mul3A_366, %add3A_425 : vector<16xi32>
      %gather3A_427 = tpu.vector_load_idx %arg13[%add3A_426] : memref<2000xf32, #tpu.memory_space<vmem>>[vector<16xi32>], vector<16xf32>,
      %broadcast_in_dim3A_428 = arith.constant 4 : i32
      %broadcast_in_dim3A_429 = vector.broadcast %broadcast_in_dim3A_428 : i32 to vector<16xi32>
      tpu.vector_store_idx %arg11[%broadcast_in_dim3A_110, %add3A_357, %broadcast_in_dim3A_429], %gather3A_427 : memref<2x128x10xf32, #tpu.memory_space<vmem>>[vector<16xi32>, vector<16xi32>, vector<16xi32>], vector<16xf32>,
      %add3A_430 = arith.constant 4 : i32
      %add3A_431 = vector.broadcast %add3A_430 : i32 to vector<16xi32>
      %add3A_432 = arith.addi %mul3A_375, %add3A_431 : vector<16xi32>
      %gather3A_433 = tpu.vector_load_idx %arg14[%add3A_432] : memref<2000xf32, #tpu.memory_space<vmem>>[vector<16xi32>], vector<16xf32>,
      %broadcast_in_dim3A_434 = arith.constant 9 : i32
      %broadcast_in_dim3A_435 = vector.broadcast %broadcast_in_dim3A_434 : i32 to vector<16xi32>
      tpu.vector_store_idx %arg11[%broadcast_in_dim3A_110, %add3A_357, %broadcast_in_dim3A_435], %gather3A_433 : memref<2x128x10xf32, #tpu.memory_space<vmem>>[vector<16xi32>, vector<16xi32>, vector<16xi32>], vector<16xf32>,
      %iota3A_436 = tpu.iota {dimensions = array<i32: 0>} : vector<16xi32>
      %add3A_437 = arith.constant 64 : i32
      %add3A_438 = vector.broadcast %add3A_437 : i32 to vector<16xi32>
      %add3A_439 = arith.addi %iota3A_436, %add3A_438 : vector<16xi32>
      %get3A_440 = arith.constant 1 : i32
      %get3A_441 = arith.constant 0 : i32
      %get3A_442 = arith.index_cast %get3A_440 : i32 to index
      %get3A_443 = arith.index_cast %get3A_441 : i32 to index
      %get3A_444 = arith.constant 64 : index
      %get3A_445 = tpu.vector_load %arg7[%get3A_442, %get3A_443, %get3A_444] {strides = array<i32>} : memref<3x2x128xi32, #tpu.memory_space<vmem>>, vector<16xi32>,
      %mul3A_446 = arith.constant 5 : i32
      %mul3A_447 = vector.broadcast %mul3A_446 : i32 to vector<16xi32>
      %mul3A_448 = arith.muli %get3A_445, %mul3A_447 : vector<16xi32>
      %get3A_449 = arith.constant 2 : i32
      %get3A_450 = arith.constant 0 : i32
      %get3A_451 = arith.index_cast %get3A_449 : i32 to index
      %get3A_452 = arith.index_cast %get3A_450 : i32 to index
      %get3A_453 = arith.constant 64 : index
      %get3A_454 = tpu.vector_load %arg7[%get3A_451, %get3A_452, %get3A_453] {strides = array<i32>} : memref<3x2x128xi32, #tpu.memory_space<vmem>>, vector<16xi32>,
      %mul3A_455 = arith.constant 5 : i32
      %mul3A_456 = vector.broadcast %mul3A_455 : i32 to vector<16xi32>
      %mul3A_457 = arith.muli %get3A_454, %mul3A_456 : vector<16xi32>
      %add3A_458 = arith.constant 0 : i32
      %add3A_459 = vector.broadcast %add3A_458 : i32 to vector<16xi32>
      %add3A_460 = arith.addi %mul3A_448, %add3A_459 : vector<16xi32>
      %gather3A_461 = tpu.vector_load_idx %arg13[%add3A_460] : memref<2000xf32, #tpu.memory_space<vmem>>[vector<16xi32>], vector<16xf32>,
      %broadcast_in_dim3A_462 = arith.constant 0 : i32
      %broadcast_in_dim3A_463 = vector.broadcast %broadcast_in_dim3A_462 : i32 to vector<16xi32>
      tpu.vector_store_idx %arg11[%broadcast_in_dim3A_110, %add3A_439, %broadcast_in_dim3A_463], %gather3A_461 : memref<2x128x10xf32, #tpu.memory_space<vmem>>[vector<16xi32>, vector<16xi32>, vector<16xi32>], vector<16xf32>,
      %add3A_464 = arith.constant 0 : i32
      %add3A_465 = vector.broadcast %add3A_464 : i32 to vector<16xi32>
      %add3A_466 = arith.addi %mul3A_457, %add3A_465 : vector<16xi32>
      %gather3A_467 = tpu.vector_load_idx %arg14[%add3A_466] : memref<2000xf32, #tpu.memory_space<vmem>>[vector<16xi32>], vector<16xf32>,
      %broadcast_in_dim3A_468 = arith.constant 5 : i32
      %broadcast_in_dim3A_469 = vector.broadcast %broadcast_in_dim3A_468 : i32 to vector<16xi32>
      tpu.vector_store_idx %arg11[%broadcast_in_dim3A_110, %add3A_439, %broadcast_in_dim3A_469], %gather3A_467 : memref<2x128x10xf32, #tpu.memory_space<vmem>>[vector<16xi32>, vector<16xi32>, vector<16xi32>], vector<16xf32>,
      %add3A_470 = arith.constant 1 : i32
      %add3A_471 = vector.broadcast %add3A_470 : i32 to vector<16xi32>
      %add3A_472 = arith.addi %mul3A_448, %add3A_471 : vector<16xi32>
      %gather3A_473 = tpu.vector_load_idx %arg13[%add3A_472] : memref<2000xf32, #tpu.memory_space<vmem>>[vector<16xi32>], vector<16xf32>,
      %broadcast_in_dim3A_474 = arith.constant 1 : i32
      %broadcast_in_dim3A_475 = vector.broadcast %broadcast_in_dim3A_474 : i32 to vector<16xi32>
      tpu.vector_store_idx %arg11[%broadcast_in_dim3A_110, %add3A_439, %broadcast_in_dim3A_475], %gather3A_473 : memref<2x128x10xf32, #tpu.memory_space<vmem>>[vector<16xi32>, vector<16xi32>, vector<16xi32>], vector<16xf32>,
      %add3A_476 = arith.constant 1 : i32
      %add3A_477 = vector.broadcast %add3A_476 : i32 to vector<16xi32>
      %add3A_478 = arith.addi %mul3A_457, %add3A_477 : vector<16xi32>
      %gather3A_479 = tpu.vector_load_idx %arg14[%add3A_478] : memref<2000xf32, #tpu.memory_space<vmem>>[vector<16xi32>], vector<16xf32>,
      %broadcast_in_dim3A_480 = arith.constant 6 : i32
      %broadcast_in_dim3A_481 = vector.broadcast %broadcast_in_dim3A_480 : i32 to vector<16xi32>
      tpu.vector_store_idx %arg11[%broadcast_in_dim3A_110, %add3A_439, %broadcast_in_dim3A_481], %gather3A_479 : memref<2x128x10xf32, #tpu.memory_space<vmem>>[vector<16xi32>, vector<16xi32>, vector<16xi32>], vector<16xf32>,
      %add3A_482 = arith.constant 2 : i32
      %add3A_483 = vector.broadcast %add3A_482 : i32 to vector<16xi32>
      %add3A_484 = arith.addi %mul3A_448, %add3A_483 : vector<16xi32>
      %gather3A_485 = tpu.vector_load_idx %arg13[%add3A_484] : memref<2000xf32, #tpu.memory_space<vmem>>[vector<16xi32>], vector<16xf32>,
      %broadcast_in_dim3A_486 = arith.constant 2 : i32
      %broadcast_in_dim3A_487 = vector.broadcast %broadcast_in_dim3A_486 : i32 to vector<16xi32>
      tpu.vector_store_idx %arg11[%broadcast_in_dim3A_110, %add3A_439, %broadcast_in_dim3A_487], %gather3A_485 : memref<2x128x10xf32, #tpu.memory_space<vmem>>[vector<16xi32>, vector<16xi32>, vector<16xi32>], vector<16xf32>,
      %add3A_488 = arith.constant 2 : i32
      %add3A_489 = vector.broadcast %add3A_488 : i32 to vector<16xi32>
      %add3A_490 = arith.addi %mul3A_457, %add3A_489 : vector<16xi32>
      %gather3A_491 = tpu.vector_load_idx %arg14[%add3A_490] : memref<2000xf32, #tpu.memory_space<vmem>>[vector<16xi32>], vector<16xf32>,
      %broadcast_in_dim3A_492 = arith.constant 7 : i32
      %broadcast_in_dim3A_493 = vector.broadcast %broadcast_in_dim3A_492 : i32 to vector<16xi32>
      tpu.vector_store_idx %arg11[%broadcast_in_dim3A_110, %add3A_439, %broadcast_in_dim3A_493], %gather3A_491 : memref<2x128x10xf32, #tpu.memory_space<vmem>>[vector<16xi32>, vector<16xi32>, vector<16xi32>], vector<16xf32>,
      %add3A_494 = arith.constant 3 : i32
      %add3A_495 = vector.broadcast %add3A_494 : i32 to vector<16xi32>
      %add3A_496 = arith.addi %mul3A_448, %add3A_495 : vector<16xi32>
      %gather3A_497 = tpu.vector_load_idx %arg13[%add3A_496] : memref<2000xf32, #tpu.memory_space<vmem>>[vector<16xi32>], vector<16xf32>,
      %broadcast_in_dim3A_498 = arith.constant 3 : i32
      %broadcast_in_dim3A_499 = vector.broadcast %broadcast_in_dim3A_498 : i32 to vector<16xi32>
      tpu.vector_store_idx %arg11[%broadcast_in_dim3A_110, %add3A_439, %broadcast_in_dim3A_499], %gather3A_497 : memref<2x128x10xf32, #tpu.memory_space<vmem>>[vector<16xi32>, vector<16xi32>, vector<16xi32>], vector<16xf32>,
      %add3A_500 = arith.constant 3 : i32
      %add3A_501 = vector.broadcast %add3A_500 : i32 to vector<16xi32>
      %add3A_502 = arith.addi %mul3A_457, %add3A_501 : vector<16xi32>
      %gather3A_503 = tpu.vector_load_idx %arg14[%add3A_502] : memref<2000xf32, #tpu.memory_space<vmem>>[vector<16xi32>], vector<16xf32>,
      %broadcast_in_dim3A_504 = arith.constant 8 : i32
      %broadcast_in_dim3A_505 = vector.broadcast %broadcast_in_dim3A_504 : i32 to vector<16xi32>
      tpu.vector_store_idx %arg11[%broadcast_in_dim3A_110, %add3A_439, %broadcast_in_dim3A_505], %gather3A_503 : memref<2x128x10xf32, #tpu.memory_space<vmem>>[vector<16xi32>, vector<16xi32>, vector<16xi32>], vector<16xf32>,
      %add3A_506 = arith.constant 4 : i32
      %add3A_507 = vector.broadcast %add3A_506 : i32 to vector<16xi32>
      %add3A_508 = arith.addi %mul3A_448, %add3A_507 : vector<16xi32>
      %gather3A_509 = tpu.vector_load_idx %arg13[%add3A_508] : memref<2000xf32, #tpu.memory_space<vmem>>[vector<16xi32>], vector<16xf32>,
      %broadcast_in_dim3A_510 = arith.constant 4 : i32
      %broadcast_in_dim3A_511 = vector.broadcast %broadcast_in_dim3A_510 : i32 to vector<16xi32>
      tpu.vector_store_idx %arg11[%broadcast_in_dim3A_110, %add3A_439, %broadcast_in_dim3A_511], %gather3A_509 : memref<2x128x10xf32, #tpu.memory_space<vmem>>[vector<16xi32>, vector<16xi32>, vector<16xi32>], vector<16xf32>,
      %add3A_512 = arith.constant 4 : i32
      %add3A_513 = vector.broadcast %add3A_512 : i32 to vector<16xi32>
      %add3A_514 = arith.addi %mul3A_457, %add3A_513 : vector<16xi32>
      %gather3A_515 = tpu.vector_load_idx %arg14[%add3A_514] : memref<2000xf32, #tpu.memory_space<vmem>>[vector<16xi32>], vector<16xf32>,
      %broadcast_in_dim3A_516 = arith.constant 9 : i32
      %broadcast_in_dim3A_517 = vector.broadcast %broadcast_in_dim3A_516 : i32 to vector<16xi32>
      tpu.vector_store_idx %arg11[%broadcast_in_dim3A_110, %add3A_439, %broadcast_in_dim3A_517], %gather3A_515 : memref<2x128x10xf32, #tpu.memory_space<vmem>>[vector<16xi32>, vector<16xi32>, vector<16xi32>], vector<16xf32>,
      %iota3A_518 = tpu.iota {dimensions = array<i32: 0>} : vector<16xi32>
      %add3A_519 = arith.constant 80 : i32
      %add3A_520 = vector.broadcast %add3A_519 : i32 to vector<16xi32>
      %add3A_521 = arith.addi %iota3A_518, %add3A_520 : vector<16xi32>
      %get3A_522 = arith.constant 1 : i32
      %get3A_523 = arith.constant 0 : i32
      %get3A_524 = arith.index_cast %get3A_522 : i32 to index
      %get3A_525 = arith.index_cast %get3A_523 : i32 to index
      %get3A_526 = arith.constant 80 : index
      %get3A_527 = tpu.vector_load %arg7[%get3A_524, %get3A_525, %get3A_526] {strides = array<i32>} : memref<3x2x128xi32, #tpu.memory_space<vmem>>, vector<16xi32>,
      %mul3A_528 = arith.constant 5 : i32
      %mul3A_529 = vector.broadcast %mul3A_528 : i32 to vector<16xi32>
      %mul3A_530 = arith.muli %get3A_527, %mul3A_529 : vector<16xi32>
      %get3A_531 = arith.constant 2 : i32
      %get3A_532 = arith.constant 0 : i32
      %get3A_533 = arith.index_cast %get3A_531 : i32 to index
      %get3A_534 = arith.index_cast %get3A_532 : i32 to index
      %get3A_535 = arith.constant 80 : index
      %get3A_536 = tpu.vector_load %arg7[%get3A_533, %get3A_534, %get3A_535] {strides = array<i32>} : memref<3x2x128xi32, #tpu.memory_space<vmem>>, vector<16xi32>,
      %mul3A_537 = arith.constant 5 : i32
      %mul3A_538 = vector.broadcast %mul3A_537 : i32 to vector<16xi32>
      %mul3A_539 = arith.muli %get3A_536, %mul3A_538 : vector<16xi32>
      %add3A_540 = arith.constant 0 : i32
      %add3A_541 = vector.broadcast %add3A_540 : i32 to vector<16xi32>
      %add3A_542 = arith.addi %mul3A_530, %add3A_541 : vector<16xi32>
      %gather3A_543 = tpu.vector_load_idx %arg13[%add3A_542] : memref<2000xf32, #tpu.memory_space<vmem>>[vector<16xi32>], vector<16xf32>,
      %broadcast_in_dim3A_544 = arith.constant 0 : i32
      %broadcast_in_dim3A_545 = vector.broadcast %broadcast_in_dim3A_544 : i32 to vector<16xi32>
      tpu.vector_store_idx %arg11[%broadcast_in_dim3A_110, %add3A_521, %broadcast_in_dim3A_545], %gather3A_543 : memref<2x128x10xf32, #tpu.memory_space<vmem>>[vector<16xi32>, vector<16xi32>, vector<16xi32>], vector<16xf32>,
      %add3A_546 = arith.constant 0 : i32
      %add3A_547 = vector.broadcast %add3A_546 : i32 to vector<16xi32>
      %add3A_548 = arith.addi %mul3A_539, %add3A_547 : vector<16xi32>
      %gather3A_549 = tpu.vector_load_idx %arg14[%add3A_548] : memref<2000xf32, #tpu.memory_space<vmem>>[vector<16xi32>], vector<16xf32>,
      %broadcast_in_dim3A_550 = arith.constant 5 : i32
      %broadcast_in_dim3A_551 = vector.broadcast %broadcast_in_dim3A_550 : i32 to vector<16xi32>
      tpu.vector_store_idx %arg11[%broadcast_in_dim3A_110, %add3A_521, %broadcast_in_dim3A_551], %gather3A_549 : memref<2x128x10xf32, #tpu.memory_space<vmem>>[vector<16xi32>, vector<16xi32>, vector<16xi32>], vector<16xf32>,
      %add3A_552 = arith.constant 1 : i32
      %add3A_553 = vector.broadcast %add3A_552 : i32 to vector<16xi32>
      %add3A_554 = arith.addi %mul3A_530, %add3A_553 : vector<16xi32>
      %gather3A_555 = tpu.vector_load_idx %arg13[%add3A_554] : memref<2000xf32, #tpu.memory_space<vmem>>[vector<16xi32>], vector<16xf32>,
      %broadcast_in_dim3A_556 = arith.constant 1 : i32
      %broadcast_in_dim3A_557 = vector.broadcast %broadcast_in_dim3A_556 : i32 to vector<16xi32>
      tpu.vector_store_idx %arg11[%broadcast_in_dim3A_110, %add3A_521, %broadcast_in_dim3A_557], %gather3A_555 : memref<2x128x10xf32, #tpu.memory_space<vmem>>[vector<16xi32>, vector<16xi32>, vector<16xi32>], vector<16xf32>,
      %add3A_558 = arith.constant 1 : i32
      %add3A_559 = vector.broadcast %add3A_558 : i32 to vector<16xi32>
      %add3A_560 = arith.addi %mul3A_539, %add3A_559 : vector<16xi32>
      %gather3A_561 = tpu.vector_load_idx %arg14[%add3A_560] : memref<2000xf32, #tpu.memory_space<vmem>>[vector<16xi32>], vector<16xf32>,
      %broadcast_in_dim3A_562 = arith.constant 6 : i32
      %broadcast_in_dim3A_563 = vector.broadcast %broadcast_in_dim3A_562 : i32 to vector<16xi32>
      tpu.vector_store_idx %arg11[%broadcast_in_dim3A_110, %add3A_521, %broadcast_in_dim3A_563], %gather3A_561 : memref<2x128x10xf32, #tpu.memory_space<vmem>>[vector<16xi32>, vector<16xi32>, vector<16xi32>], vector<16xf32>,
      %add3A_564 = arith.constant 2 : i32
      %add3A_565 = vector.broadcast %add3A_564 : i32 to vector<16xi32>
      %add3A_566 = arith.addi %mul3A_530, %add3A_565 : vector<16xi32>
      %gather3A_567 = tpu.vector_load_idx %arg13[%add3A_566] : memref<2000xf32, #tpu.memory_space<vmem>>[vector<16xi32>], vector<16xf32>,
      %broadcast_in_dim3A_568 = arith.constant 2 : i32
      %broadcast_in_dim3A_569 = vector.broadcast %broadcast_in_dim3A_568 : i32 to vector<16xi32>
      tpu.vector_store_idx %arg11[%broadcast_in_dim3A_110, %add3A_521, %broadcast_in_dim3A_569], %gather3A_567 : memref<2x128x10xf32, #tpu.memory_space<vmem>>[vector<16xi32>, vector<16xi32>, vector<16xi32>], vector<16xf32>,
      %add3A_570 = arith.constant 2 : i32
      %add3A_571 = vector.broadcast %add3A_570 : i32 to vector<16xi32>
      %add3A_572 = arith.addi %mul3A_539, %add3A_571 : vector<16xi32>
      %gather3A_573 = tpu.vector_load_idx %arg14[%add3A_572] : memref<2000xf32, #tpu.memory_space<vmem>>[vector<16xi32>], vector<16xf32>,
      %broadcast_in_dim3A_574 = arith.constant 7 : i32
      %broadcast_in_dim3A_575 = vector.broadcast %broadcast_in_dim3A_574 : i32 to vector<16xi32>
      tpu.vector_store_idx %arg11[%broadcast_in_dim3A_110, %add3A_521, %broadcast_in_dim3A_575], %gather3A_573 : memref<2x128x10xf32, #tpu.memory_space<vmem>>[vector<16xi32>, vector<16xi32>, vector<16xi32>], vector<16xf32>,
      %add3A_576 = arith.constant 3 : i32
      %add3A_577 = vector.broadcast %add3A_576 : i32 to vector<16xi32>
      %add3A_578 = arith.addi %mul3A_530, %add3A_577 : vector<16xi32>
      %gather3A_579 = tpu.vector_load_idx %arg13[%add3A_578] : memref<2000xf32, #tpu.memory_space<vmem>>[vector<16xi32>], vector<16xf32>,
      %broadcast_in_dim3A_580 = arith.constant 3 : i32
      %broadcast_in_dim3A_581 = vector.broadcast %broadcast_in_dim3A_580 : i32 to vector<16xi32>
      tpu.vector_store_idx %arg11[%broadcast_in_dim3A_110, %add3A_521, %broadcast_in_dim3A_581], %gather3A_579 : memref<2x128x10xf32, #tpu.memory_space<vmem>>[vector<16xi32>, vector<16xi32>, vector<16xi32>], vector<16xf32>,
      %add3A_582 = arith.constant 3 : i32
      %add3A_583 = vector.broadcast %add3A_582 : i32 to vector<16xi32>
      %add3A_584 = arith.addi %mul3A_539, %add3A_583 : vector<16xi32>
      %gather3A_585 = tpu.vector_load_idx %arg14[%add3A_584] : memref<2000xf32, #tpu.memory_space<vmem>>[vector<16xi32>], vector<16xf32>,
      %broadcast_in_dim3A_586 = arith.constant 8 : i32
      %broadcast_in_dim3A_587 = vector.broadcast %broadcast_in_dim3A_586 : i32 to vector<16xi32>
      tpu.vector_store_idx %arg11[%broadcast_in_dim3A_110, %add3A_521, %broadcast_in_dim3A_587], %gather3A_585 : memref<2x128x10xf32, #tpu.memory_space<vmem>>[vector<16xi32>, vector<16xi32>, vector<16xi32>], vector<16xf32>,
      %add3A_588 = arith.constant 4 : i32
      %add3A_589 = vector.broadcast %add3A_588 : i32 to vector<16xi32>
      %add3A_590 = arith.addi %mul3A_530, %add3A_589 : vector<16xi32>
      %gather3A_591 = tpu.vector_load_idx %arg13[%add3A_590] : memref<2000xf32, #tpu.memory_space<vmem>>[vector<16xi32>], vector<16xf32>,
      %broadcast_in_dim3A_592 = arith.constant 4 : i32
      %broadcast_in_dim3A_593 = vector.broadcast %broadcast_in_dim3A_592 : i32 to vector<16xi32>
      tpu.vector_store_idx %arg11[%broadcast_in_dim3A_110, %add3A_521, %broadcast_in_dim3A_593], %gather3A_591 : memref<2x128x10xf32, #tpu.memory_space<vmem>>[vector<16xi32>, vector<16xi32>, vector<16xi32>], vector<16xf32>,
      %add3A_594 = arith.constant 4 : i32
      %add3A_595 = vector.broadcast %add3A_594 : i32 to vector<16xi32>
      %add3A_596 = arith.addi %mul3A_539, %add3A_595 : vector<16xi32>
      %gather3A_597 = tpu.vector_load_idx %arg14[%add3A_596] : memref<2000xf32, #tpu.memory_space<vmem>>[vector<16xi32>], vector<16xf32>,
      %broadcast_in_dim3A_598 = arith.constant 9 : i32
      %broadcast_in_dim3A_599 = vector.broadcast %broadcast_in_dim3A_598 : i32 to vector<16xi32>
      tpu.vector_store_idx %arg11[%broadcast_in_dim3A_110, %add3A_521, %broadcast_in_dim3A_599], %gather3A_597 : memref<2x128x10xf32, #tpu.memory_space<vmem>>[vector<16xi32>, vector<16xi32>, vector<16xi32>], vector<16xf32>,
      %iota3A_600 = tpu.iota {dimensions = array<i32: 0>} : vector<16xi32>
      %add3A_601 = arith.constant 96 : i32
      %add3A_602 = vector.broadcast %add3A_601 : i32 to vector<16xi32>
      %add3A_603 = arith.addi %iota3A_600, %add3A_602 : vector<16xi32>
      %get3A_604 = arith.constant 1 : i32
      %get3A_605 = arith.constant 0 : i32
      %get3A_606 = arith.index_cast %get3A_604 : i32 to index
      %get3A_607 = arith.index_cast %get3A_605 : i32 to index
      %get3A_608 = arith.constant 96 : index
      %get3A_609 = tpu.vector_load %arg7[%get3A_606, %get3A_607, %get3A_608] {strides = array<i32>} : memref<3x2x128xi32, #tpu.memory_space<vmem>>, vector<16xi32>,
      %mul3A_610 = arith.constant 5 : i32
      %mul3A_611 = vector.broadcast %mul3A_610 : i32 to vector<16xi32>
      %mul3A_612 = arith.muli %get3A_609, %mul3A_611 : vector<16xi32>
      %get3A_613 = arith.constant 2 : i32
      %get3A_614 = arith.constant 0 : i32
      %get3A_615 = arith.index_cast %get3A_613 : i32 to index
      %get3A_616 = arith.index_cast %get3A_614 : i32 to index
      %get3A_617 = arith.constant 96 : index
      %get3A_618 = tpu.vector_load %arg7[%get3A_615, %get3A_616, %get3A_617] {strides = array<i32>} : memref<3x2x128xi32, #tpu.memory_space<vmem>>, vector<16xi32>,
      %mul3A_619 = arith.constant 5 : i32
      %mul3A_620 = vector.broadcast %mul3A_619 : i32 to vector<16xi32>
      %mul3A_621 = arith.muli %get3A_618, %mul3A_620 : vector<16xi32>
      %add3A_622 = arith.constant 0 : i32
      %add3A_623 = vector.broadcast %add3A_622 : i32 to vector<16xi32>
      %add3A_624 = arith.addi %mul3A_612, %add3A_623 : vector<16xi32>
      %gather3A_625 = tpu.vector_load_idx %arg13[%add3A_624] : memref<2000xf32, #tpu.memory_space<vmem>>[vector<16xi32>], vector<16xf32>,
      %broadcast_in_dim3A_626 = arith.constant 0 : i32
      %broadcast_in_dim3A_627 = vector.broadcast %broadcast_in_dim3A_626 : i32 to vector<16xi32>
      tpu.vector_store_idx %arg11[%broadcast_in_dim3A_110, %add3A_603, %broadcast_in_dim3A_627], %gather3A_625 : memref<2x128x10xf32, #tpu.memory_space<vmem>>[vector<16xi32>, vector<16xi32>, vector<16xi32>], vector<16xf32>,
      %add3A_628 = arith.constant 0 : i32
      %add3A_629 = vector.broadcast %add3A_628 : i32 to vector<16xi32>
      %add3A_630 = arith.addi %mul3A_621, %add3A_629 : vector<16xi32>
      %gather3A_631 = tpu.vector_load_idx %arg14[%add3A_630] : memref<2000xf32, #tpu.memory_space<vmem>>[vector<16xi32>], vector<16xf32>,
      %broadcast_in_dim3A_632 = arith.constant 5 : i32
      %broadcast_in_dim3A_633 = vector.broadcast %broadcast_in_dim3A_632 : i32 to vector<16xi32>
      tpu.vector_store_idx %arg11[%broadcast_in_dim3A_110, %add3A_603, %broadcast_in_dim3A_633], %gather3A_631 : memref<2x128x10xf32, #tpu.memory_space<vmem>>[vector<16xi32>, vector<16xi32>, vector<16xi32>], vector<16xf32>,
      %add3A_634 = arith.constant 1 : i32
      %add3A_635 = vector.broadcast %add3A_634 : i32 to vector<16xi32>
      %add3A_636 = arith.addi %mul3A_612, %add3A_635 : vector<16xi32>
      %gather3A_637 = tpu.vector_load_idx %arg13[%add3A_636] : memref<2000xf32, #tpu.memory_space<vmem>>[vector<16xi32>], vector<16xf32>,
      %broadcast_in_dim3A_638 = arith.constant 1 : i32
      %broadcast_in_dim3A_639 = vector.broadcast %broadcast_in_dim3A_638 : i32 to vector<16xi32>
      tpu.vector_store_idx %arg11[%broadcast_in_dim3A_110, %add3A_603, %broadcast_in_dim3A_639], %gather3A_637 : memref<2x128x10xf32, #tpu.memory_space<vmem>>[vector<16xi32>, vector<16xi32>, vector<16xi32>], vector<16xf32>,
      %add3A_640 = arith.constant 1 : i32
      %add3A_641 = vector.broadcast %add3A_640 : i32 to vector<16xi32>
      %add3A_642 = arith.addi %mul3A_621, %add3A_641 : vector<16xi32>
      %gather3A_643 = tpu.vector_load_idx %arg14[%add3A_642] : memref<2000xf32, #tpu.memory_space<vmem>>[vector<16xi32>], vector<16xf32>,
      %broadcast_in_dim3A_644 = arith.constant 6 : i32
      %broadcast_in_dim3A_645 = vector.broadcast %broadcast_in_dim3A_644 : i32 to vector<16xi32>
      tpu.vector_store_idx %arg11[%broadcast_in_dim3A_110, %add3A_603, %broadcast_in_dim3A_645], %gather3A_643 : memref<2x128x10xf32, #tpu.memory_space<vmem>>[vector<16xi32>, vector<16xi32>, vector<16xi32>], vector<16xf32>,
      %add3A_646 = arith.constant 2 : i32
      %add3A_647 = vector.broadcast %add3A_646 : i32 to vector<16xi32>
      %add3A_648 = arith.addi %mul3A_612, %add3A_647 : vector<16xi32>
      %gather3A_649 = tpu.vector_load_idx %arg13[%add3A_648] : memref<2000xf32, #tpu.memory_space<vmem>>[vector<16xi32>], vector<16xf32>,
      %broadcast_in_dim3A_650 = arith.constant 2 : i32
      %broadcast_in_dim3A_651 = vector.broadcast %broadcast_in_dim3A_650 : i32 to vector<16xi32>
      tpu.vector_store_idx %arg11[%broadcast_in_dim3A_110, %add3A_603, %broadcast_in_dim3A_651], %gather3A_649 : memref<2x128x10xf32, #tpu.memory_space<vmem>>[vector<16xi32>, vector<16xi32>, vector<16xi32>], vector<16xf32>,
      %add3A_652 = arith.constant 2 : i32
      %add3A_653 = vector.broadcast %add3A_652 : i32 to vector<16xi32>
      %add3A_654 = arith.addi %mul3A_621, %add3A_653 : vector<16xi32>
      %gather3A_655 = tpu.vector_load_idx %arg14[%add3A_654] : memref<2000xf32, #tpu.memory_space<vmem>>[vector<16xi32>], vector<16xf32>,
      %broadcast_in_dim3A_656 = arith.constant 7 : i32
      %broadcast_in_dim3A_657 = vector.broadcast %broadcast_in_dim3A_656 : i32 to vector<16xi32>
      tpu.vector_store_idx %arg11[%broadcast_in_dim3A_110, %add3A_603, %broadcast_in_dim3A_657], %gather3A_655 : memref<2x128x10xf32, #tpu.memory_space<vmem>>[vector<16xi32>, vector<16xi32>, vector<16xi32>], vector<16xf32>,
      %add3A_658 = arith.constant 3 : i32
      %add3A_659 = vector.broadcast %add3A_658 : i32 to vector<16xi32>
      %add3A_660 = arith.addi %mul3A_612, %add3A_659 : vector<16xi32>
      %gather3A_661 = tpu.vector_load_idx %arg13[%add3A_660] : memref<2000xf32, #tpu.memory_space<vmem>>[vector<16xi32>], vector<16xf32>,
      %broadcast_in_dim3A_662 = arith.constant 3 : i32
      %broadcast_in_dim3A_663 = vector.broadcast %broadcast_in_dim3A_662 : i32 to vector<16xi32>
      tpu.vector_store_idx %arg11[%broadcast_in_dim3A_110, %add3A_603, %broadcast_in_dim3A_663], %gather3A_661 : memref<2x128x10xf32, #tpu.memory_space<vmem>>[vector<16xi32>, vector<16xi32>, vector<16xi32>], vector<16xf32>,
      %add3A_664 = arith.constant 3 : i32
      %add3A_665 = vector.broadcast %add3A_664 : i32 to vector<16xi32>
      %add3A_666 = arith.addi %mul3A_621, %add3A_665 : vector<16xi32>
      %gather3A_667 = tpu.vector_load_idx %arg14[%add3A_666] : memref<2000xf32, #tpu.memory_space<vmem>>[vector<16xi32>], vector<16xf32>,
      %broadcast_in_dim3A_668 = arith.constant 8 : i32
      %broadcast_in_dim3A_669 = vector.broadcast %broadcast_in_dim3A_668 : i32 to vector<16xi32>
      tpu.vector_store_idx %arg11[%broadcast_in_dim3A_110, %add3A_603, %broadcast_in_dim3A_669], %gather3A_667 : memref<2x128x10xf32, #tpu.memory_space<vmem>>[vector<16xi32>, vector<16xi32>, vector<16xi32>], vector<16xf32>,
      %add3A_670 = arith.constant 4 : i32
      %add3A_671 = vector.broadcast %add3A_670 : i32 to vector<16xi32>
      %add3A_672 = arith.addi %mul3A_612, %add3A_671 : vector<16xi32>
      %gather3A_673 = tpu.vector_load_idx %arg13[%add3A_672] : memref<2000xf32, #tpu.memory_space<vmem>>[vector<16xi32>], vector<16xf32>,
      %broadcast_in_dim3A_674 = arith.constant 4 : i32
      %broadcast_in_dim3A_675 = vector.broadcast %broadcast_in_dim3A_674 : i32 to vector<16xi32>
      tpu.vector_store_idx %arg11[%broadcast_in_dim3A_110, %add3A_603, %broadcast_in_dim3A_675], %gather3A_673 : memref<2x128x10xf32, #tpu.memory_space<vmem>>[vector<16xi32>, vector<16xi32>, vector<16xi32>], vector<16xf32>,
      %add3A_676 = arith.constant 4 : i32
      %add3A_677 = vector.broadcast %add3A_676 : i32 to vector<16xi32>
      %add3A_678 = arith.addi %mul3A_621, %add3A_677 : vector<16xi32>
      %gather3A_679 = tpu.vector_load_idx %arg14[%add3A_678] : memref<2000xf32, #tpu.memory_space<vmem>>[vector<16xi32>], vector<16xf32>,
      %broadcast_in_dim3A_680 = arith.constant 9 : i32
      %broadcast_in_dim3A_681 = vector.broadcast %broadcast_in_dim3A_680 : i32 to vector<16xi32>
      tpu.vector_store_idx %arg11[%broadcast_in_dim3A_110, %add3A_603, %broadcast_in_dim3A_681], %gather3A_679 : memref<2x128x10xf32, #tpu.memory_space<vmem>>[vector<16xi32>, vector<16xi32>, vector<16xi32>], vector<16xf32>,
      %iota3A_682 = tpu.iota {dimensions = array<i32: 0>} : vector<16xi32>
      %add3A_683 = arith.constant 112 : i32
      %add3A_684 = vector.broadcast %add3A_683 : i32 to vector<16xi32>
      %add3A_685 = arith.addi %iota3A_682, %add3A_684 : vector<16xi32>
      %get3A_686 = arith.constant 1 : i32
      %get3A_687 = arith.constant 0 : i32
      %get3A_688 = arith.index_cast %get3A_686 : i32 to index
      %get3A_689 = arith.index_cast %get3A_687 : i32 to index
      %get3A_690 = arith.constant 112 : index
      %get3A_691 = tpu.vector_load %arg7[%get3A_688, %get3A_689, %get3A_690] {strides = array<i32>} : memref<3x2x128xi32, #tpu.memory_space<vmem>>, vector<16xi32>,
      %mul3A_692 = arith.constant 5 : i32
      %mul3A_693 = vector.broadcast %mul3A_692 : i32 to vector<16xi32>
      %mul3A_694 = arith.muli %get3A_691, %mul3A_693 : vector<16xi32>
      %get3A_695 = arith.constant 2 : i32
      %get3A_696 = arith.constant 0 : i32
      %get3A_697 = arith.index_cast %get3A_695 : i32 to index
      %get3A_698 = arith.index_cast %get3A_696 : i32 to index
      %get3A_699 = arith.constant 112 : index
      %get3A_700 = tpu.vector_load %arg7[%get3A_697, %get3A_698, %get3A_699] {strides = array<i32>} : memref<3x2x128xi32, #tpu.memory_space<vmem>>, vector<16xi32>,
      %mul3A_701 = arith.constant 5 : i32
      %mul3A_702 = vector.broadcast %mul3A_701 : i32 to vector<16xi32>
      %mul3A_703 = arith.muli %get3A_700, %mul3A_702 : vector<16xi32>
      %add3A_704 = arith.constant 0 : i32
      %add3A_705 = vector.broadcast %add3A_704 : i32 to vector<16xi32>
      %add3A_706 = arith.addi %mul3A_694, %add3A_705 : vector<16xi32>
      %gather3A_707 = tpu.vector_load_idx %arg13[%add3A_706] : memref<2000xf32, #tpu.memory_space<vmem>>[vector<16xi32>], vector<16xf32>,
      %broadcast_in_dim3A_708 = arith.constant 0 : i32
      %broadcast_in_dim3A_709 = vector.broadcast %broadcast_in_dim3A_708 : i32 to vector<16xi32>
      tpu.vector_store_idx %arg11[%broadcast_in_dim3A_110, %add3A_685, %broadcast_in_dim3A_709], %gather3A_707 : memref<2x128x10xf32, #tpu.memory_space<vmem>>[vector<16xi32>, vector<16xi32>, vector<16xi32>], vector<16xf32>,
      %add3A_710 = arith.constant 0 : i32
      %add3A_711 = vector.broadcast %add3A_710 : i32 to vector<16xi32>
      %add3A_712 = arith.addi %mul3A_703, %add3A_711 : vector<16xi32>
      %gather3A_713 = tpu.vector_load_idx %arg14[%add3A_712] : memref<2000xf32, #tpu.memory_space<vmem>>[vector<16xi32>], vector<16xf32>,
      %broadcast_in_dim3A_714 = arith.constant 5 : i32
      %broadcast_in_dim3A_715 = vector.broadcast %broadcast_in_dim3A_714 : i32 to vector<16xi32>
      tpu.vector_store_idx %arg11[%broadcast_in_dim3A_110, %add3A_685, %broadcast_in_dim3A_715], %gather3A_713 : memref<2x128x10xf32, #tpu.memory_space<vmem>>[vector<16xi32>, vector<16xi32>, vector<16xi32>], vector<16xf32>,
      %add3A_716 = arith.constant 1 : i32
      %add3A_717 = vector.broadcast %add3A_716 : i32 to vector<16xi32>
      %add3A_718 = arith.addi %mul3A_694, %add3A_717 : vector<16xi32>
      %gather3A_719 = tpu.vector_load_idx %arg13[%add3A_718] : memref<2000xf32, #tpu.memory_space<vmem>>[vector<16xi32>], vector<16xf32>,
      %broadcast_in_dim3A_720 = arith.constant 1 : i32
      %broadcast_in_dim3A_721 = vector.broadcast %broadcast_in_dim3A_720 : i32 to vector<16xi32>
      tpu.vector_store_idx %arg11[%broadcast_in_dim3A_110, %add3A_685, %broadcast_in_dim3A_721], %gather3A_719 : memref<2x128x10xf32, #tpu.memory_space<vmem>>[vector<16xi32>, vector<16xi32>, vector<16xi32>], vector<16xf32>,
      %add3A_722 = arith.constant 1 : i32
      %add3A_723 = vector.broadcast %add3A_722 : i32 to vector<16xi32>
      %add3A_724 = arith.addi %mul3A_703, %add3A_723 : vector<16xi32>
      %gather3A_725 = tpu.vector_load_idx %arg14[%add3A_724] : memref<2000xf32, #tpu.memory_space<vmem>>[vector<16xi32>], vector<16xf32>,
      %broadcast_in_dim3A_726 = arith.constant 6 : i32
      %broadcast_in_dim3A_727 = vector.broadcast %broadcast_in_dim3A_726 : i32 to vector<16xi32>
      tpu.vector_store_idx %arg11[%broadcast_in_dim3A_110, %add3A_685, %broadcast_in_dim3A_727], %gather3A_725 : memref<2x128x10xf32, #tpu.memory_space<vmem>>[vector<16xi32>, vector<16xi32>, vector<16xi32>], vector<16xf32>,
      %add3A_728 = arith.constant 2 : i32
      %add3A_729 = vector.broadcast %add3A_728 : i32 to vector<16xi32>
      %add3A_730 = arith.addi %mul3A_694, %add3A_729 : vector<16xi32>
      %gather3A_731 = tpu.vector_load_idx %arg13[%add3A_730] : memref<2000xf32, #tpu.memory_space<vmem>>[vector<16xi32>], vector<16xf32>,
      %broadcast_in_dim3A_732 = arith.constant 2 : i32
      %broadcast_in_dim3A_733 = vector.broadcast %broadcast_in_dim3A_732 : i32 to vector<16xi32>
      tpu.vector_store_idx %arg11[%broadcast_in_dim3A_110, %add3A_685, %broadcast_in_dim3A_733], %gather3A_731 : memref<2x128x10xf32, #tpu.memory_space<vmem>>[vector<16xi32>, vector<16xi32>, vector<16xi32>], vector<16xf32>,
      %add3A_734 = arith.constant 2 : i32
      %add3A_735 = vector.broadcast %add3A_734 : i32 to vector<16xi32>
      %add3A_736 = arith.addi %mul3A_703, %add3A_735 : vector<16xi32>
      %gather3A_737 = tpu.vector_load_idx %arg14[%add3A_736] : memref<2000xf32, #tpu.memory_space<vmem>>[vector<16xi32>], vector<16xf32>,
      %broadcast_in_dim3A_738 = arith.constant 7 : i32
      %broadcast_in_dim3A_739 = vector.broadcast %broadcast_in_dim3A_738 : i32 to vector<16xi32>
      tpu.vector_store_idx %arg11[%broadcast_in_dim3A_110, %add3A_685, %broadcast_in_dim3A_739], %gather3A_737 : memref<2x128x10xf32, #tpu.memory_space<vmem>>[vector<16xi32>, vector<16xi32>, vector<16xi32>], vector<16xf32>,
      %add3A_740 = arith.constant 3 : i32
      %add3A_741 = vector.broadcast %add3A_740 : i32 to vector<16xi32>
      %add3A_742 = arith.addi %mul3A_694, %add3A_741 : vector<16xi32>
      %gather3A_743 = tpu.vector_load_idx %arg13[%add3A_742] : memref<2000xf32, #tpu.memory_space<vmem>>[vector<16xi32>], vector<16xf32>,
      %broadcast_in_dim3A_744 = arith.constant 3 : i32
      %broadcast_in_dim3A_745 = vector.broadcast %broadcast_in_dim3A_744 : i32 to vector<16xi32>
      tpu.vector_store_idx %arg11[%broadcast_in_dim3A_110, %add3A_685, %broadcast_in_dim3A_745], %gather3A_743 : memref<2x128x10xf32, #tpu.memory_space<vmem>>[vector<16xi32>, vector<16xi32>, vector<16xi32>], vector<16xf32>,
      %add3A_746 = arith.constant 3 : i32
      %add3A_747 = vector.broadcast %add3A_746 : i32 to vector<16xi32>
      %add3A_748 = arith.addi %mul3A_703, %add3A_747 : vector<16xi32>
      %gather3A_749 = tpu.vector_load_idx %arg14[%add3A_748] : memref<2000xf32, #tpu.memory_space<vmem>>[vector<16xi32>], vector<16xf32>,
      %broadcast_in_dim3A_750 = arith.constant 8 : i32
      %broadcast_in_dim3A_751 = vector.broadcast %broadcast_in_dim3A_750 : i32 to vector<16xi32>
      tpu.vector_store_idx %arg11[%broadcast_in_dim3A_110, %add3A_685, %broadcast_in_dim3A_751], %gather3A_749 : memref<2x128x10xf32, #tpu.memory_space<vmem>>[vector<16xi32>, vector<16xi32>, vector<16xi32>], vector<16xf32>,
      %add3A_752 = arith.constant 4 : i32
      %add3A_753 = vector.broadcast %add3A_752 : i32 to vector<16xi32>
      %add3A_754 = arith.addi %mul3A_694, %add3A_753 : vector<16xi32>
      %gather3A_755 = tpu.vector_load_idx %arg13[%add3A_754] : memref<2000xf32, #tpu.memory_space<vmem>>[vector<16xi32>], vector<16xf32>,
      %broadcast_in_dim3A_756 = arith.constant 4 : i32
      %broadcast_in_dim3A_757 = vector.broadcast %broadcast_in_dim3A_756 : i32 to vector<16xi32>
      tpu.vector_store_idx %arg11[%broadcast_in_dim3A_110, %add3A_685, %broadcast_in_dim3A_757], %gather3A_755 : memref<2x128x10xf32, #tpu.memory_space<vmem>>[vector<16xi32>, vector<16xi32>, vector<16xi32>], vector<16xf32>,
      %add3A_758 = arith.constant 4 : i32
      %add3A_759 = vector.broadcast %add3A_758 : i32 to vector<16xi32>
      %add3A_760 = arith.addi %mul3A_703, %add3A_759 : vector<16xi32>
      %gather3A_761 = tpu.vector_load_idx %arg14[%add3A_760] : memref<2000xf32, #tpu.memory_space<vmem>>[vector<16xi32>], vector<16xf32>,
      %broadcast_in_dim3A_762 = arith.constant 9 : i32
      %broadcast_in_dim3A_763 = vector.broadcast %broadcast_in_dim3A_762 : i32 to vector<16xi32>
      tpu.vector_store_idx %arg11[%broadcast_in_dim3A_110, %add3A_685, %broadcast_in_dim3A_763], %gather3A_761 : memref<2x128x10xf32, #tpu.memory_space<vmem>>[vector<16xi32>, vector<16xi32>, vector<16xi32>], vector<16xf32>,
      %broadcast_in_dim3A_764 = arith.constant 1 : i32
      %broadcast_in_dim3A_765 = vector.broadcast %broadcast_in_dim3A_764 : i32 to vector<16xi32>
      %iota3A_766 = tpu.iota {dimensions = array<i32: 0>} : vector<16xi32>
      %add3A_767 = arith.constant 0 : i32
      %add3A_768 = vector.broadcast %add3A_767 : i32 to vector<16xi32>
      %add3A_769 = arith.addi %iota3A_766, %add3A_768 : vector<16xi32>
      %get3A_770 = arith.constant 1 : i32
      %get3A_771 = arith.constant 1 : i32
      %get3A_772 = arith.index_cast %get3A_770 : i32 to index
      %get3A_773 = arith.index_cast %get3A_771 : i32 to index
      %get3A_774 = arith.constant 0 : index
      %get3A_775 = tpu.vector_load %arg7[%get3A_772, %get3A_773, %get3A_774] {strides = array<i32>} : memref<3x2x128xi32, #tpu.memory_space<vmem>>, vector<16xi32>,
      %mul3A_776 = arith.constant 5 : i32
      %mul3A_777 = vector.broadcast %mul3A_776 : i32 to vector<16xi32>
      %mul3A_778 = arith.muli %get3A_775, %mul3A_777 : vector<16xi32>
      %get3A_779 = arith.constant 2 : i32
      %get3A_780 = arith.constant 1 : i32
      %get3A_781 = arith.index_cast %get3A_779 : i32 to index
      %get3A_782 = arith.index_cast %get3A_780 : i32 to index
      %get3A_783 = arith.constant 0 : index
      %get3A_784 = tpu.vector_load %arg7[%get3A_781, %get3A_782, %get3A_783] {strides = array<i32>} : memref<3x2x128xi32, #tpu.memory_space<vmem>>, vector<16xi32>,
      %mul3A_785 = arith.constant 5 : i32
      %mul3A_786 = vector.broadcast %mul3A_785 : i32 to vector<16xi32>
      %mul3A_787 = arith.muli %get3A_784, %mul3A_786 : vector<16xi32>
      %add3A_788 = arith.constant 0 : i32
      %add3A_789 = vector.broadcast %add3A_788 : i32 to vector<16xi32>
      %add3A_790 = arith.addi %mul3A_778, %add3A_789 : vector<16xi32>
      %gather3A_791 = tpu.vector_load_idx %arg13[%add3A_790] : memref<2000xf32, #tpu.memory_space<vmem>>[vector<16xi32>], vector<16xf32>,
      %broadcast_in_dim3A_792 = arith.constant 0 : i32
      %broadcast_in_dim3A_793 = vector.broadcast %broadcast_in_dim3A_792 : i32 to vector<16xi32>
      tpu.vector_store_idx %arg11[%broadcast_in_dim3A_765, %add3A_769, %broadcast_in_dim3A_793], %gather3A_791 : memref<2x128x10xf32, #tpu.memory_space<vmem>>[vector<16xi32>, vector<16xi32>, vector<16xi32>], vector<16xf32>,
      %add3A_794 = arith.constant 0 : i32
      %add3A_795 = vector.broadcast %add3A_794 : i32 to vector<16xi32>
      %add3A_796 = arith.addi %mul3A_787, %add3A_795 : vector<16xi32>
      %gather3A_797 = tpu.vector_load_idx %arg14[%add3A_796] : memref<2000xf32, #tpu.memory_space<vmem>>[vector<16xi32>], vector<16xf32>,
      %broadcast_in_dim3A_798 = arith.constant 5 : i32
      %broadcast_in_dim3A_799 = vector.broadcast %broadcast_in_dim3A_798 : i32 to vector<16xi32>
      tpu.vector_store_idx %arg11[%broadcast_in_dim3A_765, %add3A_769, %broadcast_in_dim3A_799], %gather3A_797 : memref<2x128x10xf32, #tpu.memory_space<vmem>>[vector<16xi32>, vector<16xi32>, vector<16xi32>], vector<16xf32>,
      %add3A_800 = arith.constant 1 : i32
      %add3A_801 = vector.broadcast %add3A_800 : i32 to vector<16xi32>
      %add3A_802 = arith.addi %mul3A_778, %add3A_801 : vector<16xi32>
      %gather3A_803 = tpu.vector_load_idx %arg13[%add3A_802] : memref<2000xf32, #tpu.memory_space<vmem>>[vector<16xi32>], vector<16xf32>,
      %broadcast_in_dim3A_804 = arith.constant 1 : i32
      %broadcast_in_dim3A_805 = vector.broadcast %broadcast_in_dim3A_804 : i32 to vector<16xi32>
      tpu.vector_store_idx %arg11[%broadcast_in_dim3A_765, %add3A_769, %broadcast_in_dim3A_805], %gather3A_803 : memref<2x128x10xf32, #tpu.memory_space<vmem>>[vector<16xi32>, vector<16xi32>, vector<16xi32>], vector<16xf32>,
      %add3A_806 = arith.constant 1 : i32
      %add3A_807 = vector.broadcast %add3A_806 : i32 to vector<16xi32>
      %add3A_808 = arith.addi %mul3A_787, %add3A_807 : vector<16xi32>
      %gather3A_809 = tpu.vector_load_idx %arg14[%add3A_808] : memref<2000xf32, #tpu.memory_space<vmem>>[vector<16xi32>], vector<16xf32>,
      %broadcast_in_dim3A_810 = arith.constant 6 : i32
      %broadcast_in_dim3A_811 = vector.broadcast %broadcast_in_dim3A_810 : i32 to vector<16xi32>
      tpu.vector_store_idx %arg11[%broadcast_in_dim3A_765, %add3A_769, %broadcast_in_dim3A_811], %gather3A_809 : memref<2x128x10xf32, #tpu.memory_space<vmem>>[vector<16xi32>, vector<16xi32>, vector<16xi32>], vector<16xf32>,
      %add3A_812 = arith.constant 2 : i32
      %add3A_813 = vector.broadcast %add3A_812 : i32 to vector<16xi32>
      %add3A_814 = arith.addi %mul3A_778, %add3A_813 : vector<16xi32>
      %gather3A_815 = tpu.vector_load_idx %arg13[%add3A_814] : memref<2000xf32, #tpu.memory_space<vmem>>[vector<16xi32>], vector<16xf32>,
      %broadcast_in_dim3A_816 = arith.constant 2 : i32
      %broadcast_in_dim3A_817 = vector.broadcast %broadcast_in_dim3A_816 : i32 to vector<16xi32>
      tpu.vector_store_idx %arg11[%broadcast_in_dim3A_765, %add3A_769, %broadcast_in_dim3A_817], %gather3A_815 : memref<2x128x10xf32, #tpu.memory_space<vmem>>[vector<16xi32>, vector<16xi32>, vector<16xi32>], vector<16xf32>,
      %add3A_818 = arith.constant 2 : i32
      %add3A_819 = vector.broadcast %add3A_818 : i32 to vector<16xi32>
      %add3A_820 = arith.addi %mul3A_787, %add3A_819 : vector<16xi32>
      %gather3A_821 = tpu.vector_load_idx %arg14[%add3A_820] : memref<2000xf32, #tpu.memory_space<vmem>>[vector<16xi32>], vector<16xf32>,
      %broadcast_in_dim3A_822 = arith.constant 7 : i32
      %broadcast_in_dim3A_823 = vector.broadcast %broadcast_in_dim3A_822 : i32 to vector<16xi32>
      tpu.vector_store_idx %arg11[%broadcast_in_dim3A_765, %add3A_769, %broadcast_in_dim3A_823], %gather3A_821 : memref<2x128x10xf32, #tpu.memory_space<vmem>>[vector<16xi32>, vector<16xi32>, vector<16xi32>], vector<16xf32>,
      %add3A_824 = arith.constant 3 : i32
      %add3A_825 = vector.broadcast %add3A_824 : i32 to vector<16xi32>
      %add3A_826 = arith.addi %mul3A_778, %add3A_825 : vector<16xi32>
      %gather3A_827 = tpu.vector_load_idx %arg13[%add3A_826] : memref<2000xf32, #tpu.memory_space<vmem>>[vector<16xi32>], vector<16xf32>,
      %broadcast_in_dim3A_828 = arith.constant 3 : i32
      %broadcast_in_dim3A_829 = vector.broadcast %broadcast_in_dim3A_828 : i32 to vector<16xi32>
      tpu.vector_store_idx %arg11[%broadcast_in_dim3A_765, %add3A_769, %broadcast_in_dim3A_829], %gather3A_827 : memref<2x128x10xf32, #tpu.memory_space<vmem>>[vector<16xi32>, vector<16xi32>, vector<16xi32>], vector<16xf32>,
      %add3A_830 = arith.constant 3 : i32
      %add3A_831 = vector.broadcast %add3A_830 : i32 to vector<16xi32>
      %add3A_832 = arith.addi %mul3A_787, %add3A_831 : vector<16xi32>
      %gather3A_833 = tpu.vector_load_idx %arg14[%add3A_832] : memref<2000xf32, #tpu.memory_space<vmem>>[vector<16xi32>], vector<16xf32>,
      %broadcast_in_dim3A_834 = arith.constant 8 : i32
      %broadcast_in_dim3A_835 = vector.broadcast %broadcast_in_dim3A_834 : i32 to vector<16xi32>
      tpu.vector_store_idx %arg11[%broadcast_in_dim3A_765, %add3A_769, %broadcast_in_dim3A_835], %gather3A_833 : memref<2x128x10xf32, #tpu.memory_space<vmem>>[vector<16xi32>, vector<16xi32>, vector<16xi32>], vector<16xf32>,
      %add3A_836 = arith.constant 4 : i32
      %add3A_837 = vector.broadcast %add3A_836 : i32 to vector<16xi32>
      %add3A_838 = arith.addi %mul3A_778, %add3A_837 : vector<16xi32>
      %gather3A_839 = tpu.vector_load_idx %arg13[%add3A_838] : memref<2000xf32, #tpu.memory_space<vmem>>[vector<16xi32>], vector<16xf32>,
      %broadcast_in_dim3A_840 = arith.constant 4 : i32
      %broadcast_in_dim3A_841 = vector.broadcast %broadcast_in_dim3A_840 : i32 to vector<16xi32>
      tpu.vector_store_idx %arg11[%broadcast_in_dim3A_765, %add3A_769, %broadcast_in_dim3A_841], %gather3A_839 : memref<2x128x10xf32, #tpu.memory_space<vmem>>[vector<16xi32>, vector<16xi32>, vector<16xi32>], vector<16xf32>,
      %add3A_842 = arith.constant 4 : i32
      %add3A_843 = vector.broadcast %add3A_842 : i32 to vector<16xi32>
      %add3A_844 = arith.addi %mul3A_787, %add3A_843 : vector<16xi32>
      %gather3A_845 = tpu.vector_load_idx %arg14[%add3A_844] : memref<2000xf32, #tpu.memory_space<vmem>>[vector<16xi32>], vector<16xf32>,
      %broadcast_in_dim3A_846 = arith.constant 9 : i32
      %broadcast_in_dim3A_847 = vector.broadcast %broadcast_in_dim3A_846 : i32 to vector<16xi32>
      tpu.vector_store_idx %arg11[%broadcast_in_dim3A_765, %add3A_769, %broadcast_in_dim3A_847], %gather3A_845 : memref<2x128x10xf32, #tpu.memory_space<vmem>>[vector<16xi32>, vector<16xi32>, vector<16xi32>], vector<16xf32>,
      %iota3A_848 = tpu.iota {dimensions = array<i32: 0>} : vector<16xi32>
      %add3A_849 = arith.constant 16 : i32
      %add3A_850 = vector.broadcast %add3A_849 : i32 to vector<16xi32>
      %add3A_851 = arith.addi %iota3A_848, %add3A_850 : vector<16xi32>
      %get3A_852 = arith.constant 1 : i32
      %get3A_853 = arith.constant 1 : i32
      %get3A_854 = arith.index_cast %get3A_852 : i32 to index
      %get3A_855 = arith.index_cast %get3A_853 : i32 to index
      %get3A_856 = arith.constant 16 : index
      %get3A_857 = tpu.vector_load %arg7[%get3A_854, %get3A_855, %get3A_856] {strides = array<i32>} : memref<3x2x128xi32, #tpu.memory_space<vmem>>, vector<16xi32>,
      %mul3A_858 = arith.constant 5 : i32
      %mul3A_859 = vector.broadcast %mul3A_858 : i32 to vector<16xi32>
      %mul3A_860 = arith.muli %get3A_857, %mul3A_859 : vector<16xi32>
      %get3A_861 = arith.constant 2 : i32
      %get3A_862 = arith.constant 1 : i32
      %get3A_863 = arith.index_cast %get3A_861 : i32 to index
      %get3A_864 = arith.index_cast %get3A_862 : i32 to index
      %get3A_865 = arith.constant 16 : index
      %get3A_866 = tpu.vector_load %arg7[%get3A_863, %get3A_864, %get3A_865] {strides = array<i32>} : memref<3x2x128xi32, #tpu.memory_space<vmem>>, vector<16xi32>,
      %mul3A_867 = arith.constant 5 : i32
      %mul3A_868 = vector.broadcast %mul3A_867 : i32 to vector<16xi32>
      %mul3A_869 = arith.muli %get3A_866, %mul3A_868 : vector<16xi32>
      %add3A_870 = arith.constant 0 : i32
      %add3A_871 = vector.broadcast %add3A_870 : i32 to vector<16xi32>
      %add3A_872 = arith.addi %mul3A_860, %add3A_871 : vector<16xi32>
      %gather3A_873 = tpu.vector_load_idx %arg13[%add3A_872] : memref<2000xf32, #tpu.memory_space<vmem>>[vector<16xi32>], vector<16xf32>,
      %broadcast_in_dim3A_874 = arith.constant 0 : i32
      %broadcast_in_dim3A_875 = vector.broadcast %broadcast_in_dim3A_874 : i32 to vector<16xi32>
      tpu.vector_store_idx %arg11[%broadcast_in_dim3A_765, %add3A_851, %broadcast_in_dim3A_875], %gather3A_873 : memref<2x128x10xf32, #tpu.memory_space<vmem>>[vector<16xi32>, vector<16xi32>, vector<16xi32>], vector<16xf32>,
      %add3A_876 = arith.constant 0 : i32
      %add3A_877 = vector.broadcast %add3A_876 : i32 to vector<16xi32>
      %add3A_878 = arith.addi %mul3A_869, %add3A_877 : vector<16xi32>
      %gather3A_879 = tpu.vector_load_idx %arg14[%add3A_878] : memref<2000xf32, #tpu.memory_space<vmem>>[vector<16xi32>], vector<16xf32>,
      %broadcast_in_dim3A_880 = arith.constant 5 : i32
      %broadcast_in_dim3A_881 = vector.broadcast %broadcast_in_dim3A_880 : i32 to vector<16xi32>
      tpu.vector_store_idx %arg11[%broadcast_in_dim3A_765, %add3A_851, %broadcast_in_dim3A_881], %gather3A_879 : memref<2x128x10xf32, #tpu.memory_space<vmem>>[vector<16xi32>, vector<16xi32>, vector<16xi32>], vector<16xf32>,
      %add3A_882 = arith.constant 1 : i32
      %add3A_883 = vector.broadcast %add3A_882 : i32 to vector<16xi32>
      %add3A_884 = arith.addi %mul3A_860, %add3A_883 : vector<16xi32>
      %gather3A_885 = tpu.vector_load_idx %arg13[%add3A_884] : memref<2000xf32, #tpu.memory_space<vmem>>[vector<16xi32>], vector<16xf32>,
      %broadcast_in_dim3A_886 = arith.constant 1 : i32
      %broadcast_in_dim3A_887 = vector.broadcast %broadcast_in_dim3A_886 : i32 to vector<16xi32>
      tpu.vector_store_idx %arg11[%broadcast_in_dim3A_765, %add3A_851, %broadcast_in_dim3A_887], %gather3A_885 : memref<2x128x10xf32, #tpu.memory_space<vmem>>[vector<16xi32>, vector<16xi32>, vector<16xi32>], vector<16xf32>,
      %add3A_888 = arith.constant 1 : i32
      %add3A_889 = vector.broadcast %add3A_888 : i32 to vector<16xi32>
      %add3A_890 = arith.addi %mul3A_869, %add3A_889 : vector<16xi32>
      %gather3A_891 = tpu.vector_load_idx %arg14[%add3A_890] : memref<2000xf32, #tpu.memory_space<vmem>>[vector<16xi32>], vector<16xf32>,
      %broadcast_in_dim3A_892 = arith.constant 6 : i32
      %broadcast_in_dim3A_893 = vector.broadcast %broadcast_in_dim3A_892 : i32 to vector<16xi32>
      tpu.vector_store_idx %arg11[%broadcast_in_dim3A_765, %add3A_851, %broadcast_in_dim3A_893], %gather3A_891 : memref<2x128x10xf32, #tpu.memory_space<vmem>>[vector<16xi32>, vector<16xi32>, vector<16xi32>], vector<16xf32>,
      %add3A_894 = arith.constant 2 : i32
      %add3A_895 = vector.broadcast %add3A_894 : i32 to vector<16xi32>
      %add3A_896 = arith.addi %mul3A_860, %add3A_895 : vector<16xi32>
      %gather3A_897 = tpu.vector_load_idx %arg13[%add3A_896] : memref<2000xf32, #tpu.memory_space<vmem>>[vector<16xi32>], vector<16xf32>,
      %broadcast_in_dim3A_898 = arith.constant 2 : i32
      %broadcast_in_dim3A_899 = vector.broadcast %broadcast_in_dim3A_898 : i32 to vector<16xi32>
      tpu.vector_store_idx %arg11[%broadcast_in_dim3A_765, %add3A_851, %broadcast_in_dim3A_899], %gather3A_897 : memref<2x128x10xf32, #tpu.memory_space<vmem>>[vector<16xi32>, vector<16xi32>, vector<16xi32>], vector<16xf32>,
      %add3A_900 = arith.constant 2 : i32
      %add3A_901 = vector.broadcast %add3A_900 : i32 to vector<16xi32>
      %add3A_902 = arith.addi %mul3A_869, %add3A_901 : vector<16xi32>
      %gather3A_903 = tpu.vector_load_idx %arg14[%add3A_902] : memref<2000xf32, #tpu.memory_space<vmem>>[vector<16xi32>], vector<16xf32>,
      %broadcast_in_dim3A_904 = arith.constant 7 : i32
      %broadcast_in_dim3A_905 = vector.broadcast %broadcast_in_dim3A_904 : i32 to vector<16xi32>
      tpu.vector_store_idx %arg11[%broadcast_in_dim3A_765, %add3A_851, %broadcast_in_dim3A_905], %gather3A_903 : memref<2x128x10xf32, #tpu.memory_space<vmem>>[vector<16xi32>, vector<16xi32>, vector<16xi32>], vector<16xf32>,
      %add3A_906 = arith.constant 3 : i32
      %add3A_907 = vector.broadcast %add3A_906 : i32 to vector<16xi32>
      %add3A_908 = arith.addi %mul3A_860, %add3A_907 : vector<16xi32>
      %gather3A_909 = tpu.vector_load_idx %arg13[%add3A_908] : memref<2000xf32, #tpu.memory_space<vmem>>[vector<16xi32>], vector<16xf32>,
      %broadcast_in_dim3A_910 = arith.constant 3 : i32
      %broadcast_in_dim3A_911 = vector.broadcast %broadcast_in_dim3A_910 : i32 to vector<16xi32>
      tpu.vector_store_idx %arg11[%broadcast_in_dim3A_765, %add3A_851, %broadcast_in_dim3A_911], %gather3A_909 : memref<2x128x10xf32, #tpu.memory_space<vmem>>[vector<16xi32>, vector<16xi32>, vector<16xi32>], vector<16xf32>,
      %add3A_912 = arith.constant 3 : i32
      %add3A_913 = vector.broadcast %add3A_912 : i32 to vector<16xi32>
      %add3A_914 = arith.addi %mul3A_869, %add3A_913 : vector<16xi32>
      %gather3A_915 = tpu.vector_load_idx %arg14[%add3A_914] : memref<2000xf32, #tpu.memory_space<vmem>>[vector<16xi32>], vector<16xf32>,
      %broadcast_in_dim3A_916 = arith.constant 8 : i32
      %broadcast_in_dim3A_917 = vector.broadcast %broadcast_in_dim3A_916 : i32 to vector<16xi32>
      tpu.vector_store_idx %arg11[%broadcast_in_dim3A_765, %add3A_851, %broadcast_in_dim3A_917], %gather3A_915 : memref<2x128x10xf32, #tpu.memory_space<vmem>>[vector<16xi32>, vector<16xi32>, vector<16xi32>], vector<16xf32>,
      %add3A_918 = arith.constant 4 : i32
      %add3A_919 = vector.broadcast %add3A_918 : i32 to vector<16xi32>
      %add3A_920 = arith.addi %mul3A_860, %add3A_919 : vector<16xi32>
      %gather3A_921 = tpu.vector_load_idx %arg13[%add3A_920] : memref<2000xf32, #tpu.memory_space<vmem>>[vector<16xi32>], vector<16xf32>,
      %broadcast_in_dim3A_922 = arith.constant 4 : i32
      %broadcast_in_dim3A_923 = vector.broadcast %broadcast_in_dim3A_922 : i32 to vector<16xi32>
      tpu.vector_store_idx %arg11[%broadcast_in_dim3A_765, %add3A_851, %broadcast_in_dim3A_923], %gather3A_921 : memref<2x128x10xf32, #tpu.memory_space<vmem>>[vector<16xi32>, vector<16xi32>, vector<16xi32>], vector<16xf32>,
      %add3A_924 = arith.constant 4 : i32
      %add3A_925 = vector.broadcast %add3A_924 : i32 to vector<16xi32>
      %add3A_926 = arith.addi %mul3A_869, %add3A_925 : vector<16xi32>
      %gather3A_927 = tpu.vector_load_idx %arg14[%add3A_926] : memref<2000xf32, #tpu.memory_space<vmem>>[vector<16xi32>], vector<16xf32>,
      %broadcast_in_dim3A_928 = arith.constant 9 : i32
      %broadcast_in_dim3A_929 = vector.broadcast %broadcast_in_dim3A_928 : i32 to vector<16xi32>
      tpu.vector_store_idx %arg11[%broadcast_in_dim3A_765, %add3A_851, %broadcast_in_dim3A_929], %gather3A_927 : memref<2x128x10xf32, #tpu.memory_space<vmem>>[vector<16xi32>, vector<16xi32>, vector<16xi32>], vector<16xf32>,
      %iota3A_930 = tpu.iota {dimensions = array<i32: 0>} : vector<16xi32>
      %add3A_931 = arith.constant 32 : i32
      %add3A_932 = vector.broadcast %add3A_931 : i32 to vector<16xi32>
      %add3A_933 = arith.addi %iota3A_930, %add3A_932 : vector<16xi32>
      %get3A_934 = arith.constant 1 : i32
      %get3A_935 = arith.constant 1 : i32
      %get3A_936 = arith.index_cast %get3A_934 : i32 to index
      %get3A_937 = arith.index_cast %get3A_935 : i32 to index
      %get3A_938 = arith.constant 32 : index
      %get3A_939 = tpu.vector_load %arg7[%get3A_936, %get3A_937, %get3A_938] {strides = array<i32>} : memref<3x2x128xi32, #tpu.memory_space<vmem>>, vector<16xi32>,
      %mul3A_940 = arith.constant 5 : i32
      %mul3A_941 = vector.broadcast %mul3A_940 : i32 to vector<16xi32>
      %mul3A_942 = arith.muli %get3A_939, %mul3A_941 : vector<16xi32>
      %get3A_943 = arith.constant 2 : i32
      %get3A_944 = arith.constant 1 : i32
      %get3A_945 = arith.index_cast %get3A_943 : i32 to index
      %get3A_946 = arith.index_cast %get3A_944 : i32 to index
      %get3A_947 = arith.constant 32 : index
      %get3A_948 = tpu.vector_load %arg7[%get3A_945, %get3A_946, %get3A_947] {strides = array<i32>} : memref<3x2x128xi32, #tpu.memory_space<vmem>>, vector<16xi32>,
      %mul3A_949 = arith.constant 5 : i32
      %mul3A_950 = vector.broadcast %mul3A_949 : i32 to vector<16xi32>
      %mul3A_951 = arith.muli %get3A_948, %mul3A_950 : vector<16xi32>
      %add3A_952 = arith.constant 0 : i32
      %add3A_953 = vector.broadcast %add3A_952 : i32 to vector<16xi32>
      %add3A_954 = arith.addi %mul3A_942, %add3A_953 : vector<16xi32>
      %gather3A_955 = tpu.vector_load_idx %arg13[%add3A_954] : memref<2000xf32, #tpu.memory_space<vmem>>[vector<16xi32>], vector<16xf32>,
      %broadcast_in_dim3A_956 = arith.constant 0 : i32
      %broadcast_in_dim3A_957 = vector.broadcast %broadcast_in_dim3A_956 : i32 to vector<16xi32>
      tpu.vector_store_idx %arg11[%broadcast_in_dim3A_765, %add3A_933, %broadcast_in_dim3A_957], %gather3A_955 : memref<2x128x10xf32, #tpu.memory_space<vmem>>[vector<16xi32>, vector<16xi32>, vector<16xi32>], vector<16xf32>,
      %add3A_958 = arith.constant 0 : i32
      %add3A_959 = vector.broadcast %add3A_958 : i32 to vector<16xi32>
      %add3A_960 = arith.addi %mul3A_951, %add3A_959 : vector<16xi32>
      %gather3A_961 = tpu.vector_load_idx %arg14[%add3A_960] : memref<2000xf32, #tpu.memory_space<vmem>>[vector<16xi32>], vector<16xf32>,
      %broadcast_in_dim3A_962 = arith.constant 5 : i32
      %broadcast_in_dim3A_963 = vector.broadcast %broadcast_in_dim3A_962 : i32 to vector<16xi32>
      tpu.vector_store_idx %arg11[%broadcast_in_dim3A_765, %add3A_933, %broadcast_in_dim3A_963], %gather3A_961 : memref<2x128x10xf32, #tpu.memory_space<vmem>>[vector<16xi32>, vector<16xi32>, vector<16xi32>], vector<16xf32>,
      %add3A_964 = arith.constant 1 : i32
      %add3A_965 = vector.broadcast %add3A_964 : i32 to vector<16xi32>
      %add3A_966 = arith.addi %mul3A_942, %add3A_965 : vector<16xi32>
      %gather3A_967 = tpu.vector_load_idx %arg13[%add3A_966] : memref<2000xf32, #tpu.memory_space<vmem>>[vector<16xi32>], vector<16xf32>,
      %broadcast_in_dim3A_968 = arith.constant 1 : i32
      %broadcast_in_dim3A_969 = vector.broadcast %broadcast_in_dim3A_968 : i32 to vector<16xi32>
      tpu.vector_store_idx %arg11[%broadcast_in_dim3A_765, %add3A_933, %broadcast_in_dim3A_969], %gather3A_967 : memref<2x128x10xf32, #tpu.memory_space<vmem>>[vector<16xi32>, vector<16xi32>, vector<16xi32>], vector<16xf32>,
      %add3A_970 = arith.constant 1 : i32
      %add3A_971 = vector.broadcast %add3A_970 : i32 to vector<16xi32>
      %add3A_972 = arith.addi %mul3A_951, %add3A_971 : vector<16xi32>
      %gather3A_973 = tpu.vector_load_idx %arg14[%add3A_972] : memref<2000xf32, #tpu.memory_space<vmem>>[vector<16xi32>], vector<16xf32>,
      %broadcast_in_dim3A_974 = arith.constant 6 : i32
      %broadcast_in_dim3A_975 = vector.broadcast %broadcast_in_dim3A_974 : i32 to vector<16xi32>
      tpu.vector_store_idx %arg11[%broadcast_in_dim3A_765, %add3A_933, %broadcast_in_dim3A_975], %gather3A_973 : memref<2x128x10xf32, #tpu.memory_space<vmem>>[vector<16xi32>, vector<16xi32>, vector<16xi32>], vector<16xf32>,
      %add3A_976 = arith.constant 2 : i32
      %add3A_977 = vector.broadcast %add3A_976 : i32 to vector<16xi32>
      %add3A_978 = arith.addi %mul3A_942, %add3A_977 : vector<16xi32>
      %gather3A_979 = tpu.vector_load_idx %arg13[%add3A_978] : memref<2000xf32, #tpu.memory_space<vmem>>[vector<16xi32>], vector<16xf32>,
      %broadcast_in_dim3A_980 = arith.constant 2 : i32
      %broadcast_in_dim3A_981 = vector.broadcast %broadcast_in_dim3A_980 : i32 to vector<16xi32>
      tpu.vector_store_idx %arg11[%broadcast_in_dim3A_765, %add3A_933, %broadcast_in_dim3A_981], %gather3A_979 : memref<2x128x10xf32, #tpu.memory_space<vmem>>[vector<16xi32>, vector<16xi32>, vector<16xi32>], vector<16xf32>,
      %add3A_982 = arith.constant 2 : i32
      %add3A_983 = vector.broadcast %add3A_982 : i32 to vector<16xi32>
      %add3A_984 = arith.addi %mul3A_951, %add3A_983 : vector<16xi32>
      %gather3A_985 = tpu.vector_load_idx %arg14[%add3A_984] : memref<2000xf32, #tpu.memory_space<vmem>>[vector<16xi32>], vector<16xf32>,
      %broadcast_in_dim3A_986 = arith.constant 7 : i32
      %broadcast_in_dim3A_987 = vector.broadcast %broadcast_in_dim3A_986 : i32 to vector<16xi32>
      tpu.vector_store_idx %arg11[%broadcast_in_dim3A_765, %add3A_933, %broadcast_in_dim3A_987], %gather3A_985 : memref<2x128x10xf32, #tpu.memory_space<vmem>>[vector<16xi32>, vector<16xi32>, vector<16xi32>], vector<16xf32>,
      %add3A_988 = arith.constant 3 : i32
      %add3A_989 = vector.broadcast %add3A_988 : i32 to vector<16xi32>
      %add3A_990 = arith.addi %mul3A_942, %add3A_989 : vector<16xi32>
      %gather3A_991 = tpu.vector_load_idx %arg13[%add3A_990] : memref<2000xf32, #tpu.memory_space<vmem>>[vector<16xi32>], vector<16xf32>,
      %broadcast_in_dim3A_992 = arith.constant 3 : i32
      %broadcast_in_dim3A_993 = vector.broadcast %broadcast_in_dim3A_992 : i32 to vector<16xi32>
      tpu.vector_store_idx %arg11[%broadcast_in_dim3A_765, %add3A_933, %broadcast_in_dim3A_993], %gather3A_991 : memref<2x128x10xf32, #tpu.memory_space<vmem>>[vector<16xi32>, vector<16xi32>, vector<16xi32>], vector<16xf32>,
      %add3A_994 = arith.constant 3 : i32
      %add3A_995 = vector.broadcast %add3A_994 : i32 to vector<16xi32>
      %add3A_996 = arith.addi %mul3A_951, %add3A_995 : vector<16xi32>
      %gather3A_997 = tpu.vector_load_idx %arg14[%add3A_996] : memref<2000xf32, #tpu.memory_space<vmem>>[vector<16xi32>], vector<16xf32>,
      %broadcast_in_dim3A_998 = arith.constant 8 : i32
      %broadcast_in_dim3A_999 = vector.broadcast %broadcast_in_dim3A_998 : i32 to vector<16xi32>
      tpu.vector_store_idx %arg11[%broadcast_in_dim3A_765, %add3A_933, %broadcast_in_dim3A_999], %gather3A_997 : memref<2x128x10xf32, #tpu.memory_space<vmem>>[vector<16xi32>, vector<16xi32>, vector<16xi32>], vector<16xf32>,
      %add3A_1000 = arith.constant 4 : i32
      %add3A_1001 = vector.broadcast %add3A_1000 : i32 to vector<16xi32>
      %add3A_1002 = arith.addi %mul3A_942, %add3A_1001 : vector<16xi32>
      %gather3A_1003 = tpu.vector_load_idx %arg13[%add3A_1002] : memref<2000xf32, #tpu.memory_space<vmem>>[vector<16xi32>], vector<16xf32>,
      %broadcast_in_dim3A_1004 = arith.constant 4 : i32
      %broadcast_in_dim3A_1005 = vector.broadcast %broadcast_in_dim3A_1004 : i32 to vector<16xi32>
      tpu.vector_store_idx %arg11[%broadcast_in_dim3A_765, %add3A_933, %broadcast_in_dim3A_1005], %gather3A_1003 : memref<2x128x10xf32, #tpu.memory_space<vmem>>[vector<16xi32>, vector<16xi32>, vector<16xi32>], vector<16xf32>,
      %add3A_1006 = arith.constant 4 : i32
      %add3A_1007 = vector.broadcast %add3A_1006 : i32 to vector<16xi32>
      %add3A_1008 = arith.addi %mul3A_951, %add3A_1007 : vector<16xi32>
      %gather3A_1009 = tpu.vector_load_idx %arg14[%add3A_1008] : memref<2000xf32, #tpu.memory_space<vmem>>[vector<16xi32>], vector<16xf32>,
      %broadcast_in_dim3A_1010 = arith.constant 9 : i32
      %broadcast_in_dim3A_1011 = vector.broadcast %broadcast_in_dim3A_1010 : i32 to vector<16xi32>
      tpu.vector_store_idx %arg11[%broadcast_in_dim3A_765, %add3A_933, %broadcast_in_dim3A_1011], %gather3A_1009 : memref<2x128x10xf32, #tpu.memory_space<vmem>>[vector<16xi32>, vector<16xi32>, vector<16xi32>], vector<16xf32>,
      %iota3A_1012 = tpu.iota {dimensions = array<i32: 0>} : vector<16xi32>
      %add3A_1013 = arith.constant 48 : i32
      %add3A_1014 = vector.broadcast %add3A_1013 : i32 to vector<16xi32>
      %add3A_1015 = arith.addi %iota3A_1012, %add3A_1014 : vector<16xi32>
      %get3A_1016 = arith.constant 1 : i32
      %get3A_1017 = arith.constant 1 : i32
      %get3A_1018 = arith.index_cast %get3A_1016 : i32 to index
      %get3A_1019 = arith.index_cast %get3A_1017 : i32 to index
      %get3A_1020 = arith.constant 48 : index
      %get3A_1021 = tpu.vector_load %arg7[%get3A_1018, %get3A_1019, %get3A_1020] {strides = array<i32>} : memref<3x2x128xi32, #tpu.memory_space<vmem>>, vector<16xi32>,
      %mul3A_1022 = arith.constant 5 : i32
      %mul3A_1023 = vector.broadcast %mul3A_1022 : i32 to vector<16xi32>
      %mul3A_1024 = arith.muli %get3A_1021, %mul3A_1023 : vector<16xi32>
      %get3A_1025 = arith.constant 2 : i32
      %get3A_1026 = arith.constant 1 : i32
      %get3A_1027 = arith.index_cast %get3A_1025 : i32 to index
      %get3A_1028 = arith.index_cast %get3A_1026 : i32 to index
      %get3A_1029 = arith.constant 48 : index
      %get3A_1030 = tpu.vector_load %arg7[%get3A_1027, %get3A_1028, %get3A_1029] {strides = array<i32>} : memref<3x2x128xi32, #tpu.memory_space<vmem>>, vector<16xi32>,
      %mul3A_1031 = arith.constant 5 : i32
      %mul3A_1032 = vector.broadcast %mul3A_1031 : i32 to vector<16xi32>
      %mul3A_1033 = arith.muli %get3A_1030, %mul3A_1032 : vector<16xi32>
      %add3A_1034 = arith.constant 0 : i32
      %add3A_1035 = vector.broadcast %add3A_1034 : i32 to vector<16xi32>
      %add3A_1036 = arith.addi %mul3A_1024, %add3A_1035 : vector<16xi32>
      %gather3A_1037 = tpu.vector_load_idx %arg13[%add3A_1036] : memref<2000xf32, #tpu.memory_space<vmem>>[vector<16xi32>], vector<16xf32>,
      %broadcast_in_dim3A_1038 = arith.constant 0 : i32
      %broadcast_in_dim3A_1039 = vector.broadcast %broadcast_in_dim3A_1038 : i32 to vector<16xi32>
      tpu.vector_store_idx %arg11[%broadcast_in_dim3A_765, %add3A_1015, %broadcast_in_dim3A_1039], %gather3A_1037 : memref<2x128x10xf32, #tpu.memory_space<vmem>>[vector<16xi32>, vector<16xi32>, vector<16xi32>], vector<16xf32>,
      %add3A_1040 = arith.constant 0 : i32
      %add3A_1041 = vector.broadcast %add3A_1040 : i32 to vector<16xi32>
      %add3A_1042 = arith.addi %mul3A_1033, %add3A_1041 : vector<16xi32>
      %gather3A_1043 = tpu.vector_load_idx %arg14[%add3A_1042] : memref<2000xf32, #tpu.memory_space<vmem>>[vector<16xi32>], vector<16xf32>,
      %broadcast_in_dim3A_1044 = arith.constant 5 : i32
      %broadcast_in_dim3A_1045 = vector.broadcast %broadcast_in_dim3A_1044 : i32 to vector<16xi32>
      tpu.vector_store_idx %arg11[%broadcast_in_dim3A_765, %add3A_1015, %broadcast_in_dim3A_1045], %gather3A_1043 : memref<2x128x10xf32, #tpu.memory_space<vmem>>[vector<16xi32>, vector<16xi32>, vector<16xi32>], vector<16xf32>,
      %add3A_1046 = arith.constant 1 : i32
      %add3A_1047 = vector.broadcast %add3A_1046 : i32 to vector<16xi32>
      %add3A_1048 = arith.addi %mul3A_1024, %add3A_1047 : vector<16xi32>
      %gather3A_1049 = tpu.vector_load_idx %arg13[%add3A_1048] : memref<2000xf32, #tpu.memory_space<vmem>>[vector<16xi32>], vector<16xf32>,
      %broadcast_in_dim3A_1050 = arith.constant 1 : i32
      %broadcast_in_dim3A_1051 = vector.broadcast %broadcast_in_dim3A_1050 : i32 to vector<16xi32>
      tpu.vector_store_idx %arg11[%broadcast_in_dim3A_765, %add3A_1015, %broadcast_in_dim3A_1051], %gather3A_1049 : memref<2x128x10xf32, #tpu.memory_space<vmem>>[vector<16xi32>, vector<16xi32>, vector<16xi32>], vector<16xf32>,
      %add3A_1052 = arith.constant 1 : i32
      %add3A_1053 = vector.broadcast %add3A_1052 : i32 to vector<16xi32>
      %add3A_1054 = arith.addi %mul3A_1033, %add3A_1053 : vector<16xi32>
      %gather3A_1055 = tpu.vector_load_idx %arg14[%add3A_1054] : memref<2000xf32, #tpu.memory_space<vmem>>[vector<16xi32>], vector<16xf32>,
      %broadcast_in_dim3A_1056 = arith.constant 6 : i32
      %broadcast_in_dim3A_1057 = vector.broadcast %broadcast_in_dim3A_1056 : i32 to vector<16xi32>
      tpu.vector_store_idx %arg11[%broadcast_in_dim3A_765, %add3A_1015, %broadcast_in_dim3A_1057], %gather3A_1055 : memref<2x128x10xf32, #tpu.memory_space<vmem>>[vector<16xi32>, vector<16xi32>, vector<16xi32>], vector<16xf32>,
      %add3A_1058 = arith.constant 2 : i32
      %add3A_1059 = vector.broadcast %add3A_1058 : i32 to vector<16xi32>
      %add3A_1060 = arith.addi %mul3A_1024, %add3A_1059 : vector<16xi32>
      %gather3A_1061 = tpu.vector_load_idx %arg13[%add3A_1060] : memref<2000xf32, #tpu.memory_space<vmem>>[vector<16xi32>], vector<16xf32>,
      %broadcast_in_dim3A_1062 = arith.constant 2 : i32
      %broadcast_in_dim3A_1063 = vector.broadcast %broadcast_in_dim3A_1062 : i32 to vector<16xi32>
      tpu.vector_store_idx %arg11[%broadcast_in_dim3A_765, %add3A_1015, %broadcast_in_dim3A_1063], %gather3A_1061 : memref<2x128x10xf32, #tpu.memory_space<vmem>>[vector<16xi32>, vector<16xi32>, vector<16xi32>], vector<16xf32>,
      %add3A_1064 = arith.constant 2 : i32
      %add3A_1065 = vector.broadcast %add3A_1064 : i32 to vector<16xi32>
      %add3A_1066 = arith.addi %mul3A_1033, %add3A_1065 : vector<16xi32>
      %gather3A_1067 = tpu.vector_load_idx %arg14[%add3A_1066] : memref<2000xf32, #tpu.memory_space<vmem>>[vector<16xi32>], vector<16xf32>,
      %broadcast_in_dim3A_1068 = arith.constant 7 : i32
      %broadcast_in_dim3A_1069 = vector.broadcast %broadcast_in_dim3A_1068 : i32 to vector<16xi32>
      tpu.vector_store_idx %arg11[%broadcast_in_dim3A_765, %add3A_1015, %broadcast_in_dim3A_1069], %gather3A_1067 : memref<2x128x10xf32, #tpu.memory_space<vmem>>[vector<16xi32>, vector<16xi32>, vector<16xi32>], vector<16xf32>,
      %add3A_1070 = arith.constant 3 : i32
      %add3A_1071 = vector.broadcast %add3A_1070 : i32 to vector<16xi32>
      %add3A_1072 = arith.addi %mul3A_1024, %add3A_1071 : vector<16xi32>
      %gather3A_1073 = tpu.vector_load_idx %arg13[%add3A_1072] : memref<2000xf32, #tpu.memory_space<vmem>>[vector<16xi32>], vector<16xf32>,
      %broadcast_in_dim3A_1074 = arith.constant 3 : i32
      %broadcast_in_dim3A_1075 = vector.broadcast %broadcast_in_dim3A_1074 : i32 to vector<16xi32>
      tpu.vector_store_idx %arg11[%broadcast_in_dim3A_765, %add3A_1015, %broadcast_in_dim3A_1075], %gather3A_1073 : memref<2x128x10xf32, #tpu.memory_space<vmem>>[vector<16xi32>, vector<16xi32>, vector<16xi32>], vector<16xf32>,
      %add3A_1076 = arith.constant 3 : i32
      %add3A_1077 = vector.broadcast %add3A_1076 : i32 to vector<16xi32>
      %add3A_1078 = arith.addi %mul3A_1033, %add3A_1077 : vector<16xi32>
      %gather3A_1079 = tpu.vector_load_idx %arg14[%add3A_1078] : memref<2000xf32, #tpu.memory_space<vmem>>[vector<16xi32>], vector<16xf32>,
      %broadcast_in_dim3A_1080 = arith.constant 8 : i32
      %broadcast_in_dim3A_1081 = vector.broadcast %broadcast_in_dim3A_1080 : i32 to vector<16xi32>
      tpu.vector_store_idx %arg11[%broadcast_in_dim3A_765, %add3A_1015, %broadcast_in_dim3A_1081], %gather3A_1079 : memref<2x128x10xf32, #tpu.memory_space<vmem>>[vector<16xi32>, vector<16xi32>, vector<16xi32>], vector<16xf32>,
      %add3A_1082 = arith.constant 4 : i32
      %add3A_1083 = vector.broadcast %add3A_1082 : i32 to vector<16xi32>
      %add3A_1084 = arith.addi %mul3A_1024, %add3A_1083 : vector<16xi32>
      %gather3A_1085 = tpu.vector_load_idx %arg13[%add3A_1084] : memref<2000xf32, #tpu.memory_space<vmem>>[vector<16xi32>], vector<16xf32>,
      %broadcast_in_dim3A_1086 = arith.constant 4 : i32
      %broadcast_in_dim3A_1087 = vector.broadcast %broadcast_in_dim3A_1086 : i32 to vector<16xi32>
      tpu.vector_store_idx %arg11[%broadcast_in_dim3A_765, %add3A_1015, %broadcast_in_dim3A_1087], %gather3A_1085 : memref<2x128x10xf32, #tpu.memory_space<vmem>>[vector<16xi32>, vector<16xi32>, vector<16xi32>], vector<16xf32>,
      %add3A_1088 = arith.constant 4 : i32
      %add3A_1089 = vector.broadcast %add3A_1088 : i32 to vector<16xi32>
      %add3A_1090 = arith.addi %mul3A_1033, %add3A_1089 : vector<16xi32>
      %gather3A_1091 = tpu.vector_load_idx %arg14[%add3A_1090] : memref<2000xf32, #tpu.memory_space<vmem>>[vector<16xi32>], vector<16xf32>,
      %broadcast_in_dim3A_1092 = arith.constant 9 : i32
      %broadcast_in_dim3A_1093 = vector.broadcast %broadcast_in_dim3A_1092 : i32 to vector<16xi32>
      tpu.vector_store_idx %arg11[%broadcast_in_dim3A_765, %add3A_1015, %broadcast_in_dim3A_1093], %gather3A_1091 : memref<2x128x10xf32, #tpu.memory_space<vmem>>[vector<16xi32>, vector<16xi32>, vector<16xi32>], vector<16xf32>,
      %iota3A_1094 = tpu.iota {dimensions = array<i32: 0>} : vector<16xi32>
      %add3A_1095 = arith.constant 64 : i32
      %add3A_1096 = vector.broadcast %add3A_1095 : i32 to vector<16xi32>
      %add3A_1097 = arith.addi %iota3A_1094, %add3A_1096 : vector<16xi32>
      %get3A_1098 = arith.constant 1 : i32
      %get3A_1099 = arith.constant 1 : i32
      %get3A_1100 = arith.index_cast %get3A_1098 : i32 to index
      %get3A_1101 = arith.index_cast %get3A_1099 : i32 to index
      %get3A_1102 = arith.constant 64 : index
      %get3A_1103 = tpu.vector_load %arg7[%get3A_1100, %get3A_1101, %get3A_1102] {strides = array<i32>} : memref<3x2x128xi32, #tpu.memory_space<vmem>>, vector<16xi32>,
      %mul3A_1104 = arith.constant 5 : i32
      %mul3A_1105 = vector.broadcast %mul3A_1104 : i32 to vector<16xi32>
      %mul3A_1106 = arith.muli %get3A_1103, %mul3A_1105 : vector<16xi32>
      %get3A_1107 = arith.constant 2 : i32
      %get3A_1108 = arith.constant 1 : i32
      %get3A_1109 = arith.index_cast %get3A_1107 : i32 to index
      %get3A_1110 = arith.index_cast %get3A_1108 : i32 to index
      %get3A_1111 = arith.constant 64 : index
      %get3A_1112 = tpu.vector_load %arg7[%get3A_1109, %get3A_1110, %get3A_1111] {strides = array<i32>} : memref<3x2x128xi32, #tpu.memory_space<vmem>>, vector<16xi32>,
      %mul3A_1113 = arith.constant 5 : i32
      %mul3A_1114 = vector.broadcast %mul3A_1113 : i32 to vector<16xi32>
      %mul3A_1115 = arith.muli %get3A_1112, %mul3A_1114 : vector<16xi32>
      %add3A_1116 = arith.constant 0 : i32
      %add3A_1117 = vector.broadcast %add3A_1116 : i32 to vector<16xi32>
      %add3A_1118 = arith.addi %mul3A_1106, %add3A_1117 : vector<16xi32>
      %gather3A_1119 = tpu.vector_load_idx %arg13[%add3A_1118] : memref<2000xf32, #tpu.memory_space<vmem>>[vector<16xi32>], vector<16xf32>,
      %broadcast_in_dim3A_1120 = arith.constant 0 : i32
      %broadcast_in_dim3A_1121 = vector.broadcast %broadcast_in_dim3A_1120 : i32 to vector<16xi32>
      tpu.vector_store_idx %arg11[%broadcast_in_dim3A_765, %add3A_1097, %broadcast_in_dim3A_1121], %gather3A_1119 : memref<2x128x10xf32, #tpu.memory_space<vmem>>[vector<16xi32>, vector<16xi32>, vector<16xi32>], vector<16xf32>,
      %add3A_1122 = arith.constant 0 : i32
      %add3A_1123 = vector.broadcast %add3A_1122 : i32 to vector<16xi32>
      %add3A_1124 = arith.addi %mul3A_1115, %add3A_1123 : vector<16xi32>
      %gather3A_1125 = tpu.vector_load_idx %arg14[%add3A_1124] : memref<2000xf32, #tpu.memory_space<vmem>>[vector<16xi32>], vector<16xf32>,
      %broadcast_in_dim3A_1126 = arith.constant 5 : i32
      %broadcast_in_dim3A_1127 = vector.broadcast %broadcast_in_dim3A_1126 : i32 to vector<16xi32>
      tpu.vector_store_idx %arg11[%broadcast_in_dim3A_765, %add3A_1097, %broadcast_in_dim3A_1127], %gather3A_1125 : memref<2x128x10xf32, #tpu.memory_space<vmem>>[vector<16xi32>, vector<16xi32>, vector<16xi32>], vector<16xf32>,
      %add3A_1128 = arith.constant 1 : i32
      %add3A_1129 = vector.broadcast %add3A_1128 : i32 to vector<16xi32>
      %add3A_1130 = arith.addi %mul3A_1106, %add3A_1129 : vector<16xi32>
      %gather3A_1131 = tpu.vector_load_idx %arg13[%add3A_1130] : memref<2000xf32, #tpu.memory_space<vmem>>[vector<16xi32>], vector<16xf32>,
      %broadcast_in_dim3A_1132 = arith.constant 1 : i32
      %broadcast_in_dim3A_1133 = vector.broadcast %broadcast_in_dim3A_1132 : i32 to vector<16xi32>
      tpu.vector_store_idx %arg11[%broadcast_in_dim3A_765, %add3A_1097, %broadcast_in_dim3A_1133], %gather3A_1131 : memref<2x128x10xf32, #tpu.memory_space<vmem>>[vector<16xi32>, vector<16xi32>, vector<16xi32>], vector<16xf32>,
      %add3A_1134 = arith.constant 1 : i32
      %add3A_1135 = vector.broadcast %add3A_1134 : i32 to vector<16xi32>
      %add3A_1136 = arith.addi %mul3A_1115, %add3A_1135 : vector<16xi32>
      %gather3A_1137 = tpu.vector_load_idx %arg14[%add3A_1136] : memref<2000xf32, #tpu.memory_space<vmem>>[vector<16xi32>], vector<16xf32>,
      %broadcast_in_dim3A_1138 = arith.constant 6 : i32
      %broadcast_in_dim3A_1139 = vector.broadcast %broadcast_in_dim3A_1138 : i32 to vector<16xi32>
      tpu.vector_store_idx %arg11[%broadcast_in_dim3A_765, %add3A_1097, %broadcast_in_dim3A_1139], %gather3A_1137 : memref<2x128x10xf32, #tpu.memory_space<vmem>>[vector<16xi32>, vector<16xi32>, vector<16xi32>], vector<16xf32>,
      %add3A_1140 = arith.constant 2 : i32
      %add3A_1141 = vector.broadcast %add3A_1140 : i32 to vector<16xi32>
      %add3A_1142 = arith.addi %mul3A_1106, %add3A_1141 : vector<16xi32>
      %gather3A_1143 = tpu.vector_load_idx %arg13[%add3A_1142] : memref<2000xf32, #tpu.memory_space<vmem>>[vector<16xi32>], vector<16xf32>,
      %broadcast_in_dim3A_1144 = arith.constant 2 : i32
      %broadcast_in_dim3A_1145 = vector.broadcast %broadcast_in_dim3A_1144 : i32 to vector<16xi32>
      tpu.vector_store_idx %arg11[%broadcast_in_dim3A_765, %add3A_1097, %broadcast_in_dim3A_1145], %gather3A_1143 : memref<2x128x10xf32, #tpu.memory_space<vmem>>[vector<16xi32>, vector<16xi32>, vector<16xi32>], vector<16xf32>,
      %add3A_1146 = arith.constant 2 : i32
      %add3A_1147 = vector.broadcast %add3A_1146 : i32 to vector<16xi32>
      %add3A_1148 = arith.addi %mul3A_1115, %add3A_1147 : vector<16xi32>
      %gather3A_1149 = tpu.vector_load_idx %arg14[%add3A_1148] : memref<2000xf32, #tpu.memory_space<vmem>>[vector<16xi32>], vector<16xf32>,
      %broadcast_in_dim3A_1150 = arith.constant 7 : i32
      %broadcast_in_dim3A_1151 = vector.broadcast %broadcast_in_dim3A_1150 : i32 to vector<16xi32>
      tpu.vector_store_idx %arg11[%broadcast_in_dim3A_765, %add3A_1097, %broadcast_in_dim3A_1151], %gather3A_1149 : memref<2x128x10xf32, #tpu.memory_space<vmem>>[vector<16xi32>, vector<16xi32>, vector<16xi32>], vector<16xf32>,
      %add3A_1152 = arith.constant 3 : i32
      %add3A_1153 = vector.broadcast %add3A_1152 : i32 to vector<16xi32>
      %add3A_1154 = arith.addi %mul3A_1106, %add3A_1153 : vector<16xi32>
      %gather3A_1155 = tpu.vector_load_idx %arg13[%add3A_1154] : memref<2000xf32, #tpu.memory_space<vmem>>[vector<16xi32>], vector<16xf32>,
      %broadcast_in_dim3A_1156 = arith.constant 3 : i32
      %broadcast_in_dim3A_1157 = vector.broadcast %broadcast_in_dim3A_1156 : i32 to vector<16xi32>
      tpu.vector_store_idx %arg11[%broadcast_in_dim3A_765, %add3A_1097, %broadcast_in_dim3A_1157], %gather3A_1155 : memref<2x128x10xf32, #tpu.memory_space<vmem>>[vector<16xi32>, vector<16xi32>, vector<16xi32>], vector<16xf32>,
      %add3A_1158 = arith.constant 3 : i32
      %add3A_1159 = vector.broadcast %add3A_1158 : i32 to vector<16xi32>
      %add3A_1160 = arith.addi %mul3A_1115, %add3A_1159 : vector<16xi32>
      %gather3A_1161 = tpu.vector_load_idx %arg14[%add3A_1160] : memref<2000xf32, #tpu.memory_space<vmem>>[vector<16xi32>], vector<16xf32>,
      %broadcast_in_dim3A_1162 = arith.constant 8 : i32
      %broadcast_in_dim3A_1163 = vector.broadcast %broadcast_in_dim3A_1162 : i32 to vector<16xi32>
      tpu.vector_store_idx %arg11[%broadcast_in_dim3A_765, %add3A_1097, %broadcast_in_dim3A_1163], %gather3A_1161 : memref<2x128x10xf32, #tpu.memory_space<vmem>>[vector<16xi32>, vector<16xi32>, vector<16xi32>], vector<16xf32>,
      %add3A_1164 = arith.constant 4 : i32
      %add3A_1165 = vector.broadcast %add3A_1164 : i32 to vector<16xi32>
      %add3A_1166 = arith.addi %mul3A_1106, %add3A_1165 : vector<16xi32>
      %gather3A_1167 = tpu.vector_load_idx %arg13[%add3A_1166] : memref<2000xf32, #tpu.memory_space<vmem>>[vector<16xi32>], vector<16xf32>,
      %broadcast_in_dim3A_1168 = arith.constant 4 : i32
      %broadcast_in_dim3A_1169 = vector.broadcast %broadcast_in_dim3A_1168 : i32 to vector<16xi32>
      tpu.vector_store_idx %arg11[%broadcast_in_dim3A_765, %add3A_1097, %broadcast_in_dim3A_1169], %gather3A_1167 : memref<2x128x10xf32, #tpu.memory_space<vmem>>[vector<16xi32>, vector<16xi32>, vector<16xi32>], vector<16xf32>,
      %add3A_1170 = arith.constant 4 : i32
      %add3A_1171 = vector.broadcast %add3A_1170 : i32 to vector<16xi32>
      %add3A_1172 = arith.addi %mul3A_1115, %add3A_1171 : vector<16xi32>
      %gather3A_1173 = tpu.vector_load_idx %arg14[%add3A_1172] : memref<2000xf32, #tpu.memory_space<vmem>>[vector<16xi32>], vector<16xf32>,
      %broadcast_in_dim3A_1174 = arith.constant 9 : i32
      %broadcast_in_dim3A_1175 = vector.broadcast %broadcast_in_dim3A_1174 : i32 to vector<16xi32>
      tpu.vector_store_idx %arg11[%broadcast_in_dim3A_765, %add3A_1097, %broadcast_in_dim3A_1175], %gather3A_1173 : memref<2x128x10xf32, #tpu.memory_space<vmem>>[vector<16xi32>, vector<16xi32>, vector<16xi32>], vector<16xf32>,
      %iota3A_1176 = tpu.iota {dimensions = array<i32: 0>} : vector<16xi32>
      %add3A_1177 = arith.constant 80 : i32
      %add3A_1178 = vector.broadcast %add3A_1177 : i32 to vector<16xi32>
      %add3A_1179 = arith.addi %iota3A_1176, %add3A_1178 : vector<16xi32>
      %get3A_1180 = arith.constant 1 : i32
      %get3A_1181 = arith.constant 1 : i32
      %get3A_1182 = arith.index_cast %get3A_1180 : i32 to index
      %get3A_1183 = arith.index_cast %get3A_1181 : i32 to index
      %get3A_1184 = arith.constant 80 : index
      %get3A_1185 = tpu.vector_load %arg7[%get3A_1182, %get3A_1183, %get3A_1184] {strides = array<i32>} : memref<3x2x128xi32, #tpu.memory_space<vmem>>, vector<16xi32>,
      %mul3A_1186 = arith.constant 5 : i32
      %mul3A_1187 = vector.broadcast %mul3A_1186 : i32 to vector<16xi32>
      %mul3A_1188 = arith.muli %get3A_1185, %mul3A_1187 : vector<16xi32>
      %get3A_1189 = arith.constant 2 : i32
      %get3A_1190 = arith.constant 1 : i32
      %get3A_1191 = arith.index_cast %get3A_1189 : i32 to index
      %get3A_1192 = arith.index_cast %get3A_1190 : i32 to index
      %get3A_1193 = arith.constant 80 : index
      %get3A_1194 = tpu.vector_load %arg7[%get3A_1191, %get3A_1192, %get3A_1193] {strides = array<i32>} : memref<3x2x128xi32, #tpu.memory_space<vmem>>, vector<16xi32>,
      %mul3A_1195 = arith.constant 5 : i32
      %mul3A_1196 = vector.broadcast %mul3A_1195 : i32 to vector<16xi32>
      %mul3A_1197 = arith.muli %get3A_1194, %mul3A_1196 : vector<16xi32>
      %add3A_1198 = arith.constant 0 : i32
      %add3A_1199 = vector.broadcast %add3A_1198 : i32 to vector<16xi32>
      %add3A_1200 = arith.addi %mul3A_1188, %add3A_1199 : vector<16xi32>
      %gather3A_1201 = tpu.vector_load_idx %arg13[%add3A_1200] : memref<2000xf32, #tpu.memory_space<vmem>>[vector<16xi32>], vector<16xf32>,
      %broadcast_in_dim3A_1202 = arith.constant 0 : i32
      %broadcast_in_dim3A_1203 = vector.broadcast %broadcast_in_dim3A_1202 : i32 to vector<16xi32>
      tpu.vector_store_idx %arg11[%broadcast_in_dim3A_765, %add3A_1179, %broadcast_in_dim3A_1203], %gather3A_1201 : memref<2x128x10xf32, #tpu.memory_space<vmem>>[vector<16xi32>, vector<16xi32>, vector<16xi32>], vector<16xf32>,
      %add3A_1204 = arith.constant 0 : i32
      %add3A_1205 = vector.broadcast %add3A_1204 : i32 to vector<16xi32>
      %add3A_1206 = arith.addi %mul3A_1197, %add3A_1205 : vector<16xi32>
      %gather3A_1207 = tpu.vector_load_idx %arg14[%add3A_1206] : memref<2000xf32, #tpu.memory_space<vmem>>[vector<16xi32>], vector<16xf32>,
      %broadcast_in_dim3A_1208 = arith.constant 5 : i32
      %broadcast_in_dim3A_1209 = vector.broadcast %broadcast_in_dim3A_1208 : i32 to vector<16xi32>
      tpu.vector_store_idx %arg11[%broadcast_in_dim3A_765, %add3A_1179, %broadcast_in_dim3A_1209], %gather3A_1207 : memref<2x128x10xf32, #tpu.memory_space<vmem>>[vector<16xi32>, vector<16xi32>, vector<16xi32>], vector<16xf32>,
      %add3A_1210 = arith.constant 1 : i32
      %add3A_1211 = vector.broadcast %add3A_1210 : i32 to vector<16xi32>
      %add3A_1212 = arith.addi %mul3A_1188, %add3A_1211 : vector<16xi32>
      %gather3A_1213 = tpu.vector_load_idx %arg13[%add3A_1212] : memref<2000xf32, #tpu.memory_space<vmem>>[vector<16xi32>], vector<16xf32>,
      %broadcast_in_dim3A_1214 = arith.constant 1 : i32
      %broadcast_in_dim3A_1215 = vector.broadcast %broadcast_in_dim3A_1214 : i32 to vector<16xi32>
      tpu.vector_store_idx %arg11[%broadcast_in_dim3A_765, %add3A_1179, %broadcast_in_dim3A_1215], %gather3A_1213 : memref<2x128x10xf32, #tpu.memory_space<vmem>>[vector<16xi32>, vector<16xi32>, vector<16xi32>], vector<16xf32>,
      %add3A_1216 = arith.constant 1 : i32
      %add3A_1217 = vector.broadcast %add3A_1216 : i32 to vector<16xi32>
      %add3A_1218 = arith.addi %mul3A_1197, %add3A_1217 : vector<16xi32>
      %gather3A_1219 = tpu.vector_load_idx %arg14[%add3A_1218] : memref<2000xf32, #tpu.memory_space<vmem>>[vector<16xi32>], vector<16xf32>,
      %broadcast_in_dim3A_1220 = arith.constant 6 : i32
      %broadcast_in_dim3A_1221 = vector.broadcast %broadcast_in_dim3A_1220 : i32 to vector<16xi32>
      tpu.vector_store_idx %arg11[%broadcast_in_dim3A_765, %add3A_1179, %broadcast_in_dim3A_1221], %gather3A_1219 : memref<2x128x10xf32, #tpu.memory_space<vmem>>[vector<16xi32>, vector<16xi32>, vector<16xi32>], vector<16xf32>,
      %add3A_1222 = arith.constant 2 : i32
      %add3A_1223 = vector.broadcast %add3A_1222 : i32 to vector<16xi32>
      %add3A_1224 = arith.addi %mul3A_1188, %add3A_1223 : vector<16xi32>
      %gather3A_1225 = tpu.vector_load_idx %arg13[%add3A_1224] : memref<2000xf32, #tpu.memory_space<vmem>>[vector<16xi32>], vector<16xf32>,
      %broadcast_in_dim3A_1226 = arith.constant 2 : i32
      %broadcast_in_dim3A_1227 = vector.broadcast %broadcast_in_dim3A_1226 : i32 to vector<16xi32>
      tpu.vector_store_idx %arg11[%broadcast_in_dim3A_765, %add3A_1179, %broadcast_in_dim3A_1227], %gather3A_1225 : memref<2x128x10xf32, #tpu.memory_space<vmem>>[vector<16xi32>, vector<16xi32>, vector<16xi32>], vector<16xf32>,
      %add3A_1228 = arith.constant 2 : i32
      %add3A_1229 = vector.broadcast %add3A_1228 : i32 to vector<16xi32>
      %add3A_1230 = arith.addi %mul3A_1197, %add3A_1229 : vector<16xi32>
      %gather3A_1231 = tpu.vector_load_idx %arg14[%add3A_1230] : memref<2000xf32, #tpu.memory_space<vmem>>[vector<16xi32>], vector<16xf32>,
      %broadcast_in_dim3A_1232 = arith.constant 7 : i32
      %broadcast_in_dim3A_1233 = vector.broadcast %broadcast_in_dim3A_1232 : i32 to vector<16xi32>
      tpu.vector_store_idx %arg11[%broadcast_in_dim3A_765, %add3A_1179, %broadcast_in_dim3A_1233], %gather3A_1231 : memref<2x128x10xf32, #tpu.memory_space<vmem>>[vector<16xi32>, vector<16xi32>, vector<16xi32>], vector<16xf32>,
      %add3A_1234 = arith.constant 3 : i32
      %add3A_1235 = vector.broadcast %add3A_1234 : i32 to vector<16xi32>
      %add3A_1236 = arith.addi %mul3A_1188, %add3A_1235 : vector<16xi32>
      %gather3A_1237 = tpu.vector_load_idx %arg13[%add3A_1236] : memref<2000xf32, #tpu.memory_space<vmem>>[vector<16xi32>], vector<16xf32>,
      %broadcast_in_dim3A_1238 = arith.constant 3 : i32
      %broadcast_in_dim3A_1239 = vector.broadcast %broadcast_in_dim3A_1238 : i32 to vector<16xi32>
      tpu.vector_store_idx %arg11[%broadcast_in_dim3A_765, %add3A_1179, %broadcast_in_dim3A_1239], %gather3A_1237 : memref<2x128x10xf32, #tpu.memory_space<vmem>>[vector<16xi32>, vector<16xi32>, vector<16xi32>], vector<16xf32>,
      %add3A_1240 = arith.constant 3 : i32
      %add3A_1241 = vector.broadcast %add3A_1240 : i32 to vector<16xi32>
      %add3A_1242 = arith.addi %mul3A_1197, %add3A_1241 : vector<16xi32>
      %gather3A_1243 = tpu.vector_load_idx %arg14[%add3A_1242] : memref<2000xf32, #tpu.memory_space<vmem>>[vector<16xi32>], vector<16xf32>,
      %broadcast_in_dim3A_1244 = arith.constant 8 : i32
      %broadcast_in_dim3A_1245 = vector.broadcast %broadcast_in_dim3A_1244 : i32 to vector<16xi32>
      tpu.vector_store_idx %arg11[%broadcast_in_dim3A_765, %add3A_1179, %broadcast_in_dim3A_1245], %gather3A_1243 : memref<2x128x10xf32, #tpu.memory_space<vmem>>[vector<16xi32>, vector<16xi32>, vector<16xi32>], vector<16xf32>,
      %add3A_1246 = arith.constant 4 : i32
      %add3A_1247 = vector.broadcast %add3A_1246 : i32 to vector<16xi32>
      %add3A_1248 = arith.addi %mul3A_1188, %add3A_1247 : vector<16xi32>
      %gather3A_1249 = tpu.vector_load_idx %arg13[%add3A_1248] : memref<2000xf32, #tpu.memory_space<vmem>>[vector<16xi32>], vector<16xf32>,
      %broadcast_in_dim3A_1250 = arith.constant 4 : i32
      %broadcast_in_dim3A_1251 = vector.broadcast %broadcast_in_dim3A_1250 : i32 to vector<16xi32>
      tpu.vector_store_idx %arg11[%broadcast_in_dim3A_765, %add3A_1179, %broadcast_in_dim3A_1251], %gather3A_1249 : memref<2x128x10xf32, #tpu.memory_space<vmem>>[vector<16xi32>, vector<16xi32>, vector<16xi32>], vector<16xf32>,
      %add3A_1252 = arith.constant 4 : i32
      %add3A_1253 = vector.broadcast %add3A_1252 : i32 to vector<16xi32>
      %add3A_1254 = arith.addi %mul3A_1197, %add3A_1253 : vector<16xi32>
      %gather3A_1255 = tpu.vector_load_idx %arg14[%add3A_1254] : memref<2000xf32, #tpu.memory_space<vmem>>[vector<16xi32>], vector<16xf32>,
      %broadcast_in_dim3A_1256 = arith.constant 9 : i32
      %broadcast_in_dim3A_1257 = vector.broadcast %broadcast_in_dim3A_1256 : i32 to vector<16xi32>
      tpu.vector_store_idx %arg11[%broadcast_in_dim3A_765, %add3A_1179, %broadcast_in_dim3A_1257], %gather3A_1255 : memref<2x128x10xf32, #tpu.memory_space<vmem>>[vector<16xi32>, vector<16xi32>, vector<16xi32>], vector<16xf32>,
      %iota3A_1258 = tpu.iota {dimensions = array<i32: 0>} : vector<16xi32>
      %add3A_1259 = arith.constant 96 : i32
      %add3A_1260 = vector.broadcast %add3A_1259 : i32 to vector<16xi32>
      %add3A_1261 = arith.addi %iota3A_1258, %add3A_1260 : vector<16xi32>
      %get3A_1262 = arith.constant 1 : i32
      %get3A_1263 = arith.constant 1 : i32
      %get3A_1264 = arith.index_cast %get3A_1262 : i32 to index
      %get3A_1265 = arith.index_cast %get3A_1263 : i32 to index
      %get3A_1266 = arith.constant 96 : index
      %get3A_1267 = tpu.vector_load %arg7[%get3A_1264, %get3A_1265, %get3A_1266] {strides = array<i32>} : memref<3x2x128xi32, #tpu.memory_space<vmem>>, vector<16xi32>,
      %mul3A_1268 = arith.constant 5 : i32
      %mul3A_1269 = vector.broadcast %mul3A_1268 : i32 to vector<16xi32>
      %mul3A_1270 = arith.muli %get3A_1267, %mul3A_1269 : vector<16xi32>
      %get3A_1271 = arith.constant 2 : i32
      %get3A_1272 = arith.constant 1 : i32
      %get3A_1273 = arith.index_cast %get3A_1271 : i32 to index
      %get3A_1274 = arith.index_cast %get3A_1272 : i32 to index
      %get3A_1275 = arith.constant 96 : index
      %get3A_1276 = tpu.vector_load %arg7[%get3A_1273, %get3A_1274, %get3A_1275] {strides = array<i32>} : memref<3x2x128xi32, #tpu.memory_space<vmem>>, vector<16xi32>,
      %mul3A_1277 = arith.constant 5 : i32
      %mul3A_1278 = vector.broadcast %mul3A_1277 : i32 to vector<16xi32>
      %mul3A_1279 = arith.muli %get3A_1276, %mul3A_1278 : vector<16xi32>
      %add3A_1280 = arith.constant 0 : i32
      %add3A_1281 = vector.broadcast %add3A_1280 : i32 to vector<16xi32>
      %add3A_1282 = arith.addi %mul3A_1270, %add3A_1281 : vector<16xi32>
      %gather3A_1283 = tpu.vector_load_idx %arg13[%add3A_1282] : memref<2000xf32, #tpu.memory_space<vmem>>[vector<16xi32>], vector<16xf32>,
      %broadcast_in_dim3A_1284 = arith.constant 0 : i32
      %broadcast_in_dim3A_1285 = vector.broadcast %broadcast_in_dim3A_1284 : i32 to vector<16xi32>
      tpu.vector_store_idx %arg11[%broadcast_in_dim3A_765, %add3A_1261, %broadcast_in_dim3A_1285], %gather3A_1283 : memref<2x128x10xf32, #tpu.memory_space<vmem>>[vector<16xi32>, vector<16xi32>, vector<16xi32>], vector<16xf32>,
      %add3A_1286 = arith.constant 0 : i32
      %add3A_1287 = vector.broadcast %add3A_1286 : i32 to vector<16xi32>
      %add3A_1288 = arith.addi %mul3A_1279, %add3A_1287 : vector<16xi32>
      %gather3A_1289 = tpu.vector_load_idx %arg14[%add3A_1288] : memref<2000xf32, #tpu.memory_space<vmem>>[vector<16xi32>], vector<16xf32>,
      %broadcast_in_dim3A_1290 = arith.constant 5 : i32
      %broadcast_in_dim3A_1291 = vector.broadcast %broadcast_in_dim3A_1290 : i32 to vector<16xi32>
      tpu.vector_store_idx %arg11[%broadcast_in_dim3A_765, %add3A_1261, %broadcast_in_dim3A_1291], %gather3A_1289 : memref<2x128x10xf32, #tpu.memory_space<vmem>>[vector<16xi32>, vector<16xi32>, vector<16xi32>], vector<16xf32>,
      %add3A_1292 = arith.constant 1 : i32
      %add3A_1293 = vector.broadcast %add3A_1292 : i32 to vector<16xi32>
      %add3A_1294 = arith.addi %mul3A_1270, %add3A_1293 : vector<16xi32>
      %gather3A_1295 = tpu.vector_load_idx %arg13[%add3A_1294] : memref<2000xf32, #tpu.memory_space<vmem>>[vector<16xi32>], vector<16xf32>,
      %broadcast_in_dim3A_1296 = arith.constant 1 : i32
      %broadcast_in_dim3A_1297 = vector.broadcast %broadcast_in_dim3A_1296 : i32 to vector<16xi32>
      tpu.vector_store_idx %arg11[%broadcast_in_dim3A_765, %add3A_1261, %broadcast_in_dim3A_1297], %gather3A_1295 : memref<2x128x10xf32, #tpu.memory_space<vmem>>[vector<16xi32>, vector<16xi32>, vector<16xi32>], vector<16xf32>,
      %add3A_1298 = arith.constant 1 : i32
      %add3A_1299 = vector.broadcast %add3A_1298 : i32 to vector<16xi32>
      %add3A_1300 = arith.addi %mul3A_1279, %add3A_1299 : vector<16xi32>
      %gather3A_1301 = tpu.vector_load_idx %arg14[%add3A_1300] : memref<2000xf32, #tpu.memory_space<vmem>>[vector<16xi32>], vector<16xf32>,
      %broadcast_in_dim3A_1302 = arith.constant 6 : i32
      %broadcast_in_dim3A_1303 = vector.broadcast %broadcast_in_dim3A_1302 : i32 to vector<16xi32>
      tpu.vector_store_idx %arg11[%broadcast_in_dim3A_765, %add3A_1261, %broadcast_in_dim3A_1303], %gather3A_1301 : memref<2x128x10xf32, #tpu.memory_space<vmem>>[vector<16xi32>, vector<16xi32>, vector<16xi32>], vector<16xf32>,
      %add3A_1304 = arith.constant 2 : i32
      %add3A_1305 = vector.broadcast %add3A_1304 : i32 to vector<16xi32>
      %add3A_1306 = arith.addi %mul3A_1270, %add3A_1305 : vector<16xi32>
      %gather3A_1307 = tpu.vector_load_idx %arg13[%add3A_1306] : memref<2000xf32, #tpu.memory_space<vmem>>[vector<16xi32>], vector<16xf32>,
      %broadcast_in_dim3A_1308 = arith.constant 2 : i32
      %broadcast_in_dim3A_1309 = vector.broadcast %broadcast_in_dim3A_1308 : i32 to vector<16xi32>
      tpu.vector_store_idx %arg11[%broadcast_in_dim3A_765, %add3A_1261, %broadcast_in_dim3A_1309], %gather3A_1307 : memref<2x128x10xf32, #tpu.memory_space<vmem>>[vector<16xi32>, vector<16xi32>, vector<16xi32>], vector<16xf32>,
      %add3A_1310 = arith.constant 2 : i32
      %add3A_1311 = vector.broadcast %add3A_1310 : i32 to vector<16xi32>
      %add3A_1312 = arith.addi %mul3A_1279, %add3A_1311 : vector<16xi32>
      %gather3A_1313 = tpu.vector_load_idx %arg14[%add3A_1312] : memref<2000xf32, #tpu.memory_space<vmem>>[vector<16xi32>], vector<16xf32>,
      %broadcast_in_dim3A_1314 = arith.constant 7 : i32
      %broadcast_in_dim3A_1315 = vector.broadcast %broadcast_in_dim3A_1314 : i32 to vector<16xi32>
      tpu.vector_store_idx %arg11[%broadcast_in_dim3A_765, %add3A_1261, %broadcast_in_dim3A_1315], %gather3A_1313 : memref<2x128x10xf32, #tpu.memory_space<vmem>>[vector<16xi32>, vector<16xi32>, vector<16xi32>], vector<16xf32>,
      %add3A_1316 = arith.constant 3 : i32
      %add3A_1317 = vector.broadcast %add3A_1316 : i32 to vector<16xi32>
      %add3A_1318 = arith.addi %mul3A_1270, %add3A_1317 : vector<16xi32>
      %gather3A_1319 = tpu.vector_load_idx %arg13[%add3A_1318] : memref<2000xf32, #tpu.memory_space<vmem>>[vector<16xi32>], vector<16xf32>,
      %broadcast_in_dim3A_1320 = arith.constant 3 : i32
      %broadcast_in_dim3A_1321 = vector.broadcast %broadcast_in_dim3A_1320 : i32 to vector<16xi32>
      tpu.vector_store_idx %arg11[%broadcast_in_dim3A_765, %add3A_1261, %broadcast_in_dim3A_1321], %gather3A_1319 : memref<2x128x10xf32, #tpu.memory_space<vmem>>[vector<16xi32>, vector<16xi32>, vector<16xi32>], vector<16xf32>,
      %add3A_1322 = arith.constant 3 : i32
      %add3A_1323 = vector.broadcast %add3A_1322 : i32 to vector<16xi32>
      %add3A_1324 = arith.addi %mul3A_1279, %add3A_1323 : vector<16xi32>
      %gather3A_1325 = tpu.vector_load_idx %arg14[%add3A_1324] : memref<2000xf32, #tpu.memory_space<vmem>>[vector<16xi32>], vector<16xf32>,
      %broadcast_in_dim3A_1326 = arith.constant 8 : i32
      %broadcast_in_dim3A_1327 = vector.broadcast %broadcast_in_dim3A_1326 : i32 to vector<16xi32>
      tpu.vector_store_idx %arg11[%broadcast_in_dim3A_765, %add3A_1261, %broadcast_in_dim3A_1327], %gather3A_1325 : memref<2x128x10xf32, #tpu.memory_space<vmem>>[vector<16xi32>, vector<16xi32>, vector<16xi32>], vector<16xf32>,
      %add3A_1328 = arith.constant 4 : i32
      %add3A_1329 = vector.broadcast %add3A_1328 : i32 to vector<16xi32>
      %add3A_1330 = arith.addi %mul3A_1270, %add3A_1329 : vector<16xi32>
      %gather3A_1331 = tpu.vector_load_idx %arg13[%add3A_1330] : memref<2000xf32, #tpu.memory_space<vmem>>[vector<16xi32>], vector<16xf32>,
      %broadcast_in_dim3A_1332 = arith.constant 4 : i32
      %broadcast_in_dim3A_1333 = vector.broadcast %broadcast_in_dim3A_1332 : i32 to vector<16xi32>
      tpu.vector_store_idx %arg11[%broadcast_in_dim3A_765, %add3A_1261, %broadcast_in_dim3A_1333], %gather3A_1331 : memref<2x128x10xf32, #tpu.memory_space<vmem>>[vector<16xi32>, vector<16xi32>, vector<16xi32>], vector<16xf32>,
      %add3A_1334 = arith.constant 4 : i32
      %add3A_1335 = vector.broadcast %add3A_1334 : i32 to vector<16xi32>
      %add3A_1336 = arith.addi %mul3A_1279, %add3A_1335 : vector<16xi32>
      %gather3A_1337 = tpu.vector_load_idx %arg14[%add3A_1336] : memref<2000xf32, #tpu.memory_space<vmem>>[vector<16xi32>], vector<16xf32>,
      %broadcast_in_dim3A_1338 = arith.constant 9 : i32
      %broadcast_in_dim3A_1339 = vector.broadcast %broadcast_in_dim3A_1338 : i32 to vector<16xi32>
      tpu.vector_store_idx %arg11[%broadcast_in_dim3A_765, %add3A_1261, %broadcast_in_dim3A_1339], %gather3A_1337 : memref<2x128x10xf32, #tpu.memory_space<vmem>>[vector<16xi32>, vector<16xi32>, vector<16xi32>], vector<16xf32>,
      %iota3A_1340 = tpu.iota {dimensions = array<i32: 0>} : vector<16xi32>
      %add3A_1341 = arith.constant 112 : i32
      %add3A_1342 = vector.broadcast %add3A_1341 : i32 to vector<16xi32>
      %add3A_1343 = arith.addi %iota3A_1340, %add3A_1342 : vector<16xi32>
      %get3A_1344 = arith.constant 1 : i32
      %get3A_1345 = arith.constant 1 : i32
      %get3A_1346 = arith.index_cast %get3A_1344 : i32 to index
      %get3A_1347 = arith.index_cast %get3A_1345 : i32 to index
      %get3A_1348 = arith.constant 112 : index
      %get3A_1349 = tpu.vector_load %arg7[%get3A_1346, %get3A_1347, %get3A_1348] {strides = array<i32>} : memref<3x2x128xi32, #tpu.memory_space<vmem>>, vector<16xi32>,
      %mul3A_1350 = arith.constant 5 : i32
      %mul3A_1351 = vector.broadcast %mul3A_1350 : i32 to vector<16xi32>
      %mul3A_1352 = arith.muli %get3A_1349, %mul3A_1351 : vector<16xi32>
      %get3A_1353 = arith.constant 2 : i32
      %get3A_1354 = arith.constant 1 : i32
      %get3A_1355 = arith.index_cast %get3A_1353 : i32 to index
      %get3A_1356 = arith.index_cast %get3A_1354 : i32 to index
      %get3A_1357 = arith.constant 112 : index
      %get3A_1358 = tpu.vector_load %arg7[%get3A_1355, %get3A_1356, %get3A_1357] {strides = array<i32>} : memref<3x2x128xi32, #tpu.memory_space<vmem>>, vector<16xi32>,
      %mul3A_1359 = arith.constant 5 : i32
      %mul3A_1360 = vector.broadcast %mul3A_1359 : i32 to vector<16xi32>
      %mul3A_1361 = arith.muli %get3A_1358, %mul3A_1360 : vector<16xi32>
      %add3A_1362 = arith.constant 0 : i32
      %add3A_1363 = vector.broadcast %add3A_1362 : i32 to vector<16xi32>
      %add3A_1364 = arith.addi %mul3A_1352, %add3A_1363 : vector<16xi32>
      %gather3A_1365 = tpu.vector_load_idx %arg13[%add3A_1364] : memref<2000xf32, #tpu.memory_space<vmem>>[vector<16xi32>], vector<16xf32>,
      %broadcast_in_dim3A_1366 = arith.constant 0 : i32
      %broadcast_in_dim3A_1367 = vector.broadcast %broadcast_in_dim3A_1366 : i32 to vector<16xi32>
      tpu.vector_store_idx %arg11[%broadcast_in_dim3A_765, %add3A_1343, %broadcast_in_dim3A_1367], %gather3A_1365 : memref<2x128x10xf32, #tpu.memory_space<vmem>>[vector<16xi32>, vector<16xi32>, vector<16xi32>], vector<16xf32>,
      %add3A_1368 = arith.constant 0 : i32
      %add3A_1369 = vector.broadcast %add3A_1368 : i32 to vector<16xi32>
      %add3A_1370 = arith.addi %mul3A_1361, %add3A_1369 : vector<16xi32>
      %gather3A_1371 = tpu.vector_load_idx %arg14[%add3A_1370] : memref<2000xf32, #tpu.memory_space<vmem>>[vector<16xi32>], vector<16xf32>,
      %broadcast_in_dim3A_1372 = arith.constant 5 : i32
      %broadcast_in_dim3A_1373 = vector.broadcast %broadcast_in_dim3A_1372 : i32 to vector<16xi32>
      tpu.vector_store_idx %arg11[%broadcast_in_dim3A_765, %add3A_1343, %broadcast_in_dim3A_1373], %gather3A_1371 : memref<2x128x10xf32, #tpu.memory_space<vmem>>[vector<16xi32>, vector<16xi32>, vector<16xi32>], vector<16xf32>,
      %add3A_1374 = arith.constant 1 : i32
      %add3A_1375 = vector.broadcast %add3A_1374 : i32 to vector<16xi32>
      %add3A_1376 = arith.addi %mul3A_1352, %add3A_1375 : vector<16xi32>
      %gather3A_1377 = tpu.vector_load_idx %arg13[%add3A_1376] : memref<2000xf32, #tpu.memory_space<vmem>>[vector<16xi32>], vector<16xf32>,
      %broadcast_in_dim3A_1378 = arith.constant 1 : i32
      %broadcast_in_dim3A_1379 = vector.broadcast %broadcast_in_dim3A_1378 : i32 to vector<16xi32>
      tpu.vector_store_idx %arg11[%broadcast_in_dim3A_765, %add3A_1343, %broadcast_in_dim3A_1379], %gather3A_1377 : memref<2x128x10xf32, #tpu.memory_space<vmem>>[vector<16xi32>, vector<16xi32>, vector<16xi32>], vector<16xf32>,
      %add3A_1380 = arith.constant 1 : i32
      %add3A_1381 = vector.broadcast %add3A_1380 : i32 to vector<16xi32>
      %add3A_1382 = arith.addi %mul3A_1361, %add3A_1381 : vector<16xi32>
      %gather3A_1383 = tpu.vector_load_idx %arg14[%add3A_1382] : memref<2000xf32, #tpu.memory_space<vmem>>[vector<16xi32>], vector<16xf32>,
      %broadcast_in_dim3A_1384 = arith.constant 6 : i32
      %broadcast_in_dim3A_1385 = vector.broadcast %broadcast_in_dim3A_1384 : i32 to vector<16xi32>
      tpu.vector_store_idx %arg11[%broadcast_in_dim3A_765, %add3A_1343, %broadcast_in_dim3A_1385], %gather3A_1383 : memref<2x128x10xf32, #tpu.memory_space<vmem>>[vector<16xi32>, vector<16xi32>, vector<16xi32>], vector<16xf32>,
      %add3A_1386 = arith.constant 2 : i32
      %add3A_1387 = vector.broadcast %add3A_1386 : i32 to vector<16xi32>
      %add3A_1388 = arith.addi %mul3A_1352, %add3A_1387 : vector<16xi32>
      %gather3A_1389 = tpu.vector_load_idx %arg13[%add3A_1388] : memref<2000xf32, #tpu.memory_space<vmem>>[vector<16xi32>], vector<16xf32>,
      %broadcast_in_dim3A_1390 = arith.constant 2 : i32
      %broadcast_in_dim3A_1391 = vector.broadcast %broadcast_in_dim3A_1390 : i32 to vector<16xi32>
      tpu.vector_store_idx %arg11[%broadcast_in_dim3A_765, %add3A_1343, %broadcast_in_dim3A_1391], %gather3A_1389 : memref<2x128x10xf32, #tpu.memory_space<vmem>>[vector<16xi32>, vector<16xi32>, vector<16xi32>], vector<16xf32>,
      %add3A_1392 = arith.constant 2 : i32
      %add3A_1393 = vector.broadcast %add3A_1392 : i32 to vector<16xi32>
      %add3A_1394 = arith.addi %mul3A_1361, %add3A_1393 : vector<16xi32>
      %gather3A_1395 = tpu.vector_load_idx %arg14[%add3A_1394] : memref<2000xf32, #tpu.memory_space<vmem>>[vector<16xi32>], vector<16xf32>,
      %broadcast_in_dim3A_1396 = arith.constant 7 : i32
      %broadcast_in_dim3A_1397 = vector.broadcast %broadcast_in_dim3A_1396 : i32 to vector<16xi32>
      tpu.vector_store_idx %arg11[%broadcast_in_dim3A_765, %add3A_1343, %broadcast_in_dim3A_1397], %gather3A_1395 : memref<2x128x10xf32, #tpu.memory_space<vmem>>[vector<16xi32>, vector<16xi32>, vector<16xi32>], vector<16xf32>,
      %add3A_1398 = arith.constant 3 : i32
      %add3A_1399 = vector.broadcast %add3A_1398 : i32 to vector<16xi32>
      %add3A_1400 = arith.addi %mul3A_1352, %add3A_1399 : vector<16xi32>
      %gather3A_1401 = tpu.vector_load_idx %arg13[%add3A_1400] : memref<2000xf32, #tpu.memory_space<vmem>>[vector<16xi32>], vector<16xf32>,
      %broadcast_in_dim3A_1402 = arith.constant 3 : i32
      %broadcast_in_dim3A_1403 = vector.broadcast %broadcast_in_dim3A_1402 : i32 to vector<16xi32>
      tpu.vector_store_idx %arg11[%broadcast_in_dim3A_765, %add3A_1343, %broadcast_in_dim3A_1403], %gather3A_1401 : memref<2x128x10xf32, #tpu.memory_space<vmem>>[vector<16xi32>, vector<16xi32>, vector<16xi32>], vector<16xf32>,
      %add3A_1404 = arith.constant 3 : i32
      %add3A_1405 = vector.broadcast %add3A_1404 : i32 to vector<16xi32>
      %add3A_1406 = arith.addi %mul3A_1361, %add3A_1405 : vector<16xi32>
      %gather3A_1407 = tpu.vector_load_idx %arg14[%add3A_1406] : memref<2000xf32, #tpu.memory_space<vmem>>[vector<16xi32>], vector<16xf32>,
      %broadcast_in_dim3A_1408 = arith.constant 8 : i32
      %broadcast_in_dim3A_1409 = vector.broadcast %broadcast_in_dim3A_1408 : i32 to vector<16xi32>
      tpu.vector_store_idx %arg11[%broadcast_in_dim3A_765, %add3A_1343, %broadcast_in_dim3A_1409], %gather3A_1407 : memref<2x128x10xf32, #tpu.memory_space<vmem>>[vector<16xi32>, vector<16xi32>, vector<16xi32>], vector<16xf32>,
      %add3A_1410 = arith.constant 4 : i32
      %add3A_1411 = vector.broadcast %add3A_1410 : i32 to vector<16xi32>
      %add3A_1412 = arith.addi %mul3A_1352, %add3A_1411 : vector<16xi32>
      %gather3A_1413 = tpu.vector_load_idx %arg13[%add3A_1412] : memref<2000xf32, #tpu.memory_space<vmem>>[vector<16xi32>], vector<16xf32>,
      %broadcast_in_dim3A_1414 = arith.constant 4 : i32
      %broadcast_in_dim3A_1415 = vector.broadcast %broadcast_in_dim3A_1414 : i32 to vector<16xi32>
      tpu.vector_store_idx %arg11[%broadcast_in_dim3A_765, %add3A_1343, %broadcast_in_dim3A_1415], %gather3A_1413 : memref<2x128x10xf32, #tpu.memory_space<vmem>>[vector<16xi32>, vector<16xi32>, vector<16xi32>], vector<16xf32>,
      %add3A_1416 = arith.constant 4 : i32
      %add3A_1417 = vector.broadcast %add3A_1416 : i32 to vector<16xi32>
      %add3A_1418 = arith.addi %mul3A_1361, %add3A_1417 : vector<16xi32>
      %gather3A_1419 = tpu.vector_load_idx %arg14[%add3A_1418] : memref<2000xf32, #tpu.memory_space<vmem>>[vector<16xi32>], vector<16xf32>,
      %broadcast_in_dim3A_1420 = arith.constant 9 : i32
      %broadcast_in_dim3A_1421 = vector.broadcast %broadcast_in_dim3A_1420 : i32 to vector<16xi32>
      tpu.vector_store_idx %arg11[%broadcast_in_dim3A_765, %add3A_1343, %broadcast_in_dim3A_1421], %gather3A_1419 : memref<2x128x10xf32, #tpu.memory_space<vmem>>[vector<16xi32>, vector<16xi32>, vector<16xi32>], vector<16xf32>,
      %lt3A = arith.constant 49 : i32
      %lt3A_1422 = arith.cmpi slt, %scan3A_39, %lt3A : i32
      %convert_element_type3A_1423 = arith.extui %lt3A_1422 : i1 to i32
      %cond3A_1424 = arith.constant 0 : i32
      %cond3A_1425 = arith.cmpi ne, %convert_element_type3A_1423, %cond3A_1424 : i32
      scf.if %cond3A_1425 {
        %dma_start3A_2798 = arith.constant 0 : i32
        %dma_start3A_2799 = arith.constant 0 : i32
        %dma_start3A_2800 = arith.constant 0 : i32
        %dma_start3A_2801 = arith.constant 0 : i32
        %dma_start3A_2802 = arith.constant 0 : i32
        %dma_start3A_2803 = tpu.memref_slice %arg9[%dma_start3A_2798, %dma_start3A_2801, %dma_start3A_2802] : memref<2x128x64xf32, #tpu.memory_space<vmem>> -> memref<1x128x64xf32, #tpu.memory_space<vmem>>
        %dma_start3A_2804 = tpu.memref_squeeze %dma_start3A_2803 : memref<1x128x64xf32, #tpu.memory_space<vmem>> -> memref<128x64xf32, #tpu.memory_space<vmem>>
        %dma_start3A_2805 = arith.constant 0 : i32
        %dma_start3A_2806 = arith.constant 0 : i32
        %dma_start3A_2807 = tpu.memref_slice %arg6[%add3A_42, %dma_start3A_2799, %dma_start3A_2805, %dma_start3A_2806] : memref<3200x2x128x74xf32, #tpu.memory_space<hbm>> -> memref<1x1x128x64xf32, #tpu.memory_space<hbm>>
        %dma_start3A_2808 = tpu.memref_squeeze %dma_start3A_2807 : memref<1x1x128x64xf32, #tpu.memory_space<hbm>> -> memref<128x64xf32, #tpu.memory_space<hbm>>
        %dma_start3A_2809 = tpu.memref_slice %arg16[%dma_start3A_2800] : memref<2x!tpu.dma_semaphore, #tpu.memory_space<semaphore_mem>> -> memref<1x!tpu.dma_semaphore, #tpu.memory_space<semaphore_mem>>
        %dma_start3A_2810 = tpu.memref_squeeze %dma_start3A_2809 : memref<1x!tpu.dma_semaphore, #tpu.memory_space<semaphore_mem>> -> memref<!tpu.dma_semaphore, #tpu.memory_space<semaphore_mem>>
        %dma_start3A_2811 = arith.constant 0 : i32
        %dma_start3A_2812 = arith.constant 0 : i32
        %dma_start3A_2813 = tpu.memref_slice %arg6[%add3A_42, %dma_start3A_2799, %dma_start3A_2811, %dma_start3A_2812] : memref<3200x2x128x74xf32, #tpu.memory_space<hbm>> -> memref<1x1x128x64xf32, #tpu.memory_space<hbm>>
        %dma_start3A_2814 = tpu.memref_squeeze %dma_start3A_2813 : memref<1x1x128x64xf32, #tpu.memory_space<hbm>> -> memref<128x64xf32, #tpu.memory_space<hbm>>
        %dma_start3A_2815 = arith.constant 0 : i32
        %dma_start3A_2816 = arith.constant 0 : i32
        %dma_start3A_2817 = tpu.memref_slice %arg9[%dma_start3A_2798, %dma_start3A_2815, %dma_start3A_2816] : memref<2x128x64xf32, #tpu.memory_space<vmem>> -> memref<1x128x64xf32, #tpu.memory_space<vmem>>
        %dma_start3A_2818 = tpu.memref_squeeze %dma_start3A_2817 : memref<1x128x64xf32, #tpu.memory_space<vmem>> -> memref<128x64xf32, #tpu.memory_space<vmem>>
        tpu.enqueue_dma source(%dma_start3A_2818 : memref<128x64xf32, #tpu.memory_space<vmem>>) target(%dma_start3A_2814 : memref<128x64xf32, #tpu.memory_space<hbm>>) target_semaphore(%dma_start3A_2810 : memref<!tpu.dma_semaphore, #tpu.memory_space<semaphore_mem>>)
        %dma_start3A_2819 = arith.constant 0 : i32
        %dma_start3A_2820 = arith.constant 0 : i32
        %dma_start3A_2821 = arith.constant 0 : i32
        %dma_start3A_2822 = arith.constant 0 : i32
        %dma_start3A_2823 = arith.constant 0 : i32
        %dma_start3A_2824 = tpu.memref_slice %arg11[%dma_start3A_2819, %dma_start3A_2822, %dma_start3A_2823] : memref<2x128x10xf32, #tpu.memory_space<vmem>> -> memref<1x128x10xf32, #tpu.memory_space<vmem>>
        %dma_start3A_2825 = tpu.memref_squeeze %dma_start3A_2824 : memref<1x128x10xf32, #tpu.memory_space<vmem>> -> memref<128x10xf32, #tpu.memory_space<vmem>>
        %dma_start3A_2826 = arith.constant 0 : i32
        %dma_start3A_2827 = arith.constant 64 : i32
        %dma_start3A_2828 = tpu.memref_slice %arg6[%add3A_42, %dma_start3A_2820, %dma_start3A_2826, %dma_start3A_2827] : memref<3200x2x128x74xf32, #tpu.memory_space<hbm>> -> memref<1x1x128x10xf32, #tpu.memory_space<hbm>>
        %dma_start3A_2829 = tpu.memref_squeeze %dma_start3A_2828 : memref<1x1x128x10xf32, #tpu.memory_space<hbm>> -> memref<128x10xf32, #tpu.memory_space<hbm>>
        %dma_start3A_2830 = tpu.memref_slice %arg16[%dma_start3A_2821] : memref<2x!tpu.dma_semaphore, #tpu.memory_space<semaphore_mem>> -> memref<1x!tpu.dma_semaphore, #tpu.memory_space<semaphore_mem>>
        %dma_start3A_2831 = tpu.memref_squeeze %dma_start3A_2830 : memref<1x!tpu.dma_semaphore, #tpu.memory_space<semaphore_mem>> -> memref<!tpu.dma_semaphore, #tpu.memory_space<semaphore_mem>>
        %dma_start3A_2832 = arith.constant 0 : i32
        %dma_start3A_2833 = arith.constant 64 : i32
        %dma_start3A_2834 = tpu.memref_slice %arg6[%add3A_42, %dma_start3A_2820, %dma_start3A_2832, %dma_start3A_2833] : memref<3200x2x128x74xf32, #tpu.memory_space<hbm>> -> memref<1x1x128x10xf32, #tpu.memory_space<hbm>>
        %dma_start3A_2835 = tpu.memref_squeeze %dma_start3A_2834 : memref<1x1x128x10xf32, #tpu.memory_space<hbm>> -> memref<128x10xf32, #tpu.memory_space<hbm>>
        %dma_start3A_2836 = arith.constant 0 : i32
        %dma_start3A_2837 = arith.constant 0 : i32
        %dma_start3A_2838 = tpu.memref_slice %arg11[%dma_start3A_2819, %dma_start3A_2836, %dma_start3A_2837] : memref<2x128x10xf32, #tpu.memory_space<vmem>> -> memref<1x128x10xf32, #tpu.memory_space<vmem>>
        %dma_start3A_2839 = tpu.memref_squeeze %dma_start3A_2838 : memref<1x128x10xf32, #tpu.memory_space<vmem>> -> memref<128x10xf32, #tpu.memory_space<vmem>>
        tpu.enqueue_dma source(%dma_start3A_2839 : memref<128x10xf32, #tpu.memory_space<vmem>>) target(%dma_start3A_2835 : memref<128x10xf32, #tpu.memory_space<hbm>>) target_semaphore(%dma_start3A_2831 : memref<!tpu.dma_semaphore, #tpu.memory_space<semaphore_mem>>)
        %dma_start3A_2840 = arith.constant 1 : i32
        %dma_start3A_2841 = arith.constant 1 : i32
        %dma_start3A_2842 = arith.constant 0 : i32
        %dma_start3A_2843 = arith.constant 0 : i32
        %dma_start3A_2844 = arith.constant 0 : i32
        %dma_start3A_2845 = tpu.memref_slice %arg9[%dma_start3A_2840, %dma_start3A_2843, %dma_start3A_2844] : memref<2x128x64xf32, #tpu.memory_space<vmem>> -> memref<1x128x64xf32, #tpu.memory_space<vmem>>
        %dma_start3A_2846 = tpu.memref_squeeze %dma_start3A_2845 : memref<1x128x64xf32, #tpu.memory_space<vmem>> -> memref<128x64xf32, #tpu.memory_space<vmem>>
        %dma_start3A_2847 = arith.constant 0 : i32
        %dma_start3A_2848 = arith.constant 0 : i32
        %dma_start3A_2849 = tpu.memref_slice %arg6[%add3A_42, %dma_start3A_2841, %dma_start3A_2847, %dma_start3A_2848] : memref<3200x2x128x74xf32, #tpu.memory_space<hbm>> -> memref<1x1x128x64xf32, #tpu.memory_space<hbm>>
        %dma_start3A_2850 = tpu.memref_squeeze %dma_start3A_2849 : memref<1x1x128x64xf32, #tpu.memory_space<hbm>> -> memref<128x64xf32, #tpu.memory_space<hbm>>
        %dma_start3A_2851 = tpu.memref_slice %arg16[%dma_start3A_2842] : memref<2x!tpu.dma_semaphore, #tpu.memory_space<semaphore_mem>> -> memref<1x!tpu.dma_semaphore, #tpu.memory_space<semaphore_mem>>
        %dma_start3A_2852 = tpu.memref_squeeze %dma_start3A_2851 : memref<1x!tpu.dma_semaphore, #tpu.memory_space<semaphore_mem>> -> memref<!tpu.dma_semaphore, #tpu.memory_space<semaphore_mem>>
        %dma_start3A_2853 = arith.constant 0 : i32
        %dma_start3A_2854 = arith.constant 0 : i32
        %dma_start3A_2855 = tpu.memref_slice %arg6[%add3A_42, %dma_start3A_2841, %dma_start3A_2853, %dma_start3A_2854] : memref<3200x2x128x74xf32, #tpu.memory_space<hbm>> -> memref<1x1x128x64xf32, #tpu.memory_space<hbm>>
        %dma_start3A_2856 = tpu.memref_squeeze %dma_start3A_2855 : memref<1x1x128x64xf32, #tpu.memory_space<hbm>> -> memref<128x64xf32, #tpu.memory_space<hbm>>
        %dma_start3A_2857 = arith.constant 0 : i32
        %dma_start3A_2858 = arith.constant 0 : i32
        %dma_start3A_2859 = tpu.memref_slice %arg9[%dma_start3A_2840, %dma_start3A_2857, %dma_start3A_2858] : memref<2x128x64xf32, #tpu.memory_space<vmem>> -> memref<1x128x64xf32, #tpu.memory_space<vmem>>
        %dma_start3A_2860 = tpu.memref_squeeze %dma_start3A_2859 : memref<1x128x64xf32, #tpu.memory_space<vmem>> -> memref<128x64xf32, #tpu.memory_space<vmem>>
        tpu.enqueue_dma source(%dma_start3A_2860 : memref<128x64xf32, #tpu.memory_space<vmem>>) target(%dma_start3A_2856 : memref<128x64xf32, #tpu.memory_space<hbm>>) target_semaphore(%dma_start3A_2852 : memref<!tpu.dma_semaphore, #tpu.memory_space<semaphore_mem>>)
        %dma_start3A_2861 = arith.constant 1 : i32
        %dma_start3A_2862 = arith.constant 1 : i32
        %dma_start3A_2863 = arith.constant 0 : i32
        %dma_start3A_2864 = arith.constant 0 : i32
        %dma_start3A_2865 = arith.constant 0 : i32
        %dma_start3A_2866 = tpu.memref_slice %arg11[%dma_start3A_2861, %dma_start3A_2864, %dma_start3A_2865] : memref<2x128x10xf32, #tpu.memory_space<vmem>> -> memref<1x128x10xf32, #tpu.memory_space<vmem>>
        %dma_start3A_2867 = tpu.memref_squeeze %dma_start3A_2866 : memref<1x128x10xf32, #tpu.memory_space<vmem>> -> memref<128x10xf32, #tpu.memory_space<vmem>>
        %dma_start3A_2868 = arith.constant 0 : i32
        %dma_start3A_2869 = arith.constant 64 : i32
        %dma_start3A_2870 = tpu.memref_slice %arg6[%add3A_42, %dma_start3A_2862, %dma_start3A_2868, %dma_start3A_2869] : memref<3200x2x128x74xf32, #tpu.memory_space<hbm>> -> memref<1x1x128x10xf32, #tpu.memory_space<hbm>>
        %dma_start3A_2871 = tpu.memref_squeeze %dma_start3A_2870 : memref<1x1x128x10xf32, #tpu.memory_space<hbm>> -> memref<128x10xf32, #tpu.memory_space<hbm>>
        %dma_start3A_2872 = tpu.memref_slice %arg16[%dma_start3A_2863] : memref<2x!tpu.dma_semaphore, #tpu.memory_space<semaphore_mem>> -> memref<1x!tpu.dma_semaphore, #tpu.memory_space<semaphore_mem>>
        %dma_start3A_2873 = tpu.memref_squeeze %dma_start3A_2872 : memref<1x!tpu.dma_semaphore, #tpu.memory_space<semaphore_mem>> -> memref<!tpu.dma_semaphore, #tpu.memory_space<semaphore_mem>>
        %dma_start3A_2874 = arith.constant 0 : i32
        %dma_start3A_2875 = arith.constant 64 : i32
        %dma_start3A_2876 = tpu.memref_slice %arg6[%add3A_42, %dma_start3A_2862, %dma_start3A_2874, %dma_start3A_2875] : memref<3200x2x128x74xf32, #tpu.memory_space<hbm>> -> memref<1x1x128x10xf32, #tpu.memory_space<hbm>>
        %dma_start3A_2877 = tpu.memref_squeeze %dma_start3A_2876 : memref<1x1x128x10xf32, #tpu.memory_space<hbm>> -> memref<128x10xf32, #tpu.memory_space<hbm>>
        %dma_start3A_2878 = arith.constant 0 : i32
        %dma_start3A_2879 = arith.constant 0 : i32
        %dma_start3A_2880 = tpu.memref_slice %arg11[%dma_start3A_2861, %dma_start3A_2878, %dma_start3A_2879] : memref<2x128x10xf32, #tpu.memory_space<vmem>> -> memref<1x128x10xf32, #tpu.memory_space<vmem>>
        %dma_start3A_2881 = tpu.memref_squeeze %dma_start3A_2880 : memref<1x128x10xf32, #tpu.memory_space<vmem>> -> memref<128x10xf32, #tpu.memory_space<vmem>>
        tpu.enqueue_dma source(%dma_start3A_2881 : memref<128x10xf32, #tpu.memory_space<vmem>>) target(%dma_start3A_2877 : memref<128x10xf32, #tpu.memory_space<hbm>>) target_semaphore(%dma_start3A_2873 : memref<!tpu.dma_semaphore, #tpu.memory_space<semaphore_mem>>)
      } else {
      }
      %eq3A = arith.constant 49 : i32
      %eq3A_1426 = arith.cmpi eq, %scan3A_39, %eq3A : i32
      %convert_element_type3A_1427 = arith.extui %eq3A_1426 : i1 to i32
      %cond3A_1428 = arith.constant 0 : i32
      %cond3A_1429 = arith.cmpi ne, %convert_element_type3A_1427, %cond3A_1428 : i32
      scf.if %cond3A_1429 {
        %run_scoped3A = arith.constant 0 : i32
        %run_scoped3A_2798 = arith.constant 0 : i32
        "tpu.region"() ({
          %run_scoped3A_2805 = tpu.sem_alloc : memref<!tpu.dma_semaphore, #tpu.memory_space<semaphore_mem>>
          %dma_start3A_2806 = arith.constant 0 : i32
          %dma_start3A_2807 = arith.constant 0 : i32
          %dma_start3A_2808 = tpu.memref_slice %arg9[%run_scoped3A, %dma_start3A_2806, %dma_start3A_2807] : memref<2x128x64xf32, #tpu.memory_space<vmem>> -> memref<1x128x64xf32, #tpu.memory_space<vmem>>
          %dma_start3A_2809 = tpu.memref_squeeze %dma_start3A_2808 : memref<1x128x64xf32, #tpu.memory_space<vmem>> -> memref<128x64xf32, #tpu.memory_space<vmem>>
          %dma_start3A_2810 = arith.constant 0 : i32
          %dma_start3A_2811 = arith.constant 0 : i32
          %dma_start3A_2812 = tpu.memref_slice %arg6[%add3A_42, %run_scoped3A_2798, %dma_start3A_2810, %dma_start3A_2811] : memref<3200x2x128x74xf32, #tpu.memory_space<hbm>> -> memref<1x1x128x64xf32, #tpu.memory_space<hbm>>
          %dma_start3A_2813 = tpu.memref_squeeze %dma_start3A_2812 : memref<1x1x128x64xf32, #tpu.memory_space<hbm>> -> memref<128x64xf32, #tpu.memory_space<hbm>>
          %dma_start3A_2814 = arith.constant 0 : i32
          %dma_start3A_2815 = arith.constant 0 : i32
          %dma_start3A_2816 = tpu.memref_slice %arg6[%add3A_42, %run_scoped3A_2798, %dma_start3A_2814, %dma_start3A_2815] : memref<3200x2x128x74xf32, #tpu.memory_space<hbm>> -> memref<1x1x128x64xf32, #tpu.memory_space<hbm>>
          %dma_start3A_2817 = tpu.memref_squeeze %dma_start3A_2816 : memref<1x1x128x64xf32, #tpu.memory_space<hbm>> -> memref<128x64xf32, #tpu.memory_space<hbm>>
          %dma_start3A_2818 = arith.constant 0 : i32
          %dma_start3A_2819 = arith.constant 0 : i32
          %dma_start3A_2820 = tpu.memref_slice %arg9[%run_scoped3A, %dma_start3A_2818, %dma_start3A_2819] : memref<2x128x64xf32, #tpu.memory_space<vmem>> -> memref<1x128x64xf32, #tpu.memory_space<vmem>>
          %dma_start3A_2821 = tpu.memref_squeeze %dma_start3A_2820 : memref<1x128x64xf32, #tpu.memory_space<vmem>> -> memref<128x64xf32, #tpu.memory_space<vmem>>
          tpu.enqueue_dma source(%dma_start3A_2821 : memref<128x64xf32, #tpu.memory_space<vmem>>) target(%dma_start3A_2817 : memref<128x64xf32, #tpu.memory_space<hbm>>) target_semaphore(%run_scoped3A_2805 : memref<!tpu.dma_semaphore, #tpu.memory_space<semaphore_mem>>)
          %dma_wait3A_2822 = arith.constant 0 : i32
          %dma_wait3A_2823 = arith.constant 0 : i32
          %dma_wait3A_2824 = tpu.memref_slice %arg9[%run_scoped3A, %dma_wait3A_2822, %dma_wait3A_2823] : memref<2x128x64xf32, #tpu.memory_space<vmem>> -> memref<1x128x64xf32, #tpu.memory_space<vmem>>
          %dma_wait3A_2825 = tpu.memref_squeeze %dma_wait3A_2824 : memref<1x128x64xf32, #tpu.memory_space<vmem>> -> memref<128x64xf32, #tpu.memory_space<vmem>>
          %dma_wait3A_2826 = arith.constant 0 : i32
          %dma_wait3A_2827 = arith.constant 0 : i32
          %dma_wait3A_2828 = tpu.memref_slice %arg6[%add3A_42, %run_scoped3A_2798, %dma_wait3A_2826, %dma_wait3A_2827] : memref<3200x2x128x74xf32, #tpu.memory_space<hbm>> -> memref<1x1x128x64xf32, #tpu.memory_space<hbm>>
          %dma_wait3A_2829 = tpu.memref_squeeze %dma_wait3A_2828 : memref<1x1x128x64xf32, #tpu.memory_space<hbm>> -> memref<128x64xf32, #tpu.memory_space<hbm>>
          %dma_wait3A_2830 = arith.constant 0 : i32
          %dma_wait3A_2831 = arith.constant 0 : i32
          %dma_wait3A_2832 = tpu.memref_slice %arg6[%add3A_42, %run_scoped3A_2798, %dma_wait3A_2830, %dma_wait3A_2831] : memref<3200x2x128x74xf32, #tpu.memory_space<hbm>> -> memref<1x1x128x64xf32, #tpu.memory_space<hbm>>
          %dma_wait3A_2833 = tpu.memref_squeeze %dma_wait3A_2832 : memref<1x1x128x64xf32, #tpu.memory_space<hbm>> -> memref<128x64xf32, #tpu.memory_space<hbm>>
          %dma_wait3A_2834 = arith.constant 0 : i32
          %dma_wait3A_2835 = arith.constant 0 : i32
          %dma_wait3A_2836 = tpu.memref_slice %arg9[%run_scoped3A, %dma_wait3A_2834, %dma_wait3A_2835] : memref<2x128x64xf32, #tpu.memory_space<vmem>> -> memref<1x128x64xf32, #tpu.memory_space<vmem>>
          %dma_wait3A_2837 = tpu.memref_squeeze %dma_wait3A_2836 : memref<1x128x64xf32, #tpu.memory_space<vmem>> -> memref<128x64xf32, #tpu.memory_space<vmem>>
          tpu.wait_dma2 semaphore(%run_scoped3A_2805 : memref<!tpu.dma_semaphore, #tpu.memory_space<semaphore_mem>>) src(%dma_wait3A_2837 : memref<128x64xf32, #tpu.memory_space<vmem>>) dst(%dma_wait3A_2833 : memref<128x64xf32, #tpu.memory_space<hbm>>)
          tpu.yield
        }) : () -> ()
        %run_scoped3A_2799 = arith.constant 0 : i32
        %run_scoped3A_2800 = arith.constant 0 : i32
        "tpu.region"() ({
          %run_scoped3A_2805 = tpu.sem_alloc : memref<!tpu.dma_semaphore, #tpu.memory_space<semaphore_mem>>
          %dma_start3A_2806 = arith.constant 0 : i32
          %dma_start3A_2807 = arith.constant 0 : i32
          %dma_start3A_2808 = tpu.memref_slice %arg11[%run_scoped3A_2799, %dma_start3A_2806, %dma_start3A_2807] : memref<2x128x10xf32, #tpu.memory_space<vmem>> -> memref<1x128x10xf32, #tpu.memory_space<vmem>>
          %dma_start3A_2809 = tpu.memref_squeeze %dma_start3A_2808 : memref<1x128x10xf32, #tpu.memory_space<vmem>> -> memref<128x10xf32, #tpu.memory_space<vmem>>
          %dma_start3A_2810 = arith.constant 0 : i32
          %dma_start3A_2811 = arith.constant 64 : i32
          %dma_start3A_2812 = tpu.memref_slice %arg6[%add3A_42, %run_scoped3A_2800, %dma_start3A_2810, %dma_start3A_2811] : memref<3200x2x128x74xf32, #tpu.memory_space<hbm>> -> memref<1x1x128x10xf32, #tpu.memory_space<hbm>>
          %dma_start3A_2813 = tpu.memref_squeeze %dma_start3A_2812 : memref<1x1x128x10xf32, #tpu.memory_space<hbm>> -> memref<128x10xf32, #tpu.memory_space<hbm>>
          %dma_start3A_2814 = arith.constant 0 : i32
          %dma_start3A_2815 = arith.constant 64 : i32
          %dma_start3A_2816 = tpu.memref_slice %arg6[%add3A_42, %run_scoped3A_2800, %dma_start3A_2814, %dma_start3A_2815] : memref<3200x2x128x74xf32, #tpu.memory_space<hbm>> -> memref<1x1x128x10xf32, #tpu.memory_space<hbm>>
          %dma_start3A_2817 = tpu.memref_squeeze %dma_start3A_2816 : memref<1x1x128x10xf32, #tpu.memory_space<hbm>> -> memref<128x10xf32, #tpu.memory_space<hbm>>
          %dma_start3A_2818 = arith.constant 0 : i32
          %dma_start3A_2819 = arith.constant 0 : i32
          %dma_start3A_2820 = tpu.memref_slice %arg11[%run_scoped3A_2799, %dma_start3A_2818, %dma_start3A_2819] : memref<2x128x10xf32, #tpu.memory_space<vmem>> -> memref<1x128x10xf32, #tpu.memory_space<vmem>>
          %dma_start3A_2821 = tpu.memref_squeeze %dma_start3A_2820 : memref<1x128x10xf32, #tpu.memory_space<vmem>> -> memref<128x10xf32, #tpu.memory_space<vmem>>
          tpu.enqueue_dma source(%dma_start3A_2821 : memref<128x10xf32, #tpu.memory_space<vmem>>) target(%dma_start3A_2817 : memref<128x10xf32, #tpu.memory_space<hbm>>) target_semaphore(%run_scoped3A_2805 : memref<!tpu.dma_semaphore, #tpu.memory_space<semaphore_mem>>)
          %dma_wait3A_2822 = arith.constant 0 : i32
          %dma_wait3A_2823 = arith.constant 0 : i32
          %dma_wait3A_2824 = tpu.memref_slice %arg11[%run_scoped3A_2799, %dma_wait3A_2822, %dma_wait3A_2823] : memref<2x128x10xf32, #tpu.memory_space<vmem>> -> memref<1x128x10xf32, #tpu.memory_space<vmem>>
          %dma_wait3A_2825 = tpu.memref_squeeze %dma_wait3A_2824 : memref<1x128x10xf32, #tpu.memory_space<vmem>> -> memref<128x10xf32, #tpu.memory_space<vmem>>
          %dma_wait3A_2826 = arith.constant 0 : i32
          %dma_wait3A_2827 = arith.constant 64 : i32
          %dma_wait3A_2828 = tpu.memref_slice %arg6[%add3A_42, %run_scoped3A_2800, %dma_wait3A_2826, %dma_wait3A_2827] : memref<3200x2x128x74xf32, #tpu.memory_space<hbm>> -> memref<1x1x128x10xf32, #tpu.memory_space<hbm>>
          %dma_wait3A_2829 = tpu.memref_squeeze %dma_wait3A_2828 : memref<1x1x128x10xf32, #tpu.memory_space<hbm>> -> memref<128x10xf32, #tpu.memory_space<hbm>>
          %dma_wait3A_2830 = arith.constant 0 : i32
          %dma_wait3A_2831 = arith.constant 64 : i32
          %dma_wait3A_2832 = tpu.memref_slice %arg6[%add3A_42, %run_scoped3A_2800, %dma_wait3A_2830, %dma_wait3A_2831] : memref<3200x2x128x74xf32, #tpu.memory_space<hbm>> -> memref<1x1x128x10xf32, #tpu.memory_space<hbm>>
          %dma_wait3A_2833 = tpu.memref_squeeze %dma_wait3A_2832 : memref<1x1x128x10xf32, #tpu.memory_space<hbm>> -> memref<128x10xf32, #tpu.memory_space<hbm>>
          %dma_wait3A_2834 = arith.constant 0 : i32
          %dma_wait3A_2835 = arith.constant 0 : i32
          %dma_wait3A_2836 = tpu.memref_slice %arg11[%run_scoped3A_2799, %dma_wait3A_2834, %dma_wait3A_2835] : memref<2x128x10xf32, #tpu.memory_space<vmem>> -> memref<1x128x10xf32, #tpu.memory_space<vmem>>
          %dma_wait3A_2837 = tpu.memref_squeeze %dma_wait3A_2836 : memref<1x128x10xf32, #tpu.memory_space<vmem>> -> memref<128x10xf32, #tpu.memory_space<vmem>>
          tpu.wait_dma2 semaphore(%run_scoped3A_2805 : memref<!tpu.dma_semaphore, #tpu.memory_space<semaphore_mem>>) src(%dma_wait3A_2837 : memref<128x10xf32, #tpu.memory_space<vmem>>) dst(%dma_wait3A_2833 : memref<128x10xf32, #tpu.memory_space<hbm>>)
          tpu.yield
        }) : () -> ()
        %run_scoped3A_2801 = arith.constant 1 : i32
        %run_scoped3A_2802 = arith.constant 1 : i32
        "tpu.region"() ({
          %run_scoped3A_2805 = tpu.sem_alloc : memref<!tpu.dma_semaphore, #tpu.memory_space<semaphore_mem>>
          %dma_start3A_2806 = arith.constant 0 : i32
          %dma_start3A_2807 = arith.constant 0 : i32
          %dma_start3A_2808 = tpu.memref_slice %arg9[%run_scoped3A_2801, %dma_start3A_2806, %dma_start3A_2807] : memref<2x128x64xf32, #tpu.memory_space<vmem>> -> memref<1x128x64xf32, #tpu.memory_space<vmem>>
          %dma_start3A_2809 = tpu.memref_squeeze %dma_start3A_2808 : memref<1x128x64xf32, #tpu.memory_space<vmem>> -> memref<128x64xf32, #tpu.memory_space<vmem>>
          %dma_start3A_2810 = arith.constant 0 : i32
          %dma_start3A_2811 = arith.constant 0 : i32
          %dma_start3A_2812 = tpu.memref_slice %arg6[%add3A_42, %run_scoped3A_2802, %dma_start3A_2810, %dma_start3A_2811] : memref<3200x2x128x74xf32, #tpu.memory_space<hbm>> -> memref<1x1x128x64xf32, #tpu.memory_space<hbm>>
          %dma_start3A_2813 = tpu.memref_squeeze %dma_start3A_2812 : memref<1x1x128x64xf32, #tpu.memory_space<hbm>> -> memref<128x64xf32, #tpu.memory_space<hbm>>
          %dma_start3A_2814 = arith.constant 0 : i32
          %dma_start3A_2815 = arith.constant 0 : i32
          %dma_start3A_2816 = tpu.memref_slice %arg6[%add3A_42, %run_scoped3A_2802, %dma_start3A_2814, %dma_start3A_2815] : memref<3200x2x128x74xf32, #tpu.memory_space<hbm>> -> memref<1x1x128x64xf32, #tpu.memory_space<hbm>>
          %dma_start3A_2817 = tpu.memref_squeeze %dma_start3A_2816 : memref<1x1x128x64xf32, #tpu.memory_space<hbm>> -> memref<128x64xf32, #tpu.memory_space<hbm>>
          %dma_start3A_2818 = arith.constant 0 : i32
          %dma_start3A_2819 = arith.constant 0 : i32
          %dma_start3A_2820 = tpu.memref_slice %arg9[%run_scoped3A_2801, %dma_start3A_2818, %dma_start3A_2819] : memref<2x128x64xf32, #tpu.memory_space<vmem>> -> memref<1x128x64xf32, #tpu.memory_space<vmem>>
          %dma_start3A_2821 = tpu.memref_squeeze %dma_start3A_2820 : memref<1x128x64xf32, #tpu.memory_space<vmem>> -> memref<128x64xf32, #tpu.memory_space<vmem>>
          tpu.enqueue_dma source(%dma_start3A_2821 : memref<128x64xf32, #tpu.memory_space<vmem>>) target(%dma_start3A_2817 : memref<128x64xf32, #tpu.memory_space<hbm>>) target_semaphore(%run_scoped3A_2805 : memref<!tpu.dma_semaphore, #tpu.memory_space<semaphore_mem>>)
          %dma_wait3A_2822 = arith.constant 0 : i32
          %dma_wait3A_2823 = arith.constant 0 : i32
          %dma_wait3A_2824 = tpu.memref_slice %arg9[%run_scoped3A_2801, %dma_wait3A_2822, %dma_wait3A_2823] : memref<2x128x64xf32, #tpu.memory_space<vmem>> -> memref<1x128x64xf32, #tpu.memory_space<vmem>>
          %dma_wait3A_2825 = tpu.memref_squeeze %dma_wait3A_2824 : memref<1x128x64xf32, #tpu.memory_space<vmem>> -> memref<128x64xf32, #tpu.memory_space<vmem>>
          %dma_wait3A_2826 = arith.constant 0 : i32
          %dma_wait3A_2827 = arith.constant 0 : i32
          %dma_wait3A_2828 = tpu.memref_slice %arg6[%add3A_42, %run_scoped3A_2802, %dma_wait3A_2826, %dma_wait3A_2827] : memref<3200x2x128x74xf32, #tpu.memory_space<hbm>> -> memref<1x1x128x64xf32, #tpu.memory_space<hbm>>
          %dma_wait3A_2829 = tpu.memref_squeeze %dma_wait3A_2828 : memref<1x1x128x64xf32, #tpu.memory_space<hbm>> -> memref<128x64xf32, #tpu.memory_space<hbm>>
          %dma_wait3A_2830 = arith.constant 0 : i32
          %dma_wait3A_2831 = arith.constant 0 : i32
          %dma_wait3A_2832 = tpu.memref_slice %arg6[%add3A_42, %run_scoped3A_2802, %dma_wait3A_2830, %dma_wait3A_2831] : memref<3200x2x128x74xf32, #tpu.memory_space<hbm>> -> memref<1x1x128x64xf32, #tpu.memory_space<hbm>>
          %dma_wait3A_2833 = tpu.memref_squeeze %dma_wait3A_2832 : memref<1x1x128x64xf32, #tpu.memory_space<hbm>> -> memref<128x64xf32, #tpu.memory_space<hbm>>
          %dma_wait3A_2834 = arith.constant 0 : i32
          %dma_wait3A_2835 = arith.constant 0 : i32
          %dma_wait3A_2836 = tpu.memref_slice %arg9[%run_scoped3A_2801, %dma_wait3A_2834, %dma_wait3A_2835] : memref<2x128x64xf32, #tpu.memory_space<vmem>> -> memref<1x128x64xf32, #tpu.memory_space<vmem>>
          %dma_wait3A_2837 = tpu.memref_squeeze %dma_wait3A_2836 : memref<1x128x64xf32, #tpu.memory_space<vmem>> -> memref<128x64xf32, #tpu.memory_space<vmem>>
          tpu.wait_dma2 semaphore(%run_scoped3A_2805 : memref<!tpu.dma_semaphore, #tpu.memory_space<semaphore_mem>>) src(%dma_wait3A_2837 : memref<128x64xf32, #tpu.memory_space<vmem>>) dst(%dma_wait3A_2833 : memref<128x64xf32, #tpu.memory_space<hbm>>)
          tpu.yield
        }) : () -> ()
        %run_scoped3A_2803 = arith.constant 1 : i32
        %run_scoped3A_2804 = arith.constant 1 : i32
        "tpu.region"() ({
          %run_scoped3A_2805 = tpu.sem_alloc : memref<!tpu.dma_semaphore, #tpu.memory_space<semaphore_mem>>
          %dma_start3A_2806 = arith.constant 0 : i32
          %dma_start3A_2807 = arith.constant 0 : i32
          %dma_start3A_2808 = tpu.memref_slice %arg11[%run_scoped3A_2803, %dma_start3A_2806, %dma_start3A_2807] : memref<2x128x10xf32, #tpu.memory_space<vmem>> -> memref<1x128x10xf32, #tpu.memory_space<vmem>>
          %dma_start3A_2809 = tpu.memref_squeeze %dma_start3A_2808 : memref<1x128x10xf32, #tpu.memory_space<vmem>> -> memref<128x10xf32, #tpu.memory_space<vmem>>
          %dma_start3A_2810 = arith.constant 0 : i32
          %dma_start3A_2811 = arith.constant 64 : i32
          %dma_start3A_2812 = tpu.memref_slice %arg6[%add3A_42, %run_scoped3A_2804, %dma_start3A_2810, %dma_start3A_2811] : memref<3200x2x128x74xf32, #tpu.memory_space<hbm>> -> memref<1x1x128x10xf32, #tpu.memory_space<hbm>>
          %dma_start3A_2813 = tpu.memref_squeeze %dma_start3A_2812 : memref<1x1x128x10xf32, #tpu.memory_space<hbm>> -> memref<128x10xf32, #tpu.memory_space<hbm>>
          %dma_start3A_2814 = arith.constant 0 : i32
          %dma_start3A_2815 = arith.constant 64 : i32
          %dma_start3A_2816 = tpu.memref_slice %arg6[%add3A_42, %run_scoped3A_2804, %dma_start3A_2814, %dma_start3A_2815] : memref<3200x2x128x74xf32, #tpu.memory_space<hbm>> -> memref<1x1x128x10xf32, #tpu.memory_space<hbm>>
          %dma_start3A_2817 = tpu.memref_squeeze %dma_start3A_2816 : memref<1x1x128x10xf32, #tpu.memory_space<hbm>> -> memref<128x10xf32, #tpu.memory_space<hbm>>
          %dma_start3A_2818 = arith.constant 0 : i32
          %dma_start3A_2819 = arith.constant 0 : i32
          %dma_start3A_2820 = tpu.memref_slice %arg11[%run_scoped3A_2803, %dma_start3A_2818, %dma_start3A_2819] : memref<2x128x10xf32, #tpu.memory_space<vmem>> -> memref<1x128x10xf32, #tpu.memory_space<vmem>>
          %dma_start3A_2821 = tpu.memref_squeeze %dma_start3A_2820 : memref<1x128x10xf32, #tpu.memory_space<vmem>> -> memref<128x10xf32, #tpu.memory_space<vmem>>
          tpu.enqueue_dma source(%dma_start3A_2821 : memref<128x10xf32, #tpu.memory_space<vmem>>) target(%dma_start3A_2817 : memref<128x10xf32, #tpu.memory_space<hbm>>) target_semaphore(%run_scoped3A_2805 : memref<!tpu.dma_semaphore, #tpu.memory_space<semaphore_mem>>)
          %dma_wait3A_2822 = arith.constant 0 : i32
          %dma_wait3A_2823 = arith.constant 0 : i32
          %dma_wait3A_2824 = tpu.memref_slice %arg11[%run_scoped3A_2803, %dma_wait3A_2822, %dma_wait3A_2823] : memref<2x128x10xf32, #tpu.memory_space<vmem>> -> memref<1x128x10xf32, #tpu.memory_space<vmem>>
          %dma_wait3A_2825 = tpu.memref_squeeze %dma_wait3A_2824 : memref<1x128x10xf32, #tpu.memory_space<vmem>> -> memref<128x10xf32, #tpu.memory_space<vmem>>
          %dma_wait3A_2826 = arith.constant 0 : i32
          %dma_wait3A_2827 = arith.constant 64 : i32
          %dma_wait3A_2828 = tpu.memref_slice %arg6[%add3A_42, %run_scoped3A_2804, %dma_wait3A_2826, %dma_wait3A_2827] : memref<3200x2x128x74xf32, #tpu.memory_space<hbm>> -> memref<1x1x128x10xf32, #tpu.memory_space<hbm>>
          %dma_wait3A_2829 = tpu.memref_squeeze %dma_wait3A_2828 : memref<1x1x128x10xf32, #tpu.memory_space<hbm>> -> memref<128x10xf32, #tpu.memory_space<hbm>>
          %dma_wait3A_2830 = arith.constant 0 : i32
          %dma_wait3A_2831 = arith.constant 64 : i32
          %dma_wait3A_2832 = tpu.memref_slice %arg6[%add3A_42, %run_scoped3A_2804, %dma_wait3A_2830, %dma_wait3A_2831] : memref<3200x2x128x74xf32, #tpu.memory_space<hbm>> -> memref<1x1x128x10xf32, #tpu.memory_space<hbm>>
          %dma_wait3A_2833 = tpu.memref_squeeze %dma_wait3A_2832 : memref<1x1x128x10xf32, #tpu.memory_space<hbm>> -> memref<128x10xf32, #tpu.memory_space<hbm>>
          %dma_wait3A_2834 = arith.constant 0 : i32
          %dma_wait3A_2835 = arith.constant 0 : i32
          %dma_wait3A_2836 = tpu.memref_slice %arg11[%run_scoped3A_2803, %dma_wait3A_2834, %dma_wait3A_2835] : memref<2x128x10xf32, #tpu.memory_space<vmem>> -> memref<1x128x10xf32, #tpu.memory_space<vmem>>
          %dma_wait3A_2837 = tpu.memref_squeeze %dma_wait3A_2836 : memref<1x128x10xf32, #tpu.memory_space<vmem>> -> memref<128x10xf32, #tpu.memory_space<vmem>>
          tpu.wait_dma2 semaphore(%run_scoped3A_2805 : memref<!tpu.dma_semaphore, #tpu.memory_space<semaphore_mem>>) src(%dma_wait3A_2837 : memref<128x10xf32, #tpu.memory_space<vmem>>) dst(%dma_wait3A_2833 : memref<128x10xf32, #tpu.memory_space<hbm>>)
          tpu.yield
        }) : () -> ()
      } else {
      }
      %dma_wait3A_1430 = arith.constant 0 : i32
      %dma_wait3A_1431 = arith.constant 0 : i32
      %dma_wait3A_1432 = arith.constant 0 : i32
      %dma_wait3A_1433 = arith.constant 1 : i32
      %dma_wait3A_1434 = arith.constant 0 : i32
      %dma_wait3A_1435 = arith.constant 0 : i32
      %dma_wait3A_1436 = tpu.memref_slice %arg10[%dma_wait3A_1432, %dma_wait3A_1434, %dma_wait3A_1435] : memref<2x128x64xf32, #tpu.memory_space<vmem>> -> memref<1x128x64xf32, #tpu.memory_space<vmem>>
      %dma_wait3A_1437 = tpu.memref_squeeze %dma_wait3A_1436 : memref<1x128x64xf32, #tpu.memory_space<vmem>> -> memref<128x64xf32, #tpu.memory_space<vmem>>
      %dma_wait3A_1438 = arith.constant 0 : i32
      %dma_wait3A_1439 = tpu.memref_slice %arg8[%dma_wait3A_1430, %dma_wait3A_1431, %dma_wait3A_1438] : memref<3x2x128xi32, #tpu.memory_space<vmem>> -> memref<1x1x128xi32, #tpu.memory_space<vmem>>
      %dma_wait3A_1440 = tpu.memref_squeeze %dma_wait3A_1439 : memref<1x1x128xi32, #tpu.memory_space<vmem>> -> memref<128xi32, #tpu.memory_space<vmem>>
      %dma_wait3A_1441 = arith.constant 0 : i32
      %dma_wait3A_1442 = arith.constant 0 : i32
      %dma_wait3A_1443 = tpu.memref_slice %arg3[%dma_wait3A_1441, %dma_wait3A_1442] : memref<1000000x64xf32, #tpu.memory_space<hbm>> -> memref<1000000x64xf32, #tpu.memory_space<hbm>>
      %dma_wait3A_1444 = tpu.memref_slice %arg15[%dma_wait3A_1433] : memref<2x!tpu.dma_semaphore, #tpu.memory_space<semaphore_mem>> -> memref<1x!tpu.dma_semaphore, #tpu.memory_space<semaphore_mem>>
      %dma_wait3A_1445 = tpu.memref_squeeze %dma_wait3A_1444 : memref<1x!tpu.dma_semaphore, #tpu.memory_space<semaphore_mem>> -> memref<!tpu.dma_semaphore, #tpu.memory_space<semaphore_mem>>
      tpu.wait_indirect_dma semaphore(%dma_wait3A_1445 : memref<!tpu.dma_semaphore, #tpu.memory_space<semaphore_mem>>) src(%dma_wait3A_1443 : memref<1000000x64xf32, #tpu.memory_space<hbm>>) dst(%dma_wait3A_1437 : memref<128x64xf32, #tpu.memory_space<vmem>>)
      %dma_wait3A_1446 = arith.constant 0 : i32
      %dma_wait3A_1447 = arith.constant 1 : i32
      %dma_wait3A_1448 = arith.constant 1 : i32
      %dma_wait3A_1449 = arith.constant 1 : i32
      %dma_wait3A_1450 = arith.constant 0 : i32
      %dma_wait3A_1451 = arith.constant 0 : i32
      %dma_wait3A_1452 = tpu.memref_slice %arg10[%dma_wait3A_1448, %dma_wait3A_1450, %dma_wait3A_1451] : memref<2x128x64xf32, #tpu.memory_space<vmem>> -> memref<1x128x64xf32, #tpu.memory_space<vmem>>
      %dma_wait3A_1453 = tpu.memref_squeeze %dma_wait3A_1452 : memref<1x128x64xf32, #tpu.memory_space<vmem>> -> memref<128x64xf32, #tpu.memory_space<vmem>>
      %dma_wait3A_1454 = arith.constant 0 : i32
      %dma_wait3A_1455 = tpu.memref_slice %arg8[%dma_wait3A_1446, %dma_wait3A_1447, %dma_wait3A_1454] : memref<3x2x128xi32, #tpu.memory_space<vmem>> -> memref<1x1x128xi32, #tpu.memory_space<vmem>>
      %dma_wait3A_1456 = tpu.memref_squeeze %dma_wait3A_1455 : memref<1x1x128xi32, #tpu.memory_space<vmem>> -> memref<128xi32, #tpu.memory_space<vmem>>
      %dma_wait3A_1457 = arith.constant 0 : i32
      %dma_wait3A_1458 = arith.constant 0 : i32
      %dma_wait3A_1459 = tpu.memref_slice %arg3[%dma_wait3A_1457, %dma_wait3A_1458] : memref<1000000x64xf32, #tpu.memory_space<hbm>> -> memref<1000000x64xf32, #tpu.memory_space<hbm>>
      %dma_wait3A_1460 = tpu.memref_slice %arg15[%dma_wait3A_1449] : memref<2x!tpu.dma_semaphore, #tpu.memory_space<semaphore_mem>> -> memref<1x!tpu.dma_semaphore, #tpu.memory_space<semaphore_mem>>
      %dma_wait3A_1461 = tpu.memref_squeeze %dma_wait3A_1460 : memref<1x!tpu.dma_semaphore, #tpu.memory_space<semaphore_mem>> -> memref<!tpu.dma_semaphore, #tpu.memory_space<semaphore_mem>>
      tpu.wait_indirect_dma semaphore(%dma_wait3A_1461 : memref<!tpu.dma_semaphore, #tpu.memory_space<semaphore_mem>>) src(%dma_wait3A_1459 : memref<1000000x64xf32, #tpu.memory_space<hbm>>) dst(%dma_wait3A_1453 : memref<128x64xf32, #tpu.memory_space<vmem>>)
      %lt3A_1462 = arith.constant 49 : i32
      %lt3A_1463 = arith.cmpi slt, %scan3A_39, %lt3A_1462 : i32
      %convert_element_type3A_1464 = arith.extui %lt3A_1463 : i1 to i32
      %cond3A_1465 = arith.constant 0 : i32
      %cond3A_1466 = arith.cmpi ne, %convert_element_type3A_1464, %cond3A_1465 : i32
      scf.if %cond3A_1466 {
        %add3A_2798 = arith.constant 2 : i32
        %add3A_2799 = arith.addi %add3A_42, %add3A_2798 : i32
        "tpu.region"() ({
          %run_scoped3A = tpu.sem_alloc : memref<!tpu.dma_semaphore, #tpu.memory_space<semaphore_mem>>
          %dma_start3A_2832 = arith.constant 0 : i32
          %dma_start3A_2833 = arith.constant 0 : i32
          %dma_start3A_2834 = arith.constant 0 : i32
          %dma_start3A_2835 = tpu.memref_slice %arg2[%add3A_2799, %dma_start3A_2832, %dma_start3A_2833, %dma_start3A_2834] : memref<3200x3x2x128xi32, #tpu.memory_space<hbm>> -> memref<1x3x2x128xi32, #tpu.memory_space<hbm>>
          %dma_start3A_2836 = tpu.memref_squeeze %dma_start3A_2835 : memref<1x3x2x128xi32, #tpu.memory_space<hbm>> -> memref<3x2x128xi32, #tpu.memory_space<hbm>>
          %dma_start3A_2837 = arith.constant 0 : i32
          %dma_start3A_2838 = arith.constant 0 : i32
          %dma_start3A_2839 = arith.constant 0 : i32
          %dma_start3A_2840 = tpu.memref_slice %arg2[%add3A_2799, %dma_start3A_2837, %dma_start3A_2838, %dma_start3A_2839] : memref<3200x3x2x128xi32, #tpu.memory_space<hbm>> -> memref<1x3x2x128xi32, #tpu.memory_space<hbm>>
          %dma_start3A_2841 = tpu.memref_squeeze %dma_start3A_2840 : memref<1x3x2x128xi32, #tpu.memory_space<hbm>> -> memref<3x2x128xi32, #tpu.memory_space<hbm>>
          tpu.enqueue_dma source(%dma_start3A_2841 : memref<3x2x128xi32, #tpu.memory_space<hbm>>) target(%arg7 : memref<3x2x128xi32, #tpu.memory_space<vmem>>) target_semaphore(%run_scoped3A : memref<!tpu.dma_semaphore, #tpu.memory_space<semaphore_mem>>)
          %dma_wait3A_2842 = arith.constant 0 : i32
          %dma_wait3A_2843 = arith.constant 0 : i32
          %dma_wait3A_2844 = arith.constant 0 : i32
          %dma_wait3A_2845 = tpu.memref_slice %arg2[%add3A_2799, %dma_wait3A_2842, %dma_wait3A_2843, %dma_wait3A_2844] : memref<3200x3x2x128xi32, #tpu.memory_space<hbm>> -> memref<1x3x2x128xi32, #tpu.memory_space<hbm>>
          %dma_wait3A_2846 = tpu.memref_squeeze %dma_wait3A_2845 : memref<1x3x2x128xi32, #tpu.memory_space<hbm>> -> memref<3x2x128xi32, #tpu.memory_space<hbm>>
          %dma_wait3A_2847 = arith.constant 0 : i32
          %dma_wait3A_2848 = arith.constant 0 : i32
          %dma_wait3A_2849 = arith.constant 0 : i32
          %dma_wait3A_2850 = tpu.memref_slice %arg2[%add3A_2799, %dma_wait3A_2847, %dma_wait3A_2848, %dma_wait3A_2849] : memref<3200x3x2x128xi32, #tpu.memory_space<hbm>> -> memref<1x3x2x128xi32, #tpu.memory_space<hbm>>
          %dma_wait3A_2851 = tpu.memref_squeeze %dma_wait3A_2850 : memref<1x3x2x128xi32, #tpu.memory_space<hbm>> -> memref<3x2x128xi32, #tpu.memory_space<hbm>>
          tpu.wait_dma2 semaphore(%run_scoped3A : memref<!tpu.dma_semaphore, #tpu.memory_space<semaphore_mem>>) src(%dma_wait3A_2851 : memref<3x2x128xi32, #tpu.memory_space<hbm>>) dst(%arg7 : memref<3x2x128xi32, #tpu.memory_space<vmem>>)
          tpu.yield
        }) : () -> ()
        %dma_start3A_2800 = arith.constant 0 : i32
        %dma_start3A_2801 = arith.constant 0 : i32
        %dma_start3A_2802 = arith.constant 0 : i32
        %dma_start3A_2803 = arith.constant 0 : i32
        %dma_start3A_2804 = arith.constant 0 : i32
        %dma_start3A_2805 = arith.constant 0 : i32
        %dma_start3A_2806 = tpu.memref_slice %arg9[%dma_start3A_2802, %dma_start3A_2804, %dma_start3A_2805] : memref<2x128x64xf32, #tpu.memory_space<vmem>> -> memref<1x128x64xf32, #tpu.memory_space<vmem>>
        %dma_start3A_2807 = tpu.memref_squeeze %dma_start3A_2806 : memref<1x128x64xf32, #tpu.memory_space<vmem>> -> memref<128x64xf32, #tpu.memory_space<vmem>>
        %dma_start3A_2808 = arith.constant 0 : i32
        %dma_start3A_2809 = tpu.memref_slice %arg7[%dma_start3A_2800, %dma_start3A_2801, %dma_start3A_2808] : memref<3x2x128xi32, #tpu.memory_space<vmem>> -> memref<1x1x128xi32, #tpu.memory_space<vmem>>
        %dma_start3A_2810 = tpu.memref_squeeze %dma_start3A_2809 : memref<1x1x128xi32, #tpu.memory_space<vmem>> -> memref<128xi32, #tpu.memory_space<vmem>>
        %dma_start3A_2811 = arith.constant 0 : i32
        %dma_start3A_2812 = arith.constant 0 : i32
        %dma_start3A_2813 = tpu.memref_slice %arg3[%dma_start3A_2811, %dma_start3A_2812] : memref<1000000x64xf32, #tpu.memory_space<hbm>> -> memref<1000000x64xf32, #tpu.memory_space<hbm>>
        %dma_start3A_2814 = tpu.memref_slice %arg15[%dma_start3A_2803] : memref<2x!tpu.dma_semaphore, #tpu.memory_space<semaphore_mem>> -> memref<1x!tpu.dma_semaphore, #tpu.memory_space<semaphore_mem>>
        %dma_start3A_2815 = tpu.memref_squeeze %dma_start3A_2814 : memref<1x!tpu.dma_semaphore, #tpu.memory_space<semaphore_mem>> -> memref<!tpu.dma_semaphore, #tpu.memory_space<semaphore_mem>>
        tpu.enqueue_indirect_dma source(%dma_start3A_2813 : memref<1000000x64xf32, #tpu.memory_space<hbm>>) target(%dma_start3A_2807 : memref<128x64xf32, #tpu.memory_space<vmem>>) offsets(%dma_start3A_2810 : memref<128xi32, #tpu.memory_space<vmem>>) semaphore(%dma_start3A_2815 : memref<!tpu.dma_semaphore, #tpu.memory_space<semaphore_mem>>)
        %dma_start3A_2816 = arith.constant 0 : i32
        %dma_start3A_2817 = arith.constant 1 : i32
        %dma_start3A_2818 = arith.constant 1 : i32
        %dma_start3A_2819 = arith.constant 0 : i32
        %dma_start3A_2820 = arith.constant 0 : i32
        %dma_start3A_2821 = arith.constant 0 : i32
        %dma_start3A_2822 = tpu.memref_slice %arg9[%dma_start3A_2818, %dma_start3A_2820, %dma_start3A_2821] : memref<2x128x64xf32, #tpu.memory_space<vmem>> -> memref<1x128x64xf32, #tpu.memory_space<vmem>>
        %dma_start3A_2823 = tpu.memref_squeeze %dma_start3A_2822 : memref<1x128x64xf32, #tpu.memory_space<vmem>> -> memref<128x64xf32, #tpu.memory_space<vmem>>
        %dma_start3A_2824 = arith.constant 0 : i32
        %dma_start3A_2825 = tpu.memref_slice %arg7[%dma_start3A_2816, %dma_start3A_2817, %dma_start3A_2824] : memref<3x2x128xi32, #tpu.memory_space<vmem>> -> memref<1x1x128xi32, #tpu.memory_space<vmem>>
        %dma_start3A_2826 = tpu.memref_squeeze %dma_start3A_2825 : memref<1x1x128xi32, #tpu.memory_space<vmem>> -> memref<128xi32, #tpu.memory_space<vmem>>
        %dma_start3A_2827 = arith.constant 0 : i32
        %dma_start3A_2828 = arith.constant 0 : i32
        %dma_start3A_2829 = tpu.memref_slice %arg3[%dma_start3A_2827, %dma_start3A_2828] : memref<1000000x64xf32, #tpu.memory_space<hbm>> -> memref<1000000x64xf32, #tpu.memory_space<hbm>>
        %dma_start3A_2830 = tpu.memref_slice %arg15[%dma_start3A_2819] : memref<2x!tpu.dma_semaphore, #tpu.memory_space<semaphore_mem>> -> memref<1x!tpu.dma_semaphore, #tpu.memory_space<semaphore_mem>>
        %dma_start3A_2831 = tpu.memref_squeeze %dma_start3A_2830 : memref<1x!tpu.dma_semaphore, #tpu.memory_space<semaphore_mem>> -> memref<!tpu.dma_semaphore, #tpu.memory_space<semaphore_mem>>
        tpu.enqueue_indirect_dma source(%dma_start3A_2829 : memref<1000000x64xf32, #tpu.memory_space<hbm>>) target(%dma_start3A_2823 : memref<128x64xf32, #tpu.memory_space<vmem>>) offsets(%dma_start3A_2826 : memref<128xi32, #tpu.memory_space<vmem>>) semaphore(%dma_start3A_2831 : memref<!tpu.dma_semaphore, #tpu.memory_space<semaphore_mem>>)
      } else {
      }
      %ge3A_1467 = arith.constant 1 : i32
      %ge3A_1468 = arith.cmpi sge, %scan3A_39, %ge3A_1467 : i32
      %convert_element_type3A_1469 = arith.extui %ge3A_1468 : i1 to i32
      %cond3A_1470 = arith.constant 0 : i32
      %cond3A_1471 = arith.cmpi ne, %convert_element_type3A_1469, %cond3A_1470 : i32
      scf.if %cond3A_1471 {
        %add3A_2798 = arith.constant 1 : i32
        %add3A_2799 = arith.addi %add3A_42, %add3A_2798 : i32
        %dma_wait3A_2800 = arith.constant 0 : i32
        %dma_wait3A_2801 = arith.constant 0 : i32
        %dma_wait3A_2802 = arith.constant 1 : i32
        %dma_wait3A_2803 = arith.constant 0 : i32
        %dma_wait3A_2804 = arith.constant 0 : i32
        %dma_wait3A_2805 = tpu.memref_slice %arg10[%dma_wait3A_2800, %dma_wait3A_2803, %dma_wait3A_2804] : memref<2x128x64xf32, #tpu.memory_space<vmem>> -> memref<1x128x64xf32, #tpu.memory_space<vmem>>
        %dma_wait3A_2806 = tpu.memref_squeeze %dma_wait3A_2805 : memref<1x128x64xf32, #tpu.memory_space<vmem>> -> memref<128x64xf32, #tpu.memory_space<vmem>>
        %dma_wait3A_2807 = arith.constant 0 : i32
        %dma_wait3A_2808 = arith.constant 0 : i32
        %dma_wait3A_2809 = tpu.memref_slice %arg6[%add3A_2799, %dma_wait3A_2801, %dma_wait3A_2807, %dma_wait3A_2808] : memref<3200x2x128x74xf32, #tpu.memory_space<hbm>> -> memref<1x1x128x64xf32, #tpu.memory_space<hbm>>
        %dma_wait3A_2810 = tpu.memref_squeeze %dma_wait3A_2809 : memref<1x1x128x64xf32, #tpu.memory_space<hbm>> -> memref<128x64xf32, #tpu.memory_space<hbm>>
        %dma_wait3A_2811 = tpu.memref_slice %arg16[%dma_wait3A_2802] : memref<2x!tpu.dma_semaphore, #tpu.memory_space<semaphore_mem>> -> memref<1x!tpu.dma_semaphore, #tpu.memory_space<semaphore_mem>>
        %dma_wait3A_2812 = tpu.memref_squeeze %dma_wait3A_2811 : memref<1x!tpu.dma_semaphore, #tpu.memory_space<semaphore_mem>> -> memref<!tpu.dma_semaphore, #tpu.memory_space<semaphore_mem>>
        %dma_wait3A_2813 = arith.constant 0 : i32
        %dma_wait3A_2814 = arith.constant 0 : i32
        %dma_wait3A_2815 = tpu.memref_slice %arg6[%add3A_2799, %dma_wait3A_2801, %dma_wait3A_2813, %dma_wait3A_2814] : memref<3200x2x128x74xf32, #tpu.memory_space<hbm>> -> memref<1x1x128x64xf32, #tpu.memory_space<hbm>>
        %dma_wait3A_2816 = tpu.memref_squeeze %dma_wait3A_2815 : memref<1x1x128x64xf32, #tpu.memory_space<hbm>> -> memref<128x64xf32, #tpu.memory_space<hbm>>
        %dma_wait3A_2817 = arith.constant 0 : i32
        %dma_wait3A_2818 = arith.constant 0 : i32
        %dma_wait3A_2819 = tpu.memref_slice %arg10[%dma_wait3A_2800, %dma_wait3A_2817, %dma_wait3A_2818] : memref<2x128x64xf32, #tpu.memory_space<vmem>> -> memref<1x128x64xf32, #tpu.memory_space<vmem>>
        %dma_wait3A_2820 = tpu.memref_squeeze %dma_wait3A_2819 : memref<1x128x64xf32, #tpu.memory_space<vmem>> -> memref<128x64xf32, #tpu.memory_space<vmem>>
        tpu.wait_dma2 semaphore(%dma_wait3A_2812 : memref<!tpu.dma_semaphore, #tpu.memory_space<semaphore_mem>>) src(%dma_wait3A_2820 : memref<128x64xf32, #tpu.memory_space<vmem>>) dst(%dma_wait3A_2816 : memref<128x64xf32, #tpu.memory_space<hbm>>)
        %dma_wait3A_2821 = arith.constant 0 : i32
        %dma_wait3A_2822 = arith.constant 0 : i32
        %dma_wait3A_2823 = arith.constant 1 : i32
        %dma_wait3A_2824 = arith.constant 0 : i32
        %dma_wait3A_2825 = arith.constant 0 : i32
        %dma_wait3A_2826 = tpu.memref_slice %arg12[%dma_wait3A_2821, %dma_wait3A_2824, %dma_wait3A_2825] : memref<2x128x10xf32, #tpu.memory_space<vmem>> -> memref<1x128x10xf32, #tpu.memory_space<vmem>>
        %dma_wait3A_2827 = tpu.memref_squeeze %dma_wait3A_2826 : memref<1x128x10xf32, #tpu.memory_space<vmem>> -> memref<128x10xf32, #tpu.memory_space<vmem>>
        %dma_wait3A_2828 = arith.constant 0 : i32
        %dma_wait3A_2829 = arith.constant 64 : i32
        %dma_wait3A_2830 = tpu.memref_slice %arg6[%add3A_2799, %dma_wait3A_2822, %dma_wait3A_2828, %dma_wait3A_2829] : memref<3200x2x128x74xf32, #tpu.memory_space<hbm>> -> memref<1x1x128x10xf32, #tpu.memory_space<hbm>>
        %dma_wait3A_2831 = tpu.memref_squeeze %dma_wait3A_2830 : memref<1x1x128x10xf32, #tpu.memory_space<hbm>> -> memref<128x10xf32, #tpu.memory_space<hbm>>
        %dma_wait3A_2832 = tpu.memref_slice %arg16[%dma_wait3A_2823] : memref<2x!tpu.dma_semaphore, #tpu.memory_space<semaphore_mem>> -> memref<1x!tpu.dma_semaphore, #tpu.memory_space<semaphore_mem>>
        %dma_wait3A_2833 = tpu.memref_squeeze %dma_wait3A_2832 : memref<1x!tpu.dma_semaphore, #tpu.memory_space<semaphore_mem>> -> memref<!tpu.dma_semaphore, #tpu.memory_space<semaphore_mem>>
        %dma_wait3A_2834 = arith.constant 0 : i32
        %dma_wait3A_2835 = arith.constant 64 : i32
        %dma_wait3A_2836 = tpu.memref_slice %arg6[%add3A_2799, %dma_wait3A_2822, %dma_wait3A_2834, %dma_wait3A_2835] : memref<3200x2x128x74xf32, #tpu.memory_space<hbm>> -> memref<1x1x128x10xf32, #tpu.memory_space<hbm>>
        %dma_wait3A_2837 = tpu.memref_squeeze %dma_wait3A_2836 : memref<1x1x128x10xf32, #tpu.memory_space<hbm>> -> memref<128x10xf32, #tpu.memory_space<hbm>>
        %dma_wait3A_2838 = arith.constant 0 : i32
        %dma_wait3A_2839 = arith.constant 0 : i32
        %dma_wait3A_2840 = tpu.memref_slice %arg12[%dma_wait3A_2821, %dma_wait3A_2838, %dma_wait3A_2839] : memref<2x128x10xf32, #tpu.memory_space<vmem>> -> memref<1x128x10xf32, #tpu.memory_space<vmem>>
        %dma_wait3A_2841 = tpu.memref_squeeze %dma_wait3A_2840 : memref<1x128x10xf32, #tpu.memory_space<vmem>> -> memref<128x10xf32, #tpu.memory_space<vmem>>
        tpu.wait_dma2 semaphore(%dma_wait3A_2833 : memref<!tpu.dma_semaphore, #tpu.memory_space<semaphore_mem>>) src(%dma_wait3A_2841 : memref<128x10xf32, #tpu.memory_space<vmem>>) dst(%dma_wait3A_2837 : memref<128x10xf32, #tpu.memory_space<hbm>>)
        %dma_wait3A_2842 = arith.constant 1 : i32
        %dma_wait3A_2843 = arith.constant 1 : i32
        %dma_wait3A_2844 = arith.constant 1 : i32
        %dma_wait3A_2845 = arith.constant 0 : i32
        %dma_wait3A_2846 = arith.constant 0 : i32
        %dma_wait3A_2847 = tpu.memref_slice %arg10[%dma_wait3A_2842, %dma_wait3A_2845, %dma_wait3A_2846] : memref<2x128x64xf32, #tpu.memory_space<vmem>> -> memref<1x128x64xf32, #tpu.memory_space<vmem>>
        %dma_wait3A_2848 = tpu.memref_squeeze %dma_wait3A_2847 : memref<1x128x64xf32, #tpu.memory_space<vmem>> -> memref<128x64xf32, #tpu.memory_space<vmem>>
        %dma_wait3A_2849 = arith.constant 0 : i32
        %dma_wait3A_2850 = arith.constant 0 : i32
        %dma_wait3A_2851 = tpu.memref_slice %arg6[%add3A_2799, %dma_wait3A_2843, %dma_wait3A_2849, %dma_wait3A_2850] : memref<3200x2x128x74xf32, #tpu.memory_space<hbm>> -> memref<1x1x128x64xf32, #tpu.memory_space<hbm>>
        %dma_wait3A_2852 = tpu.memref_squeeze %dma_wait3A_2851 : memref<1x1x128x64xf32, #tpu.memory_space<hbm>> -> memref<128x64xf32, #tpu.memory_space<hbm>>
        %dma_wait3A_2853 = tpu.memref_slice %arg16[%dma_wait3A_2844] : memref<2x!tpu.dma_semaphore, #tpu.memory_space<semaphore_mem>> -> memref<1x!tpu.dma_semaphore, #tpu.memory_space<semaphore_mem>>
        %dma_wait3A_2854 = tpu.memref_squeeze %dma_wait3A_2853 : memref<1x!tpu.dma_semaphore, #tpu.memory_space<semaphore_mem>> -> memref<!tpu.dma_semaphore, #tpu.memory_space<semaphore_mem>>
        %dma_wait3A_2855 = arith.constant 0 : i32
        %dma_wait3A_2856 = arith.constant 0 : i32
        %dma_wait3A_2857 = tpu.memref_slice %arg6[%add3A_2799, %dma_wait3A_2843, %dma_wait3A_2855, %dma_wait3A_2856] : memref<3200x2x128x74xf32, #tpu.memory_space<hbm>> -> memref<1x1x128x64xf32, #tpu.memory_space<hbm>>
        %dma_wait3A_2858 = tpu.memref_squeeze %dma_wait3A_2857 : memref<1x1x128x64xf32, #tpu.memory_space<hbm>> -> memref<128x64xf32, #tpu.memory_space<hbm>>
        %dma_wait3A_2859 = arith.constant 0 : i32
        %dma_wait3A_2860 = arith.constant 0 : i32
        %dma_wait3A_2861 = tpu.memref_slice %arg10[%dma_wait3A_2842, %dma_wait3A_2859, %dma_wait3A_2860] : memref<2x128x64xf32, #tpu.memory_space<vmem>> -> memref<1x128x64xf32, #tpu.memory_space<vmem>>
        %dma_wait3A_2862 = tpu.memref_squeeze %dma_wait3A_2861 : memref<1x128x64xf32, #tpu.memory_space<vmem>> -> memref<128x64xf32, #tpu.memory_space<vmem>>
        tpu.wait_dma2 semaphore(%dma_wait3A_2854 : memref<!tpu.dma_semaphore, #tpu.memory_space<semaphore_mem>>) src(%dma_wait3A_2862 : memref<128x64xf32, #tpu.memory_space<vmem>>) dst(%dma_wait3A_2858 : memref<128x64xf32, #tpu.memory_space<hbm>>)
        %dma_wait3A_2863 = arith.constant 1 : i32
        %dma_wait3A_2864 = arith.constant 1 : i32
        %dma_wait3A_2865 = arith.constant 1 : i32
        %dma_wait3A_2866 = arith.constant 0 : i32
        %dma_wait3A_2867 = arith.constant 0 : i32
        %dma_wait3A_2868 = tpu.memref_slice %arg12[%dma_wait3A_2863, %dma_wait3A_2866, %dma_wait3A_2867] : memref<2x128x10xf32, #tpu.memory_space<vmem>> -> memref<1x128x10xf32, #tpu.memory_space<vmem>>
        %dma_wait3A_2869 = tpu.memref_squeeze %dma_wait3A_2868 : memref<1x128x10xf32, #tpu.memory_space<vmem>> -> memref<128x10xf32, #tpu.memory_space<vmem>>
        %dma_wait3A_2870 = arith.constant 0 : i32
        %dma_wait3A_2871 = arith.constant 64 : i32
        %dma_wait3A_2872 = tpu.memref_slice %arg6[%add3A_2799, %dma_wait3A_2864, %dma_wait3A_2870, %dma_wait3A_2871] : memref<3200x2x128x74xf32, #tpu.memory_space<hbm>> -> memref<1x1x128x10xf32, #tpu.memory_space<hbm>>
        %dma_wait3A_2873 = tpu.memref_squeeze %dma_wait3A_2872 : memref<1x1x128x10xf32, #tpu.memory_space<hbm>> -> memref<128x10xf32, #tpu.memory_space<hbm>>
        %dma_wait3A_2874 = tpu.memref_slice %arg16[%dma_wait3A_2865] : memref<2x!tpu.dma_semaphore, #tpu.memory_space<semaphore_mem>> -> memref<1x!tpu.dma_semaphore, #tpu.memory_space<semaphore_mem>>
        %dma_wait3A_2875 = tpu.memref_squeeze %dma_wait3A_2874 : memref<1x!tpu.dma_semaphore, #tpu.memory_space<semaphore_mem>> -> memref<!tpu.dma_semaphore, #tpu.memory_space<semaphore_mem>>
        %dma_wait3A_2876 = arith.constant 0 : i32
        %dma_wait3A_2877 = arith.constant 64 : i32
        %dma_wait3A_2878 = tpu.memref_slice %arg6[%add3A_2799, %dma_wait3A_2864, %dma_wait3A_2876, %dma_wait3A_2877] : memref<3200x2x128x74xf32, #tpu.memory_space<hbm>> -> memref<1x1x128x10xf32, #tpu.memory_space<hbm>>
        %dma_wait3A_2879 = tpu.memref_squeeze %dma_wait3A_2878 : memref<1x1x128x10xf32, #tpu.memory_space<hbm>> -> memref<128x10xf32, #tpu.memory_space<hbm>>
        %dma_wait3A_2880 = arith.constant 0 : i32
        %dma_wait3A_2881 = arith.constant 0 : i32
        %dma_wait3A_2882 = tpu.memref_slice %arg12[%dma_wait3A_2863, %dma_wait3A_2880, %dma_wait3A_2881] : memref<2x128x10xf32, #tpu.memory_space<vmem>> -> memref<1x128x10xf32, #tpu.memory_space<vmem>>
        %dma_wait3A_2883 = tpu.memref_squeeze %dma_wait3A_2882 : memref<1x128x10xf32, #tpu.memory_space<vmem>> -> memref<128x10xf32, #tpu.memory_space<vmem>>
        tpu.wait_dma2 semaphore(%dma_wait3A_2875 : memref<!tpu.dma_semaphore, #tpu.memory_space<semaphore_mem>>) src(%dma_wait3A_2883 : memref<128x10xf32, #tpu.memory_space<vmem>>) dst(%dma_wait3A_2879 : memref<128x10xf32, #tpu.memory_space<hbm>>)
      } else {
      }
      %broadcast_in_dim3A_1472 = arith.constant 0 : i32
      %broadcast_in_dim3A_1473 = vector.broadcast %broadcast_in_dim3A_1472 : i32 to vector<16xi32>
      %iota3A_1474 = tpu.iota {dimensions = array<i32: 0>} : vector<16xi32>
      %add3A_1475 = arith.constant 0 : i32
      %add3A_1476 = vector.broadcast %add3A_1475 : i32 to vector<16xi32>
      %add3A_1477 = arith.addi %iota3A_1474, %add3A_1476 : vector<16xi32>
      %get3A_1478 = arith.constant 1 : i32
      %get3A_1479 = arith.constant 0 : i32
      %get3A_1480 = arith.index_cast %get3A_1478 : i32 to index
      %get3A_1481 = arith.index_cast %get3A_1479 : i32 to index
      %get3A_1482 = arith.constant 0 : index
      %get3A_1483 = tpu.vector_load %arg8[%get3A_1480, %get3A_1481, %get3A_1482] {strides = array<i32>} : memref<3x2x128xi32, #tpu.memory_space<vmem>>, vector<16xi32>,
      %mul3A_1484 = arith.constant 5 : i32
      %mul3A_1485 = vector.broadcast %mul3A_1484 : i32 to vector<16xi32>
      %mul3A_1486 = arith.muli %get3A_1483, %mul3A_1485 : vector<16xi32>
      %get3A_1487 = arith.constant 2 : i32
      %get3A_1488 = arith.constant 0 : i32
      %get3A_1489 = arith.index_cast %get3A_1487 : i32 to index
      %get3A_1490 = arith.index_cast %get3A_1488 : i32 to index
      %get3A_1491 = arith.constant 0 : index
      %get3A_1492 = tpu.vector_load %arg8[%get3A_1489, %get3A_1490, %get3A_1491] {strides = array<i32>} : memref<3x2x128xi32, #tpu.memory_space<vmem>>, vector<16xi32>,
      %mul3A_1493 = arith.constant 5 : i32
      %mul3A_1494 = vector.broadcast %mul3A_1493 : i32 to vector<16xi32>
      %mul3A_1495 = arith.muli %get3A_1492, %mul3A_1494 : vector<16xi32>
      %add3A_1496 = arith.constant 0 : i32
      %add3A_1497 = vector.broadcast %add3A_1496 : i32 to vector<16xi32>
      %add3A_1498 = arith.addi %mul3A_1486, %add3A_1497 : vector<16xi32>
      %gather3A_1499 = tpu.vector_load_idx %arg13[%add3A_1498] : memref<2000xf32, #tpu.memory_space<vmem>>[vector<16xi32>], vector<16xf32>,
      %broadcast_in_dim3A_1500 = arith.constant 0 : i32
      %broadcast_in_dim3A_1501 = vector.broadcast %broadcast_in_dim3A_1500 : i32 to vector<16xi32>
      tpu.vector_store_idx %arg12[%broadcast_in_dim3A_1473, %add3A_1477, %broadcast_in_dim3A_1501], %gather3A_1499 : memref<2x128x10xf32, #tpu.memory_space<vmem>>[vector<16xi32>, vector<16xi32>, vector<16xi32>], vector<16xf32>,
      %add3A_1502 = arith.constant 0 : i32
      %add3A_1503 = vector.broadcast %add3A_1502 : i32 to vector<16xi32>
      %add3A_1504 = arith.addi %mul3A_1495, %add3A_1503 : vector<16xi32>
      %gather3A_1505 = tpu.vector_load_idx %arg14[%add3A_1504] : memref<2000xf32, #tpu.memory_space<vmem>>[vector<16xi32>], vector<16xf32>,
      %broadcast_in_dim3A_1506 = arith.constant 5 : i32
      %broadcast_in_dim3A_1507 = vector.broadcast %broadcast_in_dim3A_1506 : i32 to vector<16xi32>
      tpu.vector_store_idx %arg12[%broadcast_in_dim3A_1473, %add3A_1477, %broadcast_in_dim3A_1507], %gather3A_1505 : memref<2x128x10xf32, #tpu.memory_space<vmem>>[vector<16xi32>, vector<16xi32>, vector<16xi32>], vector<16xf32>,
      %add3A_1508 = arith.constant 1 : i32
      %add3A_1509 = vector.broadcast %add3A_1508 : i32 to vector<16xi32>
      %add3A_1510 = arith.addi %mul3A_1486, %add3A_1509 : vector<16xi32>
      %gather3A_1511 = tpu.vector_load_idx %arg13[%add3A_1510] : memref<2000xf32, #tpu.memory_space<vmem>>[vector<16xi32>], vector<16xf32>,
      %broadcast_in_dim3A_1512 = arith.constant 1 : i32
      %broadcast_in_dim3A_1513 = vector.broadcast %broadcast_in_dim3A_1512 : i32 to vector<16xi32>
      tpu.vector_store_idx %arg12[%broadcast_in_dim3A_1473, %add3A_1477, %broadcast_in_dim3A_1513], %gather3A_1511 : memref<2x128x10xf32, #tpu.memory_space<vmem>>[vector<16xi32>, vector<16xi32>, vector<16xi32>], vector<16xf32>,
      %add3A_1514 = arith.constant 1 : i32
      %add3A_1515 = vector.broadcast %add3A_1514 : i32 to vector<16xi32>
      %add3A_1516 = arith.addi %mul3A_1495, %add3A_1515 : vector<16xi32>
      %gather3A_1517 = tpu.vector_load_idx %arg14[%add3A_1516] : memref<2000xf32, #tpu.memory_space<vmem>>[vector<16xi32>], vector<16xf32>,
      %broadcast_in_dim3A_1518 = arith.constant 6 : i32
      %broadcast_in_dim3A_1519 = vector.broadcast %broadcast_in_dim3A_1518 : i32 to vector<16xi32>
      tpu.vector_store_idx %arg12[%broadcast_in_dim3A_1473, %add3A_1477, %broadcast_in_dim3A_1519], %gather3A_1517 : memref<2x128x10xf32, #tpu.memory_space<vmem>>[vector<16xi32>, vector<16xi32>, vector<16xi32>], vector<16xf32>,
      %add3A_1520 = arith.constant 2 : i32
      %add3A_1521 = vector.broadcast %add3A_1520 : i32 to vector<16xi32>
      %add3A_1522 = arith.addi %mul3A_1486, %add3A_1521 : vector<16xi32>
      %gather3A_1523 = tpu.vector_load_idx %arg13[%add3A_1522] : memref<2000xf32, #tpu.memory_space<vmem>>[vector<16xi32>], vector<16xf32>,
      %broadcast_in_dim3A_1524 = arith.constant 2 : i32
      %broadcast_in_dim3A_1525 = vector.broadcast %broadcast_in_dim3A_1524 : i32 to vector<16xi32>
      tpu.vector_store_idx %arg12[%broadcast_in_dim3A_1473, %add3A_1477, %broadcast_in_dim3A_1525], %gather3A_1523 : memref<2x128x10xf32, #tpu.memory_space<vmem>>[vector<16xi32>, vector<16xi32>, vector<16xi32>], vector<16xf32>,
      %add3A_1526 = arith.constant 2 : i32
      %add3A_1527 = vector.broadcast %add3A_1526 : i32 to vector<16xi32>
      %add3A_1528 = arith.addi %mul3A_1495, %add3A_1527 : vector<16xi32>
      %gather3A_1529 = tpu.vector_load_idx %arg14[%add3A_1528] : memref<2000xf32, #tpu.memory_space<vmem>>[vector<16xi32>], vector<16xf32>,
      %broadcast_in_dim3A_1530 = arith.constant 7 : i32
      %broadcast_in_dim3A_1531 = vector.broadcast %broadcast_in_dim3A_1530 : i32 to vector<16xi32>
      tpu.vector_store_idx %arg12[%broadcast_in_dim3A_1473, %add3A_1477, %broadcast_in_dim3A_1531], %gather3A_1529 : memref<2x128x10xf32, #tpu.memory_space<vmem>>[vector<16xi32>, vector<16xi32>, vector<16xi32>], vector<16xf32>,
      %add3A_1532 = arith.constant 3 : i32
      %add3A_1533 = vector.broadcast %add3A_1532 : i32 to vector<16xi32>
      %add3A_1534 = arith.addi %mul3A_1486, %add3A_1533 : vector<16xi32>
      %gather3A_1535 = tpu.vector_load_idx %arg13[%add3A_1534] : memref<2000xf32, #tpu.memory_space<vmem>>[vector<16xi32>], vector<16xf32>,
      %broadcast_in_dim3A_1536 = arith.constant 3 : i32
      %broadcast_in_dim3A_1537 = vector.broadcast %broadcast_in_dim3A_1536 : i32 to vector<16xi32>
      tpu.vector_store_idx %arg12[%broadcast_in_dim3A_1473, %add3A_1477, %broadcast_in_dim3A_1537], %gather3A_1535 : memref<2x128x10xf32, #tpu.memory_space<vmem>>[vector<16xi32>, vector<16xi32>, vector<16xi32>], vector<16xf32>,
      %add3A_1538 = arith.constant 3 : i32
      %add3A_1539 = vector.broadcast %add3A_1538 : i32 to vector<16xi32>
      %add3A_1540 = arith.addi %mul3A_1495, %add3A_1539 : vector<16xi32>
      %gather3A_1541 = tpu.vector_load_idx %arg14[%add3A_1540] : memref<2000xf32, #tpu.memory_space<vmem>>[vector<16xi32>], vector<16xf32>,
      %broadcast_in_dim3A_1542 = arith.constant 8 : i32
      %broadcast_in_dim3A_1543 = vector.broadcast %broadcast_in_dim3A_1542 : i32 to vector<16xi32>
      tpu.vector_store_idx %arg12[%broadcast_in_dim3A_1473, %add3A_1477, %broadcast_in_dim3A_1543], %gather3A_1541 : memref<2x128x10xf32, #tpu.memory_space<vmem>>[vector<16xi32>, vector<16xi32>, vector<16xi32>], vector<16xf32>,
      %add3A_1544 = arith.constant 4 : i32
      %add3A_1545 = vector.broadcast %add3A_1544 : i32 to vector<16xi32>
      %add3A_1546 = arith.addi %mul3A_1486, %add3A_1545 : vector<16xi32>
      %gather3A_1547 = tpu.vector_load_idx %arg13[%add3A_1546] : memref<2000xf32, #tpu.memory_space<vmem>>[vector<16xi32>], vector<16xf32>,
      %broadcast_in_dim3A_1548 = arith.constant 4 : i32
      %broadcast_in_dim3A_1549 = vector.broadcast %broadcast_in_dim3A_1548 : i32 to vector<16xi32>
      tpu.vector_store_idx %arg12[%broadcast_in_dim3A_1473, %add3A_1477, %broadcast_in_dim3A_1549], %gather3A_1547 : memref<2x128x10xf32, #tpu.memory_space<vmem>>[vector<16xi32>, vector<16xi32>, vector<16xi32>], vector<16xf32>,
      %add3A_1550 = arith.constant 4 : i32
      %add3A_1551 = vector.broadcast %add3A_1550 : i32 to vector<16xi32>
      %add3A_1552 = arith.addi %mul3A_1495, %add3A_1551 : vector<16xi32>
      %gather3A_1553 = tpu.vector_load_idx %arg14[%add3A_1552] : memref<2000xf32, #tpu.memory_space<vmem>>[vector<16xi32>], vector<16xf32>,
      %broadcast_in_dim3A_1554 = arith.constant 9 : i32
      %broadcast_in_dim3A_1555 = vector.broadcast %broadcast_in_dim3A_1554 : i32 to vector<16xi32>
      tpu.vector_store_idx %arg12[%broadcast_in_dim3A_1473, %add3A_1477, %broadcast_in_dim3A_1555], %gather3A_1553 : memref<2x128x10xf32, #tpu.memory_space<vmem>>[vector<16xi32>, vector<16xi32>, vector<16xi32>], vector<16xf32>,
      %iota3A_1556 = tpu.iota {dimensions = array<i32: 0>} : vector<16xi32>
      %add3A_1557 = arith.constant 16 : i32
      %add3A_1558 = vector.broadcast %add3A_1557 : i32 to vector<16xi32>
      %add3A_1559 = arith.addi %iota3A_1556, %add3A_1558 : vector<16xi32>
      %get3A_1560 = arith.constant 1 : i32
      %get3A_1561 = arith.constant 0 : i32
      %get3A_1562 = arith.index_cast %get3A_1560 : i32 to index
      %get3A_1563 = arith.index_cast %get3A_1561 : i32 to index
      %get3A_1564 = arith.constant 16 : index
      %get3A_1565 = tpu.vector_load %arg8[%get3A_1562, %get3A_1563, %get3A_1564] {strides = array<i32>} : memref<3x2x128xi32, #tpu.memory_space<vmem>>, vector<16xi32>,
      %mul3A_1566 = arith.constant 5 : i32
      %mul3A_1567 = vector.broadcast %mul3A_1566 : i32 to vector<16xi32>
      %mul3A_1568 = arith.muli %get3A_1565, %mul3A_1567 : vector<16xi32>
      %get3A_1569 = arith.constant 2 : i32
      %get3A_1570 = arith.constant 0 : i32
      %get3A_1571 = arith.index_cast %get3A_1569 : i32 to index
      %get3A_1572 = arith.index_cast %get3A_1570 : i32 to index
      %get3A_1573 = arith.constant 16 : index
      %get3A_1574 = tpu.vector_load %arg8[%get3A_1571, %get3A_1572, %get3A_1573] {strides = array<i32>} : memref<3x2x128xi32, #tpu.memory_space<vmem>>, vector<16xi32>,
      %mul3A_1575 = arith.constant 5 : i32
      %mul3A_1576 = vector.broadcast %mul3A_1575 : i32 to vector<16xi32>
      %mul3A_1577 = arith.muli %get3A_1574, %mul3A_1576 : vector<16xi32>
      %add3A_1578 = arith.constant 0 : i32
      %add3A_1579 = vector.broadcast %add3A_1578 : i32 to vector<16xi32>
      %add3A_1580 = arith.addi %mul3A_1568, %add3A_1579 : vector<16xi32>
      %gather3A_1581 = tpu.vector_load_idx %arg13[%add3A_1580] : memref<2000xf32, #tpu.memory_space<vmem>>[vector<16xi32>], vector<16xf32>,
      %broadcast_in_dim3A_1582 = arith.constant 0 : i32
      %broadcast_in_dim3A_1583 = vector.broadcast %broadcast_in_dim3A_1582 : i32 to vector<16xi32>
      tpu.vector_store_idx %arg12[%broadcast_in_dim3A_1473, %add3A_1559, %broadcast_in_dim3A_1583], %gather3A_1581 : memref<2x128x10xf32, #tpu.memory_space<vmem>>[vector<16xi32>, vector<16xi32>, vector<16xi32>], vector<16xf32>,
      %add3A_1584 = arith.constant 0 : i32
      %add3A_1585 = vector.broadcast %add3A_1584 : i32 to vector<16xi32>
      %add3A_1586 = arith.addi %mul3A_1577, %add3A_1585 : vector<16xi32>
      %gather3A_1587 = tpu.vector_load_idx %arg14[%add3A_1586] : memref<2000xf32, #tpu.memory_space<vmem>>[vector<16xi32>], vector<16xf32>,
      %broadcast_in_dim3A_1588 = arith.constant 5 : i32
      %broadcast_in_dim3A_1589 = vector.broadcast %broadcast_in_dim3A_1588 : i32 to vector<16xi32>
      tpu.vector_store_idx %arg12[%broadcast_in_dim3A_1473, %add3A_1559, %broadcast_in_dim3A_1589], %gather3A_1587 : memref<2x128x10xf32, #tpu.memory_space<vmem>>[vector<16xi32>, vector<16xi32>, vector<16xi32>], vector<16xf32>,
      %add3A_1590 = arith.constant 1 : i32
      %add3A_1591 = vector.broadcast %add3A_1590 : i32 to vector<16xi32>
      %add3A_1592 = arith.addi %mul3A_1568, %add3A_1591 : vector<16xi32>
      %gather3A_1593 = tpu.vector_load_idx %arg13[%add3A_1592] : memref<2000xf32, #tpu.memory_space<vmem>>[vector<16xi32>], vector<16xf32>,
      %broadcast_in_dim3A_1594 = arith.constant 1 : i32
      %broadcast_in_dim3A_1595 = vector.broadcast %broadcast_in_dim3A_1594 : i32 to vector<16xi32>
      tpu.vector_store_idx %arg12[%broadcast_in_dim3A_1473, %add3A_1559, %broadcast_in_dim3A_1595], %gather3A_1593 : memref<2x128x10xf32, #tpu.memory_space<vmem>>[vector<16xi32>, vector<16xi32>, vector<16xi32>], vector<16xf32>,
      %add3A_1596 = arith.constant 1 : i32
      %add3A_1597 = vector.broadcast %add3A_1596 : i32 to vector<16xi32>
      %add3A_1598 = arith.addi %mul3A_1577, %add3A_1597 : vector<16xi32>
      %gather3A_1599 = tpu.vector_load_idx %arg14[%add3A_1598] : memref<2000xf32, #tpu.memory_space<vmem>>[vector<16xi32>], vector<16xf32>,
      %broadcast_in_dim3A_1600 = arith.constant 6 : i32
      %broadcast_in_dim3A_1601 = vector.broadcast %broadcast_in_dim3A_1600 : i32 to vector<16xi32>
      tpu.vector_store_idx %arg12[%broadcast_in_dim3A_1473, %add3A_1559, %broadcast_in_dim3A_1601], %gather3A_1599 : memref<2x128x10xf32, #tpu.memory_space<vmem>>[vector<16xi32>, vector<16xi32>, vector<16xi32>], vector<16xf32>,
      %add3A_1602 = arith.constant 2 : i32
      %add3A_1603 = vector.broadcast %add3A_1602 : i32 to vector<16xi32>
      %add3A_1604 = arith.addi %mul3A_1568, %add3A_1603 : vector<16xi32>
      %gather3A_1605 = tpu.vector_load_idx %arg13[%add3A_1604] : memref<2000xf32, #tpu.memory_space<vmem>>[vector<16xi32>], vector<16xf32>,
      %broadcast_in_dim3A_1606 = arith.constant 2 : i32
      %broadcast_in_dim3A_1607 = vector.broadcast %broadcast_in_dim3A_1606 : i32 to vector<16xi32>
      tpu.vector_store_idx %arg12[%broadcast_in_dim3A_1473, %add3A_1559, %broadcast_in_dim3A_1607], %gather3A_1605 : memref<2x128x10xf32, #tpu.memory_space<vmem>>[vector<16xi32>, vector<16xi32>, vector<16xi32>], vector<16xf32>,
      %add3A_1608 = arith.constant 2 : i32
      %add3A_1609 = vector.broadcast %add3A_1608 : i32 to vector<16xi32>
      %add3A_1610 = arith.addi %mul3A_1577, %add3A_1609 : vector<16xi32>
      %gather3A_1611 = tpu.vector_load_idx %arg14[%add3A_1610] : memref<2000xf32, #tpu.memory_space<vmem>>[vector<16xi32>], vector<16xf32>,
      %broadcast_in_dim3A_1612 = arith.constant 7 : i32
      %broadcast_in_dim3A_1613 = vector.broadcast %broadcast_in_dim3A_1612 : i32 to vector<16xi32>
      tpu.vector_store_idx %arg12[%broadcast_in_dim3A_1473, %add3A_1559, %broadcast_in_dim3A_1613], %gather3A_1611 : memref<2x128x10xf32, #tpu.memory_space<vmem>>[vector<16xi32>, vector<16xi32>, vector<16xi32>], vector<16xf32>,
      %add3A_1614 = arith.constant 3 : i32
      %add3A_1615 = vector.broadcast %add3A_1614 : i32 to vector<16xi32>
      %add3A_1616 = arith.addi %mul3A_1568, %add3A_1615 : vector<16xi32>
      %gather3A_1617 = tpu.vector_load_idx %arg13[%add3A_1616] : memref<2000xf32, #tpu.memory_space<vmem>>[vector<16xi32>], vector<16xf32>,
      %broadcast_in_dim3A_1618 = arith.constant 3 : i32
      %broadcast_in_dim3A_1619 = vector.broadcast %broadcast_in_dim3A_1618 : i32 to vector<16xi32>
      tpu.vector_store_idx %arg12[%broadcast_in_dim3A_1473, %add3A_1559, %broadcast_in_dim3A_1619], %gather3A_1617 : memref<2x128x10xf32, #tpu.memory_space<vmem>>[vector<16xi32>, vector<16xi32>, vector<16xi32>], vector<16xf32>,
      %add3A_1620 = arith.constant 3 : i32
      %add3A_1621 = vector.broadcast %add3A_1620 : i32 to vector<16xi32>
      %add3A_1622 = arith.addi %mul3A_1577, %add3A_1621 : vector<16xi32>
      %gather3A_1623 = tpu.vector_load_idx %arg14[%add3A_1622] : memref<2000xf32, #tpu.memory_space<vmem>>[vector<16xi32>], vector<16xf32>,
      %broadcast_in_dim3A_1624 = arith.constant 8 : i32
      %broadcast_in_dim3A_1625 = vector.broadcast %broadcast_in_dim3A_1624 : i32 to vector<16xi32>
      tpu.vector_store_idx %arg12[%broadcast_in_dim3A_1473, %add3A_1559, %broadcast_in_dim3A_1625], %gather3A_1623 : memref<2x128x10xf32, #tpu.memory_space<vmem>>[vector<16xi32>, vector<16xi32>, vector<16xi32>], vector<16xf32>,
      %add3A_1626 = arith.constant 4 : i32
      %add3A_1627 = vector.broadcast %add3A_1626 : i32 to vector<16xi32>
      %add3A_1628 = arith.addi %mul3A_1568, %add3A_1627 : vector<16xi32>
      %gather3A_1629 = tpu.vector_load_idx %arg13[%add3A_1628] : memref<2000xf32, #tpu.memory_space<vmem>>[vector<16xi32>], vector<16xf32>,
      %broadcast_in_dim3A_1630 = arith.constant 4 : i32
      %broadcast_in_dim3A_1631 = vector.broadcast %broadcast_in_dim3A_1630 : i32 to vector<16xi32>
      tpu.vector_store_idx %arg12[%broadcast_in_dim3A_1473, %add3A_1559, %broadcast_in_dim3A_1631], %gather3A_1629 : memref<2x128x10xf32, #tpu.memory_space<vmem>>[vector<16xi32>, vector<16xi32>, vector<16xi32>], vector<16xf32>,
      %add3A_1632 = arith.constant 4 : i32
      %add3A_1633 = vector.broadcast %add3A_1632 : i32 to vector<16xi32>
      %add3A_1634 = arith.addi %mul3A_1577, %add3A_1633 : vector<16xi32>
      %gather3A_1635 = tpu.vector_load_idx %arg14[%add3A_1634] : memref<2000xf32, #tpu.memory_space<vmem>>[vector<16xi32>], vector<16xf32>,
      %broadcast_in_dim3A_1636 = arith.constant 9 : i32
      %broadcast_in_dim3A_1637 = vector.broadcast %broadcast_in_dim3A_1636 : i32 to vector<16xi32>
      tpu.vector_store_idx %arg12[%broadcast_in_dim3A_1473, %add3A_1559, %broadcast_in_dim3A_1637], %gather3A_1635 : memref<2x128x10xf32, #tpu.memory_space<vmem>>[vector<16xi32>, vector<16xi32>, vector<16xi32>], vector<16xf32>,
      %iota3A_1638 = tpu.iota {dimensions = array<i32: 0>} : vector<16xi32>
      %add3A_1639 = arith.constant 32 : i32
      %add3A_1640 = vector.broadcast %add3A_1639 : i32 to vector<16xi32>
      %add3A_1641 = arith.addi %iota3A_1638, %add3A_1640 : vector<16xi32>
      %get3A_1642 = arith.constant 1 : i32
      %get3A_1643 = arith.constant 0 : i32
      %get3A_1644 = arith.index_cast %get3A_1642 : i32 to index
      %get3A_1645 = arith.index_cast %get3A_1643 : i32 to index
      %get3A_1646 = arith.constant 32 : index
      %get3A_1647 = tpu.vector_load %arg8[%get3A_1644, %get3A_1645, %get3A_1646] {strides = array<i32>} : memref<3x2x128xi32, #tpu.memory_space<vmem>>, vector<16xi32>,
      %mul3A_1648 = arith.constant 5 : i32
      %mul3A_1649 = vector.broadcast %mul3A_1648 : i32 to vector<16xi32>
      %mul3A_1650 = arith.muli %get3A_1647, %mul3A_1649 : vector<16xi32>
      %get3A_1651 = arith.constant 2 : i32
      %get3A_1652 = arith.constant 0 : i32
      %get3A_1653 = arith.index_cast %get3A_1651 : i32 to index
      %get3A_1654 = arith.index_cast %get3A_1652 : i32 to index
      %get3A_1655 = arith.constant 32 : index
      %get3A_1656 = tpu.vector_load %arg8[%get3A_1653, %get3A_1654, %get3A_1655] {strides = array<i32>} : memref<3x2x128xi32, #tpu.memory_space<vmem>>, vector<16xi32>,
      %mul3A_1657 = arith.constant 5 : i32
      %mul3A_1658 = vector.broadcast %mul3A_1657 : i32 to vector<16xi32>
      %mul3A_1659 = arith.muli %get3A_1656, %mul3A_1658 : vector<16xi32>
      %add3A_1660 = arith.constant 0 : i32
      %add3A_1661 = vector.broadcast %add3A_1660 : i32 to vector<16xi32>
      %add3A_1662 = arith.addi %mul3A_1650, %add3A_1661 : vector<16xi32>
      %gather3A_1663 = tpu.vector_load_idx %arg13[%add3A_1662] : memref<2000xf32, #tpu.memory_space<vmem>>[vector<16xi32>], vector<16xf32>,
      %broadcast_in_dim3A_1664 = arith.constant 0 : i32
      %broadcast_in_dim3A_1665 = vector.broadcast %broadcast_in_dim3A_1664 : i32 to vector<16xi32>
      tpu.vector_store_idx %arg12[%broadcast_in_dim3A_1473, %add3A_1641, %broadcast_in_dim3A_1665], %gather3A_1663 : memref<2x128x10xf32, #tpu.memory_space<vmem>>[vector<16xi32>, vector<16xi32>, vector<16xi32>], vector<16xf32>,
      %add3A_1666 = arith.constant 0 : i32
      %add3A_1667 = vector.broadcast %add3A_1666 : i32 to vector<16xi32>
      %add3A_1668 = arith.addi %mul3A_1659, %add3A_1667 : vector<16xi32>
      %gather3A_1669 = tpu.vector_load_idx %arg14[%add3A_1668] : memref<2000xf32, #tpu.memory_space<vmem>>[vector<16xi32>], vector<16xf32>,
      %broadcast_in_dim3A_1670 = arith.constant 5 : i32
      %broadcast_in_dim3A_1671 = vector.broadcast %broadcast_in_dim3A_1670 : i32 to vector<16xi32>
      tpu.vector_store_idx %arg12[%broadcast_in_dim3A_1473, %add3A_1641, %broadcast_in_dim3A_1671], %gather3A_1669 : memref<2x128x10xf32, #tpu.memory_space<vmem>>[vector<16xi32>, vector<16xi32>, vector<16xi32>], vector<16xf32>,
      %add3A_1672 = arith.constant 1 : i32
      %add3A_1673 = vector.broadcast %add3A_1672 : i32 to vector<16xi32>
      %add3A_1674 = arith.addi %mul3A_1650, %add3A_1673 : vector<16xi32>
      %gather3A_1675 = tpu.vector_load_idx %arg13[%add3A_1674] : memref<2000xf32, #tpu.memory_space<vmem>>[vector<16xi32>], vector<16xf32>,
      %broadcast_in_dim3A_1676 = arith.constant 1 : i32
      %broadcast_in_dim3A_1677 = vector.broadcast %broadcast_in_dim3A_1676 : i32 to vector<16xi32>
      tpu.vector_store_idx %arg12[%broadcast_in_dim3A_1473, %add3A_1641, %broadcast_in_dim3A_1677], %gather3A_1675 : memref<2x128x10xf32, #tpu.memory_space<vmem>>[vector<16xi32>, vector<16xi32>, vector<16xi32>], vector<16xf32>,
      %add3A_1678 = arith.constant 1 : i32
      %add3A_1679 = vector.broadcast %add3A_1678 : i32 to vector<16xi32>
      %add3A_1680 = arith.addi %mul3A_1659, %add3A_1679 : vector<16xi32>
      %gather3A_1681 = tpu.vector_load_idx %arg14[%add3A_1680] : memref<2000xf32, #tpu.memory_space<vmem>>[vector<16xi32>], vector<16xf32>,
      %broadcast_in_dim3A_1682 = arith.constant 6 : i32
      %broadcast_in_dim3A_1683 = vector.broadcast %broadcast_in_dim3A_1682 : i32 to vector<16xi32>
      tpu.vector_store_idx %arg12[%broadcast_in_dim3A_1473, %add3A_1641, %broadcast_in_dim3A_1683], %gather3A_1681 : memref<2x128x10xf32, #tpu.memory_space<vmem>>[vector<16xi32>, vector<16xi32>, vector<16xi32>], vector<16xf32>,
      %add3A_1684 = arith.constant 2 : i32
      %add3A_1685 = vector.broadcast %add3A_1684 : i32 to vector<16xi32>
      %add3A_1686 = arith.addi %mul3A_1650, %add3A_1685 : vector<16xi32>
      %gather3A_1687 = tpu.vector_load_idx %arg13[%add3A_1686] : memref<2000xf32, #tpu.memory_space<vmem>>[vector<16xi32>], vector<16xf32>,
      %broadcast_in_dim3A_1688 = arith.constant 2 : i32
      %broadcast_in_dim3A_1689 = vector.broadcast %broadcast_in_dim3A_1688 : i32 to vector<16xi32>
      tpu.vector_store_idx %arg12[%broadcast_in_dim3A_1473, %add3A_1641, %broadcast_in_dim3A_1689], %gather3A_1687 : memref<2x128x10xf32, #tpu.memory_space<vmem>>[vector<16xi32>, vector<16xi32>, vector<16xi32>], vector<16xf32>,
      %add3A_1690 = arith.constant 2 : i32
      %add3A_1691 = vector.broadcast %add3A_1690 : i32 to vector<16xi32>
      %add3A_1692 = arith.addi %mul3A_1659, %add3A_1691 : vector<16xi32>
      %gather3A_1693 = tpu.vector_load_idx %arg14[%add3A_1692] : memref<2000xf32, #tpu.memory_space<vmem>>[vector<16xi32>], vector<16xf32>,
      %broadcast_in_dim3A_1694 = arith.constant 7 : i32
      %broadcast_in_dim3A_1695 = vector.broadcast %broadcast_in_dim3A_1694 : i32 to vector<16xi32>
      tpu.vector_store_idx %arg12[%broadcast_in_dim3A_1473, %add3A_1641, %broadcast_in_dim3A_1695], %gather3A_1693 : memref<2x128x10xf32, #tpu.memory_space<vmem>>[vector<16xi32>, vector<16xi32>, vector<16xi32>], vector<16xf32>,
      %add3A_1696 = arith.constant 3 : i32
      %add3A_1697 = vector.broadcast %add3A_1696 : i32 to vector<16xi32>
      %add3A_1698 = arith.addi %mul3A_1650, %add3A_1697 : vector<16xi32>
      %gather3A_1699 = tpu.vector_load_idx %arg13[%add3A_1698] : memref<2000xf32, #tpu.memory_space<vmem>>[vector<16xi32>], vector<16xf32>,
      %broadcast_in_dim3A_1700 = arith.constant 3 : i32
      %broadcast_in_dim3A_1701 = vector.broadcast %broadcast_in_dim3A_1700 : i32 to vector<16xi32>
      tpu.vector_store_idx %arg12[%broadcast_in_dim3A_1473, %add3A_1641, %broadcast_in_dim3A_1701], %gather3A_1699 : memref<2x128x10xf32, #tpu.memory_space<vmem>>[vector<16xi32>, vector<16xi32>, vector<16xi32>], vector<16xf32>,
      %add3A_1702 = arith.constant 3 : i32
      %add3A_1703 = vector.broadcast %add3A_1702 : i32 to vector<16xi32>
      %add3A_1704 = arith.addi %mul3A_1659, %add3A_1703 : vector<16xi32>
      %gather3A_1705 = tpu.vector_load_idx %arg14[%add3A_1704] : memref<2000xf32, #tpu.memory_space<vmem>>[vector<16xi32>], vector<16xf32>,
      %broadcast_in_dim3A_1706 = arith.constant 8 : i32
      %broadcast_in_dim3A_1707 = vector.broadcast %broadcast_in_dim3A_1706 : i32 to vector<16xi32>
      tpu.vector_store_idx %arg12[%broadcast_in_dim3A_1473, %add3A_1641, %broadcast_in_dim3A_1707], %gather3A_1705 : memref<2x128x10xf32, #tpu.memory_space<vmem>>[vector<16xi32>, vector<16xi32>, vector<16xi32>], vector<16xf32>,
      %add3A_1708 = arith.constant 4 : i32
      %add3A_1709 = vector.broadcast %add3A_1708 : i32 to vector<16xi32>
      %add3A_1710 = arith.addi %mul3A_1650, %add3A_1709 : vector<16xi32>
      %gather3A_1711 = tpu.vector_load_idx %arg13[%add3A_1710] : memref<2000xf32, #tpu.memory_space<vmem>>[vector<16xi32>], vector<16xf32>,
      %broadcast_in_dim3A_1712 = arith.constant 4 : i32
      %broadcast_in_dim3A_1713 = vector.broadcast %broadcast_in_dim3A_1712 : i32 to vector<16xi32>
      tpu.vector_store_idx %arg12[%broadcast_in_dim3A_1473, %add3A_1641, %broadcast_in_dim3A_1713], %gather3A_1711 : memref<2x128x10xf32, #tpu.memory_space<vmem>>[vector<16xi32>, vector<16xi32>, vector<16xi32>], vector<16xf32>,
      %add3A_1714 = arith.constant 4 : i32
      %add3A_1715 = vector.broadcast %add3A_1714 : i32 to vector<16xi32>
      %add3A_1716 = arith.addi %mul3A_1659, %add3A_1715 : vector<16xi32>
      %gather3A_1717 = tpu.vector_load_idx %arg14[%add3A_1716] : memref<2000xf32, #tpu.memory_space<vmem>>[vector<16xi32>], vector<16xf32>,
      %broadcast_in_dim3A_1718 = arith.constant 9 : i32
      %broadcast_in_dim3A_1719 = vector.broadcast %broadcast_in_dim3A_1718 : i32 to vector<16xi32>
      tpu.vector_store_idx %arg12[%broadcast_in_dim3A_1473, %add3A_1641, %broadcast_in_dim3A_1719], %gather3A_1717 : memref<2x128x10xf32, #tpu.memory_space<vmem>>[vector<16xi32>, vector<16xi32>, vector<16xi32>], vector<16xf32>,
      %iota3A_1720 = tpu.iota {dimensions = array<i32: 0>} : vector<16xi32>
      %add3A_1721 = arith.constant 48 : i32
      %add3A_1722 = vector.broadcast %add3A_1721 : i32 to vector<16xi32>
      %add3A_1723 = arith.addi %iota3A_1720, %add3A_1722 : vector<16xi32>
      %get3A_1724 = arith.constant 1 : i32
      %get3A_1725 = arith.constant 0 : i32
      %get3A_1726 = arith.index_cast %get3A_1724 : i32 to index
      %get3A_1727 = arith.index_cast %get3A_1725 : i32 to index
      %get3A_1728 = arith.constant 48 : index
      %get3A_1729 = tpu.vector_load %arg8[%get3A_1726, %get3A_1727, %get3A_1728] {strides = array<i32>} : memref<3x2x128xi32, #tpu.memory_space<vmem>>, vector<16xi32>,
      %mul3A_1730 = arith.constant 5 : i32
      %mul3A_1731 = vector.broadcast %mul3A_1730 : i32 to vector<16xi32>
      %mul3A_1732 = arith.muli %get3A_1729, %mul3A_1731 : vector<16xi32>
      %get3A_1733 = arith.constant 2 : i32
      %get3A_1734 = arith.constant 0 : i32
      %get3A_1735 = arith.index_cast %get3A_1733 : i32 to index
      %get3A_1736 = arith.index_cast %get3A_1734 : i32 to index
      %get3A_1737 = arith.constant 48 : index
      %get3A_1738 = tpu.vector_load %arg8[%get3A_1735, %get3A_1736, %get3A_1737] {strides = array<i32>} : memref<3x2x128xi32, #tpu.memory_space<vmem>>, vector<16xi32>,
      %mul3A_1739 = arith.constant 5 : i32
      %mul3A_1740 = vector.broadcast %mul3A_1739 : i32 to vector<16xi32>
      %mul3A_1741 = arith.muli %get3A_1738, %mul3A_1740 : vector<16xi32>
      %add3A_1742 = arith.constant 0 : i32
      %add3A_1743 = vector.broadcast %add3A_1742 : i32 to vector<16xi32>
      %add3A_1744 = arith.addi %mul3A_1732, %add3A_1743 : vector<16xi32>
      %gather3A_1745 = tpu.vector_load_idx %arg13[%add3A_1744] : memref<2000xf32, #tpu.memory_space<vmem>>[vector<16xi32>], vector<16xf32>,
      %broadcast_in_dim3A_1746 = arith.constant 0 : i32
      %broadcast_in_dim3A_1747 = vector.broadcast %broadcast_in_dim3A_1746 : i32 to vector<16xi32>
      tpu.vector_store_idx %arg12[%broadcast_in_dim3A_1473, %add3A_1723, %broadcast_in_dim3A_1747], %gather3A_1745 : memref<2x128x10xf32, #tpu.memory_space<vmem>>[vector<16xi32>, vector<16xi32>, vector<16xi32>], vector<16xf32>,
      %add3A_1748 = arith.constant 0 : i32
      %add3A_1749 = vector.broadcast %add3A_1748 : i32 to vector<16xi32>
      %add3A_1750 = arith.addi %mul3A_1741, %add3A_1749 : vector<16xi32>
      %gather3A_1751 = tpu.vector_load_idx %arg14[%add3A_1750] : memref<2000xf32, #tpu.memory_space<vmem>>[vector<16xi32>], vector<16xf32>,
      %broadcast_in_dim3A_1752 = arith.constant 5 : i32
      %broadcast_in_dim3A_1753 = vector.broadcast %broadcast_in_dim3A_1752 : i32 to vector<16xi32>
      tpu.vector_store_idx %arg12[%broadcast_in_dim3A_1473, %add3A_1723, %broadcast_in_dim3A_1753], %gather3A_1751 : memref<2x128x10xf32, #tpu.memory_space<vmem>>[vector<16xi32>, vector<16xi32>, vector<16xi32>], vector<16xf32>,
      %add3A_1754 = arith.constant 1 : i32
      %add3A_1755 = vector.broadcast %add3A_1754 : i32 to vector<16xi32>
      %add3A_1756 = arith.addi %mul3A_1732, %add3A_1755 : vector<16xi32>
      %gather3A_1757 = tpu.vector_load_idx %arg13[%add3A_1756] : memref<2000xf32, #tpu.memory_space<vmem>>[vector<16xi32>], vector<16xf32>,
      %broadcast_in_dim3A_1758 = arith.constant 1 : i32
      %broadcast_in_dim3A_1759 = vector.broadcast %broadcast_in_dim3A_1758 : i32 to vector<16xi32>
      tpu.vector_store_idx %arg12[%broadcast_in_dim3A_1473, %add3A_1723, %broadcast_in_dim3A_1759], %gather3A_1757 : memref<2x128x10xf32, #tpu.memory_space<vmem>>[vector<16xi32>, vector<16xi32>, vector<16xi32>], vector<16xf32>,
      %add3A_1760 = arith.constant 1 : i32
      %add3A_1761 = vector.broadcast %add3A_1760 : i32 to vector<16xi32>
      %add3A_1762 = arith.addi %mul3A_1741, %add3A_1761 : vector<16xi32>
      %gather3A_1763 = tpu.vector_load_idx %arg14[%add3A_1762] : memref<2000xf32, #tpu.memory_space<vmem>>[vector<16xi32>], vector<16xf32>,
      %broadcast_in_dim3A_1764 = arith.constant 6 : i32
      %broadcast_in_dim3A_1765 = vector.broadcast %broadcast_in_dim3A_1764 : i32 to vector<16xi32>
      tpu.vector_store_idx %arg12[%broadcast_in_dim3A_1473, %add3A_1723, %broadcast_in_dim3A_1765], %gather3A_1763 : memref<2x128x10xf32, #tpu.memory_space<vmem>>[vector<16xi32>, vector<16xi32>, vector<16xi32>], vector<16xf32>,
      %add3A_1766 = arith.constant 2 : i32
      %add3A_1767 = vector.broadcast %add3A_1766 : i32 to vector<16xi32>
      %add3A_1768 = arith.addi %mul3A_1732, %add3A_1767 : vector<16xi32>
      %gather3A_1769 = tpu.vector_load_idx %arg13[%add3A_1768] : memref<2000xf32, #tpu.memory_space<vmem>>[vector<16xi32>], vector<16xf32>,
      %broadcast_in_dim3A_1770 = arith.constant 2 : i32
      %broadcast_in_dim3A_1771 = vector.broadcast %broadcast_in_dim3A_1770 : i32 to vector<16xi32>
      tpu.vector_store_idx %arg12[%broadcast_in_dim3A_1473, %add3A_1723, %broadcast_in_dim3A_1771], %gather3A_1769 : memref<2x128x10xf32, #tpu.memory_space<vmem>>[vector<16xi32>, vector<16xi32>, vector<16xi32>], vector<16xf32>,
      %add3A_1772 = arith.constant 2 : i32
      %add3A_1773 = vector.broadcast %add3A_1772 : i32 to vector<16xi32>
      %add3A_1774 = arith.addi %mul3A_1741, %add3A_1773 : vector<16xi32>
      %gather3A_1775 = tpu.vector_load_idx %arg14[%add3A_1774] : memref<2000xf32, #tpu.memory_space<vmem>>[vector<16xi32>], vector<16xf32>,
      %broadcast_in_dim3A_1776 = arith.constant 7 : i32
      %broadcast_in_dim3A_1777 = vector.broadcast %broadcast_in_dim3A_1776 : i32 to vector<16xi32>
      tpu.vector_store_idx %arg12[%broadcast_in_dim3A_1473, %add3A_1723, %broadcast_in_dim3A_1777], %gather3A_1775 : memref<2x128x10xf32, #tpu.memory_space<vmem>>[vector<16xi32>, vector<16xi32>, vector<16xi32>], vector<16xf32>,
      %add3A_1778 = arith.constant 3 : i32
      %add3A_1779 = vector.broadcast %add3A_1778 : i32 to vector<16xi32>
      %add3A_1780 = arith.addi %mul3A_1732, %add3A_1779 : vector<16xi32>
      %gather3A_1781 = tpu.vector_load_idx %arg13[%add3A_1780] : memref<2000xf32, #tpu.memory_space<vmem>>[vector<16xi32>], vector<16xf32>,
      %broadcast_in_dim3A_1782 = arith.constant 3 : i32
      %broadcast_in_dim3A_1783 = vector.broadcast %broadcast_in_dim3A_1782 : i32 to vector<16xi32>
      tpu.vector_store_idx %arg12[%broadcast_in_dim3A_1473, %add3A_1723, %broadcast_in_dim3A_1783], %gather3A_1781 : memref<2x128x10xf32, #tpu.memory_space<vmem>>[vector<16xi32>, vector<16xi32>, vector<16xi32>], vector<16xf32>,
      %add3A_1784 = arith.constant 3 : i32
      %add3A_1785 = vector.broadcast %add3A_1784 : i32 to vector<16xi32>
      %add3A_1786 = arith.addi %mul3A_1741, %add3A_1785 : vector<16xi32>
      %gather3A_1787 = tpu.vector_load_idx %arg14[%add3A_1786] : memref<2000xf32, #tpu.memory_space<vmem>>[vector<16xi32>], vector<16xf32>,
      %broadcast_in_dim3A_1788 = arith.constant 8 : i32
      %broadcast_in_dim3A_1789 = vector.broadcast %broadcast_in_dim3A_1788 : i32 to vector<16xi32>
      tpu.vector_store_idx %arg12[%broadcast_in_dim3A_1473, %add3A_1723, %broadcast_in_dim3A_1789], %gather3A_1787 : memref<2x128x10xf32, #tpu.memory_space<vmem>>[vector<16xi32>, vector<16xi32>, vector<16xi32>], vector<16xf32>,
      %add3A_1790 = arith.constant 4 : i32
      %add3A_1791 = vector.broadcast %add3A_1790 : i32 to vector<16xi32>
      %add3A_1792 = arith.addi %mul3A_1732, %add3A_1791 : vector<16xi32>
      %gather3A_1793 = tpu.vector_load_idx %arg13[%add3A_1792] : memref<2000xf32, #tpu.memory_space<vmem>>[vector<16xi32>], vector<16xf32>,
      %broadcast_in_dim3A_1794 = arith.constant 4 : i32
      %broadcast_in_dim3A_1795 = vector.broadcast %broadcast_in_dim3A_1794 : i32 to vector<16xi32>
      tpu.vector_store_idx %arg12[%broadcast_in_dim3A_1473, %add3A_1723, %broadcast_in_dim3A_1795], %gather3A_1793 : memref<2x128x10xf32, #tpu.memory_space<vmem>>[vector<16xi32>, vector<16xi32>, vector<16xi32>], vector<16xf32>,
      %add3A_1796 = arith.constant 4 : i32
      %add3A_1797 = vector.broadcast %add3A_1796 : i32 to vector<16xi32>
      %add3A_1798 = arith.addi %mul3A_1741, %add3A_1797 : vector<16xi32>
      %gather3A_1799 = tpu.vector_load_idx %arg14[%add3A_1798] : memref<2000xf32, #tpu.memory_space<vmem>>[vector<16xi32>], vector<16xf32>,
      %broadcast_in_dim3A_1800 = arith.constant 9 : i32
      %broadcast_in_dim3A_1801 = vector.broadcast %broadcast_in_dim3A_1800 : i32 to vector<16xi32>
      tpu.vector_store_idx %arg12[%broadcast_in_dim3A_1473, %add3A_1723, %broadcast_in_dim3A_1801], %gather3A_1799 : memref<2x128x10xf32, #tpu.memory_space<vmem>>[vector<16xi32>, vector<16xi32>, vector<16xi32>], vector<16xf32>,
      %iota3A_1802 = tpu.iota {dimensions = array<i32: 0>} : vector<16xi32>
      %add3A_1803 = arith.constant 64 : i32
      %add3A_1804 = vector.broadcast %add3A_1803 : i32 to vector<16xi32>
      %add3A_1805 = arith.addi %iota3A_1802, %add3A_1804 : vector<16xi32>
      %get3A_1806 = arith.constant 1 : i32
      %get3A_1807 = arith.constant 0 : i32
      %get3A_1808 = arith.index_cast %get3A_1806 : i32 to index
      %get3A_1809 = arith.index_cast %get3A_1807 : i32 to index
      %get3A_1810 = arith.constant 64 : index
      %get3A_1811 = tpu.vector_load %arg8[%get3A_1808, %get3A_1809, %get3A_1810] {strides = array<i32>} : memref<3x2x128xi32, #tpu.memory_space<vmem>>, vector<16xi32>,
      %mul3A_1812 = arith.constant 5 : i32
      %mul3A_1813 = vector.broadcast %mul3A_1812 : i32 to vector<16xi32>
      %mul3A_1814 = arith.muli %get3A_1811, %mul3A_1813 : vector<16xi32>
      %get3A_1815 = arith.constant 2 : i32
      %get3A_1816 = arith.constant 0 : i32
      %get3A_1817 = arith.index_cast %get3A_1815 : i32 to index
      %get3A_1818 = arith.index_cast %get3A_1816 : i32 to index
      %get3A_1819 = arith.constant 64 : index
      %get3A_1820 = tpu.vector_load %arg8[%get3A_1817, %get3A_1818, %get3A_1819] {strides = array<i32>} : memref<3x2x128xi32, #tpu.memory_space<vmem>>, vector<16xi32>,
      %mul3A_1821 = arith.constant 5 : i32
      %mul3A_1822 = vector.broadcast %mul3A_1821 : i32 to vector<16xi32>
      %mul3A_1823 = arith.muli %get3A_1820, %mul3A_1822 : vector<16xi32>
      %add3A_1824 = arith.constant 0 : i32
      %add3A_1825 = vector.broadcast %add3A_1824 : i32 to vector<16xi32>
      %add3A_1826 = arith.addi %mul3A_1814, %add3A_1825 : vector<16xi32>
      %gather3A_1827 = tpu.vector_load_idx %arg13[%add3A_1826] : memref<2000xf32, #tpu.memory_space<vmem>>[vector<16xi32>], vector<16xf32>,
      %broadcast_in_dim3A_1828 = arith.constant 0 : i32
      %broadcast_in_dim3A_1829 = vector.broadcast %broadcast_in_dim3A_1828 : i32 to vector<16xi32>
      tpu.vector_store_idx %arg12[%broadcast_in_dim3A_1473, %add3A_1805, %broadcast_in_dim3A_1829], %gather3A_1827 : memref<2x128x10xf32, #tpu.memory_space<vmem>>[vector<16xi32>, vector<16xi32>, vector<16xi32>], vector<16xf32>,
      %add3A_1830 = arith.constant 0 : i32
      %add3A_1831 = vector.broadcast %add3A_1830 : i32 to vector<16xi32>
      %add3A_1832 = arith.addi %mul3A_1823, %add3A_1831 : vector<16xi32>
      %gather3A_1833 = tpu.vector_load_idx %arg14[%add3A_1832] : memref<2000xf32, #tpu.memory_space<vmem>>[vector<16xi32>], vector<16xf32>,
      %broadcast_in_dim3A_1834 = arith.constant 5 : i32
      %broadcast_in_dim3A_1835 = vector.broadcast %broadcast_in_dim3A_1834 : i32 to vector<16xi32>
      tpu.vector_store_idx %arg12[%broadcast_in_dim3A_1473, %add3A_1805, %broadcast_in_dim3A_1835], %gather3A_1833 : memref<2x128x10xf32, #tpu.memory_space<vmem>>[vector<16xi32>, vector<16xi32>, vector<16xi32>], vector<16xf32>,
      %add3A_1836 = arith.constant 1 : i32
      %add3A_1837 = vector.broadcast %add3A_1836 : i32 to vector<16xi32>
      %add3A_1838 = arith.addi %mul3A_1814, %add3A_1837 : vector<16xi32>
      %gather3A_1839 = tpu.vector_load_idx %arg13[%add3A_1838] : memref<2000xf32, #tpu.memory_space<vmem>>[vector<16xi32>], vector<16xf32>,
      %broadcast_in_dim3A_1840 = arith.constant 1 : i32
      %broadcast_in_dim3A_1841 = vector.broadcast %broadcast_in_dim3A_1840 : i32 to vector<16xi32>
      tpu.vector_store_idx %arg12[%broadcast_in_dim3A_1473, %add3A_1805, %broadcast_in_dim3A_1841], %gather3A_1839 : memref<2x128x10xf32, #tpu.memory_space<vmem>>[vector<16xi32>, vector<16xi32>, vector<16xi32>], vector<16xf32>,
      %add3A_1842 = arith.constant 1 : i32
      %add3A_1843 = vector.broadcast %add3A_1842 : i32 to vector<16xi32>
      %add3A_1844 = arith.addi %mul3A_1823, %add3A_1843 : vector<16xi32>
      %gather3A_1845 = tpu.vector_load_idx %arg14[%add3A_1844] : memref<2000xf32, #tpu.memory_space<vmem>>[vector<16xi32>], vector<16xf32>,
      %broadcast_in_dim3A_1846 = arith.constant 6 : i32
      %broadcast_in_dim3A_1847 = vector.broadcast %broadcast_in_dim3A_1846 : i32 to vector<16xi32>
      tpu.vector_store_idx %arg12[%broadcast_in_dim3A_1473, %add3A_1805, %broadcast_in_dim3A_1847], %gather3A_1845 : memref<2x128x10xf32, #tpu.memory_space<vmem>>[vector<16xi32>, vector<16xi32>, vector<16xi32>], vector<16xf32>,
      %add3A_1848 = arith.constant 2 : i32
      %add3A_1849 = vector.broadcast %add3A_1848 : i32 to vector<16xi32>
      %add3A_1850 = arith.addi %mul3A_1814, %add3A_1849 : vector<16xi32>
      %gather3A_1851 = tpu.vector_load_idx %arg13[%add3A_1850] : memref<2000xf32, #tpu.memory_space<vmem>>[vector<16xi32>], vector<16xf32>,
      %broadcast_in_dim3A_1852 = arith.constant 2 : i32
      %broadcast_in_dim3A_1853 = vector.broadcast %broadcast_in_dim3A_1852 : i32 to vector<16xi32>
      tpu.vector_store_idx %arg12[%broadcast_in_dim3A_1473, %add3A_1805, %broadcast_in_dim3A_1853], %gather3A_1851 : memref<2x128x10xf32, #tpu.memory_space<vmem>>[vector<16xi32>, vector<16xi32>, vector<16xi32>], vector<16xf32>,
      %add3A_1854 = arith.constant 2 : i32
      %add3A_1855 = vector.broadcast %add3A_1854 : i32 to vector<16xi32>
      %add3A_1856 = arith.addi %mul3A_1823, %add3A_1855 : vector<16xi32>
      %gather3A_1857 = tpu.vector_load_idx %arg14[%add3A_1856] : memref<2000xf32, #tpu.memory_space<vmem>>[vector<16xi32>], vector<16xf32>,
      %broadcast_in_dim3A_1858 = arith.constant 7 : i32
      %broadcast_in_dim3A_1859 = vector.broadcast %broadcast_in_dim3A_1858 : i32 to vector<16xi32>
      tpu.vector_store_idx %arg12[%broadcast_in_dim3A_1473, %add3A_1805, %broadcast_in_dim3A_1859], %gather3A_1857 : memref<2x128x10xf32, #tpu.memory_space<vmem>>[vector<16xi32>, vector<16xi32>, vector<16xi32>], vector<16xf32>,
      %add3A_1860 = arith.constant 3 : i32
      %add3A_1861 = vector.broadcast %add3A_1860 : i32 to vector<16xi32>
      %add3A_1862 = arith.addi %mul3A_1814, %add3A_1861 : vector<16xi32>
      %gather3A_1863 = tpu.vector_load_idx %arg13[%add3A_1862] : memref<2000xf32, #tpu.memory_space<vmem>>[vector<16xi32>], vector<16xf32>,
      %broadcast_in_dim3A_1864 = arith.constant 3 : i32
      %broadcast_in_dim3A_1865 = vector.broadcast %broadcast_in_dim3A_1864 : i32 to vector<16xi32>
      tpu.vector_store_idx %arg12[%broadcast_in_dim3A_1473, %add3A_1805, %broadcast_in_dim3A_1865], %gather3A_1863 : memref<2x128x10xf32, #tpu.memory_space<vmem>>[vector<16xi32>, vector<16xi32>, vector<16xi32>], vector<16xf32>,
      %add3A_1866 = arith.constant 3 : i32
      %add3A_1867 = vector.broadcast %add3A_1866 : i32 to vector<16xi32>
      %add3A_1868 = arith.addi %mul3A_1823, %add3A_1867 : vector<16xi32>
      %gather3A_1869 = tpu.vector_load_idx %arg14[%add3A_1868] : memref<2000xf32, #tpu.memory_space<vmem>>[vector<16xi32>], vector<16xf32>,
      %broadcast_in_dim3A_1870 = arith.constant 8 : i32
      %broadcast_in_dim3A_1871 = vector.broadcast %broadcast_in_dim3A_1870 : i32 to vector<16xi32>
      tpu.vector_store_idx %arg12[%broadcast_in_dim3A_1473, %add3A_1805, %broadcast_in_dim3A_1871], %gather3A_1869 : memref<2x128x10xf32, #tpu.memory_space<vmem>>[vector<16xi32>, vector<16xi32>, vector<16xi32>], vector<16xf32>,
      %add3A_1872 = arith.constant 4 : i32
      %add3A_1873 = vector.broadcast %add3A_1872 : i32 to vector<16xi32>
      %add3A_1874 = arith.addi %mul3A_1814, %add3A_1873 : vector<16xi32>
      %gather3A_1875 = tpu.vector_load_idx %arg13[%add3A_1874] : memref<2000xf32, #tpu.memory_space<vmem>>[vector<16xi32>], vector<16xf32>,
      %broadcast_in_dim3A_1876 = arith.constant 4 : i32
      %broadcast_in_dim3A_1877 = vector.broadcast %broadcast_in_dim3A_1876 : i32 to vector<16xi32>
      tpu.vector_store_idx %arg12[%broadcast_in_dim3A_1473, %add3A_1805, %broadcast_in_dim3A_1877], %gather3A_1875 : memref<2x128x10xf32, #tpu.memory_space<vmem>>[vector<16xi32>, vector<16xi32>, vector<16xi32>], vector<16xf32>,
      %add3A_1878 = arith.constant 4 : i32
      %add3A_1879 = vector.broadcast %add3A_1878 : i32 to vector<16xi32>
      %add3A_1880 = arith.addi %mul3A_1823, %add3A_1879 : vector<16xi32>
      %gather3A_1881 = tpu.vector_load_idx %arg14[%add3A_1880] : memref<2000xf32, #tpu.memory_space<vmem>>[vector<16xi32>], vector<16xf32>,
      %broadcast_in_dim3A_1882 = arith.constant 9 : i32
      %broadcast_in_dim3A_1883 = vector.broadcast %broadcast_in_dim3A_1882 : i32 to vector<16xi32>
      tpu.vector_store_idx %arg12[%broadcast_in_dim3A_1473, %add3A_1805, %broadcast_in_dim3A_1883], %gather3A_1881 : memref<2x128x10xf32, #tpu.memory_space<vmem>>[vector<16xi32>, vector<16xi32>, vector<16xi32>], vector<16xf32>,
      %iota3A_1884 = tpu.iota {dimensions = array<i32: 0>} : vector<16xi32>
      %add3A_1885 = arith.constant 80 : i32
      %add3A_1886 = vector.broadcast %add3A_1885 : i32 to vector<16xi32>
      %add3A_1887 = arith.addi %iota3A_1884, %add3A_1886 : vector<16xi32>
      %get3A_1888 = arith.constant 1 : i32
      %get3A_1889 = arith.constant 0 : i32
      %get3A_1890 = arith.index_cast %get3A_1888 : i32 to index
      %get3A_1891 = arith.index_cast %get3A_1889 : i32 to index
      %get3A_1892 = arith.constant 80 : index
      %get3A_1893 = tpu.vector_load %arg8[%get3A_1890, %get3A_1891, %get3A_1892] {strides = array<i32>} : memref<3x2x128xi32, #tpu.memory_space<vmem>>, vector<16xi32>,
      %mul3A_1894 = arith.constant 5 : i32
      %mul3A_1895 = vector.broadcast %mul3A_1894 : i32 to vector<16xi32>
      %mul3A_1896 = arith.muli %get3A_1893, %mul3A_1895 : vector<16xi32>
      %get3A_1897 = arith.constant 2 : i32
      %get3A_1898 = arith.constant 0 : i32
      %get3A_1899 = arith.index_cast %get3A_1897 : i32 to index
      %get3A_1900 = arith.index_cast %get3A_1898 : i32 to index
      %get3A_1901 = arith.constant 80 : index
      %get3A_1902 = tpu.vector_load %arg8[%get3A_1899, %get3A_1900, %get3A_1901] {strides = array<i32>} : memref<3x2x128xi32, #tpu.memory_space<vmem>>, vector<16xi32>,
      %mul3A_1903 = arith.constant 5 : i32
      %mul3A_1904 = vector.broadcast %mul3A_1903 : i32 to vector<16xi32>
      %mul3A_1905 = arith.muli %get3A_1902, %mul3A_1904 : vector<16xi32>
      %add3A_1906 = arith.constant 0 : i32
      %add3A_1907 = vector.broadcast %add3A_1906 : i32 to vector<16xi32>
      %add3A_1908 = arith.addi %mul3A_1896, %add3A_1907 : vector<16xi32>
      %gather3A_1909 = tpu.vector_load_idx %arg13[%add3A_1908] : memref<2000xf32, #tpu.memory_space<vmem>>[vector<16xi32>], vector<16xf32>,
      %broadcast_in_dim3A_1910 = arith.constant 0 : i32
      %broadcast_in_dim3A_1911 = vector.broadcast %broadcast_in_dim3A_1910 : i32 to vector<16xi32>
      tpu.vector_store_idx %arg12[%broadcast_in_dim3A_1473, %add3A_1887, %broadcast_in_dim3A_1911], %gather3A_1909 : memref<2x128x10xf32, #tpu.memory_space<vmem>>[vector<16xi32>, vector<16xi32>, vector<16xi32>], vector<16xf32>,
      %add3A_1912 = arith.constant 0 : i32
      %add3A_1913 = vector.broadcast %add3A_1912 : i32 to vector<16xi32>
      %add3A_1914 = arith.addi %mul3A_1905, %add3A_1913 : vector<16xi32>
      %gather3A_1915 = tpu.vector_load_idx %arg14[%add3A_1914] : memref<2000xf32, #tpu.memory_space<vmem>>[vector<16xi32>], vector<16xf32>,
      %broadcast_in_dim3A_1916 = arith.constant 5 : i32
      %broadcast_in_dim3A_1917 = vector.broadcast %broadcast_in_dim3A_1916 : i32 to vector<16xi32>
      tpu.vector_store_idx %arg12[%broadcast_in_dim3A_1473, %add3A_1887, %broadcast_in_dim3A_1917], %gather3A_1915 : memref<2x128x10xf32, #tpu.memory_space<vmem>>[vector<16xi32>, vector<16xi32>, vector<16xi32>], vector<16xf32>,
      %add3A_1918 = arith.constant 1 : i32
      %add3A_1919 = vector.broadcast %add3A_1918 : i32 to vector<16xi32>
      %add3A_1920 = arith.addi %mul3A_1896, %add3A_1919 : vector<16xi32>
      %gather3A_1921 = tpu.vector_load_idx %arg13[%add3A_1920] : memref<2000xf32, #tpu.memory_space<vmem>>[vector<16xi32>], vector<16xf32>,
      %broadcast_in_dim3A_1922 = arith.constant 1 : i32
      %broadcast_in_dim3A_1923 = vector.broadcast %broadcast_in_dim3A_1922 : i32 to vector<16xi32>
      tpu.vector_store_idx %arg12[%broadcast_in_dim3A_1473, %add3A_1887, %broadcast_in_dim3A_1923], %gather3A_1921 : memref<2x128x10xf32, #tpu.memory_space<vmem>>[vector<16xi32>, vector<16xi32>, vector<16xi32>], vector<16xf32>,
      %add3A_1924 = arith.constant 1 : i32
      %add3A_1925 = vector.broadcast %add3A_1924 : i32 to vector<16xi32>
      %add3A_1926 = arith.addi %mul3A_1905, %add3A_1925 : vector<16xi32>
      %gather3A_1927 = tpu.vector_load_idx %arg14[%add3A_1926] : memref<2000xf32, #tpu.memory_space<vmem>>[vector<16xi32>], vector<16xf32>,
      %broadcast_in_dim3A_1928 = arith.constant 6 : i32
      %broadcast_in_dim3A_1929 = vector.broadcast %broadcast_in_dim3A_1928 : i32 to vector<16xi32>
      tpu.vector_store_idx %arg12[%broadcast_in_dim3A_1473, %add3A_1887, %broadcast_in_dim3A_1929], %gather3A_1927 : memref<2x128x10xf32, #tpu.memory_space<vmem>>[vector<16xi32>, vector<16xi32>, vector<16xi32>], vector<16xf32>,
      %add3A_1930 = arith.constant 2 : i32
      %add3A_1931 = vector.broadcast %add3A_1930 : i32 to vector<16xi32>
      %add3A_1932 = arith.addi %mul3A_1896, %add3A_1931 : vector<16xi32>
      %gather3A_1933 = tpu.vector_load_idx %arg13[%add3A_1932] : memref<2000xf32, #tpu.memory_space<vmem>>[vector<16xi32>], vector<16xf32>,
      %broadcast_in_dim3A_1934 = arith.constant 2 : i32
      %broadcast_in_dim3A_1935 = vector.broadcast %broadcast_in_dim3A_1934 : i32 to vector<16xi32>
      tpu.vector_store_idx %arg12[%broadcast_in_dim3A_1473, %add3A_1887, %broadcast_in_dim3A_1935], %gather3A_1933 : memref<2x128x10xf32, #tpu.memory_space<vmem>>[vector<16xi32>, vector<16xi32>, vector<16xi32>], vector<16xf32>,
      %add3A_1936 = arith.constant 2 : i32
      %add3A_1937 = vector.broadcast %add3A_1936 : i32 to vector<16xi32>
      %add3A_1938 = arith.addi %mul3A_1905, %add3A_1937 : vector<16xi32>
      %gather3A_1939 = tpu.vector_load_idx %arg14[%add3A_1938] : memref<2000xf32, #tpu.memory_space<vmem>>[vector<16xi32>], vector<16xf32>,
      %broadcast_in_dim3A_1940 = arith.constant 7 : i32
      %broadcast_in_dim3A_1941 = vector.broadcast %broadcast_in_dim3A_1940 : i32 to vector<16xi32>
      tpu.vector_store_idx %arg12[%broadcast_in_dim3A_1473, %add3A_1887, %broadcast_in_dim3A_1941], %gather3A_1939 : memref<2x128x10xf32, #tpu.memory_space<vmem>>[vector<16xi32>, vector<16xi32>, vector<16xi32>], vector<16xf32>,
      %add3A_1942 = arith.constant 3 : i32
      %add3A_1943 = vector.broadcast %add3A_1942 : i32 to vector<16xi32>
      %add3A_1944 = arith.addi %mul3A_1896, %add3A_1943 : vector<16xi32>
      %gather3A_1945 = tpu.vector_load_idx %arg13[%add3A_1944] : memref<2000xf32, #tpu.memory_space<vmem>>[vector<16xi32>], vector<16xf32>,
      %broadcast_in_dim3A_1946 = arith.constant 3 : i32
      %broadcast_in_dim3A_1947 = vector.broadcast %broadcast_in_dim3A_1946 : i32 to vector<16xi32>
      tpu.vector_store_idx %arg12[%broadcast_in_dim3A_1473, %add3A_1887, %broadcast_in_dim3A_1947], %gather3A_1945 : memref<2x128x10xf32, #tpu.memory_space<vmem>>[vector<16xi32>, vector<16xi32>, vector<16xi32>], vector<16xf32>,
      %add3A_1948 = arith.constant 3 : i32
      %add3A_1949 = vector.broadcast %add3A_1948 : i32 to vector<16xi32>
      %add3A_1950 = arith.addi %mul3A_1905, %add3A_1949 : vector<16xi32>
      %gather3A_1951 = tpu.vector_load_idx %arg14[%add3A_1950] : memref<2000xf32, #tpu.memory_space<vmem>>[vector<16xi32>], vector<16xf32>,
      %broadcast_in_dim3A_1952 = arith.constant 8 : i32
      %broadcast_in_dim3A_1953 = vector.broadcast %broadcast_in_dim3A_1952 : i32 to vector<16xi32>
      tpu.vector_store_idx %arg12[%broadcast_in_dim3A_1473, %add3A_1887, %broadcast_in_dim3A_1953], %gather3A_1951 : memref<2x128x10xf32, #tpu.memory_space<vmem>>[vector<16xi32>, vector<16xi32>, vector<16xi32>], vector<16xf32>,
      %add3A_1954 = arith.constant 4 : i32
      %add3A_1955 = vector.broadcast %add3A_1954 : i32 to vector<16xi32>
      %add3A_1956 = arith.addi %mul3A_1896, %add3A_1955 : vector<16xi32>
      %gather3A_1957 = tpu.vector_load_idx %arg13[%add3A_1956] : memref<2000xf32, #tpu.memory_space<vmem>>[vector<16xi32>], vector<16xf32>,
      %broadcast_in_dim3A_1958 = arith.constant 4 : i32
      %broadcast_in_dim3A_1959 = vector.broadcast %broadcast_in_dim3A_1958 : i32 to vector<16xi32>
      tpu.vector_store_idx %arg12[%broadcast_in_dim3A_1473, %add3A_1887, %broadcast_in_dim3A_1959], %gather3A_1957 : memref<2x128x10xf32, #tpu.memory_space<vmem>>[vector<16xi32>, vector<16xi32>, vector<16xi32>], vector<16xf32>,
      %add3A_1960 = arith.constant 4 : i32
      %add3A_1961 = vector.broadcast %add3A_1960 : i32 to vector<16xi32>
      %add3A_1962 = arith.addi %mul3A_1905, %add3A_1961 : vector<16xi32>
      %gather3A_1963 = tpu.vector_load_idx %arg14[%add3A_1962] : memref<2000xf32, #tpu.memory_space<vmem>>[vector<16xi32>], vector<16xf32>,
      %broadcast_in_dim3A_1964 = arith.constant 9 : i32
      %broadcast_in_dim3A_1965 = vector.broadcast %broadcast_in_dim3A_1964 : i32 to vector<16xi32>
      tpu.vector_store_idx %arg12[%broadcast_in_dim3A_1473, %add3A_1887, %broadcast_in_dim3A_1965], %gather3A_1963 : memref<2x128x10xf32, #tpu.memory_space<vmem>>[vector<16xi32>, vector<16xi32>, vector<16xi32>], vector<16xf32>,
      %iota3A_1966 = tpu.iota {dimensions = array<i32: 0>} : vector<16xi32>
      %add3A_1967 = arith.constant 96 : i32
      %add3A_1968 = vector.broadcast %add3A_1967 : i32 to vector<16xi32>
      %add3A_1969 = arith.addi %iota3A_1966, %add3A_1968 : vector<16xi32>
      %get3A_1970 = arith.constant 1 : i32
      %get3A_1971 = arith.constant 0 : i32
      %get3A_1972 = arith.index_cast %get3A_1970 : i32 to index
      %get3A_1973 = arith.index_cast %get3A_1971 : i32 to index
      %get3A_1974 = arith.constant 96 : index
      %get3A_1975 = tpu.vector_load %arg8[%get3A_1972, %get3A_1973, %get3A_1974] {strides = array<i32>} : memref<3x2x128xi32, #tpu.memory_space<vmem>>, vector<16xi32>,
      %mul3A_1976 = arith.constant 5 : i32
      %mul3A_1977 = vector.broadcast %mul3A_1976 : i32 to vector<16xi32>
      %mul3A_1978 = arith.muli %get3A_1975, %mul3A_1977 : vector<16xi32>
      %get3A_1979 = arith.constant 2 : i32
      %get3A_1980 = arith.constant 0 : i32
      %get3A_1981 = arith.index_cast %get3A_1979 : i32 to index
      %get3A_1982 = arith.index_cast %get3A_1980 : i32 to index
      %get3A_1983 = arith.constant 96 : index
      %get3A_1984 = tpu.vector_load %arg8[%get3A_1981, %get3A_1982, %get3A_1983] {strides = array<i32>} : memref<3x2x128xi32, #tpu.memory_space<vmem>>, vector<16xi32>,
      %mul3A_1985 = arith.constant 5 : i32
      %mul3A_1986 = vector.broadcast %mul3A_1985 : i32 to vector<16xi32>
      %mul3A_1987 = arith.muli %get3A_1984, %mul3A_1986 : vector<16xi32>
      %add3A_1988 = arith.constant 0 : i32
      %add3A_1989 = vector.broadcast %add3A_1988 : i32 to vector<16xi32>
      %add3A_1990 = arith.addi %mul3A_1978, %add3A_1989 : vector<16xi32>
      %gather3A_1991 = tpu.vector_load_idx %arg13[%add3A_1990] : memref<2000xf32, #tpu.memory_space<vmem>>[vector<16xi32>], vector<16xf32>,
      %broadcast_in_dim3A_1992 = arith.constant 0 : i32
      %broadcast_in_dim3A_1993 = vector.broadcast %broadcast_in_dim3A_1992 : i32 to vector<16xi32>
      tpu.vector_store_idx %arg12[%broadcast_in_dim3A_1473, %add3A_1969, %broadcast_in_dim3A_1993], %gather3A_1991 : memref<2x128x10xf32, #tpu.memory_space<vmem>>[vector<16xi32>, vector<16xi32>, vector<16xi32>], vector<16xf32>,
      %add3A_1994 = arith.constant 0 : i32
      %add3A_1995 = vector.broadcast %add3A_1994 : i32 to vector<16xi32>
      %add3A_1996 = arith.addi %mul3A_1987, %add3A_1995 : vector<16xi32>
      %gather3A_1997 = tpu.vector_load_idx %arg14[%add3A_1996] : memref<2000xf32, #tpu.memory_space<vmem>>[vector<16xi32>], vector<16xf32>,
      %broadcast_in_dim3A_1998 = arith.constant 5 : i32
      %broadcast_in_dim3A_1999 = vector.broadcast %broadcast_in_dim3A_1998 : i32 to vector<16xi32>
      tpu.vector_store_idx %arg12[%broadcast_in_dim3A_1473, %add3A_1969, %broadcast_in_dim3A_1999], %gather3A_1997 : memref<2x128x10xf32, #tpu.memory_space<vmem>>[vector<16xi32>, vector<16xi32>, vector<16xi32>], vector<16xf32>,
      %add3A_2000 = arith.constant 1 : i32
      %add3A_2001 = vector.broadcast %add3A_2000 : i32 to vector<16xi32>
      %add3A_2002 = arith.addi %mul3A_1978, %add3A_2001 : vector<16xi32>
      %gather3A_2003 = tpu.vector_load_idx %arg13[%add3A_2002] : memref<2000xf32, #tpu.memory_space<vmem>>[vector<16xi32>], vector<16xf32>,
      %broadcast_in_dim3A_2004 = arith.constant 1 : i32
      %broadcast_in_dim3A_2005 = vector.broadcast %broadcast_in_dim3A_2004 : i32 to vector<16xi32>
      tpu.vector_store_idx %arg12[%broadcast_in_dim3A_1473, %add3A_1969, %broadcast_in_dim3A_2005], %gather3A_2003 : memref<2x128x10xf32, #tpu.memory_space<vmem>>[vector<16xi32>, vector<16xi32>, vector<16xi32>], vector<16xf32>,
      %add3A_2006 = arith.constant 1 : i32
      %add3A_2007 = vector.broadcast %add3A_2006 : i32 to vector<16xi32>
      %add3A_2008 = arith.addi %mul3A_1987, %add3A_2007 : vector<16xi32>
      %gather3A_2009 = tpu.vector_load_idx %arg14[%add3A_2008] : memref<2000xf32, #tpu.memory_space<vmem>>[vector<16xi32>], vector<16xf32>,
      %broadcast_in_dim3A_2010 = arith.constant 6 : i32
      %broadcast_in_dim3A_2011 = vector.broadcast %broadcast_in_dim3A_2010 : i32 to vector<16xi32>
      tpu.vector_store_idx %arg12[%broadcast_in_dim3A_1473, %add3A_1969, %broadcast_in_dim3A_2011], %gather3A_2009 : memref<2x128x10xf32, #tpu.memory_space<vmem>>[vector<16xi32>, vector<16xi32>, vector<16xi32>], vector<16xf32>,
      %add3A_2012 = arith.constant 2 : i32
      %add3A_2013 = vector.broadcast %add3A_2012 : i32 to vector<16xi32>
      %add3A_2014 = arith.addi %mul3A_1978, %add3A_2013 : vector<16xi32>
      %gather3A_2015 = tpu.vector_load_idx %arg13[%add3A_2014] : memref<2000xf32, #tpu.memory_space<vmem>>[vector<16xi32>], vector<16xf32>,
      %broadcast_in_dim3A_2016 = arith.constant 2 : i32
      %broadcast_in_dim3A_2017 = vector.broadcast %broadcast_in_dim3A_2016 : i32 to vector<16xi32>
      tpu.vector_store_idx %arg12[%broadcast_in_dim3A_1473, %add3A_1969, %broadcast_in_dim3A_2017], %gather3A_2015 : memref<2x128x10xf32, #tpu.memory_space<vmem>>[vector<16xi32>, vector<16xi32>, vector<16xi32>], vector<16xf32>,
      %add3A_2018 = arith.constant 2 : i32
      %add3A_2019 = vector.broadcast %add3A_2018 : i32 to vector<16xi32>
      %add3A_2020 = arith.addi %mul3A_1987, %add3A_2019 : vector<16xi32>
      %gather3A_2021 = tpu.vector_load_idx %arg14[%add3A_2020] : memref<2000xf32, #tpu.memory_space<vmem>>[vector<16xi32>], vector<16xf32>,
      %broadcast_in_dim3A_2022 = arith.constant 7 : i32
      %broadcast_in_dim3A_2023 = vector.broadcast %broadcast_in_dim3A_2022 : i32 to vector<16xi32>
      tpu.vector_store_idx %arg12[%broadcast_in_dim3A_1473, %add3A_1969, %broadcast_in_dim3A_2023], %gather3A_2021 : memref<2x128x10xf32, #tpu.memory_space<vmem>>[vector<16xi32>, vector<16xi32>, vector<16xi32>], vector<16xf32>,
      %add3A_2024 = arith.constant 3 : i32
      %add3A_2025 = vector.broadcast %add3A_2024 : i32 to vector<16xi32>
      %add3A_2026 = arith.addi %mul3A_1978, %add3A_2025 : vector<16xi32>
      %gather3A_2027 = tpu.vector_load_idx %arg13[%add3A_2026] : memref<2000xf32, #tpu.memory_space<vmem>>[vector<16xi32>], vector<16xf32>,
      %broadcast_in_dim3A_2028 = arith.constant 3 : i32
      %broadcast_in_dim3A_2029 = vector.broadcast %broadcast_in_dim3A_2028 : i32 to vector<16xi32>
      tpu.vector_store_idx %arg12[%broadcast_in_dim3A_1473, %add3A_1969, %broadcast_in_dim3A_2029], %gather3A_2027 : memref<2x128x10xf32, #tpu.memory_space<vmem>>[vector<16xi32>, vector<16xi32>, vector<16xi32>], vector<16xf32>,
      %add3A_2030 = arith.constant 3 : i32
      %add3A_2031 = vector.broadcast %add3A_2030 : i32 to vector<16xi32>
      %add3A_2032 = arith.addi %mul3A_1987, %add3A_2031 : vector<16xi32>
      %gather3A_2033 = tpu.vector_load_idx %arg14[%add3A_2032] : memref<2000xf32, #tpu.memory_space<vmem>>[vector<16xi32>], vector<16xf32>,
      %broadcast_in_dim3A_2034 = arith.constant 8 : i32
      %broadcast_in_dim3A_2035 = vector.broadcast %broadcast_in_dim3A_2034 : i32 to vector<16xi32>
      tpu.vector_store_idx %arg12[%broadcast_in_dim3A_1473, %add3A_1969, %broadcast_in_dim3A_2035], %gather3A_2033 : memref<2x128x10xf32, #tpu.memory_space<vmem>>[vector<16xi32>, vector<16xi32>, vector<16xi32>], vector<16xf32>,
      %add3A_2036 = arith.constant 4 : i32
      %add3A_2037 = vector.broadcast %add3A_2036 : i32 to vector<16xi32>
      %add3A_2038 = arith.addi %mul3A_1978, %add3A_2037 : vector<16xi32>
      %gather3A_2039 = tpu.vector_load_idx %arg13[%add3A_2038] : memref<2000xf32, #tpu.memory_space<vmem>>[vector<16xi32>], vector<16xf32>,
      %broadcast_in_dim3A_2040 = arith.constant 4 : i32
      %broadcast_in_dim3A_2041 = vector.broadcast %broadcast_in_dim3A_2040 : i32 to vector<16xi32>
      tpu.vector_store_idx %arg12[%broadcast_in_dim3A_1473, %add3A_1969, %broadcast_in_dim3A_2041], %gather3A_2039 : memref<2x128x10xf32, #tpu.memory_space<vmem>>[vector<16xi32>, vector<16xi32>, vector<16xi32>], vector<16xf32>,
      %add3A_2042 = arith.constant 4 : i32
      %add3A_2043 = vector.broadcast %add3A_2042 : i32 to vector<16xi32>
      %add3A_2044 = arith.addi %mul3A_1987, %add3A_2043 : vector<16xi32>
      %gather3A_2045 = tpu.vector_load_idx %arg14[%add3A_2044] : memref<2000xf32, #tpu.memory_space<vmem>>[vector<16xi32>], vector<16xf32>,
      %broadcast_in_dim3A_2046 = arith.constant 9 : i32
      %broadcast_in_dim3A_2047 = vector.broadcast %broadcast_in_dim3A_2046 : i32 to vector<16xi32>
      tpu.vector_store_idx %arg12[%broadcast_in_dim3A_1473, %add3A_1969, %broadcast_in_dim3A_2047], %gather3A_2045 : memref<2x128x10xf32, #tpu.memory_space<vmem>>[vector<16xi32>, vector<16xi32>, vector<16xi32>], vector<16xf32>,
      %iota3A_2048 = tpu.iota {dimensions = array<i32: 0>} : vector<16xi32>
      %add3A_2049 = arith.constant 112 : i32
      %add3A_2050 = vector.broadcast %add3A_2049 : i32 to vector<16xi32>
      %add3A_2051 = arith.addi %iota3A_2048, %add3A_2050 : vector<16xi32>
      %get3A_2052 = arith.constant 1 : i32
      %get3A_2053 = arith.constant 0 : i32
      %get3A_2054 = arith.index_cast %get3A_2052 : i32 to index
      %get3A_2055 = arith.index_cast %get3A_2053 : i32 to index
      %get3A_2056 = arith.constant 112 : index
      %get3A_2057 = tpu.vector_load %arg8[%get3A_2054, %get3A_2055, %get3A_2056] {strides = array<i32>} : memref<3x2x128xi32, #tpu.memory_space<vmem>>, vector<16xi32>,
      %mul3A_2058 = arith.constant 5 : i32
      %mul3A_2059 = vector.broadcast %mul3A_2058 : i32 to vector<16xi32>
      %mul3A_2060 = arith.muli %get3A_2057, %mul3A_2059 : vector<16xi32>
      %get3A_2061 = arith.constant 2 : i32
      %get3A_2062 = arith.constant 0 : i32
      %get3A_2063 = arith.index_cast %get3A_2061 : i32 to index
      %get3A_2064 = arith.index_cast %get3A_2062 : i32 to index
      %get3A_2065 = arith.constant 112 : index
      %get3A_2066 = tpu.vector_load %arg8[%get3A_2063, %get3A_2064, %get3A_2065] {strides = array<i32>} : memref<3x2x128xi32, #tpu.memory_space<vmem>>, vector<16xi32>,
      %mul3A_2067 = arith.constant 5 : i32
      %mul3A_2068 = vector.broadcast %mul3A_2067 : i32 to vector<16xi32>
      %mul3A_2069 = arith.muli %get3A_2066, %mul3A_2068 : vector<16xi32>
      %add3A_2070 = arith.constant 0 : i32
      %add3A_2071 = vector.broadcast %add3A_2070 : i32 to vector<16xi32>
      %add3A_2072 = arith.addi %mul3A_2060, %add3A_2071 : vector<16xi32>
      %gather3A_2073 = tpu.vector_load_idx %arg13[%add3A_2072] : memref<2000xf32, #tpu.memory_space<vmem>>[vector<16xi32>], vector<16xf32>,
      %broadcast_in_dim3A_2074 = arith.constant 0 : i32
      %broadcast_in_dim3A_2075 = vector.broadcast %broadcast_in_dim3A_2074 : i32 to vector<16xi32>
      tpu.vector_store_idx %arg12[%broadcast_in_dim3A_1473, %add3A_2051, %broadcast_in_dim3A_2075], %gather3A_2073 : memref<2x128x10xf32, #tpu.memory_space<vmem>>[vector<16xi32>, vector<16xi32>, vector<16xi32>], vector<16xf32>,
      %add3A_2076 = arith.constant 0 : i32
      %add3A_2077 = vector.broadcast %add3A_2076 : i32 to vector<16xi32>
      %add3A_2078 = arith.addi %mul3A_2069, %add3A_2077 : vector<16xi32>
      %gather3A_2079 = tpu.vector_load_idx %arg14[%add3A_2078] : memref<2000xf32, #tpu.memory_space<vmem>>[vector<16xi32>], vector<16xf32>,
      %broadcast_in_dim3A_2080 = arith.constant 5 : i32
      %broadcast_in_dim3A_2081 = vector.broadcast %broadcast_in_dim3A_2080 : i32 to vector<16xi32>
      tpu.vector_store_idx %arg12[%broadcast_in_dim3A_1473, %add3A_2051, %broadcast_in_dim3A_2081], %gather3A_2079 : memref<2x128x10xf32, #tpu.memory_space<vmem>>[vector<16xi32>, vector<16xi32>, vector<16xi32>], vector<16xf32>,
      %add3A_2082 = arith.constant 1 : i32
      %add3A_2083 = vector.broadcast %add3A_2082 : i32 to vector<16xi32>
      %add3A_2084 = arith.addi %mul3A_2060, %add3A_2083 : vector<16xi32>
      %gather3A_2085 = tpu.vector_load_idx %arg13[%add3A_2084] : memref<2000xf32, #tpu.memory_space<vmem>>[vector<16xi32>], vector<16xf32>,
      %broadcast_in_dim3A_2086 = arith.constant 1 : i32
      %broadcast_in_dim3A_2087 = vector.broadcast %broadcast_in_dim3A_2086 : i32 to vector<16xi32>
      tpu.vector_store_idx %arg12[%broadcast_in_dim3A_1473, %add3A_2051, %broadcast_in_dim3A_2087], %gather3A_2085 : memref<2x128x10xf32, #tpu.memory_space<vmem>>[vector<16xi32>, vector<16xi32>, vector<16xi32>], vector<16xf32>,
      %add3A_2088 = arith.constant 1 : i32
      %add3A_2089 = vector.broadcast %add3A_2088 : i32 to vector<16xi32>
      %add3A_2090 = arith.addi %mul3A_2069, %add3A_2089 : vector<16xi32>
      %gather3A_2091 = tpu.vector_load_idx %arg14[%add3A_2090] : memref<2000xf32, #tpu.memory_space<vmem>>[vector<16xi32>], vector<16xf32>,
      %broadcast_in_dim3A_2092 = arith.constant 6 : i32
      %broadcast_in_dim3A_2093 = vector.broadcast %broadcast_in_dim3A_2092 : i32 to vector<16xi32>
      tpu.vector_store_idx %arg12[%broadcast_in_dim3A_1473, %add3A_2051, %broadcast_in_dim3A_2093], %gather3A_2091 : memref<2x128x10xf32, #tpu.memory_space<vmem>>[vector<16xi32>, vector<16xi32>, vector<16xi32>], vector<16xf32>,
      %add3A_2094 = arith.constant 2 : i32
      %add3A_2095 = vector.broadcast %add3A_2094 : i32 to vector<16xi32>
      %add3A_2096 = arith.addi %mul3A_2060, %add3A_2095 : vector<16xi32>
      %gather3A_2097 = tpu.vector_load_idx %arg13[%add3A_2096] : memref<2000xf32, #tpu.memory_space<vmem>>[vector<16xi32>], vector<16xf32>,
      %broadcast_in_dim3A_2098 = arith.constant 2 : i32
      %broadcast_in_dim3A_2099 = vector.broadcast %broadcast_in_dim3A_2098 : i32 to vector<16xi32>
      tpu.vector_store_idx %arg12[%broadcast_in_dim3A_1473, %add3A_2051, %broadcast_in_dim3A_2099], %gather3A_2097 : memref<2x128x10xf32, #tpu.memory_space<vmem>>[vector<16xi32>, vector<16xi32>, vector<16xi32>], vector<16xf32>,
      %add3A_2100 = arith.constant 2 : i32
      %add3A_2101 = vector.broadcast %add3A_2100 : i32 to vector<16xi32>
      %add3A_2102 = arith.addi %mul3A_2069, %add3A_2101 : vector<16xi32>
      %gather3A_2103 = tpu.vector_load_idx %arg14[%add3A_2102] : memref<2000xf32, #tpu.memory_space<vmem>>[vector<16xi32>], vector<16xf32>,
      %broadcast_in_dim3A_2104 = arith.constant 7 : i32
      %broadcast_in_dim3A_2105 = vector.broadcast %broadcast_in_dim3A_2104 : i32 to vector<16xi32>
      tpu.vector_store_idx %arg12[%broadcast_in_dim3A_1473, %add3A_2051, %broadcast_in_dim3A_2105], %gather3A_2103 : memref<2x128x10xf32, #tpu.memory_space<vmem>>[vector<16xi32>, vector<16xi32>, vector<16xi32>], vector<16xf32>,
      %add3A_2106 = arith.constant 3 : i32
      %add3A_2107 = vector.broadcast %add3A_2106 : i32 to vector<16xi32>
      %add3A_2108 = arith.addi %mul3A_2060, %add3A_2107 : vector<16xi32>
      %gather3A_2109 = tpu.vector_load_idx %arg13[%add3A_2108] : memref<2000xf32, #tpu.memory_space<vmem>>[vector<16xi32>], vector<16xf32>,
      %broadcast_in_dim3A_2110 = arith.constant 3 : i32
      %broadcast_in_dim3A_2111 = vector.broadcast %broadcast_in_dim3A_2110 : i32 to vector<16xi32>
      tpu.vector_store_idx %arg12[%broadcast_in_dim3A_1473, %add3A_2051, %broadcast_in_dim3A_2111], %gather3A_2109 : memref<2x128x10xf32, #tpu.memory_space<vmem>>[vector<16xi32>, vector<16xi32>, vector<16xi32>], vector<16xf32>,
      %add3A_2112 = arith.constant 3 : i32
      %add3A_2113 = vector.broadcast %add3A_2112 : i32 to vector<16xi32>
      %add3A_2114 = arith.addi %mul3A_2069, %add3A_2113 : vector<16xi32>
      %gather3A_2115 = tpu.vector_load_idx %arg14[%add3A_2114] : memref<2000xf32, #tpu.memory_space<vmem>>[vector<16xi32>], vector<16xf32>,
      %broadcast_in_dim3A_2116 = arith.constant 8 : i32
      %broadcast_in_dim3A_2117 = vector.broadcast %broadcast_in_dim3A_2116 : i32 to vector<16xi32>
      tpu.vector_store_idx %arg12[%broadcast_in_dim3A_1473, %add3A_2051, %broadcast_in_dim3A_2117], %gather3A_2115 : memref<2x128x10xf32, #tpu.memory_space<vmem>>[vector<16xi32>, vector<16xi32>, vector<16xi32>], vector<16xf32>,
      %add3A_2118 = arith.constant 4 : i32
      %add3A_2119 = vector.broadcast %add3A_2118 : i32 to vector<16xi32>
      %add3A_2120 = arith.addi %mul3A_2060, %add3A_2119 : vector<16xi32>
      %gather3A_2121 = tpu.vector_load_idx %arg13[%add3A_2120] : memref<2000xf32, #tpu.memory_space<vmem>>[vector<16xi32>], vector<16xf32>,
      %broadcast_in_dim3A_2122 = arith.constant 4 : i32
      %broadcast_in_dim3A_2123 = vector.broadcast %broadcast_in_dim3A_2122 : i32 to vector<16xi32>
      tpu.vector_store_idx %arg12[%broadcast_in_dim3A_1473, %add3A_2051, %broadcast_in_dim3A_2123], %gather3A_2121 : memref<2x128x10xf32, #tpu.memory_space<vmem>>[vector<16xi32>, vector<16xi32>, vector<16xi32>], vector<16xf32>,
      %add3A_2124 = arith.constant 4 : i32
      %add3A_2125 = vector.broadcast %add3A_2124 : i32 to vector<16xi32>
      %add3A_2126 = arith.addi %mul3A_2069, %add3A_2125 : vector<16xi32>
      %gather3A_2127 = tpu.vector_load_idx %arg14[%add3A_2126] : memref<2000xf32, #tpu.memory_space<vmem>>[vector<16xi32>], vector<16xf32>,
      %broadcast_in_dim3A_2128 = arith.constant 9 : i32
      %broadcast_in_dim3A_2129 = vector.broadcast %broadcast_in_dim3A_2128 : i32 to vector<16xi32>
      tpu.vector_store_idx %arg12[%broadcast_in_dim3A_1473, %add3A_2051, %broadcast_in_dim3A_2129], %gather3A_2127 : memref<2x128x10xf32, #tpu.memory_space<vmem>>[vector<16xi32>, vector<16xi32>, vector<16xi32>], vector<16xf32>,
      %broadcast_in_dim3A_2130 = arith.constant 1 : i32
      %broadcast_in_dim3A_2131 = vector.broadcast %broadcast_in_dim3A_2130 : i32 to vector<16xi32>
      %iota3A_2132 = tpu.iota {dimensions = array<i32: 0>} : vector<16xi32>
      %add3A_2133 = arith.constant 0 : i32
      %add3A_2134 = vector.broadcast %add3A_2133 : i32 to vector<16xi32>
      %add3A_2135 = arith.addi %iota3A_2132, %add3A_2134 : vector<16xi32>
      %get3A_2136 = arith.constant 1 : i32
      %get3A_2137 = arith.constant 1 : i32
      %get3A_2138 = arith.index_cast %get3A_2136 : i32 to index
      %get3A_2139 = arith.index_cast %get3A_2137 : i32 to index
      %get3A_2140 = arith.constant 0 : index
      %get3A_2141 = tpu.vector_load %arg8[%get3A_2138, %get3A_2139, %get3A_2140] {strides = array<i32>} : memref<3x2x128xi32, #tpu.memory_space<vmem>>, vector<16xi32>,
      %mul3A_2142 = arith.constant 5 : i32
      %mul3A_2143 = vector.broadcast %mul3A_2142 : i32 to vector<16xi32>
      %mul3A_2144 = arith.muli %get3A_2141, %mul3A_2143 : vector<16xi32>
      %get3A_2145 = arith.constant 2 : i32
      %get3A_2146 = arith.constant 1 : i32
      %get3A_2147 = arith.index_cast %get3A_2145 : i32 to index
      %get3A_2148 = arith.index_cast %get3A_2146 : i32 to index
      %get3A_2149 = arith.constant 0 : index
      %get3A_2150 = tpu.vector_load %arg8[%get3A_2147, %get3A_2148, %get3A_2149] {strides = array<i32>} : memref<3x2x128xi32, #tpu.memory_space<vmem>>, vector<16xi32>,
      %mul3A_2151 = arith.constant 5 : i32
      %mul3A_2152 = vector.broadcast %mul3A_2151 : i32 to vector<16xi32>
      %mul3A_2153 = arith.muli %get3A_2150, %mul3A_2152 : vector<16xi32>
      %add3A_2154 = arith.constant 0 : i32
      %add3A_2155 = vector.broadcast %add3A_2154 : i32 to vector<16xi32>
      %add3A_2156 = arith.addi %mul3A_2144, %add3A_2155 : vector<16xi32>
      %gather3A_2157 = tpu.vector_load_idx %arg13[%add3A_2156] : memref<2000xf32, #tpu.memory_space<vmem>>[vector<16xi32>], vector<16xf32>,
      %broadcast_in_dim3A_2158 = arith.constant 0 : i32
      %broadcast_in_dim3A_2159 = vector.broadcast %broadcast_in_dim3A_2158 : i32 to vector<16xi32>
      tpu.vector_store_idx %arg12[%broadcast_in_dim3A_2131, %add3A_2135, %broadcast_in_dim3A_2159], %gather3A_2157 : memref<2x128x10xf32, #tpu.memory_space<vmem>>[vector<16xi32>, vector<16xi32>, vector<16xi32>], vector<16xf32>,
      %add3A_2160 = arith.constant 0 : i32
      %add3A_2161 = vector.broadcast %add3A_2160 : i32 to vector<16xi32>
      %add3A_2162 = arith.addi %mul3A_2153, %add3A_2161 : vector<16xi32>
      %gather3A_2163 = tpu.vector_load_idx %arg14[%add3A_2162] : memref<2000xf32, #tpu.memory_space<vmem>>[vector<16xi32>], vector<16xf32>,
      %broadcast_in_dim3A_2164 = arith.constant 5 : i32
      %broadcast_in_dim3A_2165 = vector.broadcast %broadcast_in_dim3A_2164 : i32 to vector<16xi32>
      tpu.vector_store_idx %arg12[%broadcast_in_dim3A_2131, %add3A_2135, %broadcast_in_dim3A_2165], %gather3A_2163 : memref<2x128x10xf32, #tpu.memory_space<vmem>>[vector<16xi32>, vector<16xi32>, vector<16xi32>], vector<16xf32>,
      %add3A_2166 = arith.constant 1 : i32
      %add3A_2167 = vector.broadcast %add3A_2166 : i32 to vector<16xi32>
      %add3A_2168 = arith.addi %mul3A_2144, %add3A_2167 : vector<16xi32>
      %gather3A_2169 = tpu.vector_load_idx %arg13[%add3A_2168] : memref<2000xf32, #tpu.memory_space<vmem>>[vector<16xi32>], vector<16xf32>,
      %broadcast_in_dim3A_2170 = arith.constant 1 : i32
      %broadcast_in_dim3A_2171 = vector.broadcast %broadcast_in_dim3A_2170 : i32 to vector<16xi32>
      tpu.vector_store_idx %arg12[%broadcast_in_dim3A_2131, %add3A_2135, %broadcast_in_dim3A_2171], %gather3A_2169 : memref<2x128x10xf32, #tpu.memory_space<vmem>>[vector<16xi32>, vector<16xi32>, vector<16xi32>], vector<16xf32>,
      %add3A_2172 = arith.constant 1 : i32
      %add3A_2173 = vector.broadcast %add3A_2172 : i32 to vector<16xi32>
      %add3A_2174 = arith.addi %mul3A_2153, %add3A_2173 : vector<16xi32>
      %gather3A_2175 = tpu.vector_load_idx %arg14[%add3A_2174] : memref<2000xf32, #tpu.memory_space<vmem>>[vector<16xi32>], vector<16xf32>,
      %broadcast_in_dim3A_2176 = arith.constant 6 : i32
      %broadcast_in_dim3A_2177 = vector.broadcast %broadcast_in_dim3A_2176 : i32 to vector<16xi32>
      tpu.vector_store_idx %arg12[%broadcast_in_dim3A_2131, %add3A_2135, %broadcast_in_dim3A_2177], %gather3A_2175 : memref<2x128x10xf32, #tpu.memory_space<vmem>>[vector<16xi32>, vector<16xi32>, vector<16xi32>], vector<16xf32>,
      %add3A_2178 = arith.constant 2 : i32
      %add3A_2179 = vector.broadcast %add3A_2178 : i32 to vector<16xi32>
      %add3A_2180 = arith.addi %mul3A_2144, %add3A_2179 : vector<16xi32>
      %gather3A_2181 = tpu.vector_load_idx %arg13[%add3A_2180] : memref<2000xf32, #tpu.memory_space<vmem>>[vector<16xi32>], vector<16xf32>,
      %broadcast_in_dim3A_2182 = arith.constant 2 : i32
      %broadcast_in_dim3A_2183 = vector.broadcast %broadcast_in_dim3A_2182 : i32 to vector<16xi32>
      tpu.vector_store_idx %arg12[%broadcast_in_dim3A_2131, %add3A_2135, %broadcast_in_dim3A_2183], %gather3A_2181 : memref<2x128x10xf32, #tpu.memory_space<vmem>>[vector<16xi32>, vector<16xi32>, vector<16xi32>], vector<16xf32>,
      %add3A_2184 = arith.constant 2 : i32
      %add3A_2185 = vector.broadcast %add3A_2184 : i32 to vector<16xi32>
      %add3A_2186 = arith.addi %mul3A_2153, %add3A_2185 : vector<16xi32>
      %gather3A_2187 = tpu.vector_load_idx %arg14[%add3A_2186] : memref<2000xf32, #tpu.memory_space<vmem>>[vector<16xi32>], vector<16xf32>,
      %broadcast_in_dim3A_2188 = arith.constant 7 : i32
      %broadcast_in_dim3A_2189 = vector.broadcast %broadcast_in_dim3A_2188 : i32 to vector<16xi32>
      tpu.vector_store_idx %arg12[%broadcast_in_dim3A_2131, %add3A_2135, %broadcast_in_dim3A_2189], %gather3A_2187 : memref<2x128x10xf32, #tpu.memory_space<vmem>>[vector<16xi32>, vector<16xi32>, vector<16xi32>], vector<16xf32>,
      %add3A_2190 = arith.constant 3 : i32
      %add3A_2191 = vector.broadcast %add3A_2190 : i32 to vector<16xi32>
      %add3A_2192 = arith.addi %mul3A_2144, %add3A_2191 : vector<16xi32>
      %gather3A_2193 = tpu.vector_load_idx %arg13[%add3A_2192] : memref<2000xf32, #tpu.memory_space<vmem>>[vector<16xi32>], vector<16xf32>,
      %broadcast_in_dim3A_2194 = arith.constant 3 : i32
      %broadcast_in_dim3A_2195 = vector.broadcast %broadcast_in_dim3A_2194 : i32 to vector<16xi32>
      tpu.vector_store_idx %arg12[%broadcast_in_dim3A_2131, %add3A_2135, %broadcast_in_dim3A_2195], %gather3A_2193 : memref<2x128x10xf32, #tpu.memory_space<vmem>>[vector<16xi32>, vector<16xi32>, vector<16xi32>], vector<16xf32>,
      %add3A_2196 = arith.constant 3 : i32
      %add3A_2197 = vector.broadcast %add3A_2196 : i32 to vector<16xi32>
      %add3A_2198 = arith.addi %mul3A_2153, %add3A_2197 : vector<16xi32>
      %gather3A_2199 = tpu.vector_load_idx %arg14[%add3A_2198] : memref<2000xf32, #tpu.memory_space<vmem>>[vector<16xi32>], vector<16xf32>,
      %broadcast_in_dim3A_2200 = arith.constant 8 : i32
      %broadcast_in_dim3A_2201 = vector.broadcast %broadcast_in_dim3A_2200 : i32 to vector<16xi32>
      tpu.vector_store_idx %arg12[%broadcast_in_dim3A_2131, %add3A_2135, %broadcast_in_dim3A_2201], %gather3A_2199 : memref<2x128x10xf32, #tpu.memory_space<vmem>>[vector<16xi32>, vector<16xi32>, vector<16xi32>], vector<16xf32>,
      %add3A_2202 = arith.constant 4 : i32
      %add3A_2203 = vector.broadcast %add3A_2202 : i32 to vector<16xi32>
      %add3A_2204 = arith.addi %mul3A_2144, %add3A_2203 : vector<16xi32>
      %gather3A_2205 = tpu.vector_load_idx %arg13[%add3A_2204] : memref<2000xf32, #tpu.memory_space<vmem>>[vector<16xi32>], vector<16xf32>,
      %broadcast_in_dim3A_2206 = arith.constant 4 : i32
      %broadcast_in_dim3A_2207 = vector.broadcast %broadcast_in_dim3A_2206 : i32 to vector<16xi32>
      tpu.vector_store_idx %arg12[%broadcast_in_dim3A_2131, %add3A_2135, %broadcast_in_dim3A_2207], %gather3A_2205 : memref<2x128x10xf32, #tpu.memory_space<vmem>>[vector<16xi32>, vector<16xi32>, vector<16xi32>], vector<16xf32>,
      %add3A_2208 = arith.constant 4 : i32
      %add3A_2209 = vector.broadcast %add3A_2208 : i32 to vector<16xi32>
      %add3A_2210 = arith.addi %mul3A_2153, %add3A_2209 : vector<16xi32>
      %gather3A_2211 = tpu.vector_load_idx %arg14[%add3A_2210] : memref<2000xf32, #tpu.memory_space<vmem>>[vector<16xi32>], vector<16xf32>,
      %broadcast_in_dim3A_2212 = arith.constant 9 : i32
      %broadcast_in_dim3A_2213 = vector.broadcast %broadcast_in_dim3A_2212 : i32 to vector<16xi32>
      tpu.vector_store_idx %arg12[%broadcast_in_dim3A_2131, %add3A_2135, %broadcast_in_dim3A_2213], %gather3A_2211 : memref<2x128x10xf32, #tpu.memory_space<vmem>>[vector<16xi32>, vector<16xi32>, vector<16xi32>], vector<16xf32>,
      %iota3A_2214 = tpu.iota {dimensions = array<i32: 0>} : vector<16xi32>
      %add3A_2215 = arith.constant 16 : i32
      %add3A_2216 = vector.broadcast %add3A_2215 : i32 to vector<16xi32>
      %add3A_2217 = arith.addi %iota3A_2214, %add3A_2216 : vector<16xi32>
      %get3A_2218 = arith.constant 1 : i32
      %get3A_2219 = arith.constant 1 : i32
      %get3A_2220 = arith.index_cast %get3A_2218 : i32 to index
      %get3A_2221 = arith.index_cast %get3A_2219 : i32 to index
      %get3A_2222 = arith.constant 16 : index
      %get3A_2223 = tpu.vector_load %arg8[%get3A_2220, %get3A_2221, %get3A_2222] {strides = array<i32>} : memref<3x2x128xi32, #tpu.memory_space<vmem>>, vector<16xi32>,
      %mul3A_2224 = arith.constant 5 : i32
      %mul3A_2225 = vector.broadcast %mul3A_2224 : i32 to vector<16xi32>
      %mul3A_2226 = arith.muli %get3A_2223, %mul3A_2225 : vector<16xi32>
      %get3A_2227 = arith.constant 2 : i32
      %get3A_2228 = arith.constant 1 : i32
      %get3A_2229 = arith.index_cast %get3A_2227 : i32 to index
      %get3A_2230 = arith.index_cast %get3A_2228 : i32 to index
      %get3A_2231 = arith.constant 16 : index
      %get3A_2232 = tpu.vector_load %arg8[%get3A_2229, %get3A_2230, %get3A_2231] {strides = array<i32>} : memref<3x2x128xi32, #tpu.memory_space<vmem>>, vector<16xi32>,
      %mul3A_2233 = arith.constant 5 : i32
      %mul3A_2234 = vector.broadcast %mul3A_2233 : i32 to vector<16xi32>
      %mul3A_2235 = arith.muli %get3A_2232, %mul3A_2234 : vector<16xi32>
      %add3A_2236 = arith.constant 0 : i32
      %add3A_2237 = vector.broadcast %add3A_2236 : i32 to vector<16xi32>
      %add3A_2238 = arith.addi %mul3A_2226, %add3A_2237 : vector<16xi32>
      %gather3A_2239 = tpu.vector_load_idx %arg13[%add3A_2238] : memref<2000xf32, #tpu.memory_space<vmem>>[vector<16xi32>], vector<16xf32>,
      %broadcast_in_dim3A_2240 = arith.constant 0 : i32
      %broadcast_in_dim3A_2241 = vector.broadcast %broadcast_in_dim3A_2240 : i32 to vector<16xi32>
      tpu.vector_store_idx %arg12[%broadcast_in_dim3A_2131, %add3A_2217, %broadcast_in_dim3A_2241], %gather3A_2239 : memref<2x128x10xf32, #tpu.memory_space<vmem>>[vector<16xi32>, vector<16xi32>, vector<16xi32>], vector<16xf32>,
      %add3A_2242 = arith.constant 0 : i32
      %add3A_2243 = vector.broadcast %add3A_2242 : i32 to vector<16xi32>
      %add3A_2244 = arith.addi %mul3A_2235, %add3A_2243 : vector<16xi32>
      %gather3A_2245 = tpu.vector_load_idx %arg14[%add3A_2244] : memref<2000xf32, #tpu.memory_space<vmem>>[vector<16xi32>], vector<16xf32>,
      %broadcast_in_dim3A_2246 = arith.constant 5 : i32
      %broadcast_in_dim3A_2247 = vector.broadcast %broadcast_in_dim3A_2246 : i32 to vector<16xi32>
      tpu.vector_store_idx %arg12[%broadcast_in_dim3A_2131, %add3A_2217, %broadcast_in_dim3A_2247], %gather3A_2245 : memref<2x128x10xf32, #tpu.memory_space<vmem>>[vector<16xi32>, vector<16xi32>, vector<16xi32>], vector<16xf32>,
      %add3A_2248 = arith.constant 1 : i32
      %add3A_2249 = vector.broadcast %add3A_2248 : i32 to vector<16xi32>
      %add3A_2250 = arith.addi %mul3A_2226, %add3A_2249 : vector<16xi32>
      %gather3A_2251 = tpu.vector_load_idx %arg13[%add3A_2250] : memref<2000xf32, #tpu.memory_space<vmem>>[vector<16xi32>], vector<16xf32>,
      %broadcast_in_dim3A_2252 = arith.constant 1 : i32
      %broadcast_in_dim3A_2253 = vector.broadcast %broadcast_in_dim3A_2252 : i32 to vector<16xi32>
      tpu.vector_store_idx %arg12[%broadcast_in_dim3A_2131, %add3A_2217, %broadcast_in_dim3A_2253], %gather3A_2251 : memref<2x128x10xf32, #tpu.memory_space<vmem>>[vector<16xi32>, vector<16xi32>, vector<16xi32>], vector<16xf32>,
      %add3A_2254 = arith.constant 1 : i32
      %add3A_2255 = vector.broadcast %add3A_2254 : i32 to vector<16xi32>
      %add3A_2256 = arith.addi %mul3A_2235, %add3A_2255 : vector<16xi32>
      %gather3A_2257 = tpu.vector_load_idx %arg14[%add3A_2256] : memref<2000xf32, #tpu.memory_space<vmem>>[vector<16xi32>], vector<16xf32>,
      %broadcast_in_dim3A_2258 = arith.constant 6 : i32
      %broadcast_in_dim3A_2259 = vector.broadcast %broadcast_in_dim3A_2258 : i32 to vector<16xi32>
      tpu.vector_store_idx %arg12[%broadcast_in_dim3A_2131, %add3A_2217, %broadcast_in_dim3A_2259], %gather3A_2257 : memref<2x128x10xf32, #tpu.memory_space<vmem>>[vector<16xi32>, vector<16xi32>, vector<16xi32>], vector<16xf32>,
      %add3A_2260 = arith.constant 2 : i32
      %add3A_2261 = vector.broadcast %add3A_2260 : i32 to vector<16xi32>
      %add3A_2262 = arith.addi %mul3A_2226, %add3A_2261 : vector<16xi32>
      %gather3A_2263 = tpu.vector_load_idx %arg13[%add3A_2262] : memref<2000xf32, #tpu.memory_space<vmem>>[vector<16xi32>], vector<16xf32>,
      %broadcast_in_dim3A_2264 = arith.constant 2 : i32
      %broadcast_in_dim3A_2265 = vector.broadcast %broadcast_in_dim3A_2264 : i32 to vector<16xi32>
      tpu.vector_store_idx %arg12[%broadcast_in_dim3A_2131, %add3A_2217, %broadcast_in_dim3A_2265], %gather3A_2263 : memref<2x128x10xf32, #tpu.memory_space<vmem>>[vector<16xi32>, vector<16xi32>, vector<16xi32>], vector<16xf32>,
      %add3A_2266 = arith.constant 2 : i32
      %add3A_2267 = vector.broadcast %add3A_2266 : i32 to vector<16xi32>
      %add3A_2268 = arith.addi %mul3A_2235, %add3A_2267 : vector<16xi32>
      %gather3A_2269 = tpu.vector_load_idx %arg14[%add3A_2268] : memref<2000xf32, #tpu.memory_space<vmem>>[vector<16xi32>], vector<16xf32>,
      %broadcast_in_dim3A_2270 = arith.constant 7 : i32
      %broadcast_in_dim3A_2271 = vector.broadcast %broadcast_in_dim3A_2270 : i32 to vector<16xi32>
      tpu.vector_store_idx %arg12[%broadcast_in_dim3A_2131, %add3A_2217, %broadcast_in_dim3A_2271], %gather3A_2269 : memref<2x128x10xf32, #tpu.memory_space<vmem>>[vector<16xi32>, vector<16xi32>, vector<16xi32>], vector<16xf32>,
      %add3A_2272 = arith.constant 3 : i32
      %add3A_2273 = vector.broadcast %add3A_2272 : i32 to vector<16xi32>
      %add3A_2274 = arith.addi %mul3A_2226, %add3A_2273 : vector<16xi32>
      %gather3A_2275 = tpu.vector_load_idx %arg13[%add3A_2274] : memref<2000xf32, #tpu.memory_space<vmem>>[vector<16xi32>], vector<16xf32>,
      %broadcast_in_dim3A_2276 = arith.constant 3 : i32
      %broadcast_in_dim3A_2277 = vector.broadcast %broadcast_in_dim3A_2276 : i32 to vector<16xi32>
      tpu.vector_store_idx %arg12[%broadcast_in_dim3A_2131, %add3A_2217, %broadcast_in_dim3A_2277], %gather3A_2275 : memref<2x128x10xf32, #tpu.memory_space<vmem>>[vector<16xi32>, vector<16xi32>, vector<16xi32>], vector<16xf32>,
      %add3A_2278 = arith.constant 3 : i32
      %add3A_2279 = vector.broadcast %add3A_2278 : i32 to vector<16xi32>
      %add3A_2280 = arith.addi %mul3A_2235, %add3A_2279 : vector<16xi32>
      %gather3A_2281 = tpu.vector_load_idx %arg14[%add3A_2280] : memref<2000xf32, #tpu.memory_space<vmem>>[vector<16xi32>], vector<16xf32>,
      %broadcast_in_dim3A_2282 = arith.constant 8 : i32
      %broadcast_in_dim3A_2283 = vector.broadcast %broadcast_in_dim3A_2282 : i32 to vector<16xi32>
      tpu.vector_store_idx %arg12[%broadcast_in_dim3A_2131, %add3A_2217, %broadcast_in_dim3A_2283], %gather3A_2281 : memref<2x128x10xf32, #tpu.memory_space<vmem>>[vector<16xi32>, vector<16xi32>, vector<16xi32>], vector<16xf32>,
      %add3A_2284 = arith.constant 4 : i32
      %add3A_2285 = vector.broadcast %add3A_2284 : i32 to vector<16xi32>
      %add3A_2286 = arith.addi %mul3A_2226, %add3A_2285 : vector<16xi32>
      %gather3A_2287 = tpu.vector_load_idx %arg13[%add3A_2286] : memref<2000xf32, #tpu.memory_space<vmem>>[vector<16xi32>], vector<16xf32>,
      %broadcast_in_dim3A_2288 = arith.constant 4 : i32
      %broadcast_in_dim3A_2289 = vector.broadcast %broadcast_in_dim3A_2288 : i32 to vector<16xi32>
      tpu.vector_store_idx %arg12[%broadcast_in_dim3A_2131, %add3A_2217, %broadcast_in_dim3A_2289], %gather3A_2287 : memref<2x128x10xf32, #tpu.memory_space<vmem>>[vector<16xi32>, vector<16xi32>, vector<16xi32>], vector<16xf32>,
      %add3A_2290 = arith.constant 4 : i32
      %add3A_2291 = vector.broadcast %add3A_2290 : i32 to vector<16xi32>
      %add3A_2292 = arith.addi %mul3A_2235, %add3A_2291 : vector<16xi32>
      %gather3A_2293 = tpu.vector_load_idx %arg14[%add3A_2292] : memref<2000xf32, #tpu.memory_space<vmem>>[vector<16xi32>], vector<16xf32>,
      %broadcast_in_dim3A_2294 = arith.constant 9 : i32
      %broadcast_in_dim3A_2295 = vector.broadcast %broadcast_in_dim3A_2294 : i32 to vector<16xi32>
      tpu.vector_store_idx %arg12[%broadcast_in_dim3A_2131, %add3A_2217, %broadcast_in_dim3A_2295], %gather3A_2293 : memref<2x128x10xf32, #tpu.memory_space<vmem>>[vector<16xi32>, vector<16xi32>, vector<16xi32>], vector<16xf32>,
      %iota3A_2296 = tpu.iota {dimensions = array<i32: 0>} : vector<16xi32>
      %add3A_2297 = arith.constant 32 : i32
      %add3A_2298 = vector.broadcast %add3A_2297 : i32 to vector<16xi32>
      %add3A_2299 = arith.addi %iota3A_2296, %add3A_2298 : vector<16xi32>
      %get3A_2300 = arith.constant 1 : i32
      %get3A_2301 = arith.constant 1 : i32
      %get3A_2302 = arith.index_cast %get3A_2300 : i32 to index
      %get3A_2303 = arith.index_cast %get3A_2301 : i32 to index
      %get3A_2304 = arith.constant 32 : index
      %get3A_2305 = tpu.vector_load %arg8[%get3A_2302, %get3A_2303, %get3A_2304] {strides = array<i32>} : memref<3x2x128xi32, #tpu.memory_space<vmem>>, vector<16xi32>,
      %mul3A_2306 = arith.constant 5 : i32
      %mul3A_2307 = vector.broadcast %mul3A_2306 : i32 to vector<16xi32>
      %mul3A_2308 = arith.muli %get3A_2305, %mul3A_2307 : vector<16xi32>
      %get3A_2309 = arith.constant 2 : i32
      %get3A_2310 = arith.constant 1 : i32
      %get3A_2311 = arith.index_cast %get3A_2309 : i32 to index
      %get3A_2312 = arith.index_cast %get3A_2310 : i32 to index
      %get3A_2313 = arith.constant 32 : index
      %get3A_2314 = tpu.vector_load %arg8[%get3A_2311, %get3A_2312, %get3A_2313] {strides = array<i32>} : memref<3x2x128xi32, #tpu.memory_space<vmem>>, vector<16xi32>,
      %mul3A_2315 = arith.constant 5 : i32
      %mul3A_2316 = vector.broadcast %mul3A_2315 : i32 to vector<16xi32>
      %mul3A_2317 = arith.muli %get3A_2314, %mul3A_2316 : vector<16xi32>
      %add3A_2318 = arith.constant 0 : i32
      %add3A_2319 = vector.broadcast %add3A_2318 : i32 to vector<16xi32>
      %add3A_2320 = arith.addi %mul3A_2308, %add3A_2319 : vector<16xi32>
      %gather3A_2321 = tpu.vector_load_idx %arg13[%add3A_2320] : memref<2000xf32, #tpu.memory_space<vmem>>[vector<16xi32>], vector<16xf32>,
      %broadcast_in_dim3A_2322 = arith.constant 0 : i32
      %broadcast_in_dim3A_2323 = vector.broadcast %broadcast_in_dim3A_2322 : i32 to vector<16xi32>
      tpu.vector_store_idx %arg12[%broadcast_in_dim3A_2131, %add3A_2299, %broadcast_in_dim3A_2323], %gather3A_2321 : memref<2x128x10xf32, #tpu.memory_space<vmem>>[vector<16xi32>, vector<16xi32>, vector<16xi32>], vector<16xf32>,
      %add3A_2324 = arith.constant 0 : i32
      %add3A_2325 = vector.broadcast %add3A_2324 : i32 to vector<16xi32>
      %add3A_2326 = arith.addi %mul3A_2317, %add3A_2325 : vector<16xi32>
      %gather3A_2327 = tpu.vector_load_idx %arg14[%add3A_2326] : memref<2000xf32, #tpu.memory_space<vmem>>[vector<16xi32>], vector<16xf32>,
      %broadcast_in_dim3A_2328 = arith.constant 5 : i32
      %broadcast_in_dim3A_2329 = vector.broadcast %broadcast_in_dim3A_2328 : i32 to vector<16xi32>
      tpu.vector_store_idx %arg12[%broadcast_in_dim3A_2131, %add3A_2299, %broadcast_in_dim3A_2329], %gather3A_2327 : memref<2x128x10xf32, #tpu.memory_space<vmem>>[vector<16xi32>, vector<16xi32>, vector<16xi32>], vector<16xf32>,
      %add3A_2330 = arith.constant 1 : i32
      %add3A_2331 = vector.broadcast %add3A_2330 : i32 to vector<16xi32>
      %add3A_2332 = arith.addi %mul3A_2308, %add3A_2331 : vector<16xi32>
      %gather3A_2333 = tpu.vector_load_idx %arg13[%add3A_2332] : memref<2000xf32, #tpu.memory_space<vmem>>[vector<16xi32>], vector<16xf32>,
      %broadcast_in_dim3A_2334 = arith.constant 1 : i32
      %broadcast_in_dim3A_2335 = vector.broadcast %broadcast_in_dim3A_2334 : i32 to vector<16xi32>
      tpu.vector_store_idx %arg12[%broadcast_in_dim3A_2131, %add3A_2299, %broadcast_in_dim3A_2335], %gather3A_2333 : memref<2x128x10xf32, #tpu.memory_space<vmem>>[vector<16xi32>, vector<16xi32>, vector<16xi32>], vector<16xf32>,
      %add3A_2336 = arith.constant 1 : i32
      %add3A_2337 = vector.broadcast %add3A_2336 : i32 to vector<16xi32>
      %add3A_2338 = arith.addi %mul3A_2317, %add3A_2337 : vector<16xi32>
      %gather3A_2339 = tpu.vector_load_idx %arg14[%add3A_2338] : memref<2000xf32, #tpu.memory_space<vmem>>[vector<16xi32>], vector<16xf32>,
      %broadcast_in_dim3A_2340 = arith.constant 6 : i32
      %broadcast_in_dim3A_2341 = vector.broadcast %broadcast_in_dim3A_2340 : i32 to vector<16xi32>
      tpu.vector_store_idx %arg12[%broadcast_in_dim3A_2131, %add3A_2299, %broadcast_in_dim3A_2341], %gather3A_2339 : memref<2x128x10xf32, #tpu.memory_space<vmem>>[vector<16xi32>, vector<16xi32>, vector<16xi32>], vector<16xf32>,
      %add3A_2342 = arith.constant 2 : i32
      %add3A_2343 = vector.broadcast %add3A_2342 : i32 to vector<16xi32>
      %add3A_2344 = arith.addi %mul3A_2308, %add3A_2343 : vector<16xi32>
      %gather3A_2345 = tpu.vector_load_idx %arg13[%add3A_2344] : memref<2000xf32, #tpu.memory_space<vmem>>[vector<16xi32>], vector<16xf32>,
      %broadcast_in_dim3A_2346 = arith.constant 2 : i32
      %broadcast_in_dim3A_2347 = vector.broadcast %broadcast_in_dim3A_2346 : i32 to vector<16xi32>
      tpu.vector_store_idx %arg12[%broadcast_in_dim3A_2131, %add3A_2299, %broadcast_in_dim3A_2347], %gather3A_2345 : memref<2x128x10xf32, #tpu.memory_space<vmem>>[vector<16xi32>, vector<16xi32>, vector<16xi32>], vector<16xf32>,
      %add3A_2348 = arith.constant 2 : i32
      %add3A_2349 = vector.broadcast %add3A_2348 : i32 to vector<16xi32>
      %add3A_2350 = arith.addi %mul3A_2317, %add3A_2349 : vector<16xi32>
      %gather3A_2351 = tpu.vector_load_idx %arg14[%add3A_2350] : memref<2000xf32, #tpu.memory_space<vmem>>[vector<16xi32>], vector<16xf32>,
      %broadcast_in_dim3A_2352 = arith.constant 7 : i32
      %broadcast_in_dim3A_2353 = vector.broadcast %broadcast_in_dim3A_2352 : i32 to vector<16xi32>
      tpu.vector_store_idx %arg12[%broadcast_in_dim3A_2131, %add3A_2299, %broadcast_in_dim3A_2353], %gather3A_2351 : memref<2x128x10xf32, #tpu.memory_space<vmem>>[vector<16xi32>, vector<16xi32>, vector<16xi32>], vector<16xf32>,
      %add3A_2354 = arith.constant 3 : i32
      %add3A_2355 = vector.broadcast %add3A_2354 : i32 to vector<16xi32>
      %add3A_2356 = arith.addi %mul3A_2308, %add3A_2355 : vector<16xi32>
      %gather3A_2357 = tpu.vector_load_idx %arg13[%add3A_2356] : memref<2000xf32, #tpu.memory_space<vmem>>[vector<16xi32>], vector<16xf32>,
      %broadcast_in_dim3A_2358 = arith.constant 3 : i32
      %broadcast_in_dim3A_2359 = vector.broadcast %broadcast_in_dim3A_2358 : i32 to vector<16xi32>
      tpu.vector_store_idx %arg12[%broadcast_in_dim3A_2131, %add3A_2299, %broadcast_in_dim3A_2359], %gather3A_2357 : memref<2x128x10xf32, #tpu.memory_space<vmem>>[vector<16xi32>, vector<16xi32>, vector<16xi32>], vector<16xf32>,
      %add3A_2360 = arith.constant 3 : i32
      %add3A_2361 = vector.broadcast %add3A_2360 : i32 to vector<16xi32>
      %add3A_2362 = arith.addi %mul3A_2317, %add3A_2361 : vector<16xi32>
      %gather3A_2363 = tpu.vector_load_idx %arg14[%add3A_2362] : memref<2000xf32, #tpu.memory_space<vmem>>[vector<16xi32>], vector<16xf32>,
      %broadcast_in_dim3A_2364 = arith.constant 8 : i32
      %broadcast_in_dim3A_2365 = vector.broadcast %broadcast_in_dim3A_2364 : i32 to vector<16xi32>
      tpu.vector_store_idx %arg12[%broadcast_in_dim3A_2131, %add3A_2299, %broadcast_in_dim3A_2365], %gather3A_2363 : memref<2x128x10xf32, #tpu.memory_space<vmem>>[vector<16xi32>, vector<16xi32>, vector<16xi32>], vector<16xf32>,
      %add3A_2366 = arith.constant 4 : i32
      %add3A_2367 = vector.broadcast %add3A_2366 : i32 to vector<16xi32>
      %add3A_2368 = arith.addi %mul3A_2308, %add3A_2367 : vector<16xi32>
      %gather3A_2369 = tpu.vector_load_idx %arg13[%add3A_2368] : memref<2000xf32, #tpu.memory_space<vmem>>[vector<16xi32>], vector<16xf32>,
      %broadcast_in_dim3A_2370 = arith.constant 4 : i32
      %broadcast_in_dim3A_2371 = vector.broadcast %broadcast_in_dim3A_2370 : i32 to vector<16xi32>
      tpu.vector_store_idx %arg12[%broadcast_in_dim3A_2131, %add3A_2299, %broadcast_in_dim3A_2371], %gather3A_2369 : memref<2x128x10xf32, #tpu.memory_space<vmem>>[vector<16xi32>, vector<16xi32>, vector<16xi32>], vector<16xf32>,
      %add3A_2372 = arith.constant 4 : i32
      %add3A_2373 = vector.broadcast %add3A_2372 : i32 to vector<16xi32>
      %add3A_2374 = arith.addi %mul3A_2317, %add3A_2373 : vector<16xi32>
      %gather3A_2375 = tpu.vector_load_idx %arg14[%add3A_2374] : memref<2000xf32, #tpu.memory_space<vmem>>[vector<16xi32>], vector<16xf32>,
      %broadcast_in_dim3A_2376 = arith.constant 9 : i32
      %broadcast_in_dim3A_2377 = vector.broadcast %broadcast_in_dim3A_2376 : i32 to vector<16xi32>
      tpu.vector_store_idx %arg12[%broadcast_in_dim3A_2131, %add3A_2299, %broadcast_in_dim3A_2377], %gather3A_2375 : memref<2x128x10xf32, #tpu.memory_space<vmem>>[vector<16xi32>, vector<16xi32>, vector<16xi32>], vector<16xf32>,
      %iota3A_2378 = tpu.iota {dimensions = array<i32: 0>} : vector<16xi32>
      %add3A_2379 = arith.constant 48 : i32
      %add3A_2380 = vector.broadcast %add3A_2379 : i32 to vector<16xi32>
      %add3A_2381 = arith.addi %iota3A_2378, %add3A_2380 : vector<16xi32>
      %get3A_2382 = arith.constant 1 : i32
      %get3A_2383 = arith.constant 1 : i32
      %get3A_2384 = arith.index_cast %get3A_2382 : i32 to index
      %get3A_2385 = arith.index_cast %get3A_2383 : i32 to index
      %get3A_2386 = arith.constant 48 : index
      %get3A_2387 = tpu.vector_load %arg8[%get3A_2384, %get3A_2385, %get3A_2386] {strides = array<i32>} : memref<3x2x128xi32, #tpu.memory_space<vmem>>, vector<16xi32>,
      %mul3A_2388 = arith.constant 5 : i32
      %mul3A_2389 = vector.broadcast %mul3A_2388 : i32 to vector<16xi32>
      %mul3A_2390 = arith.muli %get3A_2387, %mul3A_2389 : vector<16xi32>
      %get3A_2391 = arith.constant 2 : i32
      %get3A_2392 = arith.constant 1 : i32
      %get3A_2393 = arith.index_cast %get3A_2391 : i32 to index
      %get3A_2394 = arith.index_cast %get3A_2392 : i32 to index
      %get3A_2395 = arith.constant 48 : index
      %get3A_2396 = tpu.vector_load %arg8[%get3A_2393, %get3A_2394, %get3A_2395] {strides = array<i32>} : memref<3x2x128xi32, #tpu.memory_space<vmem>>, vector<16xi32>,
      %mul3A_2397 = arith.constant 5 : i32
      %mul3A_2398 = vector.broadcast %mul3A_2397 : i32 to vector<16xi32>
      %mul3A_2399 = arith.muli %get3A_2396, %mul3A_2398 : vector<16xi32>
      %add3A_2400 = arith.constant 0 : i32
      %add3A_2401 = vector.broadcast %add3A_2400 : i32 to vector<16xi32>
      %add3A_2402 = arith.addi %mul3A_2390, %add3A_2401 : vector<16xi32>
      %gather3A_2403 = tpu.vector_load_idx %arg13[%add3A_2402] : memref<2000xf32, #tpu.memory_space<vmem>>[vector<16xi32>], vector<16xf32>,
      %broadcast_in_dim3A_2404 = arith.constant 0 : i32
      %broadcast_in_dim3A_2405 = vector.broadcast %broadcast_in_dim3A_2404 : i32 to vector<16xi32>
      tpu.vector_store_idx %arg12[%broadcast_in_dim3A_2131, %add3A_2381, %broadcast_in_dim3A_2405], %gather3A_2403 : memref<2x128x10xf32, #tpu.memory_space<vmem>>[vector<16xi32>, vector<16xi32>, vector<16xi32>], vector<16xf32>,
      %add3A_2406 = arith.constant 0 : i32
      %add3A_2407 = vector.broadcast %add3A_2406 : i32 to vector<16xi32>
      %add3A_2408 = arith.addi %mul3A_2399, %add3A_2407 : vector<16xi32>
      %gather3A_2409 = tpu.vector_load_idx %arg14[%add3A_2408] : memref<2000xf32, #tpu.memory_space<vmem>>[vector<16xi32>], vector<16xf32>,
      %broadcast_in_dim3A_2410 = arith.constant 5 : i32
      %broadcast_in_dim3A_2411 = vector.broadcast %broadcast_in_dim3A_2410 : i32 to vector<16xi32>
      tpu.vector_store_idx %arg12[%broadcast_in_dim3A_2131, %add3A_2381, %broadcast_in_dim3A_2411], %gather3A_2409 : memref<2x128x10xf32, #tpu.memory_space<vmem>>[vector<16xi32>, vector<16xi32>, vector<16xi32>], vector<16xf32>,
      %add3A_2412 = arith.constant 1 : i32
      %add3A_2413 = vector.broadcast %add3A_2412 : i32 to vector<16xi32>
      %add3A_2414 = arith.addi %mul3A_2390, %add3A_2413 : vector<16xi32>
      %gather3A_2415 = tpu.vector_load_idx %arg13[%add3A_2414] : memref<2000xf32, #tpu.memory_space<vmem>>[vector<16xi32>], vector<16xf32>,
      %broadcast_in_dim3A_2416 = arith.constant 1 : i32
      %broadcast_in_dim3A_2417 = vector.broadcast %broadcast_in_dim3A_2416 : i32 to vector<16xi32>
      tpu.vector_store_idx %arg12[%broadcast_in_dim3A_2131, %add3A_2381, %broadcast_in_dim3A_2417], %gather3A_2415 : memref<2x128x10xf32, #tpu.memory_space<vmem>>[vector<16xi32>, vector<16xi32>, vector<16xi32>], vector<16xf32>,
      %add3A_2418 = arith.constant 1 : i32
      %add3A_2419 = vector.broadcast %add3A_2418 : i32 to vector<16xi32>
      %add3A_2420 = arith.addi %mul3A_2399, %add3A_2419 : vector<16xi32>
      %gather3A_2421 = tpu.vector_load_idx %arg14[%add3A_2420] : memref<2000xf32, #tpu.memory_space<vmem>>[vector<16xi32>], vector<16xf32>,
      %broadcast_in_dim3A_2422 = arith.constant 6 : i32
      %broadcast_in_dim3A_2423 = vector.broadcast %broadcast_in_dim3A_2422 : i32 to vector<16xi32>
      tpu.vector_store_idx %arg12[%broadcast_in_dim3A_2131, %add3A_2381, %broadcast_in_dim3A_2423], %gather3A_2421 : memref<2x128x10xf32, #tpu.memory_space<vmem>>[vector<16xi32>, vector<16xi32>, vector<16xi32>], vector<16xf32>,
      %add3A_2424 = arith.constant 2 : i32
      %add3A_2425 = vector.broadcast %add3A_2424 : i32 to vector<16xi32>
      %add3A_2426 = arith.addi %mul3A_2390, %add3A_2425 : vector<16xi32>
      %gather3A_2427 = tpu.vector_load_idx %arg13[%add3A_2426] : memref<2000xf32, #tpu.memory_space<vmem>>[vector<16xi32>], vector<16xf32>,
      %broadcast_in_dim3A_2428 = arith.constant 2 : i32
      %broadcast_in_dim3A_2429 = vector.broadcast %broadcast_in_dim3A_2428 : i32 to vector<16xi32>
      tpu.vector_store_idx %arg12[%broadcast_in_dim3A_2131, %add3A_2381, %broadcast_in_dim3A_2429], %gather3A_2427 : memref<2x128x10xf32, #tpu.memory_space<vmem>>[vector<16xi32>, vector<16xi32>, vector<16xi32>], vector<16xf32>,
      %add3A_2430 = arith.constant 2 : i32
      %add3A_2431 = vector.broadcast %add3A_2430 : i32 to vector<16xi32>
      %add3A_2432 = arith.addi %mul3A_2399, %add3A_2431 : vector<16xi32>
      %gather3A_2433 = tpu.vector_load_idx %arg14[%add3A_2432] : memref<2000xf32, #tpu.memory_space<vmem>>[vector<16xi32>], vector<16xf32>,
      %broadcast_in_dim3A_2434 = arith.constant 7 : i32
      %broadcast_in_dim3A_2435 = vector.broadcast %broadcast_in_dim3A_2434 : i32 to vector<16xi32>
      tpu.vector_store_idx %arg12[%broadcast_in_dim3A_2131, %add3A_2381, %broadcast_in_dim3A_2435], %gather3A_2433 : memref<2x128x10xf32, #tpu.memory_space<vmem>>[vector<16xi32>, vector<16xi32>, vector<16xi32>], vector<16xf32>,
      %add3A_2436 = arith.constant 3 : i32
      %add3A_2437 = vector.broadcast %add3A_2436 : i32 to vector<16xi32>
      %add3A_2438 = arith.addi %mul3A_2390, %add3A_2437 : vector<16xi32>
      %gather3A_2439 = tpu.vector_load_idx %arg13[%add3A_2438] : memref<2000xf32, #tpu.memory_space<vmem>>[vector<16xi32>], vector<16xf32>,
      %broadcast_in_dim3A_2440 = arith.constant 3 : i32
      %broadcast_in_dim3A_2441 = vector.broadcast %broadcast_in_dim3A_2440 : i32 to vector<16xi32>
      tpu.vector_store_idx %arg12[%broadcast_in_dim3A_2131, %add3A_2381, %broadcast_in_dim3A_2441], %gather3A_2439 : memref<2x128x10xf32, #tpu.memory_space<vmem>>[vector<16xi32>, vector<16xi32>, vector<16xi32>], vector<16xf32>,
      %add3A_2442 = arith.constant 3 : i32
      %add3A_2443 = vector.broadcast %add3A_2442 : i32 to vector<16xi32>
      %add3A_2444 = arith.addi %mul3A_2399, %add3A_2443 : vector<16xi32>
      %gather3A_2445 = tpu.vector_load_idx %arg14[%add3A_2444] : memref<2000xf32, #tpu.memory_space<vmem>>[vector<16xi32>], vector<16xf32>,
      %broadcast_in_dim3A_2446 = arith.constant 8 : i32
      %broadcast_in_dim3A_2447 = vector.broadcast %broadcast_in_dim3A_2446 : i32 to vector<16xi32>
      tpu.vector_store_idx %arg12[%broadcast_in_dim3A_2131, %add3A_2381, %broadcast_in_dim3A_2447], %gather3A_2445 : memref<2x128x10xf32, #tpu.memory_space<vmem>>[vector<16xi32>, vector<16xi32>, vector<16xi32>], vector<16xf32>,
      %add3A_2448 = arith.constant 4 : i32
      %add3A_2449 = vector.broadcast %add3A_2448 : i32 to vector<16xi32>
      %add3A_2450 = arith.addi %mul3A_2390, %add3A_2449 : vector<16xi32>
      %gather3A_2451 = tpu.vector_load_idx %arg13[%add3A_2450] : memref<2000xf32, #tpu.memory_space<vmem>>[vector<16xi32>], vector<16xf32>,
      %broadcast_in_dim3A_2452 = arith.constant 4 : i32
      %broadcast_in_dim3A_2453 = vector.broadcast %broadcast_in_dim3A_2452 : i32 to vector<16xi32>
      tpu.vector_store_idx %arg12[%broadcast_in_dim3A_2131, %add3A_2381, %broadcast_in_dim3A_2453], %gather3A_2451 : memref<2x128x10xf32, #tpu.memory_space<vmem>>[vector<16xi32>, vector<16xi32>, vector<16xi32>], vector<16xf32>,
      %add3A_2454 = arith.constant 4 : i32
      %add3A_2455 = vector.broadcast %add3A_2454 : i32 to vector<16xi32>
      %add3A_2456 = arith.addi %mul3A_2399, %add3A_2455 : vector<16xi32>
      %gather3A_2457 = tpu.vector_load_idx %arg14[%add3A_2456] : memref<2000xf32, #tpu.memory_space<vmem>>[vector<16xi32>], vector<16xf32>,
      %broadcast_in_dim3A_2458 = arith.constant 9 : i32
      %broadcast_in_dim3A_2459 = vector.broadcast %broadcast_in_dim3A_2458 : i32 to vector<16xi32>
      tpu.vector_store_idx %arg12[%broadcast_in_dim3A_2131, %add3A_2381, %broadcast_in_dim3A_2459], %gather3A_2457 : memref<2x128x10xf32, #tpu.memory_space<vmem>>[vector<16xi32>, vector<16xi32>, vector<16xi32>], vector<16xf32>,
      %iota3A_2460 = tpu.iota {dimensions = array<i32: 0>} : vector<16xi32>
      %add3A_2461 = arith.constant 64 : i32
      %add3A_2462 = vector.broadcast %add3A_2461 : i32 to vector<16xi32>
      %add3A_2463 = arith.addi %iota3A_2460, %add3A_2462 : vector<16xi32>
      %get3A_2464 = arith.constant 1 : i32
      %get3A_2465 = arith.constant 1 : i32
      %get3A_2466 = arith.index_cast %get3A_2464 : i32 to index
      %get3A_2467 = arith.index_cast %get3A_2465 : i32 to index
      %get3A_2468 = arith.constant 64 : index
      %get3A_2469 = tpu.vector_load %arg8[%get3A_2466, %get3A_2467, %get3A_2468] {strides = array<i32>} : memref<3x2x128xi32, #tpu.memory_space<vmem>>, vector<16xi32>,
      %mul3A_2470 = arith.constant 5 : i32
      %mul3A_2471 = vector.broadcast %mul3A_2470 : i32 to vector<16xi32>
      %mul3A_2472 = arith.muli %get3A_2469, %mul3A_2471 : vector<16xi32>
      %get3A_2473 = arith.constant 2 : i32
      %get3A_2474 = arith.constant 1 : i32
      %get3A_2475 = arith.index_cast %get3A_2473 : i32 to index
      %get3A_2476 = arith.index_cast %get3A_2474 : i32 to index
      %get3A_2477 = arith.constant 64 : index
      %get3A_2478 = tpu.vector_load %arg8[%get3A_2475, %get3A_2476, %get3A_2477] {strides = array<i32>} : memref<3x2x128xi32, #tpu.memory_space<vmem>>, vector<16xi32>,
      %mul3A_2479 = arith.constant 5 : i32
      %mul3A_2480 = vector.broadcast %mul3A_2479 : i32 to vector<16xi32>
      %mul3A_2481 = arith.muli %get3A_2478, %mul3A_2480 : vector<16xi32>
      %add3A_2482 = arith.constant 0 : i32
      %add3A_2483 = vector.broadcast %add3A_2482 : i32 to vector<16xi32>
      %add3A_2484 = arith.addi %mul3A_2472, %add3A_2483 : vector<16xi32>
      %gather3A_2485 = tpu.vector_load_idx %arg13[%add3A_2484] : memref<2000xf32, #tpu.memory_space<vmem>>[vector<16xi32>], vector<16xf32>,
      %broadcast_in_dim3A_2486 = arith.constant 0 : i32
      %broadcast_in_dim3A_2487 = vector.broadcast %broadcast_in_dim3A_2486 : i32 to vector<16xi32>
      tpu.vector_store_idx %arg12[%broadcast_in_dim3A_2131, %add3A_2463, %broadcast_in_dim3A_2487], %gather3A_2485 : memref<2x128x10xf32, #tpu.memory_space<vmem>>[vector<16xi32>, vector<16xi32>, vector<16xi32>], vector<16xf32>,
      %add3A_2488 = arith.constant 0 : i32
      %add3A_2489 = vector.broadcast %add3A_2488 : i32 to vector<16xi32>
      %add3A_2490 = arith.addi %mul3A_2481, %add3A_2489 : vector<16xi32>
      %gather3A_2491 = tpu.vector_load_idx %arg14[%add3A_2490] : memref<2000xf32, #tpu.memory_space<vmem>>[vector<16xi32>], vector<16xf32>,
      %broadcast_in_dim3A_2492 = arith.constant 5 : i32
      %broadcast_in_dim3A_2493 = vector.broadcast %broadcast_in_dim3A_2492 : i32 to vector<16xi32>
      tpu.vector_store_idx %arg12[%broadcast_in_dim3A_2131, %add3A_2463, %broadcast_in_dim3A_2493], %gather3A_2491 : memref<2x128x10xf32, #tpu.memory_space<vmem>>[vector<16xi32>, vector<16xi32>, vector<16xi32>], vector<16xf32>,
      %add3A_2494 = arith.constant 1 : i32
      %add3A_2495 = vector.broadcast %add3A_2494 : i32 to vector<16xi32>
      %add3A_2496 = arith.addi %mul3A_2472, %add3A_2495 : vector<16xi32>
      %gather3A_2497 = tpu.vector_load_idx %arg13[%add3A_2496] : memref<2000xf32, #tpu.memory_space<vmem>>[vector<16xi32>], vector<16xf32>,
      %broadcast_in_dim3A_2498 = arith.constant 1 : i32
      %broadcast_in_dim3A_2499 = vector.broadcast %broadcast_in_dim3A_2498 : i32 to vector<16xi32>
      tpu.vector_store_idx %arg12[%broadcast_in_dim3A_2131, %add3A_2463, %broadcast_in_dim3A_2499], %gather3A_2497 : memref<2x128x10xf32, #tpu.memory_space<vmem>>[vector<16xi32>, vector<16xi32>, vector<16xi32>], vector<16xf32>,
      %add3A_2500 = arith.constant 1 : i32
      %add3A_2501 = vector.broadcast %add3A_2500 : i32 to vector<16xi32>
      %add3A_2502 = arith.addi %mul3A_2481, %add3A_2501 : vector<16xi32>
      %gather3A_2503 = tpu.vector_load_idx %arg14[%add3A_2502] : memref<2000xf32, #tpu.memory_space<vmem>>[vector<16xi32>], vector<16xf32>,
      %broadcast_in_dim3A_2504 = arith.constant 6 : i32
      %broadcast_in_dim3A_2505 = vector.broadcast %broadcast_in_dim3A_2504 : i32 to vector<16xi32>
      tpu.vector_store_idx %arg12[%broadcast_in_dim3A_2131, %add3A_2463, %broadcast_in_dim3A_2505], %gather3A_2503 : memref<2x128x10xf32, #tpu.memory_space<vmem>>[vector<16xi32>, vector<16xi32>, vector<16xi32>], vector<16xf32>,
      %add3A_2506 = arith.constant 2 : i32
      %add3A_2507 = vector.broadcast %add3A_2506 : i32 to vector<16xi32>
      %add3A_2508 = arith.addi %mul3A_2472, %add3A_2507 : vector<16xi32>
      %gather3A_2509 = tpu.vector_load_idx %arg13[%add3A_2508] : memref<2000xf32, #tpu.memory_space<vmem>>[vector<16xi32>], vector<16xf32>,
      %broadcast_in_dim3A_2510 = arith.constant 2 : i32
      %broadcast_in_dim3A_2511 = vector.broadcast %broadcast_in_dim3A_2510 : i32 to vector<16xi32>
      tpu.vector_store_idx %arg12[%broadcast_in_dim3A_2131, %add3A_2463, %broadcast_in_dim3A_2511], %gather3A_2509 : memref<2x128x10xf32, #tpu.memory_space<vmem>>[vector<16xi32>, vector<16xi32>, vector<16xi32>], vector<16xf32>,
      %add3A_2512 = arith.constant 2 : i32
      %add3A_2513 = vector.broadcast %add3A_2512 : i32 to vector<16xi32>
      %add3A_2514 = arith.addi %mul3A_2481, %add3A_2513 : vector<16xi32>
      %gather3A_2515 = tpu.vector_load_idx %arg14[%add3A_2514] : memref<2000xf32, #tpu.memory_space<vmem>>[vector<16xi32>], vector<16xf32>,
      %broadcast_in_dim3A_2516 = arith.constant 7 : i32
      %broadcast_in_dim3A_2517 = vector.broadcast %broadcast_in_dim3A_2516 : i32 to vector<16xi32>
      tpu.vector_store_idx %arg12[%broadcast_in_dim3A_2131, %add3A_2463, %broadcast_in_dim3A_2517], %gather3A_2515 : memref<2x128x10xf32, #tpu.memory_space<vmem>>[vector<16xi32>, vector<16xi32>, vector<16xi32>], vector<16xf32>,
      %add3A_2518 = arith.constant 3 : i32
      %add3A_2519 = vector.broadcast %add3A_2518 : i32 to vector<16xi32>
      %add3A_2520 = arith.addi %mul3A_2472, %add3A_2519 : vector<16xi32>
      %gather3A_2521 = tpu.vector_load_idx %arg13[%add3A_2520] : memref<2000xf32, #tpu.memory_space<vmem>>[vector<16xi32>], vector<16xf32>,
      %broadcast_in_dim3A_2522 = arith.constant 3 : i32
      %broadcast_in_dim3A_2523 = vector.broadcast %broadcast_in_dim3A_2522 : i32 to vector<16xi32>
      tpu.vector_store_idx %arg12[%broadcast_in_dim3A_2131, %add3A_2463, %broadcast_in_dim3A_2523], %gather3A_2521 : memref<2x128x10xf32, #tpu.memory_space<vmem>>[vector<16xi32>, vector<16xi32>, vector<16xi32>], vector<16xf32>,
      %add3A_2524 = arith.constant 3 : i32
      %add3A_2525 = vector.broadcast %add3A_2524 : i32 to vector<16xi32>
      %add3A_2526 = arith.addi %mul3A_2481, %add3A_2525 : vector<16xi32>
      %gather3A_2527 = tpu.vector_load_idx %arg14[%add3A_2526] : memref<2000xf32, #tpu.memory_space<vmem>>[vector<16xi32>], vector<16xf32>,
      %broadcast_in_dim3A_2528 = arith.constant 8 : i32
      %broadcast_in_dim3A_2529 = vector.broadcast %broadcast_in_dim3A_2528 : i32 to vector<16xi32>
      tpu.vector_store_idx %arg12[%broadcast_in_dim3A_2131, %add3A_2463, %broadcast_in_dim3A_2529], %gather3A_2527 : memref<2x128x10xf32, #tpu.memory_space<vmem>>[vector<16xi32>, vector<16xi32>, vector<16xi32>], vector<16xf32>,
      %add3A_2530 = arith.constant 4 : i32
      %add3A_2531 = vector.broadcast %add3A_2530 : i32 to vector<16xi32>
      %add3A_2532 = arith.addi %mul3A_2472, %add3A_2531 : vector<16xi32>
      %gather3A_2533 = tpu.vector_load_idx %arg13[%add3A_2532] : memref<2000xf32, #tpu.memory_space<vmem>>[vector<16xi32>], vector<16xf32>,
      %broadcast_in_dim3A_2534 = arith.constant 4 : i32
      %broadcast_in_dim3A_2535 = vector.broadcast %broadcast_in_dim3A_2534 : i32 to vector<16xi32>
      tpu.vector_store_idx %arg12[%broadcast_in_dim3A_2131, %add3A_2463, %broadcast_in_dim3A_2535], %gather3A_2533 : memref<2x128x10xf32, #tpu.memory_space<vmem>>[vector<16xi32>, vector<16xi32>, vector<16xi32>], vector<16xf32>,
      %add3A_2536 = arith.constant 4 : i32
      %add3A_2537 = vector.broadcast %add3A_2536 : i32 to vector<16xi32>
      %add3A_2538 = arith.addi %mul3A_2481, %add3A_2537 : vector<16xi32>
      %gather3A_2539 = tpu.vector_load_idx %arg14[%add3A_2538] : memref<2000xf32, #tpu.memory_space<vmem>>[vector<16xi32>], vector<16xf32>,
      %broadcast_in_dim3A_2540 = arith.constant 9 : i32
      %broadcast_in_dim3A_2541 = vector.broadcast %broadcast_in_dim3A_2540 : i32 to vector<16xi32>
      tpu.vector_store_idx %arg12[%broadcast_in_dim3A_2131, %add3A_2463, %broadcast_in_dim3A_2541], %gather3A_2539 : memref<2x128x10xf32, #tpu.memory_space<vmem>>[vector<16xi32>, vector<16xi32>, vector<16xi32>], vector<16xf32>,
      %iota3A_2542 = tpu.iota {dimensions = array<i32: 0>} : vector<16xi32>
      %add3A_2543 = arith.constant 80 : i32
      %add3A_2544 = vector.broadcast %add3A_2543 : i32 to vector<16xi32>
      %add3A_2545 = arith.addi %iota3A_2542, %add3A_2544 : vector<16xi32>
      %get3A_2546 = arith.constant 1 : i32
      %get3A_2547 = arith.constant 1 : i32
      %get3A_2548 = arith.index_cast %get3A_2546 : i32 to index
      %get3A_2549 = arith.index_cast %get3A_2547 : i32 to index
      %get3A_2550 = arith.constant 80 : index
      %get3A_2551 = tpu.vector_load %arg8[%get3A_2548, %get3A_2549, %get3A_2550] {strides = array<i32>} : memref<3x2x128xi32, #tpu.memory_space<vmem>>, vector<16xi32>,
      %mul3A_2552 = arith.constant 5 : i32
      %mul3A_2553 = vector.broadcast %mul3A_2552 : i32 to vector<16xi32>
      %mul3A_2554 = arith.muli %get3A_2551, %mul3A_2553 : vector<16xi32>
      %get3A_2555 = arith.constant 2 : i32
      %get3A_2556 = arith.constant 1 : i32
      %get3A_2557 = arith.index_cast %get3A_2555 : i32 to index
      %get3A_2558 = arith.index_cast %get3A_2556 : i32 to index
      %get3A_2559 = arith.constant 80 : index
      %get3A_2560 = tpu.vector_load %arg8[%get3A_2557, %get3A_2558, %get3A_2559] {strides = array<i32>} : memref<3x2x128xi32, #tpu.memory_space<vmem>>, vector<16xi32>,
      %mul3A_2561 = arith.constant 5 : i32
      %mul3A_2562 = vector.broadcast %mul3A_2561 : i32 to vector<16xi32>
      %mul3A_2563 = arith.muli %get3A_2560, %mul3A_2562 : vector<16xi32>
      %add3A_2564 = arith.constant 0 : i32
      %add3A_2565 = vector.broadcast %add3A_2564 : i32 to vector<16xi32>
      %add3A_2566 = arith.addi %mul3A_2554, %add3A_2565 : vector<16xi32>
      %gather3A_2567 = tpu.vector_load_idx %arg13[%add3A_2566] : memref<2000xf32, #tpu.memory_space<vmem>>[vector<16xi32>], vector<16xf32>,
      %broadcast_in_dim3A_2568 = arith.constant 0 : i32
      %broadcast_in_dim3A_2569 = vector.broadcast %broadcast_in_dim3A_2568 : i32 to vector<16xi32>
      tpu.vector_store_idx %arg12[%broadcast_in_dim3A_2131, %add3A_2545, %broadcast_in_dim3A_2569], %gather3A_2567 : memref<2x128x10xf32, #tpu.memory_space<vmem>>[vector<16xi32>, vector<16xi32>, vector<16xi32>], vector<16xf32>,
      %add3A_2570 = arith.constant 0 : i32
      %add3A_2571 = vector.broadcast %add3A_2570 : i32 to vector<16xi32>
      %add3A_2572 = arith.addi %mul3A_2563, %add3A_2571 : vector<16xi32>
      %gather3A_2573 = tpu.vector_load_idx %arg14[%add3A_2572] : memref<2000xf32, #tpu.memory_space<vmem>>[vector<16xi32>], vector<16xf32>,
      %broadcast_in_dim3A_2574 = arith.constant 5 : i32
      %broadcast_in_dim3A_2575 = vector.broadcast %broadcast_in_dim3A_2574 : i32 to vector<16xi32>
      tpu.vector_store_idx %arg12[%broadcast_in_dim3A_2131, %add3A_2545, %broadcast_in_dim3A_2575], %gather3A_2573 : memref<2x128x10xf32, #tpu.memory_space<vmem>>[vector<16xi32>, vector<16xi32>, vector<16xi32>], vector<16xf32>,
      %add3A_2576 = arith.constant 1 : i32
      %add3A_2577 = vector.broadcast %add3A_2576 : i32 to vector<16xi32>
      %add3A_2578 = arith.addi %mul3A_2554, %add3A_2577 : vector<16xi32>
      %gather3A_2579 = tpu.vector_load_idx %arg13[%add3A_2578] : memref<2000xf32, #tpu.memory_space<vmem>>[vector<16xi32>], vector<16xf32>,
      %broadcast_in_dim3A_2580 = arith.constant 1 : i32
      %broadcast_in_dim3A_2581 = vector.broadcast %broadcast_in_dim3A_2580 : i32 to vector<16xi32>
      tpu.vector_store_idx %arg12[%broadcast_in_dim3A_2131, %add3A_2545, %broadcast_in_dim3A_2581], %gather3A_2579 : memref<2x128x10xf32, #tpu.memory_space<vmem>>[vector<16xi32>, vector<16xi32>, vector<16xi32>], vector<16xf32>,
      %add3A_2582 = arith.constant 1 : i32
      %add3A_2583 = vector.broadcast %add3A_2582 : i32 to vector<16xi32>
      %add3A_2584 = arith.addi %mul3A_2563, %add3A_2583 : vector<16xi32>
      %gather3A_2585 = tpu.vector_load_idx %arg14[%add3A_2584] : memref<2000xf32, #tpu.memory_space<vmem>>[vector<16xi32>], vector<16xf32>,
      %broadcast_in_dim3A_2586 = arith.constant 6 : i32
      %broadcast_in_dim3A_2587 = vector.broadcast %broadcast_in_dim3A_2586 : i32 to vector<16xi32>
      tpu.vector_store_idx %arg12[%broadcast_in_dim3A_2131, %add3A_2545, %broadcast_in_dim3A_2587], %gather3A_2585 : memref<2x128x10xf32, #tpu.memory_space<vmem>>[vector<16xi32>, vector<16xi32>, vector<16xi32>], vector<16xf32>,
      %add3A_2588 = arith.constant 2 : i32
      %add3A_2589 = vector.broadcast %add3A_2588 : i32 to vector<16xi32>
      %add3A_2590 = arith.addi %mul3A_2554, %add3A_2589 : vector<16xi32>
      %gather3A_2591 = tpu.vector_load_idx %arg13[%add3A_2590] : memref<2000xf32, #tpu.memory_space<vmem>>[vector<16xi32>], vector<16xf32>,
      %broadcast_in_dim3A_2592 = arith.constant 2 : i32
      %broadcast_in_dim3A_2593 = vector.broadcast %broadcast_in_dim3A_2592 : i32 to vector<16xi32>
      tpu.vector_store_idx %arg12[%broadcast_in_dim3A_2131, %add3A_2545, %broadcast_in_dim3A_2593], %gather3A_2591 : memref<2x128x10xf32, #tpu.memory_space<vmem>>[vector<16xi32>, vector<16xi32>, vector<16xi32>], vector<16xf32>,
      %add3A_2594 = arith.constant 2 : i32
      %add3A_2595 = vector.broadcast %add3A_2594 : i32 to vector<16xi32>
      %add3A_2596 = arith.addi %mul3A_2563, %add3A_2595 : vector<16xi32>
      %gather3A_2597 = tpu.vector_load_idx %arg14[%add3A_2596] : memref<2000xf32, #tpu.memory_space<vmem>>[vector<16xi32>], vector<16xf32>,
      %broadcast_in_dim3A_2598 = arith.constant 7 : i32
      %broadcast_in_dim3A_2599 = vector.broadcast %broadcast_in_dim3A_2598 : i32 to vector<16xi32>
      tpu.vector_store_idx %arg12[%broadcast_in_dim3A_2131, %add3A_2545, %broadcast_in_dim3A_2599], %gather3A_2597 : memref<2x128x10xf32, #tpu.memory_space<vmem>>[vector<16xi32>, vector<16xi32>, vector<16xi32>], vector<16xf32>,
      %add3A_2600 = arith.constant 3 : i32
      %add3A_2601 = vector.broadcast %add3A_2600 : i32 to vector<16xi32>
      %add3A_2602 = arith.addi %mul3A_2554, %add3A_2601 : vector<16xi32>
      %gather3A_2603 = tpu.vector_load_idx %arg13[%add3A_2602] : memref<2000xf32, #tpu.memory_space<vmem>>[vector<16xi32>], vector<16xf32>,
      %broadcast_in_dim3A_2604 = arith.constant 3 : i32
      %broadcast_in_dim3A_2605 = vector.broadcast %broadcast_in_dim3A_2604 : i32 to vector<16xi32>
      tpu.vector_store_idx %arg12[%broadcast_in_dim3A_2131, %add3A_2545, %broadcast_in_dim3A_2605], %gather3A_2603 : memref<2x128x10xf32, #tpu.memory_space<vmem>>[vector<16xi32>, vector<16xi32>, vector<16xi32>], vector<16xf32>,
      %add3A_2606 = arith.constant 3 : i32
      %add3A_2607 = vector.broadcast %add3A_2606 : i32 to vector<16xi32>
      %add3A_2608 = arith.addi %mul3A_2563, %add3A_2607 : vector<16xi32>
      %gather3A_2609 = tpu.vector_load_idx %arg14[%add3A_2608] : memref<2000xf32, #tpu.memory_space<vmem>>[vector<16xi32>], vector<16xf32>,
      %broadcast_in_dim3A_2610 = arith.constant 8 : i32
      %broadcast_in_dim3A_2611 = vector.broadcast %broadcast_in_dim3A_2610 : i32 to vector<16xi32>
      tpu.vector_store_idx %arg12[%broadcast_in_dim3A_2131, %add3A_2545, %broadcast_in_dim3A_2611], %gather3A_2609 : memref<2x128x10xf32, #tpu.memory_space<vmem>>[vector<16xi32>, vector<16xi32>, vector<16xi32>], vector<16xf32>,
      %add3A_2612 = arith.constant 4 : i32
      %add3A_2613 = vector.broadcast %add3A_2612 : i32 to vector<16xi32>
      %add3A_2614 = arith.addi %mul3A_2554, %add3A_2613 : vector<16xi32>
      %gather3A_2615 = tpu.vector_load_idx %arg13[%add3A_2614] : memref<2000xf32, #tpu.memory_space<vmem>>[vector<16xi32>], vector<16xf32>,
      %broadcast_in_dim3A_2616 = arith.constant 4 : i32
      %broadcast_in_dim3A_2617 = vector.broadcast %broadcast_in_dim3A_2616 : i32 to vector<16xi32>
      tpu.vector_store_idx %arg12[%broadcast_in_dim3A_2131, %add3A_2545, %broadcast_in_dim3A_2617], %gather3A_2615 : memref<2x128x10xf32, #tpu.memory_space<vmem>>[vector<16xi32>, vector<16xi32>, vector<16xi32>], vector<16xf32>,
      %add3A_2618 = arith.constant 4 : i32
      %add3A_2619 = vector.broadcast %add3A_2618 : i32 to vector<16xi32>
      %add3A_2620 = arith.addi %mul3A_2563, %add3A_2619 : vector<16xi32>
      %gather3A_2621 = tpu.vector_load_idx %arg14[%add3A_2620] : memref<2000xf32, #tpu.memory_space<vmem>>[vector<16xi32>], vector<16xf32>,
      %broadcast_in_dim3A_2622 = arith.constant 9 : i32
      %broadcast_in_dim3A_2623 = vector.broadcast %broadcast_in_dim3A_2622 : i32 to vector<16xi32>
      tpu.vector_store_idx %arg12[%broadcast_in_dim3A_2131, %add3A_2545, %broadcast_in_dim3A_2623], %gather3A_2621 : memref<2x128x10xf32, #tpu.memory_space<vmem>>[vector<16xi32>, vector<16xi32>, vector<16xi32>], vector<16xf32>,
      %iota3A_2624 = tpu.iota {dimensions = array<i32: 0>} : vector<16xi32>
      %add3A_2625 = arith.constant 96 : i32
      %add3A_2626 = vector.broadcast %add3A_2625 : i32 to vector<16xi32>
      %add3A_2627 = arith.addi %iota3A_2624, %add3A_2626 : vector<16xi32>
      %get3A_2628 = arith.constant 1 : i32
      %get3A_2629 = arith.constant 1 : i32
      %get3A_2630 = arith.index_cast %get3A_2628 : i32 to index
      %get3A_2631 = arith.index_cast %get3A_2629 : i32 to index
      %get3A_2632 = arith.constant 96 : index
      %get3A_2633 = tpu.vector_load %arg8[%get3A_2630, %get3A_2631, %get3A_2632] {strides = array<i32>} : memref<3x2x128xi32, #tpu.memory_space<vmem>>, vector<16xi32>,
      %mul3A_2634 = arith.constant 5 : i32
      %mul3A_2635 = vector.broadcast %mul3A_2634 : i32 to vector<16xi32>
      %mul3A_2636 = arith.muli %get3A_2633, %mul3A_2635 : vector<16xi32>
      %get3A_2637 = arith.constant 2 : i32
      %get3A_2638 = arith.constant 1 : i32
      %get3A_2639 = arith.index_cast %get3A_2637 : i32 to index
      %get3A_2640 = arith.index_cast %get3A_2638 : i32 to index
      %get3A_2641 = arith.constant 96 : index
      %get3A_2642 = tpu.vector_load %arg8[%get3A_2639, %get3A_2640, %get3A_2641] {strides = array<i32>} : memref<3x2x128xi32, #tpu.memory_space<vmem>>, vector<16xi32>,
      %mul3A_2643 = arith.constant 5 : i32
      %mul3A_2644 = vector.broadcast %mul3A_2643 : i32 to vector<16xi32>
      %mul3A_2645 = arith.muli %get3A_2642, %mul3A_2644 : vector<16xi32>
      %add3A_2646 = arith.constant 0 : i32
      %add3A_2647 = vector.broadcast %add3A_2646 : i32 to vector<16xi32>
      %add3A_2648 = arith.addi %mul3A_2636, %add3A_2647 : vector<16xi32>
      %gather3A_2649 = tpu.vector_load_idx %arg13[%add3A_2648] : memref<2000xf32, #tpu.memory_space<vmem>>[vector<16xi32>], vector<16xf32>,
      %broadcast_in_dim3A_2650 = arith.constant 0 : i32
      %broadcast_in_dim3A_2651 = vector.broadcast %broadcast_in_dim3A_2650 : i32 to vector<16xi32>
      tpu.vector_store_idx %arg12[%broadcast_in_dim3A_2131, %add3A_2627, %broadcast_in_dim3A_2651], %gather3A_2649 : memref<2x128x10xf32, #tpu.memory_space<vmem>>[vector<16xi32>, vector<16xi32>, vector<16xi32>], vector<16xf32>,
      %add3A_2652 = arith.constant 0 : i32
      %add3A_2653 = vector.broadcast %add3A_2652 : i32 to vector<16xi32>
      %add3A_2654 = arith.addi %mul3A_2645, %add3A_2653 : vector<16xi32>
      %gather3A_2655 = tpu.vector_load_idx %arg14[%add3A_2654] : memref<2000xf32, #tpu.memory_space<vmem>>[vector<16xi32>], vector<16xf32>,
      %broadcast_in_dim3A_2656 = arith.constant 5 : i32
      %broadcast_in_dim3A_2657 = vector.broadcast %broadcast_in_dim3A_2656 : i32 to vector<16xi32>
      tpu.vector_store_idx %arg12[%broadcast_in_dim3A_2131, %add3A_2627, %broadcast_in_dim3A_2657], %gather3A_2655 : memref<2x128x10xf32, #tpu.memory_space<vmem>>[vector<16xi32>, vector<16xi32>, vector<16xi32>], vector<16xf32>,
      %add3A_2658 = arith.constant 1 : i32
      %add3A_2659 = vector.broadcast %add3A_2658 : i32 to vector<16xi32>
      %add3A_2660 = arith.addi %mul3A_2636, %add3A_2659 : vector<16xi32>
      %gather3A_2661 = tpu.vector_load_idx %arg13[%add3A_2660] : memref<2000xf32, #tpu.memory_space<vmem>>[vector<16xi32>], vector<16xf32>,
      %broadcast_in_dim3A_2662 = arith.constant 1 : i32
      %broadcast_in_dim3A_2663 = vector.broadcast %broadcast_in_dim3A_2662 : i32 to vector<16xi32>
      tpu.vector_store_idx %arg12[%broadcast_in_dim3A_2131, %add3A_2627, %broadcast_in_dim3A_2663], %gather3A_2661 : memref<2x128x10xf32, #tpu.memory_space<vmem>>[vector<16xi32>, vector<16xi32>, vector<16xi32>], vector<16xf32>,
      %add3A_2664 = arith.constant 1 : i32
      %add3A_2665 = vector.broadcast %add3A_2664 : i32 to vector<16xi32>
      %add3A_2666 = arith.addi %mul3A_2645, %add3A_2665 : vector<16xi32>
      %gather3A_2667 = tpu.vector_load_idx %arg14[%add3A_2666] : memref<2000xf32, #tpu.memory_space<vmem>>[vector<16xi32>], vector<16xf32>,
      %broadcast_in_dim3A_2668 = arith.constant 6 : i32
      %broadcast_in_dim3A_2669 = vector.broadcast %broadcast_in_dim3A_2668 : i32 to vector<16xi32>
      tpu.vector_store_idx %arg12[%broadcast_in_dim3A_2131, %add3A_2627, %broadcast_in_dim3A_2669], %gather3A_2667 : memref<2x128x10xf32, #tpu.memory_space<vmem>>[vector<16xi32>, vector<16xi32>, vector<16xi32>], vector<16xf32>,
      %add3A_2670 = arith.constant 2 : i32
      %add3A_2671 = vector.broadcast %add3A_2670 : i32 to vector<16xi32>
      %add3A_2672 = arith.addi %mul3A_2636, %add3A_2671 : vector<16xi32>
      %gather3A_2673 = tpu.vector_load_idx %arg13[%add3A_2672] : memref<2000xf32, #tpu.memory_space<vmem>>[vector<16xi32>], vector<16xf32>,
      %broadcast_in_dim3A_2674 = arith.constant 2 : i32
      %broadcast_in_dim3A_2675 = vector.broadcast %broadcast_in_dim3A_2674 : i32 to vector<16xi32>
      tpu.vector_store_idx %arg12[%broadcast_in_dim3A_2131, %add3A_2627, %broadcast_in_dim3A_2675], %gather3A_2673 : memref<2x128x10xf32, #tpu.memory_space<vmem>>[vector<16xi32>, vector<16xi32>, vector<16xi32>], vector<16xf32>,
      %add3A_2676 = arith.constant 2 : i32
      %add3A_2677 = vector.broadcast %add3A_2676 : i32 to vector<16xi32>
      %add3A_2678 = arith.addi %mul3A_2645, %add3A_2677 : vector<16xi32>
      %gather3A_2679 = tpu.vector_load_idx %arg14[%add3A_2678] : memref<2000xf32, #tpu.memory_space<vmem>>[vector<16xi32>], vector<16xf32>,
      %broadcast_in_dim3A_2680 = arith.constant 7 : i32
      %broadcast_in_dim3A_2681 = vector.broadcast %broadcast_in_dim3A_2680 : i32 to vector<16xi32>
      tpu.vector_store_idx %arg12[%broadcast_in_dim3A_2131, %add3A_2627, %broadcast_in_dim3A_2681], %gather3A_2679 : memref<2x128x10xf32, #tpu.memory_space<vmem>>[vector<16xi32>, vector<16xi32>, vector<16xi32>], vector<16xf32>,
      %add3A_2682 = arith.constant 3 : i32
      %add3A_2683 = vector.broadcast %add3A_2682 : i32 to vector<16xi32>
      %add3A_2684 = arith.addi %mul3A_2636, %add3A_2683 : vector<16xi32>
      %gather3A_2685 = tpu.vector_load_idx %arg13[%add3A_2684] : memref<2000xf32, #tpu.memory_space<vmem>>[vector<16xi32>], vector<16xf32>,
      %broadcast_in_dim3A_2686 = arith.constant 3 : i32
      %broadcast_in_dim3A_2687 = vector.broadcast %broadcast_in_dim3A_2686 : i32 to vector<16xi32>
      tpu.vector_store_idx %arg12[%broadcast_in_dim3A_2131, %add3A_2627, %broadcast_in_dim3A_2687], %gather3A_2685 : memref<2x128x10xf32, #tpu.memory_space<vmem>>[vector<16xi32>, vector<16xi32>, vector<16xi32>], vector<16xf32>,
      %add3A_2688 = arith.constant 3 : i32
      %add3A_2689 = vector.broadcast %add3A_2688 : i32 to vector<16xi32>
      %add3A_2690 = arith.addi %mul3A_2645, %add3A_2689 : vector<16xi32>
      %gather3A_2691 = tpu.vector_load_idx %arg14[%add3A_2690] : memref<2000xf32, #tpu.memory_space<vmem>>[vector<16xi32>], vector<16xf32>,
      %broadcast_in_dim3A_2692 = arith.constant 8 : i32
      %broadcast_in_dim3A_2693 = vector.broadcast %broadcast_in_dim3A_2692 : i32 to vector<16xi32>
      tpu.vector_store_idx %arg12[%broadcast_in_dim3A_2131, %add3A_2627, %broadcast_in_dim3A_2693], %gather3A_2691 : memref<2x128x10xf32, #tpu.memory_space<vmem>>[vector<16xi32>, vector<16xi32>, vector<16xi32>], vector<16xf32>,
      %add3A_2694 = arith.constant 4 : i32
      %add3A_2695 = vector.broadcast %add3A_2694 : i32 to vector<16xi32>
      %add3A_2696 = arith.addi %mul3A_2636, %add3A_2695 : vector<16xi32>
      %gather3A_2697 = tpu.vector_load_idx %arg13[%add3A_2696] : memref<2000xf32, #tpu.memory_space<vmem>>[vector<16xi32>], vector<16xf32>,
      %broadcast_in_dim3A_2698 = arith.constant 4 : i32
      %broadcast_in_dim3A_2699 = vector.broadcast %broadcast_in_dim3A_2698 : i32 to vector<16xi32>
      tpu.vector_store_idx %arg12[%broadcast_in_dim3A_2131, %add3A_2627, %broadcast_in_dim3A_2699], %gather3A_2697 : memref<2x128x10xf32, #tpu.memory_space<vmem>>[vector<16xi32>, vector<16xi32>, vector<16xi32>], vector<16xf32>,
      %add3A_2700 = arith.constant 4 : i32
      %add3A_2701 = vector.broadcast %add3A_2700 : i32 to vector<16xi32>
      %add3A_2702 = arith.addi %mul3A_2645, %add3A_2701 : vector<16xi32>
      %gather3A_2703 = tpu.vector_load_idx %arg14[%add3A_2702] : memref<2000xf32, #tpu.memory_space<vmem>>[vector<16xi32>], vector<16xf32>,
      %broadcast_in_dim3A_2704 = arith.constant 9 : i32
      %broadcast_in_dim3A_2705 = vector.broadcast %broadcast_in_dim3A_2704 : i32 to vector<16xi32>
      tpu.vector_store_idx %arg12[%broadcast_in_dim3A_2131, %add3A_2627, %broadcast_in_dim3A_2705], %gather3A_2703 : memref<2x128x10xf32, #tpu.memory_space<vmem>>[vector<16xi32>, vector<16xi32>, vector<16xi32>], vector<16xf32>,
      %iota3A_2706 = tpu.iota {dimensions = array<i32: 0>} : vector<16xi32>
      %add3A_2707 = arith.constant 112 : i32
      %add3A_2708 = vector.broadcast %add3A_2707 : i32 to vector<16xi32>
      %add3A_2709 = arith.addi %iota3A_2706, %add3A_2708 : vector<16xi32>
      %get3A_2710 = arith.constant 1 : i32
      %get3A_2711 = arith.constant 1 : i32
      %get3A_2712 = arith.index_cast %get3A_2710 : i32 to index
      %get3A_2713 = arith.index_cast %get3A_2711 : i32 to index
      %get3A_2714 = arith.constant 112 : index
      %get3A_2715 = tpu.vector_load %arg8[%get3A_2712, %get3A_2713, %get3A_2714] {strides = array<i32>} : memref<3x2x128xi32, #tpu.memory_space<vmem>>, vector<16xi32>,
      %mul3A_2716 = arith.constant 5 : i32
      %mul3A_2717 = vector.broadcast %mul3A_2716 : i32 to vector<16xi32>
      %mul3A_2718 = arith.muli %get3A_2715, %mul3A_2717 : vector<16xi32>
      %get3A_2719 = arith.constant 2 : i32
      %get3A_2720 = arith.constant 1 : i32
      %get3A_2721 = arith.index_cast %get3A_2719 : i32 to index
      %get3A_2722 = arith.index_cast %get3A_2720 : i32 to index
      %get3A_2723 = arith.constant 112 : index
      %get3A_2724 = tpu.vector_load %arg8[%get3A_2721, %get3A_2722, %get3A_2723] {strides = array<i32>} : memref<3x2x128xi32, #tpu.memory_space<vmem>>, vector<16xi32>,
      %mul3A_2725 = arith.constant 5 : i32
      %mul3A_2726 = vector.broadcast %mul3A_2725 : i32 to vector<16xi32>
      %mul3A_2727 = arith.muli %get3A_2724, %mul3A_2726 : vector<16xi32>
      %add3A_2728 = arith.constant 0 : i32
      %add3A_2729 = vector.broadcast %add3A_2728 : i32 to vector<16xi32>
      %add3A_2730 = arith.addi %mul3A_2718, %add3A_2729 : vector<16xi32>
      %gather3A_2731 = tpu.vector_load_idx %arg13[%add3A_2730] : memref<2000xf32, #tpu.memory_space<vmem>>[vector<16xi32>], vector<16xf32>,
      %broadcast_in_dim3A_2732 = arith.constant 0 : i32
      %broadcast_in_dim3A_2733 = vector.broadcast %broadcast_in_dim3A_2732 : i32 to vector<16xi32>
      tpu.vector_store_idx %arg12[%broadcast_in_dim3A_2131, %add3A_2709, %broadcast_in_dim3A_2733], %gather3A_2731 : memref<2x128x10xf32, #tpu.memory_space<vmem>>[vector<16xi32>, vector<16xi32>, vector<16xi32>], vector<16xf32>,
      %add3A_2734 = arith.constant 0 : i32
      %add3A_2735 = vector.broadcast %add3A_2734 : i32 to vector<16xi32>
      %add3A_2736 = arith.addi %mul3A_2727, %add3A_2735 : vector<16xi32>
      %gather3A_2737 = tpu.vector_load_idx %arg14[%add3A_2736] : memref<2000xf32, #tpu.memory_space<vmem>>[vector<16xi32>], vector<16xf32>,
      %broadcast_in_dim3A_2738 = arith.constant 5 : i32
      %broadcast_in_dim3A_2739 = vector.broadcast %broadcast_in_dim3A_2738 : i32 to vector<16xi32>
      tpu.vector_store_idx %arg12[%broadcast_in_dim3A_2131, %add3A_2709, %broadcast_in_dim3A_2739], %gather3A_2737 : memref<2x128x10xf32, #tpu.memory_space<vmem>>[vector<16xi32>, vector<16xi32>, vector<16xi32>], vector<16xf32>,
      %add3A_2740 = arith.constant 1 : i32
      %add3A_2741 = vector.broadcast %add3A_2740 : i32 to vector<16xi32>
      %add3A_2742 = arith.addi %mul3A_2718, %add3A_2741 : vector<16xi32>
      %gather3A_2743 = tpu.vector_load_idx %arg13[%add3A_2742] : memref<2000xf32, #tpu.memory_space<vmem>>[vector<16xi32>], vector<16xf32>,
      %broadcast_in_dim3A_2744 = arith.constant 1 : i32
      %broadcast_in_dim3A_2745 = vector.broadcast %broadcast_in_dim3A_2744 : i32 to vector<16xi32>
      tpu.vector_store_idx %arg12[%broadcast_in_dim3A_2131, %add3A_2709, %broadcast_in_dim3A_2745], %gather3A_2743 : memref<2x128x10xf32, #tpu.memory_space<vmem>>[vector<16xi32>, vector<16xi32>, vector<16xi32>], vector<16xf32>,
      %add3A_2746 = arith.constant 1 : i32
      %add3A_2747 = vector.broadcast %add3A_2746 : i32 to vector<16xi32>
      %add3A_2748 = arith.addi %mul3A_2727, %add3A_2747 : vector<16xi32>
      %gather3A_2749 = tpu.vector_load_idx %arg14[%add3A_2748] : memref<2000xf32, #tpu.memory_space<vmem>>[vector<16xi32>], vector<16xf32>,
      %broadcast_in_dim3A_2750 = arith.constant 6 : i32
      %broadcast_in_dim3A_2751 = vector.broadcast %broadcast_in_dim3A_2750 : i32 to vector<16xi32>
      tpu.vector_store_idx %arg12[%broadcast_in_dim3A_2131, %add3A_2709, %broadcast_in_dim3A_2751], %gather3A_2749 : memref<2x128x10xf32, #tpu.memory_space<vmem>>[vector<16xi32>, vector<16xi32>, vector<16xi32>], vector<16xf32>,
      %add3A_2752 = arith.constant 2 : i32
      %add3A_2753 = vector.broadcast %add3A_2752 : i32 to vector<16xi32>
      %add3A_2754 = arith.addi %mul3A_2718, %add3A_2753 : vector<16xi32>
      %gather3A_2755 = tpu.vector_load_idx %arg13[%add3A_2754] : memref<2000xf32, #tpu.memory_space<vmem>>[vector<16xi32>], vector<16xf32>,
      %broadcast_in_dim3A_2756 = arith.constant 2 : i32
      %broadcast_in_dim3A_2757 = vector.broadcast %broadcast_in_dim3A_2756 : i32 to vector<16xi32>
      tpu.vector_store_idx %arg12[%broadcast_in_dim3A_2131, %add3A_2709, %broadcast_in_dim3A_2757], %gather3A_2755 : memref<2x128x10xf32, #tpu.memory_space<vmem>>[vector<16xi32>, vector<16xi32>, vector<16xi32>], vector<16xf32>,
      %add3A_2758 = arith.constant 2 : i32
      %add3A_2759 = vector.broadcast %add3A_2758 : i32 to vector<16xi32>
      %add3A_2760 = arith.addi %mul3A_2727, %add3A_2759 : vector<16xi32>
      %gather3A_2761 = tpu.vector_load_idx %arg14[%add3A_2760] : memref<2000xf32, #tpu.memory_space<vmem>>[vector<16xi32>], vector<16xf32>,
      %broadcast_in_dim3A_2762 = arith.constant 7 : i32
      %broadcast_in_dim3A_2763 = vector.broadcast %broadcast_in_dim3A_2762 : i32 to vector<16xi32>
      tpu.vector_store_idx %arg12[%broadcast_in_dim3A_2131, %add3A_2709, %broadcast_in_dim3A_2763], %gather3A_2761 : memref<2x128x10xf32, #tpu.memory_space<vmem>>[vector<16xi32>, vector<16xi32>, vector<16xi32>], vector<16xf32>,
      %add3A_2764 = arith.constant 3 : i32
      %add3A_2765 = vector.broadcast %add3A_2764 : i32 to vector<16xi32>
      %add3A_2766 = arith.addi %mul3A_2718, %add3A_2765 : vector<16xi32>
      %gather3A_2767 = tpu.vector_load_idx %arg13[%add3A_2766] : memref<2000xf32, #tpu.memory_space<vmem>>[vector<16xi32>], vector<16xf32>,
      %broadcast_in_dim3A_2768 = arith.constant 3 : i32
      %broadcast_in_dim3A_2769 = vector.broadcast %broadcast_in_dim3A_2768 : i32 to vector<16xi32>
      tpu.vector_store_idx %arg12[%broadcast_in_dim3A_2131, %add3A_2709, %broadcast_in_dim3A_2769], %gather3A_2767 : memref<2x128x10xf32, #tpu.memory_space<vmem>>[vector<16xi32>, vector<16xi32>, vector<16xi32>], vector<16xf32>,
      %add3A_2770 = arith.constant 3 : i32
      %add3A_2771 = vector.broadcast %add3A_2770 : i32 to vector<16xi32>
      %add3A_2772 = arith.addi %mul3A_2727, %add3A_2771 : vector<16xi32>
      %gather3A_2773 = tpu.vector_load_idx %arg14[%add3A_2772] : memref<2000xf32, #tpu.memory_space<vmem>>[vector<16xi32>], vector<16xf32>,
      %broadcast_in_dim3A_2774 = arith.constant 8 : i32
      %broadcast_in_dim3A_2775 = vector.broadcast %broadcast_in_dim3A_2774 : i32 to vector<16xi32>
      tpu.vector_store_idx %arg12[%broadcast_in_dim3A_2131, %add3A_2709, %broadcast_in_dim3A_2775], %gather3A_2773 : memref<2x128x10xf32, #tpu.memory_space<vmem>>[vector<16xi32>, vector<16xi32>, vector<16xi32>], vector<16xf32>,
      %add3A_2776 = arith.constant 4 : i32
      %add3A_2777 = vector.broadcast %add3A_2776 : i32 to vector<16xi32>
      %add3A_2778 = arith.addi %mul3A_2718, %add3A_2777 : vector<16xi32>
      %gather3A_2779 = tpu.vector_load_idx %arg13[%add3A_2778] : memref<2000xf32, #tpu.memory_space<vmem>>[vector<16xi32>], vector<16xf32>,
      %broadcast_in_dim3A_2780 = arith.constant 4 : i32
      %broadcast_in_dim3A_2781 = vector.broadcast %broadcast_in_dim3A_2780 : i32 to vector<16xi32>
      tpu.vector_store_idx %arg12[%broadcast_in_dim3A_2131, %add3A_2709, %broadcast_in_dim3A_2781], %gather3A_2779 : memref<2x128x10xf32, #tpu.memory_space<vmem>>[vector<16xi32>, vector<16xi32>, vector<16xi32>], vector<16xf32>,
      %add3A_2782 = arith.constant 4 : i32
      %add3A_2783 = vector.broadcast %add3A_2782 : i32 to vector<16xi32>
      %add3A_2784 = arith.addi %mul3A_2727, %add3A_2783 : vector<16xi32>
      %gather3A_2785 = tpu.vector_load_idx %arg14[%add3A_2784] : memref<2000xf32, #tpu.memory_space<vmem>>[vector<16xi32>], vector<16xf32>,
      %broadcast_in_dim3A_2786 = arith.constant 9 : i32
      %broadcast_in_dim3A_2787 = vector.broadcast %broadcast_in_dim3A_2786 : i32 to vector<16xi32>
      tpu.vector_store_idx %arg12[%broadcast_in_dim3A_2131, %add3A_2709, %broadcast_in_dim3A_2787], %gather3A_2785 : memref<2x128x10xf32, #tpu.memory_space<vmem>>[vector<16xi32>, vector<16xi32>, vector<16xi32>], vector<16xf32>,
      %lt3A_2788 = arith.constant 49 : i32
      %lt3A_2789 = arith.cmpi slt, %scan3A_39, %lt3A_2788 : i32
      %convert_element_type3A_2790 = arith.extui %lt3A_2789 : i1 to i32
      %cond3A_2791 = arith.constant 0 : i32
      %cond3A_2792 = arith.cmpi ne, %convert_element_type3A_2790, %cond3A_2791 : i32
      scf.if %cond3A_2792 {
        %add3A_2798 = arith.constant 1 : i32
        %add3A_2799 = arith.addi %add3A_42, %add3A_2798 : i32
        %dma_start3A_2800 = arith.constant 0 : i32
        %dma_start3A_2801 = arith.constant 0 : i32
        %dma_start3A_2802 = arith.constant 1 : i32
        %dma_start3A_2803 = arith.constant 0 : i32
        %dma_start3A_2804 = arith.constant 0 : i32
        %dma_start3A_2805 = tpu.memref_slice %arg10[%dma_start3A_2800, %dma_start3A_2803, %dma_start3A_2804] : memref<2x128x64xf32, #tpu.memory_space<vmem>> -> memref<1x128x64xf32, #tpu.memory_space<vmem>>
        %dma_start3A_2806 = tpu.memref_squeeze %dma_start3A_2805 : memref<1x128x64xf32, #tpu.memory_space<vmem>> -> memref<128x64xf32, #tpu.memory_space<vmem>>
        %dma_start3A_2807 = arith.constant 0 : i32
        %dma_start3A_2808 = arith.constant 0 : i32
        %dma_start3A_2809 = tpu.memref_slice %arg6[%add3A_2799, %dma_start3A_2801, %dma_start3A_2807, %dma_start3A_2808] : memref<3200x2x128x74xf32, #tpu.memory_space<hbm>> -> memref<1x1x128x64xf32, #tpu.memory_space<hbm>>
        %dma_start3A_2810 = tpu.memref_squeeze %dma_start3A_2809 : memref<1x1x128x64xf32, #tpu.memory_space<hbm>> -> memref<128x64xf32, #tpu.memory_space<hbm>>
        %dma_start3A_2811 = tpu.memref_slice %arg16[%dma_start3A_2802] : memref<2x!tpu.dma_semaphore, #tpu.memory_space<semaphore_mem>> -> memref<1x!tpu.dma_semaphore, #tpu.memory_space<semaphore_mem>>
        %dma_start3A_2812 = tpu.memref_squeeze %dma_start3A_2811 : memref<1x!tpu.dma_semaphore, #tpu.memory_space<semaphore_mem>> -> memref<!tpu.dma_semaphore, #tpu.memory_space<semaphore_mem>>
        %dma_start3A_2813 = arith.constant 0 : i32
        %dma_start3A_2814 = arith.constant 0 : i32
        %dma_start3A_2815 = tpu.memref_slice %arg6[%add3A_2799, %dma_start3A_2801, %dma_start3A_2813, %dma_start3A_2814] : memref<3200x2x128x74xf32, #tpu.memory_space<hbm>> -> memref<1x1x128x64xf32, #tpu.memory_space<hbm>>
        %dma_start3A_2816 = tpu.memref_squeeze %dma_start3A_2815 : memref<1x1x128x64xf32, #tpu.memory_space<hbm>> -> memref<128x64xf32, #tpu.memory_space<hbm>>
        %dma_start3A_2817 = arith.constant 0 : i32
        %dma_start3A_2818 = arith.constant 0 : i32
        %dma_start3A_2819 = tpu.memref_slice %arg10[%dma_start3A_2800, %dma_start3A_2817, %dma_start3A_2818] : memref<2x128x64xf32, #tpu.memory_space<vmem>> -> memref<1x128x64xf32, #tpu.memory_space<vmem>>
        %dma_start3A_2820 = tpu.memref_squeeze %dma_start3A_2819 : memref<1x128x64xf32, #tpu.memory_space<vmem>> -> memref<128x64xf32, #tpu.memory_space<vmem>>
        tpu.enqueue_dma source(%dma_start3A_2820 : memref<128x64xf32, #tpu.memory_space<vmem>>) target(%dma_start3A_2816 : memref<128x64xf32, #tpu.memory_space<hbm>>) target_semaphore(%dma_start3A_2812 : memref<!tpu.dma_semaphore, #tpu.memory_space<semaphore_mem>>)
        %dma_start3A_2821 = arith.constant 0 : i32
        %dma_start3A_2822 = arith.constant 0 : i32
        %dma_start3A_2823 = arith.constant 1 : i32
        %dma_start3A_2824 = arith.constant 0 : i32
        %dma_start3A_2825 = arith.constant 0 : i32
        %dma_start3A_2826 = tpu.memref_slice %arg12[%dma_start3A_2821, %dma_start3A_2824, %dma_start3A_2825] : memref<2x128x10xf32, #tpu.memory_space<vmem>> -> memref<1x128x10xf32, #tpu.memory_space<vmem>>
        %dma_start3A_2827 = tpu.memref_squeeze %dma_start3A_2826 : memref<1x128x10xf32, #tpu.memory_space<vmem>> -> memref<128x10xf32, #tpu.memory_space<vmem>>
        %dma_start3A_2828 = arith.constant 0 : i32
        %dma_start3A_2829 = arith.constant 64 : i32
        %dma_start3A_2830 = tpu.memref_slice %arg6[%add3A_2799, %dma_start3A_2822, %dma_start3A_2828, %dma_start3A_2829] : memref<3200x2x128x74xf32, #tpu.memory_space<hbm>> -> memref<1x1x128x10xf32, #tpu.memory_space<hbm>>
        %dma_start3A_2831 = tpu.memref_squeeze %dma_start3A_2830 : memref<1x1x128x10xf32, #tpu.memory_space<hbm>> -> memref<128x10xf32, #tpu.memory_space<hbm>>
        %dma_start3A_2832 = tpu.memref_slice %arg16[%dma_start3A_2823] : memref<2x!tpu.dma_semaphore, #tpu.memory_space<semaphore_mem>> -> memref<1x!tpu.dma_semaphore, #tpu.memory_space<semaphore_mem>>
        %dma_start3A_2833 = tpu.memref_squeeze %dma_start3A_2832 : memref<1x!tpu.dma_semaphore, #tpu.memory_space<semaphore_mem>> -> memref<!tpu.dma_semaphore, #tpu.memory_space<semaphore_mem>>
        %dma_start3A_2834 = arith.constant 0 : i32
        %dma_start3A_2835 = arith.constant 64 : i32
        %dma_start3A_2836 = tpu.memref_slice %arg6[%add3A_2799, %dma_start3A_2822, %dma_start3A_2834, %dma_start3A_2835] : memref<3200x2x128x74xf32, #tpu.memory_space<hbm>> -> memref<1x1x128x10xf32, #tpu.memory_space<hbm>>
        %dma_start3A_2837 = tpu.memref_squeeze %dma_start3A_2836 : memref<1x1x128x10xf32, #tpu.memory_space<hbm>> -> memref<128x10xf32, #tpu.memory_space<hbm>>
        %dma_start3A_2838 = arith.constant 0 : i32
        %dma_start3A_2839 = arith.constant 0 : i32
        %dma_start3A_2840 = tpu.memref_slice %arg12[%dma_start3A_2821, %dma_start3A_2838, %dma_start3A_2839] : memref<2x128x10xf32, #tpu.memory_space<vmem>> -> memref<1x128x10xf32, #tpu.memory_space<vmem>>
        %dma_start3A_2841 = tpu.memref_squeeze %dma_start3A_2840 : memref<1x128x10xf32, #tpu.memory_space<vmem>> -> memref<128x10xf32, #tpu.memory_space<vmem>>
        tpu.enqueue_dma source(%dma_start3A_2841 : memref<128x10xf32, #tpu.memory_space<vmem>>) target(%dma_start3A_2837 : memref<128x10xf32, #tpu.memory_space<hbm>>) target_semaphore(%dma_start3A_2833 : memref<!tpu.dma_semaphore, #tpu.memory_space<semaphore_mem>>)
        %dma_start3A_2842 = arith.constant 1 : i32
        %dma_start3A_2843 = arith.constant 1 : i32
        %dma_start3A_2844 = arith.constant 1 : i32
        %dma_start3A_2845 = arith.constant 0 : i32
        %dma_start3A_2846 = arith.constant 0 : i32
        %dma_start3A_2847 = tpu.memref_slice %arg10[%dma_start3A_2842, %dma_start3A_2845, %dma_start3A_2846] : memref<2x128x64xf32, #tpu.memory_space<vmem>> -> memref<1x128x64xf32, #tpu.memory_space<vmem>>
        %dma_start3A_2848 = tpu.memref_squeeze %dma_start3A_2847 : memref<1x128x64xf32, #tpu.memory_space<vmem>> -> memref<128x64xf32, #tpu.memory_space<vmem>>
        %dma_start3A_2849 = arith.constant 0 : i32
        %dma_start3A_2850 = arith.constant 0 : i32
        %dma_start3A_2851 = tpu.memref_slice %arg6[%add3A_2799, %dma_start3A_2843, %dma_start3A_2849, %dma_start3A_2850] : memref<3200x2x128x74xf32, #tpu.memory_space<hbm>> -> memref<1x1x128x64xf32, #tpu.memory_space<hbm>>
        %dma_start3A_2852 = tpu.memref_squeeze %dma_start3A_2851 : memref<1x1x128x64xf32, #tpu.memory_space<hbm>> -> memref<128x64xf32, #tpu.memory_space<hbm>>
        %dma_start3A_2853 = tpu.memref_slice %arg16[%dma_start3A_2844] : memref<2x!tpu.dma_semaphore, #tpu.memory_space<semaphore_mem>> -> memref<1x!tpu.dma_semaphore, #tpu.memory_space<semaphore_mem>>
        %dma_start3A_2854 = tpu.memref_squeeze %dma_start3A_2853 : memref<1x!tpu.dma_semaphore, #tpu.memory_space<semaphore_mem>> -> memref<!tpu.dma_semaphore, #tpu.memory_space<semaphore_mem>>
        %dma_start3A_2855 = arith.constant 0 : i32
        %dma_start3A_2856 = arith.constant 0 : i32
        %dma_start3A_2857 = tpu.memref_slice %arg6[%add3A_2799, %dma_start3A_2843, %dma_start3A_2855, %dma_start3A_2856] : memref<3200x2x128x74xf32, #tpu.memory_space<hbm>> -> memref<1x1x128x64xf32, #tpu.memory_space<hbm>>
        %dma_start3A_2858 = tpu.memref_squeeze %dma_start3A_2857 : memref<1x1x128x64xf32, #tpu.memory_space<hbm>> -> memref<128x64xf32, #tpu.memory_space<hbm>>
        %dma_start3A_2859 = arith.constant 0 : i32
        %dma_start3A_2860 = arith.constant 0 : i32
        %dma_start3A_2861 = tpu.memref_slice %arg10[%dma_start3A_2842, %dma_start3A_2859, %dma_start3A_2860] : memref<2x128x64xf32, #tpu.memory_space<vmem>> -> memref<1x128x64xf32, #tpu.memory_space<vmem>>
        %dma_start3A_2862 = tpu.memref_squeeze %dma_start3A_2861 : memref<1x128x64xf32, #tpu.memory_space<vmem>> -> memref<128x64xf32, #tpu.memory_space<vmem>>
        tpu.enqueue_dma source(%dma_start3A_2862 : memref<128x64xf32, #tpu.memory_space<vmem>>) target(%dma_start3A_2858 : memref<128x64xf32, #tpu.memory_space<hbm>>) target_semaphore(%dma_start3A_2854 : memref<!tpu.dma_semaphore, #tpu.memory_space<semaphore_mem>>)
        %dma_start3A_2863 = arith.constant 1 : i32
        %dma_start3A_2864 = arith.constant 1 : i32
        %dma_start3A_2865 = arith.constant 1 : i32
        %dma_start3A_2866 = arith.constant 0 : i32
        %dma_start3A_2867 = arith.constant 0 : i32
        %dma_start3A_2868 = tpu.memref_slice %arg12[%dma_start3A_2863, %dma_start3A_2866, %dma_start3A_2867] : memref<2x128x10xf32, #tpu.memory_space<vmem>> -> memref<1x128x10xf32, #tpu.memory_space<vmem>>
        %dma_start3A_2869 = tpu.memref_squeeze %dma_start3A_2868 : memref<1x128x10xf32, #tpu.memory_space<vmem>> -> memref<128x10xf32, #tpu.memory_space<vmem>>
        %dma_start3A_2870 = arith.constant 0 : i32
        %dma_start3A_2871 = arith.constant 64 : i32
        %dma_start3A_2872 = tpu.memref_slice %arg6[%add3A_2799, %dma_start3A_2864, %dma_start3A_2870, %dma_start3A_2871] : memref<3200x2x128x74xf32, #tpu.memory_space<hbm>> -> memref<1x1x128x10xf32, #tpu.memory_space<hbm>>
        %dma_start3A_2873 = tpu.memref_squeeze %dma_start3A_2872 : memref<1x1x128x10xf32, #tpu.memory_space<hbm>> -> memref<128x10xf32, #tpu.memory_space<hbm>>
        %dma_start3A_2874 = tpu.memref_slice %arg16[%dma_start3A_2865] : memref<2x!tpu.dma_semaphore, #tpu.memory_space<semaphore_mem>> -> memref<1x!tpu.dma_semaphore, #tpu.memory_space<semaphore_mem>>
        %dma_start3A_2875 = tpu.memref_squeeze %dma_start3A_2874 : memref<1x!tpu.dma_semaphore, #tpu.memory_space<semaphore_mem>> -> memref<!tpu.dma_semaphore, #tpu.memory_space<semaphore_mem>>
        %dma_start3A_2876 = arith.constant 0 : i32
        %dma_start3A_2877 = arith.constant 64 : i32
        %dma_start3A_2878 = tpu.memref_slice %arg6[%add3A_2799, %dma_start3A_2864, %dma_start3A_2876, %dma_start3A_2877] : memref<3200x2x128x74xf32, #tpu.memory_space<hbm>> -> memref<1x1x128x10xf32, #tpu.memory_space<hbm>>
        %dma_start3A_2879 = tpu.memref_squeeze %dma_start3A_2878 : memref<1x1x128x10xf32, #tpu.memory_space<hbm>> -> memref<128x10xf32, #tpu.memory_space<hbm>>
        %dma_start3A_2880 = arith.constant 0 : i32
        %dma_start3A_2881 = arith.constant 0 : i32
        %dma_start3A_2882 = tpu.memref_slice %arg12[%dma_start3A_2863, %dma_start3A_2880, %dma_start3A_2881] : memref<2x128x10xf32, #tpu.memory_space<vmem>> -> memref<1x128x10xf32, #tpu.memory_space<vmem>>
        %dma_start3A_2883 = tpu.memref_squeeze %dma_start3A_2882 : memref<1x128x10xf32, #tpu.memory_space<vmem>> -> memref<128x10xf32, #tpu.memory_space<vmem>>
        tpu.enqueue_dma source(%dma_start3A_2883 : memref<128x10xf32, #tpu.memory_space<vmem>>) target(%dma_start3A_2879 : memref<128x10xf32, #tpu.memory_space<hbm>>) target_semaphore(%dma_start3A_2875 : memref<!tpu.dma_semaphore, #tpu.memory_space<semaphore_mem>>)
      } else {
      }
      %eq3A_2793 = arith.constant 49 : i32
      %eq3A_2794 = arith.cmpi eq, %scan3A_39, %eq3A_2793 : i32
      %convert_element_type3A_2795 = arith.extui %eq3A_2794 : i1 to i32
      %cond3A_2796 = arith.constant 0 : i32
      %cond3A_2797 = arith.cmpi ne, %convert_element_type3A_2795, %cond3A_2796 : i32
      scf.if %cond3A_2797 {
        %add3A_2798 = arith.constant 1 : i32
        %add3A_2799 = arith.addi %add3A_42, %add3A_2798 : i32
        %run_scoped3A = arith.constant 0 : i32
        %run_scoped3A_2800 = arith.constant 0 : i32
        "tpu.region"() ({
          %run_scoped3A_2807 = tpu.sem_alloc : memref<!tpu.dma_semaphore, #tpu.memory_space<semaphore_mem>>
          %dma_start3A_2808 = arith.constant 0 : i32
          %dma_start3A_2809 = arith.constant 0 : i32
          %dma_start3A_2810 = tpu.memref_slice %arg10[%run_scoped3A, %dma_start3A_2808, %dma_start3A_2809] : memref<2x128x64xf32, #tpu.memory_space<vmem>> -> memref<1x128x64xf32, #tpu.memory_space<vmem>>
          %dma_start3A_2811 = tpu.memref_squeeze %dma_start3A_2810 : memref<1x128x64xf32, #tpu.memory_space<vmem>> -> memref<128x64xf32, #tpu.memory_space<vmem>>
          %dma_start3A_2812 = arith.constant 0 : i32
          %dma_start3A_2813 = arith.constant 0 : i32
          %dma_start3A_2814 = tpu.memref_slice %arg6[%add3A_2799, %run_scoped3A_2800, %dma_start3A_2812, %dma_start3A_2813] : memref<3200x2x128x74xf32, #tpu.memory_space<hbm>> -> memref<1x1x128x64xf32, #tpu.memory_space<hbm>>
          %dma_start3A_2815 = tpu.memref_squeeze %dma_start3A_2814 : memref<1x1x128x64xf32, #tpu.memory_space<hbm>> -> memref<128x64xf32, #tpu.memory_space<hbm>>
          %dma_start3A_2816 = arith.constant 0 : i32
          %dma_start3A_2817 = arith.constant 0 : i32
          %dma_start3A_2818 = tpu.memref_slice %arg6[%add3A_2799, %run_scoped3A_2800, %dma_start3A_2816, %dma_start3A_2817] : memref<3200x2x128x74xf32, #tpu.memory_space<hbm>> -> memref<1x1x128x64xf32, #tpu.memory_space<hbm>>
          %dma_start3A_2819 = tpu.memref_squeeze %dma_start3A_2818 : memref<1x1x128x64xf32, #tpu.memory_space<hbm>> -> memref<128x64xf32, #tpu.memory_space<hbm>>
          %dma_start3A_2820 = arith.constant 0 : i32
          %dma_start3A_2821 = arith.constant 0 : i32
          %dma_start3A_2822 = tpu.memref_slice %arg10[%run_scoped3A, %dma_start3A_2820, %dma_start3A_2821] : memref<2x128x64xf32, #tpu.memory_space<vmem>> -> memref<1x128x64xf32, #tpu.memory_space<vmem>>
          %dma_start3A_2823 = tpu.memref_squeeze %dma_start3A_2822 : memref<1x128x64xf32, #tpu.memory_space<vmem>> -> memref<128x64xf32, #tpu.memory_space<vmem>>
          tpu.enqueue_dma source(%dma_start3A_2823 : memref<128x64xf32, #tpu.memory_space<vmem>>) target(%dma_start3A_2819 : memref<128x64xf32, #tpu.memory_space<hbm>>) target_semaphore(%run_scoped3A_2807 : memref<!tpu.dma_semaphore, #tpu.memory_space<semaphore_mem>>)
          %dma_wait3A_2824 = arith.constant 0 : i32
          %dma_wait3A_2825 = arith.constant 0 : i32
          %dma_wait3A_2826 = tpu.memref_slice %arg10[%run_scoped3A, %dma_wait3A_2824, %dma_wait3A_2825] : memref<2x128x64xf32, #tpu.memory_space<vmem>> -> memref<1x128x64xf32, #tpu.memory_space<vmem>>
          %dma_wait3A_2827 = tpu.memref_squeeze %dma_wait3A_2826 : memref<1x128x64xf32, #tpu.memory_space<vmem>> -> memref<128x64xf32, #tpu.memory_space<vmem>>
          %dma_wait3A_2828 = arith.constant 0 : i32
          %dma_wait3A_2829 = arith.constant 0 : i32
          %dma_wait3A_2830 = tpu.memref_slice %arg6[%add3A_2799, %run_scoped3A_2800, %dma_wait3A_2828, %dma_wait3A_2829] : memref<3200x2x128x74xf32, #tpu.memory_space<hbm>> -> memref<1x1x128x64xf32, #tpu.memory_space<hbm>>
          %dma_wait3A_2831 = tpu.memref_squeeze %dma_wait3A_2830 : memref<1x1x128x64xf32, #tpu.memory_space<hbm>> -> memref<128x64xf32, #tpu.memory_space<hbm>>
          %dma_wait3A_2832 = arith.constant 0 : i32
          %dma_wait3A_2833 = arith.constant 0 : i32
          %dma_wait3A_2834 = tpu.memref_slice %arg6[%add3A_2799, %run_scoped3A_2800, %dma_wait3A_2832, %dma_wait3A_2833] : memref<3200x2x128x74xf32, #tpu.memory_space<hbm>> -> memref<1x1x128x64xf32, #tpu.memory_space<hbm>>
          %dma_wait3A_2835 = tpu.memref_squeeze %dma_wait3A_2834 : memref<1x1x128x64xf32, #tpu.memory_space<hbm>> -> memref<128x64xf32, #tpu.memory_space<hbm>>
          %dma_wait3A_2836 = arith.constant 0 : i32
          %dma_wait3A_2837 = arith.constant 0 : i32
          %dma_wait3A_2838 = tpu.memref_slice %arg10[%run_scoped3A, %dma_wait3A_2836, %dma_wait3A_2837] : memref<2x128x64xf32, #tpu.memory_space<vmem>> -> memref<1x128x64xf32, #tpu.memory_space<vmem>>
          %dma_wait3A_2839 = tpu.memref_squeeze %dma_wait3A_2838 : memref<1x128x64xf32, #tpu.memory_space<vmem>> -> memref<128x64xf32, #tpu.memory_space<vmem>>
          tpu.wait_dma2 semaphore(%run_scoped3A_2807 : memref<!tpu.dma_semaphore, #tpu.memory_space<semaphore_mem>>) src(%dma_wait3A_2839 : memref<128x64xf32, #tpu.memory_space<vmem>>) dst(%dma_wait3A_2835 : memref<128x64xf32, #tpu.memory_space<hbm>>)
          tpu.yield
        }) : () -> ()
        %run_scoped3A_2801 = arith.constant 0 : i32
        %run_scoped3A_2802 = arith.constant 0 : i32
        "tpu.region"() ({
          %run_scoped3A_2807 = tpu.sem_alloc : memref<!tpu.dma_semaphore, #tpu.memory_space<semaphore_mem>>
          %dma_start3A_2808 = arith.constant 0 : i32
          %dma_start3A_2809 = arith.constant 0 : i32
          %dma_start3A_2810 = tpu.memref_slice %arg12[%run_scoped3A_2801, %dma_start3A_2808, %dma_start3A_2809] : memref<2x128x10xf32, #tpu.memory_space<vmem>> -> memref<1x128x10xf32, #tpu.memory_space<vmem>>
          %dma_start3A_2811 = tpu.memref_squeeze %dma_start3A_2810 : memref<1x128x10xf32, #tpu.memory_space<vmem>> -> memref<128x10xf32, #tpu.memory_space<vmem>>
          %dma_start3A_2812 = arith.constant 0 : i32
          %dma_start3A_2813 = arith.constant 64 : i32
          %dma_start3A_2814 = tpu.memref_slice %arg6[%add3A_2799, %run_scoped3A_2802, %dma_start3A_2812, %dma_start3A_2813] : memref<3200x2x128x74xf32, #tpu.memory_space<hbm>> -> memref<1x1x128x10xf32, #tpu.memory_space<hbm>>
          %dma_start3A_2815 = tpu.memref_squeeze %dma_start3A_2814 : memref<1x1x128x10xf32, #tpu.memory_space<hbm>> -> memref<128x10xf32, #tpu.memory_space<hbm>>
          %dma_start3A_2816 = arith.constant 0 : i32
          %dma_start3A_2817 = arith.constant 64 : i32
          %dma_start3A_2818 = tpu.memref_slice %arg6[%add3A_2799, %run_scoped3A_2802, %dma_start3A_2816, %dma_start3A_2817] : memref<3200x2x128x74xf32, #tpu.memory_space<hbm>> -> memref<1x1x128x10xf32, #tpu.memory_space<hbm>>
          %dma_start3A_2819 = tpu.memref_squeeze %dma_start3A_2818 : memref<1x1x128x10xf32, #tpu.memory_space<hbm>> -> memref<128x10xf32, #tpu.memory_space<hbm>>
          %dma_start3A_2820 = arith.constant 0 : i32
          %dma_start3A_2821 = arith.constant 0 : i32
          %dma_start3A_2822 = tpu.memref_slice %arg12[%run_scoped3A_2801, %dma_start3A_2820, %dma_start3A_2821] : memref<2x128x10xf32, #tpu.memory_space<vmem>> -> memref<1x128x10xf32, #tpu.memory_space<vmem>>
          %dma_start3A_2823 = tpu.memref_squeeze %dma_start3A_2822 : memref<1x128x10xf32, #tpu.memory_space<vmem>> -> memref<128x10xf32, #tpu.memory_space<vmem>>
          tpu.enqueue_dma source(%dma_start3A_2823 : memref<128x10xf32, #tpu.memory_space<vmem>>) target(%dma_start3A_2819 : memref<128x10xf32, #tpu.memory_space<hbm>>) target_semaphore(%run_scoped3A_2807 : memref<!tpu.dma_semaphore, #tpu.memory_space<semaphore_mem>>)
          %dma_wait3A_2824 = arith.constant 0 : i32
          %dma_wait3A_2825 = arith.constant 0 : i32
          %dma_wait3A_2826 = tpu.memref_slice %arg12[%run_scoped3A_2801, %dma_wait3A_2824, %dma_wait3A_2825] : memref<2x128x10xf32, #tpu.memory_space<vmem>> -> memref<1x128x10xf32, #tpu.memory_space<vmem>>
          %dma_wait3A_2827 = tpu.memref_squeeze %dma_wait3A_2826 : memref<1x128x10xf32, #tpu.memory_space<vmem>> -> memref<128x10xf32, #tpu.memory_space<vmem>>
          %dma_wait3A_2828 = arith.constant 0 : i32
          %dma_wait3A_2829 = arith.constant 64 : i32
          %dma_wait3A_2830 = tpu.memref_slice %arg6[%add3A_2799, %run_scoped3A_2802, %dma_wait3A_2828, %dma_wait3A_2829] : memref<3200x2x128x74xf32, #tpu.memory_space<hbm>> -> memref<1x1x128x10xf32, #tpu.memory_space<hbm>>
          %dma_wait3A_2831 = tpu.memref_squeeze %dma_wait3A_2830 : memref<1x1x128x10xf32, #tpu.memory_space<hbm>> -> memref<128x10xf32, #tpu.memory_space<hbm>>
          %dma_wait3A_2832 = arith.constant 0 : i32
          %dma_wait3A_2833 = arith.constant 64 : i32
          %dma_wait3A_2834 = tpu.memref_slice %arg6[%add3A_2799, %run_scoped3A_2802, %dma_wait3A_2832, %dma_wait3A_2833] : memref<3200x2x128x74xf32, #tpu.memory_space<hbm>> -> memref<1x1x128x10xf32, #tpu.memory_space<hbm>>
          %dma_wait3A_2835 = tpu.memref_squeeze %dma_wait3A_2834 : memref<1x1x128x10xf32, #tpu.memory_space<hbm>> -> memref<128x10xf32, #tpu.memory_space<hbm>>
          %dma_wait3A_2836 = arith.constant 0 : i32
          %dma_wait3A_2837 = arith.constant 0 : i32
          %dma_wait3A_2838 = tpu.memref_slice %arg12[%run_scoped3A_2801, %dma_wait3A_2836, %dma_wait3A_2837] : memref<2x128x10xf32, #tpu.memory_space<vmem>> -> memref<1x128x10xf32, #tpu.memory_space<vmem>>
          %dma_wait3A_2839 = tpu.memref_squeeze %dma_wait3A_2838 : memref<1x128x10xf32, #tpu.memory_space<vmem>> -> memref<128x10xf32, #tpu.memory_space<vmem>>
          tpu.wait_dma2 semaphore(%run_scoped3A_2807 : memref<!tpu.dma_semaphore, #tpu.memory_space<semaphore_mem>>) src(%dma_wait3A_2839 : memref<128x10xf32, #tpu.memory_space<vmem>>) dst(%dma_wait3A_2835 : memref<128x10xf32, #tpu.memory_space<hbm>>)
          tpu.yield
        }) : () -> ()
        %run_scoped3A_2803 = arith.constant 1 : i32
        %run_scoped3A_2804 = arith.constant 1 : i32
        "tpu.region"() ({
          %run_scoped3A_2807 = tpu.sem_alloc : memref<!tpu.dma_semaphore, #tpu.memory_space<semaphore_mem>>
          %dma_start3A_2808 = arith.constant 0 : i32
          %dma_start3A_2809 = arith.constant 0 : i32
          %dma_start3A_2810 = tpu.memref_slice %arg10[%run_scoped3A_2803, %dma_start3A_2808, %dma_start3A_2809] : memref<2x128x64xf32, #tpu.memory_space<vmem>> -> memref<1x128x64xf32, #tpu.memory_space<vmem>>
          %dma_start3A_2811 = tpu.memref_squeeze %dma_start3A_2810 : memref<1x128x64xf32, #tpu.memory_space<vmem>> -> memref<128x64xf32, #tpu.memory_space<vmem>>
          %dma_start3A_2812 = arith.constant 0 : i32
          %dma_start3A_2813 = arith.constant 0 : i32
          %dma_start3A_2814 = tpu.memref_slice %arg6[%add3A_2799, %run_scoped3A_2804, %dma_start3A_2812, %dma_start3A_2813] : memref<3200x2x128x74xf32, #tpu.memory_space<hbm>> -> memref<1x1x128x64xf32, #tpu.memory_space<hbm>>
          %dma_start3A_2815 = tpu.memref_squeeze %dma_start3A_2814 : memref<1x1x128x64xf32, #tpu.memory_space<hbm>> -> memref<128x64xf32, #tpu.memory_space<hbm>>
          %dma_start3A_2816 = arith.constant 0 : i32
          %dma_start3A_2817 = arith.constant 0 : i32
          %dma_start3A_2818 = tpu.memref_slice %arg6[%add3A_2799, %run_scoped3A_2804, %dma_start3A_2816, %dma_start3A_2817] : memref<3200x2x128x74xf32, #tpu.memory_space<hbm>> -> memref<1x1x128x64xf32, #tpu.memory_space<hbm>>
          %dma_start3A_2819 = tpu.memref_squeeze %dma_start3A_2818 : memref<1x1x128x64xf32, #tpu.memory_space<hbm>> -> memref<128x64xf32, #tpu.memory_space<hbm>>
          %dma_start3A_2820 = arith.constant 0 : i32
          %dma_start3A_2821 = arith.constant 0 : i32
          %dma_start3A_2822 = tpu.memref_slice %arg10[%run_scoped3A_2803, %dma_start3A_2820, %dma_start3A_2821] : memref<2x128x64xf32, #tpu.memory_space<vmem>> -> memref<1x128x64xf32, #tpu.memory_space<vmem>>
          %dma_start3A_2823 = tpu.memref_squeeze %dma_start3A_2822 : memref<1x128x64xf32, #tpu.memory_space<vmem>> -> memref<128x64xf32, #tpu.memory_space<vmem>>
          tpu.enqueue_dma source(%dma_start3A_2823 : memref<128x64xf32, #tpu.memory_space<vmem>>) target(%dma_start3A_2819 : memref<128x64xf32, #tpu.memory_space<hbm>>) target_semaphore(%run_scoped3A_2807 : memref<!tpu.dma_semaphore, #tpu.memory_space<semaphore_mem>>)
          %dma_wait3A_2824 = arith.constant 0 : i32
          %dma_wait3A_2825 = arith.constant 0 : i32
          %dma_wait3A_2826 = tpu.memref_slice %arg10[%run_scoped3A_2803, %dma_wait3A_2824, %dma_wait3A_2825] : memref<2x128x64xf32, #tpu.memory_space<vmem>> -> memref<1x128x64xf32, #tpu.memory_space<vmem>>
          %dma_wait3A_2827 = tpu.memref_squeeze %dma_wait3A_2826 : memref<1x128x64xf32, #tpu.memory_space<vmem>> -> memref<128x64xf32, #tpu.memory_space<vmem>>
          %dma_wait3A_2828 = arith.constant 0 : i32
          %dma_wait3A_2829 = arith.constant 0 : i32
          %dma_wait3A_2830 = tpu.memref_slice %arg6[%add3A_2799, %run_scoped3A_2804, %dma_wait3A_2828, %dma_wait3A_2829] : memref<3200x2x128x74xf32, #tpu.memory_space<hbm>> -> memref<1x1x128x64xf32, #tpu.memory_space<hbm>>
          %dma_wait3A_2831 = tpu.memref_squeeze %dma_wait3A_2830 : memref<1x1x128x64xf32, #tpu.memory_space<hbm>> -> memref<128x64xf32, #tpu.memory_space<hbm>>
          %dma_wait3A_2832 = arith.constant 0 : i32
          %dma_wait3A_2833 = arith.constant 0 : i32
          %dma_wait3A_2834 = tpu.memref_slice %arg6[%add3A_2799, %run_scoped3A_2804, %dma_wait3A_2832, %dma_wait3A_2833] : memref<3200x2x128x74xf32, #tpu.memory_space<hbm>> -> memref<1x1x128x64xf32, #tpu.memory_space<hbm>>
          %dma_wait3A_2835 = tpu.memref_squeeze %dma_wait3A_2834 : memref<1x1x128x64xf32, #tpu.memory_space<hbm>> -> memref<128x64xf32, #tpu.memory_space<hbm>>
          %dma_wait3A_2836 = arith.constant 0 : i32
          %dma_wait3A_2837 = arith.constant 0 : i32
          %dma_wait3A_2838 = tpu.memref_slice %arg10[%run_scoped3A_2803, %dma_wait3A_2836, %dma_wait3A_2837] : memref<2x128x64xf32, #tpu.memory_space<vmem>> -> memref<1x128x64xf32, #tpu.memory_space<vmem>>
          %dma_wait3A_2839 = tpu.memref_squeeze %dma_wait3A_2838 : memref<1x128x64xf32, #tpu.memory_space<vmem>> -> memref<128x64xf32, #tpu.memory_space<vmem>>
          tpu.wait_dma2 semaphore(%run_scoped3A_2807 : memref<!tpu.dma_semaphore, #tpu.memory_space<semaphore_mem>>) src(%dma_wait3A_2839 : memref<128x64xf32, #tpu.memory_space<vmem>>) dst(%dma_wait3A_2835 : memref<128x64xf32, #tpu.memory_space<hbm>>)
          tpu.yield
        }) : () -> ()
        %run_scoped3A_2805 = arith.constant 1 : i32
        %run_scoped3A_2806 = arith.constant 1 : i32
        "tpu.region"() ({
          %run_scoped3A_2807 = tpu.sem_alloc : memref<!tpu.dma_semaphore, #tpu.memory_space<semaphore_mem>>
          %dma_start3A_2808 = arith.constant 0 : i32
          %dma_start3A_2809 = arith.constant 0 : i32
          %dma_start3A_2810 = tpu.memref_slice %arg12[%run_scoped3A_2805, %dma_start3A_2808, %dma_start3A_2809] : memref<2x128x10xf32, #tpu.memory_space<vmem>> -> memref<1x128x10xf32, #tpu.memory_space<vmem>>
          %dma_start3A_2811 = tpu.memref_squeeze %dma_start3A_2810 : memref<1x128x10xf32, #tpu.memory_space<vmem>> -> memref<128x10xf32, #tpu.memory_space<vmem>>
          %dma_start3A_2812 = arith.constant 0 : i32
          %dma_start3A_2813 = arith.constant 64 : i32
          %dma_start3A_2814 = tpu.memref_slice %arg6[%add3A_2799, %run_scoped3A_2806, %dma_start3A_2812, %dma_start3A_2813] : memref<3200x2x128x74xf32, #tpu.memory_space<hbm>> -> memref<1x1x128x10xf32, #tpu.memory_space<hbm>>
          %dma_start3A_2815 = tpu.memref_squeeze %dma_start3A_2814 : memref<1x1x128x10xf32, #tpu.memory_space<hbm>> -> memref<128x10xf32, #tpu.memory_space<hbm>>
          %dma_start3A_2816 = arith.constant 0 : i32
          %dma_start3A_2817 = arith.constant 64 : i32
          %dma_start3A_2818 = tpu.memref_slice %arg6[%add3A_2799, %run_scoped3A_2806, %dma_start3A_2816, %dma_start3A_2817] : memref<3200x2x128x74xf32, #tpu.memory_space<hbm>> -> memref<1x1x128x10xf32, #tpu.memory_space<hbm>>
          %dma_start3A_2819 = tpu.memref_squeeze %dma_start3A_2818 : memref<1x1x128x10xf32, #tpu.memory_space<hbm>> -> memref<128x10xf32, #tpu.memory_space<hbm>>
          %dma_start3A_2820 = arith.constant 0 : i32
          %dma_start3A_2821 = arith.constant 0 : i32
          %dma_start3A_2822 = tpu.memref_slice %arg12[%run_scoped3A_2805, %dma_start3A_2820, %dma_start3A_2821] : memref<2x128x10xf32, #tpu.memory_space<vmem>> -> memref<1x128x10xf32, #tpu.memory_space<vmem>>
          %dma_start3A_2823 = tpu.memref_squeeze %dma_start3A_2822 : memref<1x128x10xf32, #tpu.memory_space<vmem>> -> memref<128x10xf32, #tpu.memory_space<vmem>>
          tpu.enqueue_dma source(%dma_start3A_2823 : memref<128x10xf32, #tpu.memory_space<vmem>>) target(%dma_start3A_2819 : memref<128x10xf32, #tpu.memory_space<hbm>>) target_semaphore(%run_scoped3A_2807 : memref<!tpu.dma_semaphore, #tpu.memory_space<semaphore_mem>>)
          %dma_wait3A_2824 = arith.constant 0 : i32
          %dma_wait3A_2825 = arith.constant 0 : i32
          %dma_wait3A_2826 = tpu.memref_slice %arg12[%run_scoped3A_2805, %dma_wait3A_2824, %dma_wait3A_2825] : memref<2x128x10xf32, #tpu.memory_space<vmem>> -> memref<1x128x10xf32, #tpu.memory_space<vmem>>
          %dma_wait3A_2827 = tpu.memref_squeeze %dma_wait3A_2826 : memref<1x128x10xf32, #tpu.memory_space<vmem>> -> memref<128x10xf32, #tpu.memory_space<vmem>>
          %dma_wait3A_2828 = arith.constant 0 : i32
          %dma_wait3A_2829 = arith.constant 64 : i32
          %dma_wait3A_2830 = tpu.memref_slice %arg6[%add3A_2799, %run_scoped3A_2806, %dma_wait3A_2828, %dma_wait3A_2829] : memref<3200x2x128x74xf32, #tpu.memory_space<hbm>> -> memref<1x1x128x10xf32, #tpu.memory_space<hbm>>
          %dma_wait3A_2831 = tpu.memref_squeeze %dma_wait3A_2830 : memref<1x1x128x10xf32, #tpu.memory_space<hbm>> -> memref<128x10xf32, #tpu.memory_space<hbm>>
          %dma_wait3A_2832 = arith.constant 0 : i32
          %dma_wait3A_2833 = arith.constant 64 : i32
          %dma_wait3A_2834 = tpu.memref_slice %arg6[%add3A_2799, %run_scoped3A_2806, %dma_wait3A_2832, %dma_wait3A_2833] : memref<3200x2x128x74xf32, #tpu.memory_space<hbm>> -> memref<1x1x128x10xf32, #tpu.memory_space<hbm>>
          %dma_wait3A_2835 = tpu.memref_squeeze %dma_wait3A_2834 : memref<1x1x128x10xf32, #tpu.memory_space<hbm>> -> memref<128x10xf32, #tpu.memory_space<hbm>>
          %dma_wait3A_2836 = arith.constant 0 : i32
          %dma_wait3A_2837 = arith.constant 0 : i32
          %dma_wait3A_2838 = tpu.memref_slice %arg12[%run_scoped3A_2805, %dma_wait3A_2836, %dma_wait3A_2837] : memref<2x128x10xf32, #tpu.memory_space<vmem>> -> memref<1x128x10xf32, #tpu.memory_space<vmem>>
          %dma_wait3A_2839 = tpu.memref_squeeze %dma_wait3A_2838 : memref<1x128x10xf32, #tpu.memory_space<vmem>> -> memref<128x10xf32, #tpu.memory_space<vmem>>
          tpu.wait_dma2 semaphore(%run_scoped3A_2807 : memref<!tpu.dma_semaphore, #tpu.memory_space<semaphore_mem>>) src(%dma_wait3A_2839 : memref<128x10xf32, #tpu.memory_space<vmem>>) dst(%dma_wait3A_2835 : memref<128x10xf32, #tpu.memory_space<hbm>>)
          tpu.yield
        }) : () -> ()
      } else {
      }
    }
    %scan3A_38 = arith.constant 50 : i32
    return
  }
}

</mosaic_0001>

<sc_bundles>
// kernel: kernel.3.cloned.1.call-start
scs
__scs_entry_jumppad:
0x0: {  	(pc) =	sbr.rel $0x88, $3  }
0x1: {  	(tag) =	ssettag $0x0;
	lr =	simm.s32 $0x1  }
0x2: {  	[smem:$0x3F9B] =	sst lr;
	_ =	strace $0xD0000000  }
0x3: {  	_ = 	snop  }
0x4: {  	_ = 	snop  }
0x5: {  	_ = 	snop  }
0x6: {  	_ = 	snop  }
0x7: {  	_ = 	snop  }
__scs_overlays_trampoline_lowered:
0x8: {  	[smem:$0x3FAA] =	sst s0  }
0x9: {  	[smem:$0x3FAB] =	sst s1  }
0xa: {  	[smem:$0x3FAC] =	sst s2  }
0xb: {  	[smem:$0x3FAD] =	sst s3  }
0xc: {  	[smem:$0x3FAE] =	sst s4  }
0xd: {  	[smem:$0x3FAF] =	sst s5  }
0xe: {  	[smem:$0x3FB0] =	sst s6  }
0xf: {  	[smem:$0x3FB1] =	sst s7  }
0x10: {  	[smem:$0x3FB2] =	sst s8  }
0x11: {  	[smem:$0x3FB3] =	sst s9;
	s0 =	simm.s32 @!p0 $0x0  }
0x12: {  	s1 =	sld [smem:$0x3F99];
	s0 =	simm.s32 @p0 $0x1  }
0x13: {  	[smem:$0x3FB4] =	sst s0;
	s0 =	simm.s32 @!p1 $0x0  }
0x14: {  	s2 =	sld [smem:$0x3F98];
	s0 =	simm.s32 @p1 $0x1  }
0x15: {  	[smem:$0x3FB5] =	sst s0;
	s0 =	simm.s32 @!p2 $0x0  }
0x16: {  	s3 =	sld [smem:$0x3FDB];
	s0 =	simm.s32 @p2 $0x1  }
0x17: {  	s4 =	simm.s32 $0x1BF5;
	[smem:$0x3FB7] =	sst s0  }
0x18: {  	s0 =	sld [smem:$0x3F9A];
	_ =	swait.ge [sflag:s4], $0x0  }
0x19: {  	s7 =	sld [smem:$0x3F9B]  }
0x1a: {  	s8 =	sadd.s32 $0xFFFFE003, lr  }
0x1b: {  	s9 =	sadd.s32 $0xFFFFFEF7, lr;
	s5 =	simm.s32 $0xFFFFFFFF;
	p2 =	slt.u32 s8, $0xFFFFF086  }
0x1c: {  	p1 =	slt.u32 s9, $0xF7A;
	s5 =	simm.s32 @!p2 $0x0  }
0x1d: {  	s5 =	simm.s32 @p1 $0x1;
	p0 =	seq.s32 s7, s2  }
0x1e: {  	s7 =	smul.u32 @!p0 $0xF7A, s2;
	p2 =	seq.s32 @!p0 s5, $0x0  }
0x1f: {  	s9 =	smul.u32 $0xF7A, s1;
	s8 =	simm.s32 @!p0 $0x1BF5;
	p2 =	por !p2, p0  }
0x20: {  	[sflag:s8] =	ssyncset.s32 @!p0 $0xFFFFF086;
	s6 =	sadd.s32 @!p0 s3, s7;
	s7 =	simm.s32 @!p0 $0x108  }
0x21: {  	s3 =	sadd.s32 s3, s9;
	s6 =	sadd.s32 @!p0 $0x88, s6;
	s7 =	simm.s32 @p2 $0x1082  }
0x22: {  	[simem:s7], [sflag:s8] =	dma.local @!p0 [hbm:s6], $0xF7A  }
0x23: {  	s9 =	sor.u32 $0xD0000000, s2;
	s6 =	simm.s32 $0x108;
	_ =	swait.ge @!p0 [sflag:s8], $0x0  }
0x24: {  	s3 =	sadd.s32 $0x88, s3;
	s6 =	simm.s32 @!p1 $0x1082;
	[sflag:s4] =	ssyncset.s32 $0xFFFFF086  }
0x25: {  	[simem:s6], [sflag:s4] =	dma.local [hbm:s3], $0xF7A  }
0x26: {  	[smem:$0x3F9B] =	sst s1;
	(tag) =	ssettag s2;
	_ =	strace s9  }
0x27: {  	s1 =	sld [smem:$0x3FAB]  }
0x28: {  	s2 =	sld [smem:$0x3FAC]  }
0x29: {  	s4 =	sld [smem:$0x3FAE]  }
0x2a: {  	p0 =	seq.s32 s5, $0x0;
	s5 =	sld [smem:$0x3FAF]  }
0x2b: {  	s6 =	sld [smem:$0x3FB0]  }
0x2c: {  	s7 =	sld [smem:$0x3FB1]  }
0x2d: {  	s3 =	simm.s32 $0x108;
	s8 =	sld [smem:$0x3FB2]  }
0x2e: {  	s3 =	simm.s32 @!p0 $0x1082;
	s9 =	sld [smem:$0x3FB3]  }
0x2f: {  	lr =	sadd.s32 s0, s3;
	s0 =	sld [smem:$0x3FAA]  }
0x30: {  	s3 =	sld [smem:$0x3FAD]  }
0x31: {  	[smem:$0x3FB6] =	sst s10  }
0x32: {  	s10 =	sld [smem:$0x3FB4];
	_ =	sdelay $0x3  }
0x33: {  	p0 =	seq.s32 s10, $0x1;
	s10 =	sld [smem:$0x3FB6];
	_ =	sdelay $0x3  }
0x34: {  	[smem:$0x3FB6] =	sst s10  }
0x35: {  	s10 =	sld [smem:$0x3FB5];
	_ =	sdelay $0x3  }
0x36: {  	p1 =	seq.s32 s10, $0x1;
	s10 =	sld [smem:$0x3FB6];
	_ =	sdelay $0x3  }
0x37: {  	[smem:$0x3FB6] =	sst s10  }
0x38: {  	s10 =	sld [smem:$0x3FB7]  }
0x39: {  	_ = 	snop;
	(pc) =	sbr.ind lr, $3  }
0x3a: {  	_ = 	snop  }
0x3b: {  	_ = 	snop  }
0x3c: {  	p2 =	seq.s32 s10, $0x1;
	s10 =	sld [smem:$0x3FB6]  }
0x3d: {  	_ =	shalt  }
0x3e: {  	_ =	shalt  }
0x3f: {  	_ =	shalt  }
0x40: {  	_ =	shalt  }
0x41: {  	_ =	shalt  }
0x42: {  	_ =	shalt  }
0x43: {  	_ =	shalt  }
0x44: {  	_ =	shalt  }
0x45: {  	_ =	shalt  }
0x46: {  	_ =	shalt  }
0x47: {  	_ =	shalt  }
0x48: {  	_ =	shalt  }
0x49: {  	_ =	shalt  }
0x4a: {  	_ =	shalt  }
0x4b: {  	_ =	shalt  }
0x4c: {  	_ =	shalt  }
0x4d: {  	_ =	shalt  }
0x4e: {  	_ =	shalt  }
0x4f: {  	_ =	shalt  }
0x50: {  	_ =	shalt  }
0x51: {  	_ =	shalt  }
0x52: {  	_ =	shalt  }
0x53: {  	_ =	shalt  }
0x54: {  	_ =	shalt  }
0x55: {  	_ =	shalt  }
0x56: {  	_ =	shalt  }
0x57: {  	_ =	shalt  }
0x58: {  	_ =	shalt  }
0x59: {  	_ =	shalt  }
0x5a: {  	_ =	shalt  }
0x5b: {  	_ =	shalt  }
0x5c: {  	_ =	shalt  }
0x5d: {  	_ =	shalt  }
0x5e: {  	_ =	shalt  }
0x5f: {  	_ =	shalt  }
0x60: {  	_ =	shalt  }
0x61: {  	_ =	shalt  }
0x62: {  	_ =	shalt  }
0x63: {  	_ =	shalt  }
0x64: {  	_ =	shalt  }
0x65: {  	_ =	shalt  }
0x66: {  	_ =	shalt  }
0x67: {  	_ =	shalt  }
0x68: {  	_ =	shalt  }
0x69: {  	_ =	shalt  }
0x6a: {  	_ =	shalt  }
0x6b: {  	_ =	shalt  }
0x6c: {  	_ =	shalt  }
0x6d: {  	_ =	shalt  }
0x6e: {  	_ =	shalt  }
0x6f: {  	_ =	shalt  }
0x70: {  	_ =	shalt  }
0x71: {  	_ =	shalt  }
0x72: {  	_ =	shalt  }
0x73: {  	_ =	shalt  }
0x74: {  	_ =	shalt  }
0x75: {  	_ =	shalt  }
0x76: {  	_ =	shalt  }
0x77: {  	_ =	shalt  }
0x78: {  	_ =	shalt  }
0x79: {  	_ =	shalt  }
0x7a: {  	_ =	shalt  }
0x7b: {  	_ =	shalt  }
0x7c: {  	_ =	shalt  }
0x7d: {  	_ =	shalt  }
0x7e: {  	_ =	shalt  }
0x7f: {  	_ =	shalt  }
0x80: {  	_ =	shalt  }
0x81: {  	_ =	shalt  }
0x82: {  	_ =	shalt  }
0x83: {  	_ =	shalt  }
0x84: {  	_ =	shalt  }
0x85: {  	_ =	shalt  }
0x86: {  	_ =	shalt  }
0x87: {  	_ =	shalt  }
.Lfunc_end0:
.L_simem_size_0:
called_computation.1_lowered:
.L_overlay_start_0:
0x88: {  	s2 =	sld [smem:$0x3FD9]  }
0x89: {  	s3 =	sld [smem:$0x3FFE];
	_ =	sdelay $0x1  }
0x8a: {  	s1 =	srdreg.scid  }
0x8b: {  	s0 =	sand.u32 $0x1, s1  }
0x8c: {  	s17 =	sshll.u32 s0, $0xA;
	s2 =	sadd.s32 s3, s2  }
0x8d: {  	s2 =	sadd.s32 s2, s17  }
0x8e: {  	[smem:$0x3FC2] =	sst s2  }
0x8f: {  	_ = 	snop  }
0x90: {  	s2 =	sld [smem:$0x3FD0];
	(tm) =	ssettm $0x1  }
0x91: {  	s18 =	sld [smem:$0x3FFB];
	_ =	sdelay $0x3  }
0x92: {  	_ =	strace s18  }
0x93: {  	s3 =	sld [smem:$0x3FFC];
	_ =	sdelay $0x3  }
0x94: {  	_ =	strace s3  }
0x95: {  	s3 =	sld [smem:$0x3FFD];
	_ =	sdelay $0x3  }
0x96: {  	_ =	strace s3  }
0x97: {  	_ =	strace $0x8FFFFFFF  }
0x98: {  	s19 =	sld [smem:$0x3FDB];
	_ =	sdelay $0x1  }
0x99: {  	s4 =	simm.s32 $_scs_section_size  }
0x9a: {  	s5 =	simm.s32 $_size__tile_overlayer_lowered;
	s6 =	simm.s32 $_tile_overlayer_lowered  }
0x9b: {  	s22 =	simm.s32 $0x1BFF;
	s21 =	sshll.u32 s6, $0x1;
	s3 =	sadd.s32 s4, s19  }
0x9c: {  	s7 =	simm.s32 $0x0;
	s20 =	sshll.u32 s5, $0x1;
	s5 =	sadd.s32 s21, s3  }
0x9d: {  	[timem:s7], [sflag:s22] =	dma.local [hbm:s5], s20  }
0x9e: {  	_ =	swait.ge [sflag:s22], s20  }
0x9f: {  	s4 =	ssub.s32 $0x0, s20;
	[sflag:s22] =	ssyncset.done $0x0  }
0xa0: {  	[sflag:s22] =	ssyncadd.s32 s4;
	_ =	sdelay $0x1  }
0xa1: {  	s23 =	simm.s32 $0x1B8B  }
0xa2: {  	_ =	swait.ge [sflag:s23], $0x1  }
0xa3: {  	[sflag:s23] =	ssyncset.done $0x0  }
0xa4: {  	s25 =	simm.s32 $0x1B8E;
	s24 =	sld [smem:$0x3FFE];
	[sflag:s23] =	ssyncadd.s32 $0xFFFFFFFF  }
0xa5: {  	s26 =	simm.s32 $execute0_lowered;
	[smem:$0x3FD2] =	sst s25  }
0xa6: {  	s5 =	sshll.u32 s26, $0x1;
	_ =	strace $0x80000046;
	[dreg:$0x1] =	wrdreg $0xFFFFFFFF  }
0xa7: {  	s28 =	simm.s32 $_size_execute0_lowered;
	s3 =	sadd.s32 s3, s5;
	[dreg:$0x0] =	wrdreg $0x0  }
0xa8: {  	s5 =	sshll.u32 s28, $0x1;
	[dreg:$0x2] =	wrdreg s3  }
0xa9: {  	[dreg:$0x3] =	wrdreg s5  }
0xaa: {  	[dreg:$0x4] =	wrdreg $0xC0  }
0xab: {  	_ =	task [dreg:s7], $0x5FFFF  }
0xac: {  	[dreg:$0x1] =	wrdreg $0xFFFFFFFF  }
0xad: {  	[dreg:$0x0] =	wrdreg $0x60  }
0xae: {  	[dreg:$0x2] =	wrdreg s2  }
0xaf: {  	[dreg:$0x3] =	wrdreg s24  }
0xb0: {  	[dreg:$0x4] =	wrdreg $0x9  }
0xb1: {  	_ =	task.clear_ibuf [dreg:s7], $0x5FFFF;
	_ =	strace $0x90000046  }
0xb2: {  	s29 =	simm.s32 $0x9;
	_ =	strace $0x80000048  }
0xb3: {  	_ =	swait.ge [sflag:s29], $0x1  }
0xb4: {  	[sflag:s29] =	ssyncadd.s32 $0xFFFFFFFF  }
0xb5: {  	_ =	strace $0x90000048  }
0xb6: {  	_ =	sfence  }
0xb7: {  	s30 =	sld [smem:$0x0];
	_ =	sdelay $0x2  }
0xb8: {  	s31 =	sshll.u32 s1, $0xD;
	s1 =	sshrl.u32 s1, $0x2  }
0xb9: {  	s3 =	sand.u32 $0x4000, s31;
	s1 =	sadd.s32 s1, s30  }
0xba: {  	s0 =	sor.u32 s3, s0;
	s1 =	sshll.u32 s1, $0x11  }
0xbb: {  	s0 =	sor.u32 s1, s0  }
0xbc: {  	s0 =	sadd.s32 $0x8F2B, s0  }
0xbd: {  	[sflag:s0] =	ssyncadd.remote.s32 $0x1  }
0xbe: {  	_ =	sfence.sel $0xFFFF  }
0xbf: {  	[dreg:$0x0] =	wrdreg $0xFFFFFFFF;
	(pc) =	sbr.abs _section_cstart, $3  }
0xc0: {  	[dreg:$0x1] =	wrdreg $0xFFFFFFFF  }
0xc1: {  	_ =	task.clear_ibuf [dreg:s7], $0x2FFFF;
	_ =	strace $0x9FFFFFFF  }
0xc2: {  	(tm) =	ssettm $0x7FFFFFFF  }
0xc3: {  	_ =	shalt  }
tec
execute0_lowered:
.L_overlay_start_1:
0x0: {  	(tag) =	ssettag $0x1  }
0x1: {  	v0 =	vlaneseq.u32  }
0x2: {  	v0 =	vmul.u32 $0x10, v0  }
0x3: {  	s3 =	rddreg [dreg:$0x0];
	s5 =	simm.s32 $0x0  }
0x4: {  	[smem:$0x7FF] =	sst s5;
	v1 =	vor.u32 $0x5, v0  }
0x5: {  	s0 =	rddreg [dreg:$0x1];
	_ =	strace $0x80000047;
	v38 =	vor.u32 $0x1, v0;
	[tilespmem:$0x1FC10] =	vst v1  }
0x6: {  	v39 =	vor.u32 $0x2, v0;
	[tilespmem:$0x1FED0] =	vst v38  }
0x7: {  	v40 =	vor.u32 $0x3, v0;
	[tilespmem:$0x1FEE0] =	vst v39  }
0x8: {  	v41 =	vor.u32 $0x101, v0;
	[tilespmem:$0x1FEF0] =	vst v40  }
0x9: {  	v42 =	vor.u32 $0x102, v0;
	[tilespmem:$0x1FF00] =	vst v41  }
0xa: {  	v43 =	vor.u32 $0x103, v0;
	[tilespmem:$0x1FF10] =	vst v42  }
0xb: {  	v44 =	vor.u32 $0x201, v0;
	[tilespmem:$0x1FF20] =	vst v43  }
0xc: {  	v45 =	vor.u32 $0x202, v0;
	[tilespmem:$0x1FF30] =	vst v44  }
0xd: {  	v46 =	vor.u32 $0x203, v0;
	[tilespmem:$0x1FF40] =	vst v45  }
0xe: {  	v47 =	vor.u32 $0x301, v0;
	[tilespmem:$0x1FF50] =	vst v46  }
0xf: {  	v48 =	vor.u32 $0x302, v0;
	[tilespmem:$0x1FF60] =	vst v47  }
0x10: {  	v49 =	vor.u32 $0x303, v0;
	[tilespmem:$0x1FF70] =	vst v48  }
0x11: {  	v50 =	vor.u32 $0x401, v0;
	[tilespmem:$0x1FF80] =	vst v49  }
0x12: {  	v51 =	vor.u32 $0x402, v0;
	[tilespmem:$0x1FF90] =	vst v50  }
0x13: {  	v52 =	vor.u32 $0x403, v0;
	[tilespmem:$0x1FFA0] =	vst v51  }
0x14: {  	v53 =	vor.u32 $0x501, v0;
	[tilespmem:$0x1FFB0] =	vst v52  }
0x15: {  	v54 =	vor.u32 $0x502, v0;
	[tilespmem:$0x1FFC0] =	vst v53  }
0x16: {  	v55 =	vor.u32 $0x503, v0;
	[tilespmem:$0x1FFD0] =	vst v54  }
0x17: {  	v56 =	vor.u32 $0x601, v0;
	[tilespmem:$0x1FFE0] =	vst v55  }
0x18: {  	v1 =	vor.u32 $0x6, v0;
	[tilespmem:$0x1FFF0] =	vst v56  }
0x19: {  	[tilespmem:$0x1FC20] =	vst v1;
	v1 =	vor.u32 $0x7, v0  }
0x1a: {  	[tilespmem:$0x1FC30] =	vst v1;
	v1 =	vor.u32 $0x8, v0  }
0x1b: {  	[tilespmem:$0x1FC40] =	vst v1;
	v1 =	vor.u32 $0x4, v0  }
0x1c: {  	[tilespmem:$0x1FC50] =	vst v1;
	v1 =	vor.u32 $0x9, v0  }
0x1d: {  	[tilespmem:$0x1FC60] =	vst v1;
	v1 =	vor.u32 $0x100, v0  }
0x1e: {  	[tilespmem:$0x1FC70] =	vst v1;
	v1 =	vor.u32 $0x105, v0  }
0x1f: {  	[tilespmem:$0x1FC80] =	vst v1;
	v1 =	vor.u32 $0x106, v0  }
0x20: {  	[tilespmem:$0x1FC90] =	vst v1;
	v1 =	vor.u32 $0x107, v0  }
0x21: {  	[tilespmem:$0x1FCA0] =	vst v1;
	v1 =	vor.u32 $0x108, v0  }
0x22: {  	[tilespmem:$0x1FCB0] =	vst v1;
	v1 =	vor.u32 $0x104, v0  }
0x23: {  	[tilespmem:$0x1FCC0] =	vst v1;
	v1 =	vor.u32 $0x109, v0  }
0x24: {  	[tilespmem:$0x1FCD0] =	vst v1;
	v1 =	vor.u32 $0x200, v0  }
0x25: {  	[tilespmem:$0x1FCE0] =	vst v1;
	v1 =	vor.u32 $0x205, v0  }
0x26: {  	[tilespmem:$0x1FCF0] =	vst v1;
	v1 =	vor.u32 $0x206, v0  }
0x27: {  	[tilespmem:$0x1FD00] =	vst v1;
	v1 =	vor.u32 $0x207, v0  }
0x28: {  	[tilespmem:$0x1FD10] =	vst v1;
	v1 =	vor.u32 $0x208, v0  }
0x29: {  	[tilespmem:$0x1FD20] =	vst v1;
	v1 =	vor.u32 $0x204, v0  }
0x2a: {  	s2 =	stileid.u32;
	[tilespmem:$0x1FD30] =	vst v1;
	v1 =	vor.u32 $0x209, v0  }
0x2b: {  	s14 =	smul.u32 $0x25800, s2;
	[tilespmem:$0x1FD40] =	vst v1;
	v1 =	vor.u32 $0x300, v0  }
0x2c: {  	s8 =	smul.u32 $0x3E8000, s2;
	[tilespmem:$0x1FD50] =	vst v1;
	v1 =	vor.u32 $0x305, v0  }
0x2d: {  	s1 =	srdreg.scid;
	s18 =	smul.u32 $0x7D000, s2;
	[tilespmem:$0x1FD60] =	vst v1;
	v1 =	vor.u32 $0x306, v0  }
0x2e: {  	s1 =	sand.u32 $0x1, s1;
	s22 =	smul.u32 $0x4B00, s2;
	[tilespmem:$0x1FD70] =	vst v1;
	v1 =	vor.u32 $0x307, v0  }
0x2f: {  	s29 =	simm.s32 $0x6600;
	s30 =	simm.s32 $0x8600;
	s10 =	smul.u32 $0x1F4000, s1;
	[tilespmem:$0x1FD80] =	vst v1;
	v1 =	vor.u32 $0x308, v0  }
0x30: {  	s4 =	sshll.u32 s2, $0x1;
	s6 =	sadd.s32 $0x1400, s0;
	s16 =	smul.u32 $0x12C00, s1;
	[tilespmem:$0x1FD90] =	vst v1;
	v1 =	vor.u32 $0x304, v0  }
0x31: {  	s7 =	sadd.s32 $0x1200, s0;
	s4 =	sor.u32 s1, s4;
	s20 =	smul.u32 $0x3E800, s1;
	[tilespmem:$0x1FDA0] =	vst v1;
	v1 =	vor.u32 $0x309, v0  }
0x32: {  	[dreg:$0x3] =	wrdreg s6;
	s15 =	ssub.s32 $0x2, s1;
	s1 =	smul.u32 $0x2580, s1;
	[tilespmem:$0x1FDB0] =	vst v1;
	v1 =	vor.u32 $0x400, v0  }
0x33: {  	s31 =	simm.s32 $0x2;
	[dreg:$0x4] =	wrdreg s7;
	s13 =	smul.u32 $0x2580, s4;
	[tilespmem:$0x1FDC0] =	vst v1;
	v1 =	vor.u32 $0x405, v0  }
0x34: {  	s4 =	sadd.s32 $0xF43600, s0;
	s0 =	sadd.s32 $0x1600, s0;
	s9 =	sshrl.u32 s15, $0x1;
	[tilespmem:$0x1FDD0] =	vst v1;
	v1 =	vor.u32 $0x406, v0  }
0x35: {  	s6 =	sadd.s32 s22, s3;
	s22 =	simm.s32 $0x10;
	s7 =	ssub.s32 s15, s9;
	[tilespmem:$0x1FDE0] =	vst v1;
	v1 =	vor.u32 $0x407, v0  }
0x36: {  	s17 =	sadd.s32 s10, s8;
	s8 =	sadd.s32 s18, s0;
	s1 =	sadd.s32 s1, s6;
	[tilespmem:$0x1FDF0] =	vst v1;
	v1 =	vor.u32 $0x408, v0  }
0x37: {  	s6 =	simm.s32 $0x4;
	s5 =	sadd.s32 s3, s13;
	s7 =	smax.u32 s7, $0x1;
	[tilespmem:$0x1FE00] =	vst v1;
	v1 =	vor.u32 $0x404, v0  }
0x38: {  	s19 =	sadd.s32 $0x7840, s17;
	s24 =	sadd.s32 $0x7800, s17;
	s12 =	sadd.s32 s20, s8;
	[tilespmem:$0x1FE10] =	vst v1;
	v1 =	vor.u32 $0x409, v0  }
0x39: {  	s1 =	sadd.s32 $0x60, s1;
	s25 =	sor.u32 $0x2840, s17;
	s26 =	sor.u32 $0x2800, s17;
	[tilespmem:$0x1FE20] =	vst v1;
	v1 =	vor.u32 $0x500, v0  }
0x3a: {  	s28 =	sshrl.u32 s17, $0x3;
	s17 =	simm.s32 $0xA600;
	[dreg:$0x5] =	wrdreg s5;
	[tilespmem:$0x1FE30] =	vst v1;
	v1 =	vor.u32 $0x505, v0  }
0x3b: {  	s20 =	simm.s32 $0x80;
	s3 =	simm.s32 $0x0;
	[dreg:$0x6] =	wrdreg s7;
	[tilespmem:$0x1FE40] =	vst v1;
	v1 =	vor.u32 $0x506, v0  }
0x3c: {  	s5 =	sadd.s32 s16, s14;
	s21 =	sshrl.u32 s19, $0x3;
	[dreg:$0x9] =	wrdreg s1;
	[tilespmem:$0x1FE50] =	vst v1;
	v1 =	vor.u32 $0x507, v0  }
0x3d: {  	s1 =	sshrl.u32 s25, $0x3;
	s16 =	sadd.s32 s28, s0;
	s19 =	simm.s32 $0xADD0;
	[tilespmem:$0x1FE60] =	vst v1;
	v1 =	vor.u32 $0x508, v0  }
0x3e: {  	s25 =	simm.s32 $0x6;
	s5 =	sadd.s32 $0x600, s5;
	s23 =	sadd.s32 s21, s0;
	[tilespmem:$0x1FE70] =	vst v1;
	v1 =	vor.u32 $0x504, v0  }
.Ltmp0:
0x3f: {  	s14 =	sadd.s32 s1, s0;
	[dreg:$0x7] =	wrdreg s5;
	[tilespmem:$0x1FE80] =	vst v1;
	v1 =	vor.u32 $0x509, v0;
	(pc) =	sbr.rel .LBB2_1-.Ltmp0, $4  }
0x40: {  	s1 =	simm.s32 $0x40;
	s21 =	simm.s32 $0x50;
	[dreg:$0x8] =	wrdreg s23;
	[tilespmem:$0x1FE90] =	vst v1;
	v1 =	vor.u32 $0x600, v0  }
0x41: {  	s5 =	sshrl.u32 s24, $0x3;
	s23 =	simm.s32 $0x1;
	s24 =	simm.s32 $0x300;
	[tilespmem:$0x1FEA0] =	vst v1;
	v1 =	vor.u32 $0x605, v0  }
0x42: {  	s11 =	sadd.s32 s5, s0;
	s5 =	sshrl.u32 s26, $0x3;
	s26 =	simm.s32 $0x4600;
	[tilespmem:$0x1FEB0] =	vst v1;
	v1 =	vor.u32 $0x606, v0  }
0x43: {  	s15 =	sadd.s32 s5, s0;
	s5 =	simm.s32 $0x5;
	s0 =	simm.s32 $0x9600;
	[tilespmem:$0x1FEC0] =	vst v1  }
.LBB2_4:
0x44: {  	[hbm4b:s7+s1] =	stream.strided.scatter [tilespmem:s26], [sflag:$0x6], $0x2000, s21, s1, $0x38;
	[tilespmem:$0xB5A0] =	vst v63  }
0x45: {  	_ =	swait.ge [sflag:s25], $0x2000  }
0x46: {  	[sflag:s25] =	ssyncset.done $0x0  }
0x47: {  	s2 =	sadd.s32 $0xA08, s18;
	[sflag:s25] =	ssyncadd.s32 $0xFFFFE000  }
0x48: {  	[hbm4b:s2+s22] =	stream.strided.scatter [tilespmem:s0], [sflag:$0x6], $0x800, s21, s22, $0x38;
	[tilespmem:$0xB5A0] =	vst v63  }
0x49: {  	_ =	swait.ge [sflag:s25], $0x800  }
0x4a: {  	[sflag:s25] =	ssyncset.done $0x0  }
0x4b: {  	s10 =	sadd.s32 s8, s11;
	[sflag:s25] =	ssyncadd.s32 $0xFFFFF800  }
0x4c: {  	[hbm4b:s10+s1] =	stream.strided.scatter [tilespmem:s29], [sflag:$0x6], $0x2000, s21, s1, $0x38;
	[tilespmem:$0xB5A0] =	vst v63  }
0x4d: {  	_ =	swait.ge [sflag:s25], $0x2000  }
0x4e: {  	s3 =	simm.s32 $0x9E00;
	[sflag:s25] =	ssyncset.done $0x0;
	s13 =	rddreg [dreg:$0x8]  }
0x4f: {  	s5 =	simm.s32 $0x5;
	[sflag:s25] =	ssyncadd.s32 $0xFFFFE000;
	s2 =	sadd.s32 s8, s13  }
0x50: {  	[hbm4b:s2+s22] =	stream.strided.scatter [tilespmem:s3], [sflag:$0x5], $0x800, s21, s22, $0x38;
	[tilespmem:$0xB5A0] =	vst v63  }
0x51: {  	_ =	swait.ge [sflag:s5], $0x800  }
0x52: {  	s18 =	rddreg [dreg:$0xa]  }
0x53: {  	s28 =	rddreg [dreg:$0x6];
	s3 =	sadd.s32 $0x1, s18  }
0x54: {  	p0 =	sne.s32 s3, s28  }
.Ltmp1:
0x55: {  	_ = 	snop;
	(pc) =	sbr.rel @!p0 .LBB2_5-.Ltmp1, $3  }
0x56: {  	_ =	sdelay $0x1  }
0x57: {  	[sflag:s5] =	ssyncset.done $0x0  }
0x58: {  	[sflag:s5] =	ssyncadd.s32 $0xFFFFF800  }
.LBB2_1:
0x59: {  	[dreg:$0xa] =	wrdreg s3  }
0x5a: {  	s2 =	simm.s32 $0x0;
	s9 =	rddreg [dreg:$0x3]  }
0x5b: {  	[tilespmem:s17], [sflag:$0x5] =	stream.linear.gather [hbm4b:s9+s2], $0x7D0, $0x38;
	[tilespmem:$0xB5A0] =	vst v63  }
0x5c: {  	_ =	swait.ge [sflag:s5], $0x7D0  }
0x5d: {  	[sflag:s5] =	ssyncset.done $0x0  }
0x5e: {  	s10 =	rddreg [dreg:$0x4];
	[sflag:s5] =	ssyncadd.s32 $0xFFFFF830  }
0x5f: {  	[tilespmem:s19], [sflag:$0x5] =	stream.linear.gather [hbm4b:s10+s2], $0x7D0, $0x38;
	[tilespmem:$0xB5A0] =	vst v63  }
0x60: {  	_ =	swait.ge [sflag:s5], $0x7D0  }
0x61: {  	[sflag:s5] =	ssyncset.done $0x0  }
0x62: {  	s13 =	rddreg [dreg:$0x5];
	[sflag:s5] =	ssyncadd.s32 $0xFFFFF830  }
0x63: {  	[tilespmem:s2], [sflag:$0x5] =	stream.linear.gather [hbm4b:s13+s2], $0x300, $0x38;
	[tilespmem:$0xB5A0] =	vst v63  }
0x64: {  	_ =	swait.ge [sflag:s5], $0x300  }
0x65: {  	[sflag:s5] =	ssyncset.done $0x0  }
0x66: {  	s18 =	simm.s32 $0x600;
	s13 =	rddreg [dreg:$0x9];
	[sflag:s5] =	ssyncadd.s32 $0xFFFFFD00  }
0x67: {  	[tilespmem:s18], [sflag:$0x1] =	stream.indirect.gather [hbm4b:s4+s20], $0x40, s2, s20, $0xb8;
	[tilespmem:$0xB5A0] =	vst v63  }
0x68: {  	s28 =	simm.s32 $0x2600;
	s8 =	simm.s32 $0x0;
	s9 =	rddreg [dreg:$0x7]  }
0x69: {  	[tilespmem:s28], [sflag:$0x1] =	stream.indirect.gather [hbm4b:s4+s20], $0x40, s20, s20, $0xb8;
	[tilespmem:$0xB5A0] =	vst v63  }
.LBB2_2:
0x6a: {  	_ =	swait.ge [sflag:s23], $0x2000  }
0x6b: {  	[sflag:s23] =	ssyncset.done $0x0  }
0x6c: {  	[sflag:s23] =	ssyncadd.s32 $0xFFFFE000  }
0x6d: {  	_ =	swait.ge [sflag:s23], $0x2000  }
0x6e: {  	[sflag:s23] =	ssyncset.done $0x0  }
0x6f: {  	s2 =	simm.s32 $0x0;
	[sflag:s23] =	ssyncadd.s32 $0xFFFFE000  }
0x70: {  	[tilespmem:s24], [sflag:$0x6] =	stream.linear.gather [hbm4b:s13+s2], $0x300, $0x38;
	[tilespmem:$0xB5A0] =	vst v63  }
0x71: {  	_ =	swait.ge [sflag:s25], $0x300  }
0x72: {  	[sflag:s25] =	ssyncset.done $0x0  }
0x73: {  	p0 =	seq.s32 s8, $0x0;
	[sflag:s25] =	ssyncadd.s32 $0xFFFFFD00  }
0x74: {  	[tilespmem:s26], [sflag:$0x2] =	stream.indirect.gather [hbm4b:s4+s20], $0x40, s24, s20, $0xb8;
	[tilespmem:$0xB5A0] =	vst v63  }
0x75: {  	s28 =	simm.s32 $0x380;
	s7 =	simm.s32 @!p0 $0x3  }
0x76: {  	[tilespmem:s29], [sflag:$0x2] =	stream.indirect.gather [hbm4b:s4+s20], $0x40, s28, s20, $0xb8;
	[tilespmem:$0xB5A0] =	vst v63  }
0x77: {  	_ =	swait.ge @!p0 [sflag:s7], $0x2000  }
0x78: {  	[sflag:s7] =	ssyncset.done @!p0 $0x0  }
0x79: {  	[sflag:s7] =	ssyncadd.s32 @!p0 $0xFFFFE000  }
0x7a: {  	_ =	swait.ge @!p0 [sflag:s7], $0x800  }
0x7b: {  	[sflag:s7] =	ssyncset.done @!p0 $0x0  }
0x7c: {  	[sflag:s7] =	ssyncadd.s32 @!p0 $0xFFFFF800  }
0x7d: {  	_ =	swait.ge @!p0 [sflag:s7], $0x2000  }
0x7e: {  	[sflag:s7] =	ssyncset.done @!p0 $0x0  }
0x7f: {  	[sflag:s7] =	ssyncadd.s32 @!p0 $0xFFFFE000  }
0x80: {  	_ =	swait.ge @!p0 [sflag:s7], $0x800  }
0x81: {  	[sflag:s7] =	ssyncset.done @!p0 $0x0  }
0x82: {  	[sflag:s7] =	ssyncadd.s32 @!p0 $0xFFFFF800  }
0x83: {  	v1 =	vld [tilespmem:$0x100];
	_ =	sdelay $0x4  }
0x84: {  	v1 =	vmul.u32 $0x5, v1  }
0x85: {  	v2 =	vld [tilespmem:$0x200];
	_ =	sdelay $0x4  }
0x86: {  	v2 =	vmul.u32 $0x5, v2;
	v3 =	vld.idx.msk [tilespmem:v1+s17+$0x0], $0xffff;
	_ =	sdelay $0x2  }
0x87: {  	v5 =	vld [tilespmem:$0x1FC10];
	_ =	sdelay $0x1  }
0x88: {  	[tilespmem:v0+s30+$0x0] =	vst.idx.msk $0xffff, v3  }
0x89: {  	v3 =	vld.idx.msk [tilespmem:v2+s19+$0x0], $0xffff  }
0x8a: {  	v4 =	vadd.s32 $0x1, v1;
	_ =	sdelay $0x3  }
0x8b: {  	[tilespmem:v5+s30+$0x0] =	vst.idx.msk $0xffff, v3  }
0x8c: {  	v3 =	vld.idx.msk [tilespmem:v4+s17+$0x0], $0xffff  }
0x8d: {  	v37 =	vadd.s32 $0x1, v2;
	_ =	sdelay $0x1  }
0x8e: {  	v58 =	vld [tilespmem:$0x1FC20];
	_ =	sdelay $0x1  }
0x8f: {  	[tilespmem:v38+s30+$0x0] =	vst.idx.msk $0xffff, v3  }
0x90: {  	v3 =	vld.idx.msk [tilespmem:v37+s19+$0x0], $0xffff  }
0x91: {  	v57 =	vadd.s32 $0x2, v1;
	_ =	sdelay $0x3  }
0x92: {  	[tilespmem:v58+s30+$0x0] =	vst.idx.msk $0xffff, v3  }
0x93: {  	v3 =	vld.idx.msk [tilespmem:v57+s17+$0x0], $0xffff  }
0x94: {  	v59 =	vadd.s32 $0x2, v2;
	_ =	sdelay $0x1  }
0x95: {  	v61 =	vld [tilespmem:$0x1FC30];
	_ =	sdelay $0x1  }
0x96: {  	[tilespmem:v39+s30+$0x0] =	vst.idx.msk $0xffff, v3  }
0x97: {  	v3 =	vld.idx.msk [tilespmem:v59+s19+$0x0], $0xffff  }
0x98: {  	v60 =	vadd.s32 $0x3, v1;
	_ =	sdelay $0x3  }
0x99: {  	[tilespmem:v61+s30+$0x0] =	vst.idx.msk $0xffff, v3  }
0x9a: {  	v3 =	vld.idx.msk [tilespmem:v60+s17+$0x0], $0xffff  }
0x9b: {  	v62 =	vadd.s32 $0x3, v2;
	_ =	sdelay $0x1  }
0x9c: {  	v63 =	vld [tilespmem:$0x1FC40];
	_ =	sdelay $0x1  }
0x9d: {  	[tilespmem:v40+s30+$0x0] =	vst.idx.msk $0xffff, v3  }
0x9e: {  	v3 =	vld.idx.msk [tilespmem:v62+s19+$0x0], $0xffff;
	_ =	sdelay $0x2  }
0x9f: {  	v1 =	vadd.s32 $0x4, v1;
	_ =	sdelay $0x1  }
0xa0: {  	[tilespmem:v63+s30+$0x0] =	vst.idx.msk $0xffff, v3;
	v3 =	vld [tilespmem:$0x1FC50];
	_ =	sdelay $0x2  }
0xa1: {  	v1 =	vld.idx.msk [tilespmem:v1+s17+$0x0], $0xffff  }
0xa2: {  	v2 =	vadd.s32 $0x4, v2;
	_ =	sdelay $0x3  }
0xa3: {  	[tilespmem:v3+s30+$0x0] =	vst.idx.msk $0xffff, v1  }
0xa4: {  	v1 =	vld.idx.msk [tilespmem:v2+s19+$0x0], $0xffff  }
0xa5: {  	v2 =	vld [tilespmem:$0x1FC60];
	_ =	sdelay $0x7  }
0xa6: {  	[tilespmem:v2+s30+$0x0] =	vst.idx.msk $0xffff, v1  }
0xa7: {  	v1 =	vld [tilespmem:$0x110];
	_ =	sdelay $0x4  }
0xa8: {  	v1 =	vmul.u32 $0x5, v1  }
0xa9: {  	v2 =	vld [tilespmem:$0x210];
	_ =	sdelay $0x1  }
0xaa: {  	v8 =	vld [tilespmem:$0x1FC70];
	_ =	sdelay $0x2  }
0xab: {  	v2 =	vmul.u32 $0x5, v2;
	v3 =	vld.idx.msk [tilespmem:v1+s17+$0x0], $0xffff;
	_ =	sdelay $0x2  }
0xac: {  	v10 =	vld [tilespmem:$0x1FC80];
	_ =	sdelay $0x1  }
0xad: {  	[tilespmem:v8+s30+$0x0] =	vst.idx.msk $0xffff, v3  }
0xae: {  	v3 =	vld.idx.msk [tilespmem:v2+s19+$0x0], $0xffff  }
0xaf: {  	v9 =	vadd.s32 $0x1, v1;
	_ =	sdelay $0x3  }
0xb0: {  	[tilespmem:v10+s30+$0x0] =	vst.idx.msk $0xffff, v3  }
0xb1: {  	v3 =	vld.idx.msk [tilespmem:v9+s17+$0x0], $0xffff  }
0xb2: {  	v11 =	vadd.s32 $0x1, v2;
	_ =	sdelay $0x1  }
0xb3: {  	v13 =	vld [tilespmem:$0x1FC90];
	_ =	sdelay $0x1  }
0xb4: {  	[tilespmem:v41+s30+$0x0] =	vst.idx.msk $0xffff, v3  }
0xb5: {  	v3 =	vld.idx.msk [tilespmem:v11+s19+$0x0], $0xffff  }
0xb6: {  	v12 =	vadd.s32 $0x2, v1;
	_ =	sdelay $0x3  }
0xb7: {  	[tilespmem:v13+s30+$0x0] =	vst.idx.msk $0xffff, v3  }
0xb8: {  	v3 =	vld.idx.msk [tilespmem:v12+s17+$0x0], $0xffff  }
0xb9: {  	v14 =	vadd.s32 $0x2, v2;
	_ =	sdelay $0x1  }
0xba: {  	v16 =	vld [tilespmem:$0x1FCA0];
	_ =	sdelay $0x1  }
0xbb: {  	[tilespmem:v42+s30+$0x0] =	vst.idx.msk $0xffff, v3  }
0xbc: {  	v3 =	vld.idx.msk [tilespmem:v14+s19+$0x0], $0xffff  }
0xbd: {  	v15 =	vadd.s32 $0x3, v1;
	_ =	sdelay $0x3  }
0xbe: {  	[tilespmem:v16+s30+$0x0] =	vst.idx.msk $0xffff, v3  }
0xbf: {  	v3 =	vld.idx.msk [tilespmem:v15+s17+$0x0], $0xffff  }
0xc0: {  	v17 =	vadd.s32 $0x3, v2;
	_ =	sdelay $0x1  }
0xc1: {  	v18 =	vld [tilespmem:$0x1FCB0];
	_ =	sdelay $0x1  }
0xc2: {  	[tilespmem:v43+s30+$0x0] =	vst.idx.msk $0xffff, v3  }
0xc3: {  	v3 =	vld.idx.msk [tilespmem:v17+s19+$0x0], $0xffff;
	_ =	sdelay $0x2  }
0xc4: {  	v1 =	vadd.s32 $0x4, v1;
	_ =	sdelay $0x1  }
0xc5: {  	[tilespmem:v18+s30+$0x0] =	vst.idx.msk $0xffff, v3;
	v3 =	vld [tilespmem:$0x1FCC0];
	_ =	sdelay $0x2  }
0xc6: {  	v1 =	vld.idx.msk [tilespmem:v1+s17+$0x0], $0xffff  }
0xc7: {  	v2 =	vadd.s32 $0x4, v2;
	_ =	sdelay $0x3  }
0xc8: {  	[tilespmem:v3+s30+$0x0] =	vst.idx.msk $0xffff, v1  }
0xc9: {  	v1 =	vld.idx.msk [tilespmem:v2+s19+$0x0], $0xffff  }
0xca: {  	v2 =	vld [tilespmem:$0x1FCD0];
	_ =	sdelay $0x7  }
0xcb: {  	[tilespmem:v2+s30+$0x0] =	vst.idx.msk $0xffff, v1  }
0xcc: {  	v1 =	vld [tilespmem:$0x120];
	_ =	sdelay $0x4  }
0xcd: {  	v1 =	vmul.u32 $0x5, v1  }
0xce: {  	v2 =	vld [tilespmem:$0x220];
	_ =	sdelay $0x1  }
0xcf: {  	v19 =	vld [tilespmem:$0x1FCE0];
	_ =	sdelay $0x2  }
0xd0: {  	v2 =	vmul.u32 $0x5, v2;
	v3 =	vld.idx.msk [tilespmem:v1+s17+$0x0], $0xffff;
	_ =	sdelay $0x2  }
0xd1: {  	v21 =	vld [tilespmem:$0x1FCF0];
	_ =	sdelay $0x1  }
0xd2: {  	[tilespmem:v19+s30+$0x0] =	vst.idx.msk $0xffff, v3  }
0xd3: {  	v3 =	vld.idx.msk [tilespmem:v2+s19+$0x0], $0xffff  }
0xd4: {  	v20 =	vadd.s32 $0x1, v1;
	_ =	sdelay $0x3  }
0xd5: {  	[tilespmem:v21+s30+$0x0] =	vst.idx.msk $0xffff, v3  }
0xd6: {  	v3 =	vld.idx.msk [tilespmem:v20+s17+$0x0], $0xffff  }
0xd7: {  	v22 =	vadd.s32 $0x1, v2;
	_ =	sdelay $0x1  }
0xd8: {  	v24 =	vld [tilespmem:$0x1FD00];
	_ =	sdelay $0x1  }
0xd9: {  	[tilespmem:v44+s30+$0x0] =	vst.idx.msk $0xffff, v3  }
0xda: {  	v3 =	vld.idx.msk [tilespmem:v22+s19+$0x0], $0xffff  }
0xdb: {  	v23 =	vadd.s32 $0x2, v1;
	_ =	sdelay $0x3  }
0xdc: {  	[tilespmem:v24+s30+$0x0] =	vst.idx.msk $0xffff, v3  }
0xdd: {  	v3 =	vld.idx.msk [tilespmem:v23+s17+$0x0], $0xffff  }
0xde: {  	v25 =	vadd.s32 $0x2, v2;
	_ =	sdelay $0x1  }
0xdf: {  	v27 =	vld [tilespmem:$0x1FD10];
	_ =	sdelay $0x1  }
0xe0: {  	[tilespmem:v45+s30+$0x0] =	vst.idx.msk $0xffff, v3  }
0xe1: {  	v3 =	vld.idx.msk [tilespmem:v25+s19+$0x0], $0xffff  }
0xe2: {  	v26 =	vadd.s32 $0x3, v1;
	_ =	sdelay $0x3  }
0xe3: {  	[tilespmem:v27+s30+$0x0] =	vst.idx.msk $0xffff, v3  }
0xe4: {  	v3 =	vld.idx.msk [tilespmem:v26+s17+$0x0], $0xffff  }
0xe5: {  	v28 =	vadd.s32 $0x3, v2;
	_ =	sdelay $0x1  }
0xe6: {  	v29 =	vld [tilespmem:$0x1FD20];
	_ =	sdelay $0x1  }
0xe7: {  	[tilespmem:v46+s30+$0x0] =	vst.idx.msk $0xffff, v3  }
0xe8: {  	v3 =	vld.idx.msk [tilespmem:v28+s19+$0x0], $0xffff;
	_ =	sdelay $0x2  }
0xe9: {  	v1 =	vadd.s32 $0x4, v1;
	_ =	sdelay $0x1  }
0xea: {  	[tilespmem:v29+s30+$0x0] =	vst.idx.msk $0xffff, v3;
	v3 =	vld [tilespmem:$0x1FD30];
	_ =	sdelay $0x2  }
0xeb: {  	v1 =	vld.idx.msk [tilespmem:v1+s17+$0x0], $0xffff  }
0xec: {  	v2 =	vadd.s32 $0x4, v2;
	_ =	sdelay $0x3  }
0xed: {  	[tilespmem:v3+s30+$0x0] =	vst.idx.msk $0xffff, v1  }
0xee: {  	v1 =	vld.idx.msk [tilespmem:v2+s19+$0x0], $0xffff  }
0xef: {  	v2 =	vld [tilespmem:$0x1FD40];
	_ =	sdelay $0x7  }
0xf0: {  	[tilespmem:v2+s30+$0x0] =	vst.idx.msk $0xffff, v1  }
0xf1: {  	v1 =	vld [tilespmem:$0x130];
	_ =	sdelay $0x4  }
0xf2: {  	v1 =	vmul.u32 $0x5, v1  }
0xf3: {  	v2 =	vld [tilespmem:$0x230];
	_ =	sdelay $0x1  }
0xf4: {  	v30 =	vld [tilespmem:$0x1FD50];
	_ =	sdelay $0x2  }
0xf5: {  	v2 =	vmul.u32 $0x5, v2;
	v3 =	vld.idx.msk [tilespmem:v1+s17+$0x0], $0xffff;
	_ =	sdelay $0x2  }
0xf6: {  	v32 =	vld [tilespmem:$0x1FD60];
	_ =	sdelay $0x1  }
0xf7: {  	[tilespmem:v30+s30+$0x0] =	vst.idx.msk $0xffff, v3  }
0xf8: {  	v3 =	vld.idx.msk [tilespmem:v2+s19+$0x0], $0xffff  }
0xf9: {  	v31 =	vadd.s32 $0x1, v1;
	_ =	sdelay $0x3  }
0xfa: {  	[tilespmem:v32+s30+$0x0] =	vst.idx.msk $0xffff, v3  }
0xfb: {  	v3 =	vld.idx.msk [tilespmem:v31+s17+$0x0], $0xffff  }
0xfc: {  	v33 =	vadd.s32 $0x1, v2;
	_ =	sdelay $0x1  }
0xfd: {  	v35 =	vld [tilespmem:$0x1FD70];
	_ =	sdelay $0x1  }
0xfe: {  	[tilespmem:v47+s30+$0x0] =	vst.idx.msk $0xffff, v3  }
0xff: {  	v3 =	vld.idx.msk [tilespmem:v33+s19+$0x0], $0xffff  }
0x100: {  	v34 =	vadd.s32 $0x2, v1;
	_ =	sdelay $0x3  }
0x101: {  	[tilespmem:v35+s30+$0x0] =	vst.idx.msk $0xffff, v3  }
0x102: {  	v3 =	vld.idx.msk [tilespmem:v34+s17+$0x0], $0xffff  }
0x103: {  	v36 =	vadd.s32 $0x2, v2;
	_ =	sdelay $0x1  }
0x104: {  	v38 =	vld [tilespmem:$0x1FD80];
	_ =	sdelay $0x1  }
0x105: {  	[tilespmem:v48+s30+$0x0] =	vst.idx.msk $0xffff, v3  }
0x106: {  	v3 =	vld.idx.msk [tilespmem:v36+s19+$0x0], $0xffff  }
0x107: {  	v37 =	vadd.s32 $0x3, v1;
	_ =	sdelay $0x3  }
0x108: {  	[tilespmem:v38+s30+$0x0] =	vst.idx.msk $0xffff, v3  }
0x109: {  	v3 =	vld.idx.msk [tilespmem:v37+s17+$0x0], $0xffff  }
0x10a: {  	v39 =	vadd.s32 $0x3, v2;
	_ =	sdelay $0x1  }
0x10b: {  	v40 =	vld [tilespmem:$0x1FD90];
	_ =	sdelay $0x1  }
0x10c: {  	[tilespmem:v49+s30+$0x0] =	vst.idx.msk $0xffff, v3  }
0x10d: {  	v3 =	vld.idx.msk [tilespmem:v39+s19+$0x0], $0xffff;
	_ =	sdelay $0x2  }
0x10e: {  	v1 =	vadd.s32 $0x4, v1;
	_ =	sdelay $0x1  }
0x10f: {  	[tilespmem:v40+s30+$0x0] =	vst.idx.msk $0xffff, v3;
	v3 =	vld [tilespmem:$0x1FDA0];
	_ =	sdelay $0x2  }
0x110: {  	v1 =	vld.idx.msk [tilespmem:v1+s17+$0x0], $0xffff  }
0x111: {  	v2 =	vadd.s32 $0x4, v2;
	_ =	sdelay $0x3  }
0x112: {  	[tilespmem:v3+s30+$0x0] =	vst.idx.msk $0xffff, v1  }
0x113: {  	v1 =	vld.idx.msk [tilespmem:v2+s19+$0x0], $0xffff  }
0x114: {  	v2 =	vld [tilespmem:$0x1FDB0];
	_ =	sdelay $0x7  }
0x115: {  	[tilespmem:v2+s30+$0x0] =	vst.idx.msk $0xffff, v1  }
0x116: {  	v1 =	vld [tilespmem:$0x140];
	_ =	sdelay $0x4  }
0x117: {  	v1 =	vmul.u32 $0x5, v1  }
0x118: {  	v2 =	vld [tilespmem:$0x240];
	_ =	sdelay $0x1  }
0x119: {  	v41 =	vld [tilespmem:$0x1FDC0];
	_ =	sdelay $0x2  }
0x11a: {  	v2 =	vmul.u32 $0x5, v2;
	v3 =	vld.idx.msk [tilespmem:v1+s17+$0x0], $0xffff;
	_ =	sdelay $0x2  }
0x11b: {  	v43 =	vld [tilespmem:$0x1FDD0];
	_ =	sdelay $0x1  }
0x11c: {  	[tilespmem:v41+s30+$0x0] =	vst.idx.msk $0xffff, v3  }
0x11d: {  	v3 =	vld.idx.msk [tilespmem:v2+s19+$0x0], $0xffff  }
0x11e: {  	v42 =	vadd.s32 $0x1, v1;
	_ =	sdelay $0x3  }
0x11f: {  	[tilespmem:v43+s30+$0x0] =	vst.idx.msk $0xffff, v3  }
0x120: {  	v3 =	vld.idx.msk [tilespmem:v42+s17+$0x0], $0xffff  }
0x121: {  	v44 =	vadd.s32 $0x1, v2;
	_ =	sdelay $0x1  }
0x122: {  	v46 =	vld [tilespmem:$0x1FDE0];
	_ =	sdelay $0x1  }
0x123: {  	[tilespmem:v50+s30+$0x0] =	vst.idx.msk $0xffff, v3  }
0x124: {  	v3 =	vld.idx.msk [tilespmem:v44+s19+$0x0], $0xffff  }
0x125: {  	v45 =	vadd.s32 $0x2, v1;
	_ =	sdelay $0x3  }
0x126: {  	[tilespmem:v46+s30+$0x0] =	vst.idx.msk $0xffff, v3  }
0x127: {  	v3 =	vld.idx.msk [tilespmem:v45+s17+$0x0], $0xffff  }
0x128: {  	v47 =	vadd.s32 $0x2, v2;
	_ =	sdelay $0x1  }
0x129: {  	v49 =	vld [tilespmem:$0x1FDF0];
	_ =	sdelay $0x1  }
0x12a: {  	[tilespmem:v51+s30+$0x0] =	vst.idx.msk $0xffff, v3  }
0x12b: {  	v3 =	vld.idx.msk [tilespmem:v47+s19+$0x0], $0xffff  }
0x12c: {  	v48 =	vadd.s32 $0x3, v1;
	_ =	sdelay $0x3  }
0x12d: {  	[tilespmem:v49+s30+$0x0] =	vst.idx.msk $0xffff, v3  }
0x12e: {  	v3 =	vld.idx.msk [tilespmem:v48+s17+$0x0], $0xffff  }
0x12f: {  	v50 =	vadd.s32 $0x3, v2;
	_ =	sdelay $0x1  }
0x130: {  	v51 =	vld [tilespmem:$0x1FE00];
	_ =	sdelay $0x1  }
0x131: {  	[tilespmem:v52+s30+$0x0] =	vst.idx.msk $0xffff, v3  }
0x132: {  	v3 =	vld.idx.msk [tilespmem:v50+s19+$0x0], $0xffff;
	_ =	sdelay $0x2  }
0x133: {  	v1 =	vadd.s32 $0x4, v1;
	_ =	sdelay $0x1  }
0x134: {  	[tilespmem:v51+s30+$0x0] =	vst.idx.msk $0xffff, v3;
	v3 =	vld [tilespmem:$0x1FE10];
	_ =	sdelay $0x2  }
0x135: {  	v1 =	vld.idx.msk [tilespmem:v1+s17+$0x0], $0xffff  }
0x136: {  	v2 =	vadd.s32 $0x4, v2;
	_ =	sdelay $0x3  }
0x137: {  	[tilespmem:v3+s30+$0x0] =	vst.idx.msk $0xffff, v1  }
0x138: {  	v1 =	vld.idx.msk [tilespmem:v2+s19+$0x0], $0xffff  }
0x139: {  	v2 =	vld [tilespmem:$0x1FE20];
	_ =	sdelay $0x7  }
0x13a: {  	[tilespmem:v2+s30+$0x0] =	vst.idx.msk $0xffff, v1  }
0x13b: {  	v1 =	vld [tilespmem:$0x150];
	_ =	sdelay $0x4  }
0x13c: {  	v1 =	vmul.u32 $0x5, v1  }
0x13d: {  	v2 =	vld [tilespmem:$0x250];
	_ =	sdelay $0x1  }
0x13e: {  	v52 =	vld [tilespmem:$0x1FE30];
	_ =	sdelay $0x2  }
0x13f: {  	v2 =	vmul.u32 $0x5, v2;
	v3 =	vld.idx.msk [tilespmem:v1+s17+$0x0], $0xffff;
	_ =	sdelay $0x2  }
0x140: {  	v58 =	vld [tilespmem:$0x1FE40];
	_ =	sdelay $0x1  }
0x141: {  	[tilespmem:v52+s30+$0x0] =	vst.idx.msk $0xffff, v3  }
0x142: {  	v3 =	vld.idx.msk [tilespmem:v2+s19+$0x0], $0xffff  }
0x143: {  	v57 =	vadd.s32 $0x1, v1;
	_ =	sdelay $0x3  }
0x144: {  	[tilespmem:v58+s30+$0x0] =	vst.idx.msk $0xffff, v3  }
0x145: {  	v3 =	vld.idx.msk [tilespmem:v57+s17+$0x0], $0xffff  }
0x146: {  	v59 =	vadd.s32 $0x1, v2;
	_ =	sdelay $0x1  }
0x147: {  	v61 =	vld [tilespmem:$0x1FE50];
	_ =	sdelay $0x1  }
0x148: {  	[tilespmem:v53+s30+$0x0] =	vst.idx.msk $0xffff, v3  }
0x149: {  	v3 =	vld.idx.msk [tilespmem:v59+s19+$0x0], $0xffff  }
0x14a: {  	v60 =	vadd.s32 $0x2, v1;
	_ =	sdelay $0x3  }
0x14b: {  	[tilespmem:v61+s30+$0x0] =	vst.idx.msk $0xffff, v3  }
0x14c: {  	v3 =	vld.idx.msk [tilespmem:v60+s17+$0x0], $0xffff  }
0x14d: {  	v62 =	vadd.s32 $0x2, v2;
	_ =	sdelay $0x1  }
0x14e: {  	v8 =	vld [tilespmem:$0x1FE60];
	_ =	sdelay $0x1  }
0x14f: {  	[tilespmem:v54+s30+$0x0] =	vst.idx.msk $0xffff, v3  }
0x150: {  	v3 =	vld.idx.msk [tilespmem:v62+s19+$0x0], $0xffff  }
0x151: {  	v63 =	vadd.s32 $0x3, v1;
	_ =	sdelay $0x3  }
0x152: {  	[tilespmem:v8+s30+$0x0] =	vst.idx.msk $0xffff, v3  }
0x153: {  	v3 =	vld.idx.msk [tilespmem:v63+s17+$0x0], $0xffff  }
0x154: {  	v9 =	vadd.s32 $0x3, v2;
	_ =	sdelay $0x1  }
0x155: {  	v10 =	vld [tilespmem:$0x1FE70];
	_ =	sdelay $0x1  }
0x156: {  	[tilespmem:v55+s30+$0x0] =	vst.idx.msk $0xffff, v3  }
0x157: {  	v3 =	vld.idx.msk [tilespmem:v9+s19+$0x0], $0xffff;
	_ =	sdelay $0x2  }
0x158: {  	v1 =	vadd.s32 $0x4, v1;
	_ =	sdelay $0x1  }
0x159: {  	[tilespmem:v10+s30+$0x0] =	vst.idx.msk $0xffff, v3;
	v3 =	vld [tilespmem:$0x1FE80];
	_ =	sdelay $0x2  }
0x15a: {  	v1 =	vld.idx.msk [tilespmem:v1+s17+$0x0], $0xffff  }
0x15b: {  	v2 =	vadd.s32 $0x4, v2;
	_ =	sdelay $0x3  }
0x15c: {  	[tilespmem:v3+s30+$0x0] =	vst.idx.msk $0xffff, v1  }
0x15d: {  	v1 =	vld.idx.msk [tilespmem:v2+s19+$0x0], $0xffff  }
0x15e: {  	v2 =	vld [tilespmem:$0x1FE90];
	_ =	sdelay $0x7  }
0x15f: {  	[tilespmem:v2+s30+$0x0] =	vst.idx.msk $0xffff, v1  }
0x160: {  	v1 =	vld [tilespmem:$0x160];
	_ =	sdelay $0x4  }
0x161: {  	v1 =	vmul.u32 $0x5, v1  }
0x162: {  	v2 =	vld [tilespmem:$0x260];
	_ =	sdelay $0x1  }
0x163: {  	v11 =	vld [tilespmem:$0x1FEA0];
	_ =	sdelay $0x2  }
0x164: {  	v2 =	vmul.u32 $0x5, v2;
	v3 =	vld.idx.msk [tilespmem:v1+s17+$0x0], $0xffff;
	_ =	sdelay $0x2  }
0x165: {  	v13 =	vld [tilespmem:$0x1FEB0];
	_ =	sdelay $0x1  }
0x166: {  	[tilespmem:v11+s30+$0x0] =	vst.idx.msk $0xffff, v3  }
0x167: {  	v3 =	vld.idx.msk [tilespmem:v2+s19+$0x0], $0xffff  }
0x168: {  	v12 =	vadd.s32 $0x1, v1;
	_ =	sdelay $0x3  }
0x169: {  	[tilespmem:v13+s30+$0x0] =	vst.idx.msk $0xffff, v3  }
0x16a: {  	v3 =	vld.idx.msk [tilespmem:v12+s17+$0x0], $0xffff  }
0x16b: {  	v14 =	vadd.s32 $0x1, v2;
	_ =	sdelay $0x1  }
0x16c: {  	v16 =	vld [tilespmem:$0x1FEC0];
	_ =	sdelay $0x1  }
0x16d: {  	[tilespmem:v56+s30+$0x0] =	vst.idx.msk $0xffff, v3  }
0x16e: {  	v3 =	vld.idx.msk [tilespmem:v14+s19+$0x0], $0xffff  }
0x16f: {  	v15 =	vadd.s32 $0x2, v1;
	_ =	sdelay $0x3  }
0x170: {  	[tilespmem:v16+s30+$0x0] =	vst.idx.msk $0xffff, v3  }
0x171: {  	v17 =	vor.u32 $0x602, v0;
	v3 =	vld.idx.msk [tilespmem:v15+s17+$0x0], $0xffff  }
0x172: {  	v18 =	vadd.s32 $0x2, v2;
	_ =	sdelay $0x3  }
0x173: {  	[tilespmem:v17+s30+$0x0] =	vst.idx.msk $0xffff, v3  }
0x174: {  	v19 =	vor.u32 $0x607, v0;
	v3 =	vld.idx.msk [tilespmem:v18+s19+$0x0], $0xffff  }
0x175: {  	v20 =	vadd.s32 $0x3, v1;
	_ =	sdelay $0x3  }
0x176: {  	[tilespmem:v19+s30+$0x0] =	vst.idx.msk $0xffff, v3  }
0x177: {  	v21 =	vor.u32 $0x603, v0;
	v3 =	vld.idx.msk [tilespmem:v20+s17+$0x0], $0xffff  }
0x178: {  	v22 =	vadd.s32 $0x3, v2;
	_ =	sdelay $0x3  }
0x179: {  	[tilespmem:v21+s30+$0x0] =	vst.idx.msk $0xffff, v3  }
0x17a: {  	v23 =	vor.u32 $0x608, v0;
	v3 =	vld.idx.msk [tilespmem:v22+s19+$0x0], $0xffff  }
0x17b: {  	v1 =	vadd.s32 $0x4, v1;
	_ =	sdelay $0x3  }
0x17c: {  	[tilespmem:v23+s30+$0x0] =	vst.idx.msk $0xffff, v3  }
0x17d: {  	v3 =	vor.u32 $0x604, v0;
	v1 =	vld.idx.msk [tilespmem:v1+s17+$0x0], $0xffff  }
0x17e: {  	v2 =	vadd.s32 $0x4, v2;
	_ =	sdelay $0x3  }
0x17f: {  	[tilespmem:v3+s30+$0x0] =	vst.idx.msk $0xffff, v1  }
0x180: {  	v1 =	vld.idx.msk [tilespmem:v2+s19+$0x0], $0xffff;
	v2 =	vor.u32 $0x609, v0;
	_ =	sdelay $0x4  }
0x181: {  	[tilespmem:v2+s30+$0x0] =	vst.idx.msk $0xffff, v1  }
0x182: {  	v1 =	vld [tilespmem:$0x170];
	_ =	sdelay $0x4  }
0x183: {  	v1 =	vmul.u32 $0x5, v1  }
0x184: {  	[tilespmem:$0x1F8D0] =	vst v2;
	v2 =	vld [tilespmem:$0x270];
	_ =	sdelay $0x4  }
0x185: {  	v24 =	vor.u32 $0x700, v0;
	[tilespmem:$0x1F8C0] =	vst v3;
	v2 =	vmul.u32 $0x5, v2;
	v3 =	vld.idx.msk [tilespmem:v1+s17+$0x0], $0xffff;
	_ =	sdelay $0x4  }
0x186: {  	[tilespmem:v24+s30+$0x0] =	vst.idx.msk $0xffff, v3  }
0x187: {  	v25 =	vor.u32 $0x705, v0;
	v3 =	vld.idx.msk [tilespmem:v2+s19+$0x0], $0xffff  }
0x188: {  	v26 =	vadd.s32 $0x1, v1;
	_ =	sdelay $0x3  }
0x189: {  	[tilespmem:v25+s30+$0x0] =	vst.idx.msk $0xffff, v3  }
0x18a: {  	v27 =	vor.u32 $0x701, v0;
	v3 =	vld.idx.msk [tilespmem:v26+s17+$0x0], $0xffff  }
0x18b: {  	v28 =	vadd.s32 $0x1, v2;
	_ =	sdelay $0x3  }
0x18c: {  	[tilespmem:v27+s30+$0x0] =	vst.idx.msk $0xffff, v3  }
0x18d: {  	v29 =	vor.u32 $0x706, v0;
	v3 =	vld.idx.msk [tilespmem:v28+s19+$0x0], $0xffff  }
0x18e: {  	v30 =	vadd.s32 $0x2, v1;
	_ =	sdelay $0x3  }
0x18f: {  	[tilespmem:v29+s30+$0x0] =	vst.idx.msk $0xffff, v3  }
0x190: {  	v31 =	vor.u32 $0x702, v0;
	v3 =	vld.idx.msk [tilespmem:v30+s17+$0x0], $0xffff  }
0x191: {  	v32 =	vadd.s32 $0x2, v2;
	_ =	sdelay $0x3  }
0x192: {  	[tilespmem:v31+s30+$0x0] =	vst.idx.msk $0xffff, v3  }
0x193: {  	v33 =	vor.u32 $0x707, v0;
	v3 =	vld.idx.msk [tilespmem:v32+s19+$0x0], $0xffff  }
0x194: {  	v34 =	vadd.s32 $0x3, v1;
	_ =	sdelay $0x3  }
0x195: {  	[tilespmem:v33+s30+$0x0] =	vst.idx.msk $0xffff, v3  }
0x196: {  	v35 =	vor.u32 $0x703, v0;
	v3 =	vld.idx.msk [tilespmem:v34+s17+$0x0], $0xffff  }
0x197: {  	v36 =	vadd.s32 $0x3, v2;
	_ =	sdelay $0x3  }
0x198: {  	[tilespmem:v35+s30+$0x0] =	vst.idx.msk $0xffff, v3  }
0x199: {  	v37 =	vor.u32 $0x708, v0;
	v3 =	vld.idx.msk [tilespmem:v36+s19+$0x0], $0xffff  }
0x19a: {  	v1 =	vadd.s32 $0x4, v1;
	_ =	sdelay $0x3  }
0x19b: {  	[tilespmem:v37+s30+$0x0] =	vst.idx.msk $0xffff, v3  }
0x19c: {  	v3 =	vor.u32 $0x704, v0;
	v1 =	vld.idx.msk [tilespmem:v1+s17+$0x0], $0xffff  }
0x19d: {  	v2 =	vadd.s32 $0x4, v2;
	_ =	sdelay $0x3  }
0x19e: {  	[tilespmem:v3+s30+$0x0] =	vst.idx.msk $0xffff, v1  }
0x19f: {  	v1 =	vld.idx.msk [tilespmem:v2+s19+$0x0], $0xffff;
	v2 =	vor.u32 $0x709, v0;
	_ =	sdelay $0x4  }
0x1a0: {  	[tilespmem:v2+s30+$0x0] =	vst.idx.msk $0xffff, v1  }
0x1a1: {  	v1 =	vld [tilespmem:$0x180];
	_ =	sdelay $0x4  }
0x1a2: {  	v1 =	vmul.u32 $0x5, v1  }
0x1a3: {  	[tilespmem:$0x1F970] =	vst v2;
	v2 =	vld [tilespmem:$0x280];
	_ =	sdelay $0x4  }
0x1a4: {  	v38 =	vor.u32 $0x800, v0;
	[tilespmem:$0x1F960] =	vst v3;
	v2 =	vmul.u32 $0x5, v2;
	v3 =	vld.idx.msk [tilespmem:v1+s17+$0x0], $0xffff;
	_ =	sdelay $0x4  }
0x1a5: {  	[tilespmem:v38+s30+$0x0] =	vst.idx.msk $0xffff, v3  }
0x1a6: {  	v39 =	vor.u32 $0x805, v0;
	v3 =	vld.idx.msk [tilespmem:v2+s19+$0x0], $0xffff  }
0x1a7: {  	v40 =	vadd.s32 $0x1, v1;
	_ =	sdelay $0x3  }
0x1a8: {  	[tilespmem:v39+s30+$0x0] =	vst.idx.msk $0xffff, v3  }
0x1a9: {  	v41 =	vor.u32 $0x801, v0;
	v3 =	vld.idx.msk [tilespmem:v40+s17+$0x0], $0xffff  }
0x1aa: {  	v42 =	vadd.s32 $0x1, v2;
	_ =	sdelay $0x3  }
0x1ab: {  	[tilespmem:v41+s30+$0x0] =	vst.idx.msk $0xffff, v3  }
0x1ac: {  	v43 =	vor.u32 $0x806, v0;
	v3 =	vld.idx.msk [tilespmem:v42+s19+$0x0], $0xffff  }
0x1ad: {  	v44 =	vadd.s32 $0x2, v1;
	_ =	sdelay $0x3  }
0x1ae: {  	[tilespmem:v43+s30+$0x0] =	vst.idx.msk $0xffff, v3  }
0x1af: {  	v45 =	vor.u32 $0x802, v0;
	v3 =	vld.idx.msk [tilespmem:v44+s17+$0x0], $0xffff  }
0x1b0: {  	v46 =	vadd.s32 $0x2, v2;
	_ =	sdelay $0x3  }
0x1b1: {  	[tilespmem:v45+s30+$0x0] =	vst.idx.msk $0xffff, v3  }
0x1b2: {  	v47 =	vor.u32 $0x807, v0;
	v3 =	vld.idx.msk [tilespmem:v46+s19+$0x0], $0xffff  }
0x1b3: {  	v48 =	vadd.s32 $0x3, v1;
	_ =	sdelay $0x3  }
0x1b4: {  	[tilespmem:v47+s30+$0x0] =	vst.idx.msk $0xffff, v3  }
0x1b5: {  	v49 =	vor.u32 $0x803, v0;
	v3 =	vld.idx.msk [tilespmem:v48+s17+$0x0], $0xffff  }
0x1b6: {  	v50 =	vadd.s32 $0x3, v2;
	_ =	sdelay $0x3  }
0x1b7: {  	[tilespmem:v49+s30+$0x0] =	vst.idx.msk $0xffff, v3  }
0x1b8: {  	v51 =	vor.u32 $0x808, v0;
	v3 =	vld.idx.msk [tilespmem:v50+s19+$0x0], $0xffff  }
0x1b9: {  	v1 =	vadd.s32 $0x4, v1;
	_ =	sdelay $0x3  }
0x1ba: {  	[tilespmem:v51+s30+$0x0] =	vst.idx.msk $0xffff, v3  }
0x1bb: {  	v3 =	vor.u32 $0x804, v0;
	v1 =	vld.idx.msk [tilespmem:v1+s17+$0x0], $0xffff  }
0x1bc: {  	v2 =	vadd.s32 $0x4, v2;
	_ =	sdelay $0x3  }
0x1bd: {  	[tilespmem:v3+s30+$0x0] =	vst.idx.msk $0xffff, v1  }
0x1be: {  	v1 =	vld.idx.msk [tilespmem:v2+s19+$0x0], $0xffff;
	v2 =	vor.u32 $0x809, v0;
	_ =	sdelay $0x4  }
0x1bf: {  	[tilespmem:v2+s30+$0x0] =	vst.idx.msk $0xffff, v1  }
0x1c0: {  	v1 =	vld [tilespmem:$0x190];
	_ =	sdelay $0x4  }
0x1c1: {  	v1 =	vmul.u32 $0x5, v1  }
0x1c2: {  	[tilespmem:$0x1FA10] =	vst v2;
	v2 =	vld [tilespmem:$0x290];
	_ =	sdelay $0x4  }
0x1c3: {  	v52 =	vor.u32 $0x900, v0;
	[tilespmem:$0x1FA00] =	vst v3;
	v2 =	vmul.u32 $0x5, v2;
	v3 =	vld.idx.msk [tilespmem:v1+s17+$0x0], $0xffff;
	_ =	sdelay $0x4  }
0x1c4: {  	[tilespmem:v52+s30+$0x0] =	vst.idx.msk $0xffff, v3  }
0x1c5: {  	v53 =	vor.u32 $0x905, v0;
	v3 =	vld.idx.msk [tilespmem:v2+s19+$0x0], $0xffff  }
0x1c6: {  	v54 =	vadd.s32 $0x1, v1;
	_ =	sdelay $0x3  }
0x1c7: {  	[tilespmem:v53+s30+$0x0] =	vst.idx.msk $0xffff, v3  }
0x1c8: {  	v55 =	vor.u32 $0x901, v0;
	v3 =	vld.idx.msk [tilespmem:v54+s17+$0x0], $0xffff  }
0x1c9: {  	v56 =	vadd.s32 $0x1, v2;
	_ =	sdelay $0x3  }
0x1ca: {  	[tilespmem:v55+s30+$0x0] =	vst.idx.msk $0xffff, v3  }
0x1cb: {  	v57 =	vor.u32 $0x906, v0;
	v3 =	vld.idx.msk [tilespmem:v56+s19+$0x0], $0xffff  }
0x1cc: {  	v58 =	vadd.s32 $0x2, v1;
	_ =	sdelay $0x3  }
0x1cd: {  	[tilespmem:v57+s30+$0x0] =	vst.idx.msk $0xffff, v3  }
0x1ce: {  	v59 =	vor.u32 $0x902, v0;
	v3 =	vld.idx.msk [tilespmem:v58+s17+$0x0], $0xffff  }
0x1cf: {  	v60 =	vadd.s32 $0x2, v2;
	_ =	sdelay $0x3  }
0x1d0: {  	[tilespmem:v59+s30+$0x0] =	vst.idx.msk $0xffff, v3  }
0x1d1: {  	v61 =	vor.u32 $0x907, v0;
	v3 =	vld.idx.msk [tilespmem:v60+s19+$0x0], $0xffff  }
0x1d2: {  	v62 =	vadd.s32 $0x3, v1;
	_ =	sdelay $0x3  }
0x1d3: {  	[tilespmem:v61+s30+$0x0] =	vst.idx.msk $0xffff, v3  }
0x1d4: {  	v63 =	vor.u32 $0x903, v0;
	v3 =	vld.idx.msk [tilespmem:v62+s17+$0x0], $0xffff  }
0x1d5: {  	v8 =	vadd.s32 $0x3, v2;
	_ =	sdelay $0x3  }
0x1d6: {  	[tilespmem:v63+s30+$0x0] =	vst.idx.msk $0xffff, v3  }
0x1d7: {  	v9 =	vor.u32 $0x908, v0;
	v3 =	vld.idx.msk [tilespmem:v8+s19+$0x0], $0xffff  }
0x1d8: {  	v1 =	vadd.s32 $0x4, v1;
	_ =	sdelay $0x3  }
0x1d9: {  	[tilespmem:v9+s30+$0x0] =	vst.idx.msk $0xffff, v3  }
0x1da: {  	v3 =	vor.u32 $0x904, v0;
	v1 =	vld.idx.msk [tilespmem:v1+s17+$0x0], $0xffff  }
0x1db: {  	v2 =	vadd.s32 $0x4, v2;
	_ =	sdelay $0x3  }
0x1dc: {  	[tilespmem:v3+s30+$0x0] =	vst.idx.msk $0xffff, v1  }
0x1dd: {  	v1 =	vld.idx.msk [tilespmem:v2+s19+$0x0], $0xffff;
	v2 =	vor.u32 $0x909, v0;
	_ =	sdelay $0x4  }
0x1de: {  	[tilespmem:v2+s30+$0x0] =	vst.idx.msk $0xffff, v1  }
0x1df: {  	v1 =	vld [tilespmem:$0x1A0];
	_ =	sdelay $0x4  }
0x1e0: {  	v1 =	vmul.u32 $0x5, v1  }
0x1e1: {  	[tilespmem:$0x1FAB0] =	vst v2;
	v2 =	vld [tilespmem:$0x2A0];
	_ =	sdelay $0x4  }
0x1e2: {  	v10 =	vor.u32 $0xA00, v0;
	[tilespmem:$0x1FAA0] =	vst v3;
	v2 =	vmul.u32 $0x5, v2;
	v3 =	vld.idx.msk [tilespmem:v1+s17+$0x0], $0xffff;
	_ =	sdelay $0x4  }
0x1e3: {  	[tilespmem:v10+s30+$0x0] =	vst.idx.msk $0xffff, v3  }
0x1e4: {  	v11 =	vor.u32 $0xA05, v0;
	v3 =	vld.idx.msk [tilespmem:v2+s19+$0x0], $0xffff  }
0x1e5: {  	v12 =	vadd.s32 $0x1, v1;
	_ =	sdelay $0x3  }
0x1e6: {  	[tilespmem:v11+s30+$0x0] =	vst.idx.msk $0xffff, v3  }
0x1e7: {  	v13 =	vor.u32 $0xA01, v0;
	v3 =	vld.idx.msk [tilespmem:v12+s17+$0x0], $0xffff  }
0x1e8: {  	v14 =	vadd.s32 $0x1, v2;
	_ =	sdelay $0x3  }
0x1e9: {  	[tilespmem:v13+s30+$0x0] =	vst.idx.msk $0xffff, v3  }
0x1ea: {  	v15 =	vor.u32 $0xA06, v0;
	v3 =	vld.idx.msk [tilespmem:v14+s19+$0x0], $0xffff  }
0x1eb: {  	v16 =	vadd.s32 $0x2, v1;
	_ =	sdelay $0x3  }
0x1ec: {  	[tilespmem:v15+s30+$0x0] =	vst.idx.msk $0xffff, v3  }
0x1ed: {  	[tilespmem:$0x1F880] =	vst v17;
	v17 =	vor.u32 $0xA02, v0;
	v3 =	vld.idx.msk [tilespmem:v16+s17+$0x0], $0xffff  }
0x1ee: {  	v18 =	vadd.s32 $0x2, v2;
	_ =	sdelay $0x3  }
0x1ef: {  	[tilespmem:v17+s30+$0x0] =	vst.idx.msk $0xffff, v3  }
0x1f0: {  	[tilespmem:$0x1F890] =	vst v19;
	v19 =	vor.u32 $0xA07, v0;
	v3 =	vld.idx.msk [tilespmem:v18+s19+$0x0], $0xffff  }
0x1f1: {  	v20 =	vadd.s32 $0x3, v1;
	_ =	sdelay $0x3  }
0x1f2: {  	[tilespmem:v19+s30+$0x0] =	vst.idx.msk $0xffff, v3  }
0x1f3: {  	[tilespmem:$0x1F8A0] =	vst v21;
	v21 =	vor.u32 $0xA03, v0;
	v3 =	vld.idx.msk [tilespmem:v20+s17+$0x0], $0xffff  }
0x1f4: {  	v22 =	vadd.s32 $0x3, v2;
	_ =	sdelay $0x3  }
0x1f5: {  	[tilespmem:v21+s30+$0x0] =	vst.idx.msk $0xffff, v3  }
0x1f6: {  	[tilespmem:$0x1F8B0] =	vst v23;
	v23 =	vor.u32 $0xA08, v0;
	v3 =	vld.idx.msk [tilespmem:v22+s19+$0x0], $0xffff  }
0x1f7: {  	v1 =	vadd.s32 $0x4, v1;
	_ =	sdelay $0x3  }
0x1f8: {  	[tilespmem:v23+s30+$0x0] =	vst.idx.msk $0xffff, v3  }
0x1f9: {  	v3 =	vor.u32 $0xA04, v0;
	v1 =	vld.idx.msk [tilespmem:v1+s17+$0x0], $0xffff  }
0x1fa: {  	v2 =	vadd.s32 $0x4, v2;
	_ =	sdelay $0x3  }
0x1fb: {  	[tilespmem:v3+s30+$0x0] =	vst.idx.msk $0xffff, v1  }
0x1fc: {  	v1 =	vld.idx.msk [tilespmem:v2+s19+$0x0], $0xffff;
	v2 =	vor.u32 $0xA09, v0;
	_ =	sdelay $0x4  }
0x1fd: {  	[tilespmem:v2+s30+$0x0] =	vst.idx.msk $0xffff, v1  }
0x1fe: {  	v1 =	vld [tilespmem:$0x1B0];
	_ =	sdelay $0x4  }
0x1ff: {  	v1 =	vmul.u32 $0x5, v1  }
0x200: {  	[tilespmem:$0x1FB50] =	vst v2;
	v2 =	vld [tilespmem:$0x2B0];
	_ =	sdelay $0x3  }
0x201: {  	[tilespmem:$0x1F8E0] =	vst v24  }
0x202: {  	v24 =	vor.u32 $0xB00, v0;
	[tilespmem:$0x1FB40] =	vst v3;
	v2 =	vmul.u32 $0x5, v2;
	v3 =	vld.idx.msk [tilespmem:v1+s17+$0x0], $0xffff;
	_ =	sdelay $0x4  }
0x203: {  	[tilespmem:v24+s30+$0x0] =	vst.idx.msk $0xffff, v3  }
0x204: {  	[tilespmem:$0x1F8F0] =	vst v25;
	v25 =	vor.u32 $0xB05, v0;
	v3 =	vld.idx.msk [tilespmem:v2+s19+$0x0], $0xffff  }
0x205: {  	v26 =	vadd.s32 $0x1, v1;
	_ =	sdelay $0x3  }
0x206: {  	[tilespmem:v25+s30+$0x0] =	vst.idx.msk $0xffff, v3  }
0x207: {  	[tilespmem:$0x1F900] =	vst v27;
	v27 =	vor.u32 $0xB01, v0;
	v3 =	vld.idx.msk [tilespmem:v26+s17+$0x0], $0xffff  }
0x208: {  	v28 =	vadd.s32 $0x1, v2;
	_ =	sdelay $0x3  }
0x209: {  	[tilespmem:v27+s30+$0x0] =	vst.idx.msk $0xffff, v3  }
0x20a: {  	[tilespmem:$0x1F910] =	vst v29;
	v29 =	vor.u32 $0xB06, v0;
	v3 =	vld.idx.msk [tilespmem:v28+s19+$0x0], $0xffff  }
0x20b: {  	v30 =	vadd.s32 $0x2, v1;
	_ =	sdelay $0x3  }
0x20c: {  	[tilespmem:v29+s30+$0x0] =	vst.idx.msk $0xffff, v3  }
0x20d: {  	[tilespmem:$0x1F920] =	vst v31;
	v31 =	vor.u32 $0xB02, v0;
	v3 =	vld.idx.msk [tilespmem:v30+s17+$0x0], $0xffff  }
0x20e: {  	v32 =	vadd.s32 $0x2, v2;
	_ =	sdelay $0x3  }
0x20f: {  	[tilespmem:v31+s30+$0x0] =	vst.idx.msk $0xffff, v3  }
0x210: {  	[tilespmem:$0x1F930] =	vst v33;
	v33 =	vor.u32 $0xB07, v0;
	v3 =	vld.idx.msk [tilespmem:v32+s19+$0x0], $0xffff  }
0x211: {  	v34 =	vadd.s32 $0x3, v1;
	_ =	sdelay $0x3  }
0x212: {  	[tilespmem:v33+s30+$0x0] =	vst.idx.msk $0xffff, v3  }
0x213: {  	[tilespmem:$0x1F940] =	vst v35;
	v35 =	vor.u32 $0xB03, v0;
	v3 =	vld.idx.msk [tilespmem:v34+s17+$0x0], $0xffff  }
0x214: {  	v36 =	vadd.s32 $0x3, v2;
	_ =	sdelay $0x3  }
0x215: {  	[tilespmem:v35+s30+$0x0] =	vst.idx.msk $0xffff, v3  }
0x216: {  	[tilespmem:$0x1F950] =	vst v37;
	v37 =	vor.u32 $0xB08, v0;
	v3 =	vld.idx.msk [tilespmem:v36+s19+$0x0], $0xffff  }
0x217: {  	v1 =	vadd.s32 $0x4, v1;
	_ =	sdelay $0x3  }
0x218: {  	[tilespmem:v37+s30+$0x0] =	vst.idx.msk $0xffff, v3  }
0x219: {  	v3 =	vor.u32 $0xB04, v0;
	v1 =	vld.idx.msk [tilespmem:v1+s17+$0x0], $0xffff  }
0x21a: {  	v2 =	vadd.s32 $0x4, v2;
	_ =	sdelay $0x3  }
0x21b: {  	[tilespmem:v3+s30+$0x0] =	vst.idx.msk $0xffff, v1  }
0x21c: {  	v1 =	vld.idx.msk [tilespmem:v2+s19+$0x0], $0xffff;
	v2 =	vor.u32 $0xB09, v0;
	_ =	sdelay $0x4  }
0x21d: {  	[tilespmem:v2+s30+$0x0] =	vst.idx.msk $0xffff, v1  }
0x21e: {  	v1 =	vld [tilespmem:$0x1C0];
	_ =	sdelay $0x4  }
0x21f: {  	[tilespmem:$0x1FBF0] =	vst v2;
	v2 =	vmul.u32 $0x5, v1  }
0x220: {  	v1 =	vld [tilespmem:$0x2C0];
	_ =	sdelay $0x3  }
0x221: {  	[tilespmem:$0x1F980] =	vst v38  }
0x222: {  	v38 =	vor.u32 $0xC00, v0;
	[tilespmem:$0x1FBE0] =	vst v3;
	v3 =	vmul.u32 $0x5, v1;
	v1 =	vld.idx.msk [tilespmem:v2+s17+$0x0], $0xffff;
	_ =	sdelay $0x4  }
0x223: {  	[tilespmem:v38+s30+$0x0] =	vst.idx.msk $0xffff, v1  }
0x224: {  	v58 =	vor.u32 $0xC05, v0;
	v1 =	vld.idx.msk [tilespmem:v3+s19+$0x0], $0xffff  }
0x225: {  	[tilespmem:$0x1F990] =	vst v39;
	v39 =	vadd.s32 $0x1, v2;
	_ =	sdelay $0x3  }
0x226: {  	[tilespmem:v58+s30+$0x0] =	vst.idx.msk $0xffff, v1  }
0x227: {  	[tilespmem:$0x1FA60] =	vst v59;
	v59 =	vor.u32 $0xC01, v0;
	v1 =	vld.idx.msk [tilespmem:v39+s17+$0x0], $0xffff  }
0x228: {  	v40 =	vadd.s32 $0x1, v3;
	_ =	sdelay $0x3  }
0x229: {  	[tilespmem:v59+s30+$0x0] =	vst.idx.msk $0xffff, v1  }
0x22a: {  	v60 =	vor.u32 $0xC06, v0;
	v1 =	vld.idx.msk [tilespmem:v40+s19+$0x0], $0xffff  }
0x22b: {  	[tilespmem:$0x1F9A0] =	vst v41;
	v41 =	vadd.s32 $0x2, v2;
	_ =	sdelay $0x3  }
0x22c: {  	[tilespmem:v60+s30+$0x0] =	vst.idx.msk $0xffff, v1  }
0x22d: {  	[tilespmem:$0x1FA70] =	vst v61;
	v61 =	vor.u32 $0xC02, v0;
	v1 =	vld.idx.msk [tilespmem:v41+s17+$0x0], $0xffff  }
0x22e: {  	v42 =	vadd.s32 $0x2, v3;
	_ =	sdelay $0x3  }
0x22f: {  	[tilespmem:v61+s30+$0x0] =	vst.idx.msk $0xffff, v1  }
0x230: {  	v62 =	vor.u32 $0xC07, v0;
	v1 =	vld.idx.msk [tilespmem:v42+s19+$0x0], $0xffff  }
0x231: {  	[tilespmem:$0x1F9B0] =	vst v43;
	v43 =	vadd.s32 $0x3, v2;
	_ =	sdelay $0x3  }
0x232: {  	[tilespmem:v62+s30+$0x0] =	vst.idx.msk $0xffff, v1  }
0x233: {  	[tilespmem:$0x1FA80] =	vst v63;
	v63 =	vor.u32 $0xC03, v0;
	v1 =	vld.idx.msk [tilespmem:v43+s17+$0x0], $0xffff  }
0x234: {  	v44 =	vadd.s32 $0x3, v3;
	_ =	sdelay $0x3  }
0x235: {  	[tilespmem:v63+s30+$0x0] =	vst.idx.msk $0xffff, v1  }
0x236: {  	v1 =	vor.u32 $0xC08, v0;
	v4 =	vld.idx.msk [tilespmem:v44+s19+$0x0], $0xffff  }
0x237: {  	v2 =	vadd.s32 $0x4, v2;
	_ =	sdelay $0x3  }
0x238: {  	[tilespmem:v1+s30+$0x0] =	vst.idx.msk $0xffff, v4  }
0x239: {  	v4 =	vld.idx.msk [tilespmem:v2+s17+$0x0], $0xffff;
	v2 =	vor.u32 $0xC04, v0  }
0x23a: {  	v3 =	vadd.s32 $0x4, v3;
	_ =	sdelay $0x3  }
0x23b: {  	[tilespmem:v2+s30+$0x0] =	vst.idx.msk $0xffff, v4  }
0x23c: {  	v4 =	vld.idx.msk [tilespmem:v3+s19+$0x0], $0xffff;
	v3 =	vor.u32 $0xC09, v0;
	_ =	sdelay $0x4  }
0x23d: {  	[tilespmem:v3+s30+$0x0] =	vst.idx.msk $0xffff, v4  }
0x23e: {  	v4 =	vld [tilespmem:$0x1D0];
	_ =	sdelay $0x4  }
0x23f: {  	v12 =	vmul.u32 $0x5, v4  }
0x240: {  	[tilespmem:$0x1F9C0] =	vst v45;
	v45 =	vld [tilespmem:$0x2D0];
	_ =	sdelay $0x4  }
0x241: {  	[tilespmem:$0x1FAE0] =	vst v13;
	v13 =	vmul.u32 $0x5, v45;
	v4 =	vor.u32 $0xD00, v0;
	v5 =	vld.idx.msk [tilespmem:v12+s17+$0x0], $0xffff;
	_ =	sdelay $0x4  }
0x242: {  	[tilespmem:v4+s30+$0x0] =	vst.idx.msk $0xffff, v5  }
0x243: {  	v5 =	vor.u32 $0xD05, v0;
	v6 =	vld.idx.msk [tilespmem:v13+s19+$0x0], $0xffff  }
0x244: {  	v7 =	vadd.s32 $0x1, v12;
	_ =	sdelay $0x3  }
0x245: {  	[tilespmem:v5+s30+$0x0] =	vst.idx.msk $0xffff, v6  }
0x246: {  	v6 =	vor.u32 $0xD01, v0;
	v7 =	vld.idx.msk [tilespmem:v7+s17+$0x0], $0xffff  }
0x247: {  	v8 =	vadd.s32 $0x1, v13;
	_ =	sdelay $0x3  }
0x248: {  	[tilespmem:v6+s30+$0x0] =	vst.idx.msk $0xffff, v7  }
0x249: {  	v7 =	vor.u32 $0xD06, v0;
	v8 =	vld.idx.msk [tilespmem:v8+s19+$0x0], $0xffff  }
0x24a: {  	[tilespmem:$0x1FA90] =	vst v9;
	v9 =	vadd.s32 $0x2, v12;
	_ =	sdelay $0x3  }
0x24b: {  	[tilespmem:v7+s30+$0x0] =	vst.idx.msk $0xffff, v8  }
0x24c: {  	v8 =	vor.u32 $0xD02, v0;
	v9 =	vld.idx.msk [tilespmem:v9+s17+$0x0], $0xffff  }
0x24d: {  	[tilespmem:$0x1FAC0] =	vst v10;
	v10 =	vadd.s32 $0x2, v13;
	_ =	sdelay $0x3  }
0x24e: {  	[tilespmem:v8+s30+$0x0] =	vst.idx.msk $0xffff, v9  }
0x24f: {  	v9 =	vor.u32 $0xD07, v0;
	v10 =	vld.idx.msk [tilespmem:v10+s19+$0x0], $0xffff  }
0x250: {  	[tilespmem:$0x1FAD0] =	vst v11;
	v11 =	vadd.s32 $0x3, v12;
	_ =	sdelay $0x3  }
0x251: {  	[tilespmem:v9+s30+$0x0] =	vst.idx.msk $0xffff, v10  }
0x252: {  	v10 =	vor.u32 $0xD03, v0;
	v11 =	vld.idx.msk [tilespmem:v11+s17+$0x0], $0xffff  }
0x253: {  	v14 =	vadd.s32 $0x3, v13;
	_ =	sdelay $0x3  }
0x254: {  	[tilespmem:v10+s30+$0x0] =	vst.idx.msk $0xffff, v11  }
0x255: {  	v11 =	vor.u32 $0xD08, v0;
	v14 =	vld.idx.msk [tilespmem:v14+s19+$0x0], $0xffff  }
0x256: {  	v12 =	vadd.s32 $0x4, v12;
	_ =	sdelay $0x3  }
0x257: {  	[tilespmem:v11+s30+$0x0] =	vst.idx.msk $0xffff, v14  }
0x258: {  	v14 =	vld.idx.msk [tilespmem:v12+s17+$0x0], $0xffff;
	v12 =	vor.u32 $0xD04, v0  }
0x259: {  	v13 =	vadd.s32 $0x4, v13;
	_ =	sdelay $0x3  }
0x25a: {  	[tilespmem:v12+s30+$0x0] =	vst.idx.msk $0xffff, v14  }
0x25b: {  	v14 =	vld.idx.msk [tilespmem:v13+s19+$0x0], $0xffff;
	v13 =	vor.u32 $0xD09, v0;
	_ =	sdelay $0x4  }
0x25c: {  	[tilespmem:v13+s30+$0x0] =	vst.idx.msk $0xffff, v14  }
0x25d: {  	v14 =	vld [tilespmem:$0x1E0];
	_ =	sdelay $0x4  }
0x25e: {  	v22 =	vmul.u32 $0x5, v14  }
0x25f: {  	v46 =	vld [tilespmem:$0x2E0];
	_ =	sdelay $0x3  }
0x260: {  	[tilespmem:$0x1FAF0] =	vst v15  }
0x261: {  	[tilespmem:$0x1FB30] =	vst v23;
	v23 =	vmul.u32 $0x5, v46;
	v14 =	vor.u32 $0xE00, v0;
	v15 =	vld.idx.msk [tilespmem:v22+s17+$0x0], $0xffff;
	_ =	sdelay $0x4  }
0x262: {  	[tilespmem:v14+s30+$0x0] =	vst.idx.msk $0xffff, v15  }
0x263: {  	v15 =	vor.u32 $0xE05, v0;
	v16 =	vld.idx.msk [tilespmem:v23+s19+$0x0], $0xffff  }
0x264: {  	[tilespmem:$0x1FB00] =	vst v17;
	v17 =	vadd.s32 $0x1, v22;
	_ =	sdelay $0x3  }
0x265: {  	[tilespmem:v15+s30+$0x0] =	vst.idx.msk $0xffff, v16  }
0x266: {  	v16 =	vor.u32 $0xE01, v0;
	v17 =	vld.idx.msk [tilespmem:v17+s17+$0x0], $0xffff  }
0x267: {  	v18 =	vadd.s32 $0x1, v23;
	_ =	sdelay $0x3  }
0x268: {  	[tilespmem:v16+s30+$0x0] =	vst.idx.msk $0xffff, v17  }
0x269: {  	v17 =	vor.u32 $0xE06, v0;
	v18 =	vld.idx.msk [tilespmem:v18+s19+$0x0], $0xffff  }
0x26a: {  	[tilespmem:$0x1FB10] =	vst v19;
	v19 =	vadd.s32 $0x2, v22;
	_ =	sdelay $0x3  }
0x26b: {  	[tilespmem:v17+s30+$0x0] =	vst.idx.msk $0xffff, v18  }
0x26c: {  	v18 =	vor.u32 $0xE02, v0;
	v19 =	vld.idx.msk [tilespmem:v19+s17+$0x0], $0xffff  }
0x26d: {  	v20 =	vadd.s32 $0x2, v23;
	_ =	sdelay $0x3  }
0x26e: {  	[tilespmem:v18+s30+$0x0] =	vst.idx.msk $0xffff, v19  }
0x26f: {  	v19 =	vor.u32 $0xE07, v0;
	v20 =	vld.idx.msk [tilespmem:v20+s19+$0x0], $0xffff  }
0x270: {  	[tilespmem:$0x1FB20] =	vst v21;
	v21 =	vadd.s32 $0x3, v22;
	_ =	sdelay $0x3  }
0x271: {  	[tilespmem:v19+s30+$0x0] =	vst.idx.msk $0xffff, v20  }
0x272: {  	v20 =	vor.u32 $0xE03, v0;
	v21 =	vld.idx.msk [tilespmem:v21+s17+$0x0], $0xffff  }
0x273: {  	[tilespmem:$0x1FB60] =	vst v24;
	v24 =	vadd.s32 $0x3, v23;
	_ =	sdelay $0x3  }
0x274: {  	[tilespmem:v20+s30+$0x0] =	vst.idx.msk $0xffff, v21  }
0x275: {  	v21 =	vor.u32 $0xE08, v0;
	v24 =	vld.idx.msk [tilespmem:v24+s19+$0x0], $0xffff  }
0x276: {  	v22 =	vadd.s32 $0x4, v22;
	_ =	sdelay $0x3  }
0x277: {  	[tilespmem:v21+s30+$0x0] =	vst.idx.msk $0xffff, v24  }
0x278: {  	v24 =	vld.idx.msk [tilespmem:v22+s17+$0x0], $0xffff;
	v22 =	vor.u32 $0xE04, v0  }
0x279: {  	v23 =	vadd.s32 $0x4, v23;
	_ =	sdelay $0x3  }
0x27a: {  	[tilespmem:v22+s30+$0x0] =	vst.idx.msk $0xffff, v24  }
0x27b: {  	v24 =	vld.idx.msk [tilespmem:v23+s19+$0x0], $0xffff;
	v23 =	vor.u32 $0xE09, v0;
	_ =	sdelay $0x4  }
0x27c: {  	[tilespmem:v23+s30+$0x0] =	vst.idx.msk $0xffff, v24  }
0x27d: {  	v24 =	vld [tilespmem:$0x1F0];
	_ =	sdelay $0x4  }
0x27e: {  	v32 =	vmul.u32 $0x5, v24  }
0x27f: {  	[tilespmem:$0x1F9D0] =	vst v47;
	v47 =	vld [tilespmem:$0x2F0];
	_ =	sdelay $0x3  }
0x280: {  	[tilespmem:$0x1FB70] =	vst v25  }
0x281: {  	[tilespmem:$0x1FBB0] =	vst v33;
	v33 =	vmul.u32 $0x5, v47;
	v24 =	vor.u32 $0xF00, v0;
	v25 =	vld.idx.msk [tilespmem:v32+s17+$0x0], $0xffff;
	_ =	sdelay $0x4  }
0x282: {  	[tilespmem:v24+s30+$0x0] =	vst.idx.msk $0xffff, v25  }
0x283: {  	v25 =	vor.u32 $0xF05, v0;
	v26 =	vld.idx.msk [tilespmem:v33+s19+$0x0], $0xffff  }
0x284: {  	[tilespmem:$0x1FB80] =	vst v27;
	v27 =	vadd.s32 $0x1, v32;
	_ =	sdelay $0x3  }
0x285: {  	[tilespmem:v25+s30+$0x0] =	vst.idx.msk $0xffff, v26  }
0x286: {  	v26 =	vor.u32 $0xF01, v0;
	v27 =	vld.idx.msk [tilespmem:v27+s17+$0x0], $0xffff  }
0x287: {  	v28 =	vadd.s32 $0x1, v33;
	_ =	sdelay $0x3  }
0x288: {  	[tilespmem:v26+s30+$0x0] =	vst.idx.msk $0xffff, v27  }
0x289: {  	v27 =	vor.u32 $0xF06, v0;
	v28 =	vld.idx.msk [tilespmem:v28+s19+$0x0], $0xffff  }
0x28a: {  	[tilespmem:$0x1FB90] =	vst v29;
	v29 =	vadd.s32 $0x2, v32;
	_ =	sdelay $0x3  }
0x28b: {  	[tilespmem:v27+s30+$0x0] =	vst.idx.msk $0xffff, v28  }
0x28c: {  	v28 =	vor.u32 $0xF02, v0;
	v29 =	vld.idx.msk [tilespmem:v29+s17+$0x0], $0xffff  }
0x28d: {  	v30 =	vadd.s32 $0x2, v33;
	_ =	sdelay $0x3  }
0x28e: {  	[tilespmem:v28+s30+$0x0] =	vst.idx.msk $0xffff, v29  }
0x28f: {  	v29 =	vor.u32 $0xF07, v0;
	v30 =	vld.idx.msk [tilespmem:v30+s19+$0x0], $0xffff  }
0x290: {  	[tilespmem:$0x1FBA0] =	vst v31;
	v31 =	vadd.s32 $0x3, v32;
	_ =	sdelay $0x3  }
0x291: {  	[tilespmem:v29+s30+$0x0] =	vst.idx.msk $0xffff, v30  }
0x292: {  	v30 =	vor.u32 $0xF03, v0;
	v31 =	vld.idx.msk [tilespmem:v31+s17+$0x0], $0xffff  }
0x293: {  	v34 =	vadd.s32 $0x3, v33;
	_ =	sdelay $0x3  }
0x294: {  	[tilespmem:v30+s30+$0x0] =	vst.idx.msk $0xffff, v31  }
0x295: {  	v31 =	vor.u32 $0xF08, v0;
	v34 =	vld.idx.msk [tilespmem:v34+s19+$0x0], $0xffff  }
0x296: {  	v32 =	vadd.s32 $0x4, v32;
	_ =	sdelay $0x3  }
0x297: {  	[tilespmem:v31+s30+$0x0] =	vst.idx.msk $0xffff, v34  }
0x298: {  	v34 =	vld.idx.msk [tilespmem:v32+s17+$0x0], $0xffff;
	v32 =	vor.u32 $0xF04, v0  }
0x299: {  	v33 =	vadd.s32 $0x4, v33  }
0x29a: {  	[tilespmem:$0x1F9E0] =	vst v49  }
0x29b: {  	[tilespmem:$0x1F9F0] =	vst v51  }
0x29c: {  	[tilespmem:$0x1FA20] =	vst v52  }
0x29d: {  	[tilespmem:v32+s30+$0x0] =	vst.idx.msk $0xffff, v34  }
0x29e: {  	[tilespmem:$0x1FA50] =	vst v57;
	v34 =	vld.idx.msk [tilespmem:v33+s19+$0x0], $0xffff;
	v33 =	vor.u32 $0xF09, v0  }
0x29f: {  	[tilespmem:$0x1FA30] =	vst v53  }
0x2a0: {  	[tilespmem:$0x1FA40] =	vst v55  }
0x2a1: {  	[tilespmem:$0x1FBC0] =	vst v35  }
0x2a2: {  	p0 =	seq.s32 s8, $0x3D400;
	s7 =	sadd.s32 s8, s16;
	[tilespmem:$0x1FBD0] =	vst v37  }
0x2a3: {  	s18 =	simm.s32 @p0 $0x40;
	s2 =	simm.s32 @p0 $0x50;
	s28 =	simm.s32 @p0 $0x600;
	[tilespmem:v33+s30+$0x0] =	vst.idx.msk $0xffff, v34  }
0x2a4: {  	[hbm4b:s7+s18] =	stream.strided.scatter @p0 [tilespmem:s28], [sflag:$0x6], $0x2000, s2, s18, $0x38;
	[tilespmem:$0xB5A0] =	vst v63  }
0x2a5: {  	[tilespmem:$0x1FC00] =	vst v38;
	s28 =	simm.s32 @p0 $0x6  }
0x2a6: {  	_ =	swait.ge @p0 [sflag:s28], $0x2000  }
0x2a7: {  	s5 =	sadd.s32 @p0 s8, s16;
	s3 =	simm.s32 @p0 $0x10;
	[sflag:s28] =	ssyncset.done @p0 $0x0  }
0x2a8: {  	s10 =	simm.s32 @p0 $0x8600;
	s5 =	sadd.s32 @p0 $0x8, s5;
	[sflag:s28] =	ssyncadd.s32 @p0 $0xFFFFE000  }
0x2a9: {  	[hbm4b:s5+s3] =	stream.strided.scatter @p0 [tilespmem:s10], [sflag:$0x6], $0x800, s2, s3, $0x38;
	[tilespmem:$0xB5A0] =	vst v63  }
0x2aa: {  	_ =	swait.ge @p0 [sflag:s28], $0x800  }
0x2ab: {  	[sflag:s28] =	ssyncset.done @p0 $0x0  }
0x2ac: {  	s5 =	sadd.s32 @p0 s8, s15;
	s10 =	simm.s32 @p0 $0x2600;
	[sflag:s28] =	ssyncadd.s32 @p0 $0xFFFFF800  }
0x2ad: {  	[hbm4b:s5+s18] =	stream.strided.scatter @p0 [tilespmem:s10], [sflag:$0x6], $0x2000, s2, s18, $0x38;
	[tilespmem:$0xB5A0] =	vst v63  }
0x2ae: {  	_ =	swait.ge @p0 [sflag:s28], $0x2000  }
0x2af: {  	[sflag:s28] =	ssyncset.done @p0 $0x0  }
0x2b0: {  	s5 =	sadd.s32 @p0 s8, s14;
	s10 =	simm.s32 @p0 $0x8E00;
	[sflag:s28] =	ssyncadd.s32 @p0 $0xFFFFE000  }
0x2b1: {  	[hbm4b:s5+s3] =	stream.strided.scatter @p0 [tilespmem:s10], [sflag:$0x6], $0x800, s2, s3, $0x38;
	[tilespmem:$0xB5A0] =	vst v63  }
0x2b2: {  	_ =	swait.ge @p0 [sflag:s28], $0x800  }
0x2b3: {  	s2 =	simm.s32 @!p0 $0x40;
	[sflag:s28] =	ssyncset.done @p0 $0x0  }
0x2b4: {  	s3 =	simm.s32 @!p0 $0x50;
	s5 =	simm.s32 @!p0 $0x600;
	[sflag:s28] =	ssyncadd.s32 @p0 $0xFFFFF800  }
0x2b5: {  	[hbm4b:s7+s2] =	stream.strided.scatter @!p0 [tilespmem:s5], [sflag:$0x3], $0x2000, s3, s2, $0x38;
	[tilespmem:$0xB5A0] =	vst v63  }
0x2b6: {  	s7 =	sadd.s32 @!p0 s8, s16  }
0x2b7: {  	s18 =	simm.s32 @!p0 $0x8600;
	s10 =	simm.s32 @!p0 $0x10;
	s7 =	sadd.s32 @!p0 $0x8, s7  }
0x2b8: {  	[hbm4b:s7+s10] =	stream.strided.scatter @!p0 [tilespmem:s18], [sflag:$0x3], $0x800, s3, s10, $0x38;
	[tilespmem:$0xB5A0] =	vst v63  }
0x2b9: {  	s7 =	sadd.s32 @!p0 s8, s15;
	s18 =	simm.s32 @!p0 $0x2600  }
0x2ba: {  	[hbm4b:s7+s2] =	stream.strided.scatter @!p0 [tilespmem:s18], [sflag:$0x3], $0x2000, s3, s2, $0x38;
	[tilespmem:$0xB5A0] =	vst v63  }
0x2bb: {  	s2 =	sadd.s32 @!p0 s8, s14;
	s7 =	simm.s32 @!p0 $0x8E00  }
0x2bc: {  	[hbm4b:s2+s10] =	stream.strided.scatter @!p0 [tilespmem:s7], [sflag:$0x3], $0x800, s3, s10, $0x38;
	[tilespmem:$0xB5A0] =	vst v63  }
0x2bd: {  	_ =	swait.ge [sflag:s31], $0x2000  }
0x2be: {  	[sflag:s31] =	ssyncset.done $0x0  }
0x2bf: {  	[sflag:s31] =	ssyncadd.s32 $0xFFFFE000  }
0x2c0: {  	_ =	swait.ge [sflag:s31], $0x2000  }
0x2c1: {  	[sflag:s31] =	ssyncset.done $0x0  }
0x2c2: {  	[sflag:s31] =	ssyncadd.s32 $0xFFFFE000  }
0x2c3: {  	s2 =	sshrl.u32 @!p0 s9, $0x3;
	s3 =	rddreg [dreg:$0x0]  }
0x2c4: {  	s2 =	sadd.s32 @!p0 s3, s2;
	s3 =	simm.s32 @!p0 $0x0  }
0x2c5: {  	[tilespmem:s3], [sflag:$0x6] =	stream.linear.gather @!p0 [hbm4b:s2+s3], $0x300, $0x38;
	[tilespmem:$0xB5A0] =	vst v63  }
0x2c6: {  	s2 =	simm.s32 @!p0 $0x6  }
0x2c7: {  	_ =	swait.ge @!p0 [sflag:s2], $0x300  }
0x2c8: {  	[sflag:s2] =	ssyncset.done @!p0 $0x0  }
0x2c9: {  	p1 =	seq.s32 @!p0 s8, $0x0;
	[sflag:s2] =	ssyncadd.s32 @!p0 $0xFFFFFD00;
	s2 =	simm.s32 @!p0 $0x80  }
0x2ca: {  	[tilespmem:s5], [sflag:$0x1] =	stream.indirect.gather @!p0 [hbm4b:s4+s2], $0x40, s3, s2, $0xb8;
	[tilespmem:$0xB5A0] =	vst v63  }
0x2cb: {  	p1 =	por p0, !p1  }
0x2cc: {  	[tilespmem:s18], [sflag:$0x1] =	stream.indirect.gather @!p0 [hbm4b:s4+s2], $0x40, s2, s2, $0xb8;
	[tilespmem:$0xB5A0] =	vst v63  }
0x2cd: {  	_ =	swait.ge @p1 [sflag:s6], $0x2000  }
0x2ce: {  	[sflag:s6] =	ssyncset.done @p1 $0x0  }
0x2cf: {  	[sflag:s6] =	ssyncadd.s32 @p1 $0xFFFFE000  }
0x2d0: {  	_ =	swait.ge @p1 [sflag:s6], $0x800  }
0x2d1: {  	[sflag:s6] =	ssyncset.done @p1 $0x0  }
0x2d2: {  	[sflag:s6] =	ssyncadd.s32 @p1 $0xFFFFF800  }
0x2d3: {  	_ =	swait.ge @p1 [sflag:s6], $0x2000  }
0x2d4: {  	[sflag:s6] =	ssyncset.done @p1 $0x0  }
0x2d5: {  	[sflag:s6] =	ssyncadd.s32 @p1 $0xFFFFE000  }
0x2d6: {  	_ =	swait.ge @p1 [sflag:s6], $0x800  }
0x2d7: {  	[sflag:s6] =	ssyncset.done @p1 $0x0  }
0x2d8: {  	[sflag:s6] =	ssyncadd.s32 @p1 $0xFFFFF800  }
0x2d9: {  	v48 =	vld [tilespmem:$0x400];
	_ =	sdelay $0x4  }
0x2da: {  	v34 =	vmul.u32 $0x5, v48  }
0x2db: {  	v35 =	vld [tilespmem:$0x500];
	_ =	sdelay $0x4  }
0x2dc: {  	v35 =	vmul.u32 $0x5, v35;
	v36 =	vld.idx.msk [tilespmem:v34+s17+$0x0], $0xffff;
	_ =	sdelay $0x2  }
0x2dd: {  	v49 =	vld [tilespmem:$0x1FC10];
	_ =	sdelay $0x1  }
0x2de: {  	[tilespmem:v0+s0+$0x0] =	vst.idx.msk $0xffff, v36  }
0x2df: {  	v36 =	vld.idx.msk [tilespmem:v35+s19+$0x0], $0xffff  }
0x2e0: {  	v37 =	vadd.s32 $0x1, v34;
	_ =	sdelay $0x1  }
0x2e1: {  	v38 =	vld [tilespmem:$0x1FED0];
	_ =	sdelay $0x1  }
0x2e2: {  	[tilespmem:v49+s0+$0x0] =	vst.idx.msk $0xffff, v36  }
0x2e3: {  	v36 =	vld.idx.msk [tilespmem:v37+s17+$0x0], $0xffff  }
0x2e4: {  	v50 =	vadd.s32 $0x1, v35;
	_ =	sdelay $0x1  }
0x2e5: {  	v52 =	vld [tilespmem:$0x1FC20];
	_ =	sdelay $0x1  }
0x2e6: {  	[tilespmem:v38+s0+$0x0] =	vst.idx.msk $0xffff, v36  }
0x2e7: {  	v36 =	vld.idx.msk [tilespmem:v50+s19+$0x0], $0xffff  }
0x2e8: {  	v51 =	vadd.s32 $0x2, v34;
	_ =	sdelay $0x1  }
0x2e9: {  	v39 =	vld [tilespmem:$0x1FEE0];
	_ =	sdelay $0x1  }
0x2ea: {  	[tilespmem:v52+s0+$0x0] =	vst.idx.msk $0xffff, v36  }
0x2eb: {  	v36 =	vld.idx.msk [tilespmem:v51+s17+$0x0], $0xffff  }
0x2ec: {  	v53 =	vadd.s32 $0x2, v35;
	_ =	sdelay $0x1  }
0x2ed: {  	v55 =	vld [tilespmem:$0x1FC30];
	_ =	sdelay $0x1  }
0x2ee: {  	[tilespmem:v39+s0+$0x0] =	vst.idx.msk $0xffff, v36  }
0x2ef: {  	v36 =	vld.idx.msk [tilespmem:v53+s19+$0x0], $0xffff  }
0x2f0: {  	v54 =	vadd.s32 $0x3, v34;
	_ =	sdelay $0x1  }
0x2f1: {  	v40 =	vld [tilespmem:$0x1FEF0];
	_ =	sdelay $0x1  }
0x2f2: {  	[tilespmem:v55+s0+$0x0] =	vst.idx.msk $0xffff, v36  }
0x2f3: {  	v36 =	vld.idx.msk [tilespmem:v54+s17+$0x0], $0xffff  }
0x2f4: {  	v56 =	vadd.s32 $0x3, v35;
	_ =	sdelay $0x1  }
0x2f5: {  	v57 =	vld [tilespmem:$0x1FC40];
	_ =	sdelay $0x1  }
0x2f6: {  	[tilespmem:v40+s0+$0x0] =	vst.idx.msk $0xffff, v36  }
0x2f7: {  	v36 =	vld.idx.msk [tilespmem:v56+s19+$0x0], $0xffff  }
0x2f8: {  	v34 =	vadd.s32 $0x4, v34;
	_ =	sdelay $0x1  }
0x2f9: {  	v41 =	vld [tilespmem:$0x1FC50];
	_ =	sdelay $0x1  }
0x2fa: {  	[tilespmem:v57+s0+$0x0] =	vst.idx.msk $0xffff, v36  }
0x2fb: {  	v34 =	vld.idx.msk [tilespmem:v34+s17+$0x0], $0xffff  }
0x2fc: {  	v35 =	vadd.s32 $0x4, v35;
	_ =	sdelay $0x1  }
0x2fd: {  	v42 =	vld [tilespmem:$0x1FC60];
	_ =	sdelay $0x1  }
0x2fe: {  	[tilespmem:v41+s0+$0x0] =	vst.idx.msk $0xffff, v34  }
0x2ff: {  	v34 =	vld.idx.msk [tilespmem:v35+s19+$0x0], $0xffff;
	_ =	sdelay $0x4  }
0x300: {  	[tilespmem:v42+s0+$0x0] =	vst.idx.msk $0xffff, v34  }
0x301: {  	v34 =	vld [tilespmem:$0x410];
	_ =	sdelay $0x4  }
0x302: {  	v34 =	vmul.u32 $0x5, v34  }
0x303: {  	v35 =	vld [tilespmem:$0x510];
	_ =	sdelay $0x1  }
0x304: {  	v43 =	vld [tilespmem:$0x1FC70];
	_ =	sdelay $0x2  }
0x305: {  	v35 =	vmul.u32 $0x5, v35;
	v36 =	vld.idx.msk [tilespmem:v34+s17+$0x0], $0xffff;
	_ =	sdelay $0x2  }
0x306: {  	v45 =	vld [tilespmem:$0x1FC80];
	_ =	sdelay $0x1  }
0x307: {  	[tilespmem:v43+s0+$0x0] =	vst.idx.msk $0xffff, v36  }
0x308: {  	v36 =	vld.idx.msk [tilespmem:v35+s19+$0x0], $0xffff  }
0x309: {  	v44 =	vadd.s32 $0x1, v34;
	_ =	sdelay $0x1  }
0x30a: {  	v41 =	vld [tilespmem:$0x1FF00];
	_ =	sdelay $0x1  }
0x30b: {  	[tilespmem:v45+s0+$0x0] =	vst.idx.msk $0xffff, v36  }
0x30c: {  	v36 =	vld.idx.msk [tilespmem:v44+s17+$0x0], $0xffff  }
0x30d: {  	v46 =	vadd.s32 $0x1, v35;
	_ =	sdelay $0x1  }
0x30e: {  	v48 =	vld [tilespmem:$0x1FC90];
	_ =	sdelay $0x1  }
0x30f: {  	[tilespmem:v41+s0+$0x0] =	vst.idx.msk $0xffff, v36  }
0x310: {  	v36 =	vld.idx.msk [tilespmem:v46+s19+$0x0], $0xffff  }
0x311: {  	v47 =	vadd.s32 $0x2, v34;
	_ =	sdelay $0x1  }
0x312: {  	v42 =	vld [tilespmem:$0x1FF10];
	_ =	sdelay $0x1  }
0x313: {  	[tilespmem:v48+s0+$0x0] =	vst.idx.msk $0xffff, v36  }
0x314: {  	v36 =	vld.idx.msk [tilespmem:v47+s17+$0x0], $0xffff  }
0x315: {  	v49 =	vadd.s32 $0x2, v35;
	_ =	sdelay $0x1  }
0x316: {  	v51 =	vld [tilespmem:$0x1FCA0];
	_ =	sdelay $0x1  }
0x317: {  	[tilespmem:v42+s0+$0x0] =	vst.idx.msk $0xffff, v36  }
0x318: {  	v36 =	vld.idx.msk [tilespmem:v49+s19+$0x0], $0xffff  }
0x319: {  	v50 =	vadd.s32 $0x3, v34;
	_ =	sdelay $0x1  }
0x31a: {  	v43 =	vld [tilespmem:$0x1FF20];
	_ =	sdelay $0x1  }
0x31b: {  	[tilespmem:v51+s0+$0x0] =	vst.idx.msk $0xffff, v36  }
0x31c: {  	v36 =	vld.idx.msk [tilespmem:v50+s17+$0x0], $0xffff  }
0x31d: {  	v52 =	vadd.s32 $0x3, v35;
	_ =	sdelay $0x1  }
0x31e: {  	v53 =	vld [tilespmem:$0x1FCB0];
	_ =	sdelay $0x1  }
0x31f: {  	[tilespmem:v43+s0+$0x0] =	vst.idx.msk $0xffff, v36  }
0x320: {  	v36 =	vld.idx.msk [tilespmem:v52+s19+$0x0], $0xffff  }
0x321: {  	v34 =	vadd.s32 $0x4, v34;
	_ =	sdelay $0x1  }
0x322: {  	v54 =	vld [tilespmem:$0x1FCC0];
	_ =	sdelay $0x1  }
0x323: {  	[tilespmem:v53+s0+$0x0] =	vst.idx.msk $0xffff, v36  }
0x324: {  	v34 =	vld.idx.msk [tilespmem:v34+s17+$0x0], $0xffff  }
0x325: {  	v35 =	vadd.s32 $0x4, v35;
	_ =	sdelay $0x1  }
0x326: {  	v55 =	vld [tilespmem:$0x1FCD0];
	_ =	sdelay $0x1  }
0x327: {  	[tilespmem:v54+s0+$0x0] =	vst.idx.msk $0xffff, v34  }
0x328: {  	v34 =	vld.idx.msk [tilespmem:v35+s19+$0x0], $0xffff;
	_ =	sdelay $0x4  }
0x329: {  	[tilespmem:v55+s0+$0x0] =	vst.idx.msk $0xffff, v34  }
0x32a: {  	v34 =	vld [tilespmem:$0x420];
	_ =	sdelay $0x4  }
0x32b: {  	v34 =	vmul.u32 $0x5, v34  }
0x32c: {  	v35 =	vld [tilespmem:$0x520];
	_ =	sdelay $0x1  }
0x32d: {  	v56 =	vld [tilespmem:$0x1FCE0];
	_ =	sdelay $0x2  }
0x32e: {  	v35 =	vmul.u32 $0x5, v35;
	v36 =	vld.idx.msk [tilespmem:v34+s17+$0x0], $0xffff;
	_ =	sdelay $0x2  }
0x32f: {  	v48 =	vld [tilespmem:$0x1FCF0];
	_ =	sdelay $0x1  }
0x330: {  	[tilespmem:v56+s0+$0x0] =	vst.idx.msk $0xffff, v36  }
0x331: {  	v36 =	vld.idx.msk [tilespmem:v35+s19+$0x0], $0xffff  }
0x332: {  	v57 =	vadd.s32 $0x1, v34;
	_ =	sdelay $0x1  }
0x333: {  	v44 =	vld [tilespmem:$0x1FF30];
	_ =	sdelay $0x1  }
0x334: {  	[tilespmem:v48+s0+$0x0] =	vst.idx.msk $0xffff, v36  }
0x335: {  	v36 =	vld.idx.msk [tilespmem:v57+s17+$0x0], $0xffff  }
0x336: {  	v49 =	vadd.s32 $0x1, v35;
	_ =	sdelay $0x1  }
0x337: {  	v51 =	vld [tilespmem:$0x1FD00];
	_ =	sdelay $0x1  }
0x338: {  	[tilespmem:v44+s0+$0x0] =	vst.idx.msk $0xffff, v36  }
0x339: {  	v36 =	vld.idx.msk [tilespmem:v49+s19+$0x0], $0xffff  }
0x33a: {  	v50 =	vadd.s32 $0x2, v34;
	_ =	sdelay $0x1  }
0x33b: {  	v45 =	vld [tilespmem:$0x1FF40];
	_ =	sdelay $0x1  }
0x33c: {  	[tilespmem:v51+s0+$0x0] =	vst.idx.msk $0xffff, v36  }
0x33d: {  	v36 =	vld.idx.msk [tilespmem:v50+s17+$0x0], $0xffff  }
0x33e: {  	v52 =	vadd.s32 $0x2, v35;
	_ =	sdelay $0x1  }
0x33f: {  	v54 =	vld [tilespmem:$0x1FD10];
	_ =	sdelay $0x1  }
0x340: {  	[tilespmem:v45+s0+$0x0] =	vst.idx.msk $0xffff, v36  }
0x341: {  	v36 =	vld.idx.msk [tilespmem:v52+s19+$0x0], $0xffff  }
0x342: {  	v53 =	vadd.s32 $0x3, v34;
	_ =	sdelay $0x1  }
0x343: {  	v46 =	vld [tilespmem:$0x1FF50];
	_ =	sdelay $0x1  }
0x344: {  	[tilespmem:v54+s0+$0x0] =	vst.idx.msk $0xffff, v36  }
0x345: {  	v36 =	vld.idx.msk [tilespmem:v53+s17+$0x0], $0xffff  }
0x346: {  	v55 =	vadd.s32 $0x3, v35;
	_ =	sdelay $0x1  }
0x347: {  	v56 =	vld [tilespmem:$0x1FD20];
	_ =	sdelay $0x1  }
0x348: {  	[tilespmem:v46+s0+$0x0] =	vst.idx.msk $0xffff, v36  }
0x349: {  	v36 =	vld.idx.msk [tilespmem:v55+s19+$0x0], $0xffff  }
0x34a: {  	v34 =	vadd.s32 $0x4, v34;
	_ =	sdelay $0x1  }
0x34b: {  	v57 =	vld [tilespmem:$0x1FD30];
	_ =	sdelay $0x1  }
0x34c: {  	[tilespmem:v56+s0+$0x0] =	vst.idx.msk $0xffff, v36  }
0x34d: {  	v34 =	vld.idx.msk [tilespmem:v34+s17+$0x0], $0xffff  }
0x34e: {  	v35 =	vadd.s32 $0x4, v35;
	_ =	sdelay $0x1  }
0x34f: {  	v47 =	vld [tilespmem:$0x1FD40];
	_ =	sdelay $0x1  }
0x350: {  	[tilespmem:v57+s0+$0x0] =	vst.idx.msk $0xffff, v34  }
0x351: {  	v34 =	vld.idx.msk [tilespmem:v35+s19+$0x0], $0xffff;
	_ =	sdelay $0x4  }
0x352: {  	[tilespmem:v47+s0+$0x0] =	vst.idx.msk $0xffff, v34  }
0x353: {  	v34 =	vld [tilespmem:$0x430];
	_ =	sdelay $0x4  }
0x354: {  	v34 =	vmul.u32 $0x5, v34  }
0x355: {  	v35 =	vld [tilespmem:$0x530];
	_ =	sdelay $0x1  }
0x356: {  	v48 =	vld [tilespmem:$0x1FD50];
	_ =	sdelay $0x2  }
0x357: {  	v35 =	vmul.u32 $0x5, v35;
	v36 =	vld.idx.msk [tilespmem:v34+s17+$0x0], $0xffff;
	_ =	sdelay $0x2  }
0x358: {  	v50 =	vld [tilespmem:$0x1FD60];
	_ =	sdelay $0x1  }
0x359: {  	[tilespmem:v48+s0+$0x0] =	vst.idx.msk $0xffff, v36  }
0x35a: {  	v36 =	vld.idx.msk [tilespmem:v35+s19+$0x0], $0xffff  }
0x35b: {  	v49 =	vadd.s32 $0x1, v34;
	_ =	sdelay $0x1  }
0x35c: {  	v47 =	vld [tilespmem:$0x1FF60];
	_ =	sdelay $0x1  }
0x35d: {  	[tilespmem:v50+s0+$0x0] =	vst.idx.msk $0xffff, v36  }
0x35e: {  	v36 =	vld.idx.msk [tilespmem:v49+s17+$0x0], $0xffff  }
0x35f: {  	v51 =	vadd.s32 $0x1, v35;
	_ =	sdelay $0x1  }
0x360: {  	v53 =	vld [tilespmem:$0x1FD70];
	_ =	sdelay $0x1  }
0x361: {  	[tilespmem:v47+s0+$0x0] =	vst.idx.msk $0xffff, v36  }
0x362: {  	v36 =	vld.idx.msk [tilespmem:v51+s19+$0x0], $0xffff  }
0x363: {  	v52 =	vadd.s32 $0x2, v34;
	_ =	sdelay $0x1  }
0x364: {  	v48 =	vld [tilespmem:$0x1FF70];
	_ =	sdelay $0x1  }
0x365: {  	[tilespmem:v53+s0+$0x0] =	vst.idx.msk $0xffff, v36  }
0x366: {  	v36 =	vld.idx.msk [tilespmem:v52+s17+$0x0], $0xffff  }
0x367: {  	v54 =	vadd.s32 $0x2, v35;
	_ =	sdelay $0x1  }
0x368: {  	v56 =	vld [tilespmem:$0x1FD80];
	_ =	sdelay $0x1  }
0x369: {  	[tilespmem:v48+s0+$0x0] =	vst.idx.msk $0xffff, v36  }
0x36a: {  	v36 =	vld.idx.msk [tilespmem:v54+s19+$0x0], $0xffff  }
0x36b: {  	v55 =	vadd.s32 $0x3, v34;
	_ =	sdelay $0x1  }
0x36c: {  	v49 =	vld [tilespmem:$0x1FF80];
	_ =	sdelay $0x1  }
0x36d: {  	[tilespmem:v56+s0+$0x0] =	vst.idx.msk $0xffff, v36  }
0x36e: {  	v36 =	vld.idx.msk [tilespmem:v55+s17+$0x0], $0xffff  }
0x36f: {  	v57 =	vadd.s32 $0x3, v35;
	_ =	sdelay $0x1  }
0x370: {  	v50 =	vld [tilespmem:$0x1FD90];
	_ =	sdelay $0x1  }
0x371: {  	[tilespmem:v49+s0+$0x0] =	vst.idx.msk $0xffff, v36  }
0x372: {  	v36 =	vld.idx.msk [tilespmem:v57+s19+$0x0], $0xffff  }
0x373: {  	v34 =	vadd.s32 $0x4, v34;
	_ =	sdelay $0x1  }
0x374: {  	v51 =	vld [tilespmem:$0x1FDA0];
	_ =	sdelay $0x1  }
0x375: {  	[tilespmem:v50+s0+$0x0] =	vst.idx.msk $0xffff, v36  }
0x376: {  	v34 =	vld.idx.msk [tilespmem:v34+s17+$0x0], $0xffff  }
0x377: {  	v35 =	vadd.s32 $0x4, v35;
	_ =	sdelay $0x1  }
0x378: {  	v52 =	vld [tilespmem:$0x1FDB0];
	_ =	sdelay $0x1  }
0x379: {  	[tilespmem:v51+s0+$0x0] =	vst.idx.msk $0xffff, v34  }
0x37a: {  	v34 =	vld.idx.msk [tilespmem:v35+s19+$0x0], $0xffff;
	_ =	sdelay $0x4  }
0x37b: {  	[tilespmem:v52+s0+$0x0] =	vst.idx.msk $0xffff, v34  }
0x37c: {  	v34 =	vld [tilespmem:$0x440];
	_ =	sdelay $0x4  }
0x37d: {  	v34 =	vmul.u32 $0x5, v34  }
0x37e: {  	v35 =	vld [tilespmem:$0x540];
	_ =	sdelay $0x1  }
0x37f: {  	v53 =	vld [tilespmem:$0x1FDC0];
	_ =	sdelay $0x2  }
0x380: {  	v35 =	vmul.u32 $0x5, v35;
	v36 =	vld.idx.msk [tilespmem:v34+s17+$0x0], $0xffff;
	_ =	sdelay $0x2  }
0x381: {  	v55 =	vld [tilespmem:$0x1FDD0];
	_ =	sdelay $0x1  }
0x382: {  	[tilespmem:v53+s0+$0x0] =	vst.idx.msk $0xffff, v36  }
0x383: {  	v36 =	vld.idx.msk [tilespmem:v35+s19+$0x0], $0xffff  }
0x384: {  	v54 =	vadd.s32 $0x1, v34;
	_ =	sdelay $0x1  }
0x385: {  	v50 =	vld [tilespmem:$0x1FF90];
	_ =	sdelay $0x1  }
0x386: {  	[tilespmem:v55+s0+$0x0] =	vst.idx.msk $0xffff, v36  }
0x387: {  	v36 =	vld.idx.msk [tilespmem:v54+s17+$0x0], $0xffff  }
0x388: {  	v56 =	vadd.s32 $0x1, v35;
	_ =	sdelay $0x1  }
0x389: {  	v54 =	vld [tilespmem:$0x1FDE0];
	_ =	sdelay $0x1  }
0x38a: {  	[tilespmem:v50+s0+$0x0] =	vst.idx.msk $0xffff, v36  }
0x38b: {  	v36 =	vld.idx.msk [tilespmem:v56+s19+$0x0], $0xffff  }
0x38c: {  	v57 =	vadd.s32 $0x2, v34;
	_ =	sdelay $0x1  }
0x38d: {  	v51 =	vld [tilespmem:$0x1FFA0];
	_ =	sdelay $0x1  }
0x38e: {  	[tilespmem:v54+s0+$0x0] =	vst.idx.msk $0xffff, v36  }
0x38f: {  	v36 =	vld.idx.msk [tilespmem:v57+s17+$0x0], $0xffff  }
0x390: {  	v55 =	vadd.s32 $0x2, v35;
	_ =	sdelay $0x1  }
0x391: {  	v57 =	vld [tilespmem:$0x1FDF0];
	_ =	sdelay $0x1  }
0x392: {  	[tilespmem:v51+s0+$0x0] =	vst.idx.msk $0xffff, v36  }
0x393: {  	v36 =	vld.idx.msk [tilespmem:v55+s19+$0x0], $0xffff  }
0x394: {  	v56 =	vadd.s32 $0x3, v34;
	_ =	sdelay $0x1  }
0x395: {  	v52 =	vld [tilespmem:$0x1FFB0];
	_ =	sdelay $0x1  }
0x396: {  	[tilespmem:v57+s0+$0x0] =	vst.idx.msk $0xffff, v36  }
0x397: {  	v36 =	vld.idx.msk [tilespmem:v56+s17+$0x0], $0xffff  }
0x398: {  	v56 =	vadd.s32 $0x3, v35;
	_ =	sdelay $0x1  }
0x399: {  	v57 =	vld [tilespmem:$0x1FE00];
	_ =	sdelay $0x1  }
0x39a: {  	[tilespmem:v52+s0+$0x0] =	vst.idx.msk $0xffff, v36  }
0x39b: {  	v36 =	vld.idx.msk [tilespmem:v56+s19+$0x0], $0xffff  }
0x39c: {  	v34 =	vadd.s32 $0x4, v34;
	_ =	sdelay $0x1  }
0x39d: {  	v53 =	vld [tilespmem:$0x1FE10];
	_ =	sdelay $0x1  }
0x39e: {  	[tilespmem:v57+s0+$0x0] =	vst.idx.msk $0xffff, v36  }
0x39f: {  	v34 =	vld.idx.msk [tilespmem:v34+s17+$0x0], $0xffff  }
0x3a0: {  	v35 =	vadd.s32 $0x4, v35;
	_ =	sdelay $0x1  }
0x3a1: {  	v54 =	vld [tilespmem:$0x1FE20];
	_ =	sdelay $0x1  }
0x3a2: {  	[tilespmem:v53+s0+$0x0] =	vst.idx.msk $0xffff, v34  }
0x3a3: {  	v34 =	vld.idx.msk [tilespmem:v35+s19+$0x0], $0xffff;
	_ =	sdelay $0x4  }
0x3a4: {  	[tilespmem:v54+s0+$0x0] =	vst.idx.msk $0xffff, v34  }
0x3a5: {  	v34 =	vld [tilespmem:$0x450];
	_ =	sdelay $0x4  }
0x3a6: {  	v34 =	vmul.u32 $0x5, v34  }
0x3a7: {  	v35 =	vld [tilespmem:$0x550];
	_ =	sdelay $0x1  }
0x3a8: {  	v55 =	vld [tilespmem:$0x1FE30];
	_ =	sdelay $0x2  }
0x3a9: {  	v35 =	vmul.u32 $0x5, v35;
	v36 =	vld.idx.msk [tilespmem:v34+s17+$0x0], $0xffff;
	_ =	sdelay $0x2  }
0x3aa: {  	v57 =	vld [tilespmem:$0x1FE40];
	_ =	sdelay $0x1  }
0x3ab: {  	[tilespmem:v55+s0+$0x0] =	vst.idx.msk $0xffff, v36  }
0x3ac: {  	v36 =	vld.idx.msk [tilespmem:v35+s19+$0x0], $0xffff  }
0x3ad: {  	v56 =	vadd.s32 $0x1, v34;
	_ =	sdelay $0x1  }
0x3ae: {  	v53 =	vld [tilespmem:$0x1FFC0];
	_ =	sdelay $0x1  }
0x3af: {  	[tilespmem:v57+s0+$0x0] =	vst.idx.msk $0xffff, v36  }
0x3b0: {  	v36 =	vld.idx.msk [tilespmem:v56+s17+$0x0], $0xffff  }
0x3b1: {  	v56 =	vadd.s32 $0x1, v35;
	_ =	sdelay $0x1  }
0x3b2: {  	v57 =	vld [tilespmem:$0x1FE50];
	_ =	sdelay $0x1  }
0x3b3: {  	[tilespmem:v53+s0+$0x0] =	vst.idx.msk $0xffff, v36  }
0x3b4: {  	v36 =	vld.idx.msk [tilespmem:v56+s19+$0x0], $0xffff  }
0x3b5: {  	v37 =	vadd.s32 $0x2, v34;
	_ =	sdelay $0x1  }
0x3b6: {  	v54 =	vld [tilespmem:$0x1FFD0];
	_ =	sdelay $0x1  }
0x3b7: {  	[tilespmem:v57+s0+$0x0] =	vst.idx.msk $0xffff, v36  }
0x3b8: {  	v36 =	vld.idx.msk [tilespmem:v37+s17+$0x0], $0xffff  }
0x3b9: {  	v57 =	vadd.s32 $0x2, v35;
	_ =	sdelay $0x3  }
0x3ba: {  	[tilespmem:v54+s0+$0x0] =	vst.idx.msk $0xffff, v36  }
0x3bb: {  	v36 =	vld.idx.msk [tilespmem:v57+s19+$0x0], $0xffff  }
0x3bc: {  	v57 =	vld [tilespmem:$0x1FE60];
	_ =	sdelay $0x3  }
0x3bd: {  	v37 =	vadd.s32 $0x3, v34;
	_ =	sdelay $0x1  }
0x3be: {  	v55 =	vld [tilespmem:$0x1FFE0];
	_ =	sdelay $0x1  }
0x3bf: {  	[tilespmem:v57+s0+$0x0] =	vst.idx.msk $0xffff, v36  }
0x3c0: {  	v36 =	vld.idx.msk [tilespmem:v37+s17+$0x0], $0xffff  }
0x3c1: {  	v57 =	vadd.s32 $0x3, v35;
	_ =	sdelay $0x1  }
0x3c2: {  	v56 =	vld [tilespmem:$0x1FE70];
	_ =	sdelay $0x1  }
0x3c3: {  	[tilespmem:v55+s0+$0x0] =	vst.idx.msk $0xffff, v36  }
0x3c4: {  	v36 =	vld.idx.msk [tilespmem:v57+s19+$0x0], $0xffff  }
0x3c5: {  	v34 =	vadd.s32 $0x4, v34;
	_ =	sdelay $0x1  }
0x3c6: {  	v57 =	vld [tilespmem:$0x1FE80];
	_ =	sdelay $0x1  }
0x3c7: {  	[tilespmem:v56+s0+$0x0] =	vst.idx.msk $0xffff, v36  }
0x3c8: {  	v34 =	vld.idx.msk [tilespmem:v34+s17+$0x0], $0xffff  }
0x3c9: {  	v35 =	vadd.s32 $0x4, v35;
	_ =	sdelay $0x1  }
0x3ca: {  	v37 =	vld [tilespmem:$0x1FE90];
	_ =	sdelay $0x1  }
0x3cb: {  	[tilespmem:v57+s0+$0x0] =	vst.idx.msk $0xffff, v34  }
0x3cc: {  	v34 =	vld.idx.msk [tilespmem:v35+s19+$0x0], $0xffff;
	_ =	sdelay $0x4  }
0x3cd: {  	[tilespmem:v37+s0+$0x0] =	vst.idx.msk $0xffff, v34  }
0x3ce: {  	v34 =	vld [tilespmem:$0x460];
	_ =	sdelay $0x4  }
0x3cf: {  	v34 =	vmul.u32 $0x5, v34;
	_ =	sdelay $0x1  }
0x3d0: {  	v56 =	vld [tilespmem:$0x1FEA0]  }
0x3d1: {  	v35 =	vld [tilespmem:$0x560];
	_ =	sdelay $0x2  }
0x3d2: {  	v36 =	vld.idx.msk [tilespmem:v34+s17+$0x0], $0xffff;
	_ =	sdelay $0x1  }
0x3d3: {  	v35 =	vmul.u32 $0x5, v35;
	_ =	sdelay $0x2  }
0x3d4: {  	[tilespmem:v56+s0+$0x0] =	vst.idx.msk $0xffff, v36;
	v56 =	vld [tilespmem:$0x1FEB0];
	_ =	sdelay $0x2  }
0x3d5: {  	v36 =	vld.idx.msk [tilespmem:v35+s19+$0x0], $0xffff;
	_ =	sdelay $0x2  }
0x3d6: {  	v37 =	vadd.s32 $0x1, v34;
	_ =	sdelay $0x1  }
0x3d7: {  	[tilespmem:v56+s0+$0x0] =	vst.idx.msk $0xffff, v36;
	v56 =	vld [tilespmem:$0x1FFF0];
	_ =	sdelay $0x2  }
0x3d8: {  	v36 =	vld.idx.msk [tilespmem:v37+s17+$0x0], $0xffff  }
0x3d9: {  	v37 =	vadd.s32 $0x1, v35;
	_ =	sdelay $0x1  }
0x3da: {  	v57 =	vld [tilespmem:$0x1FEC0];
	_ =	sdelay $0x1  }
0x3db: {  	[tilespmem:v56+s0+$0x0] =	vst.idx.msk $0xffff, v36  }
0x3dc: {  	v36 =	vld.idx.msk [tilespmem:v37+s19+$0x0], $0xffff;
	_ =	sdelay $0x2  }
0x3dd: {  	v37 =	vadd.s32 $0x2, v34;
	_ =	sdelay $0x1  }
0x3de: {  	[tilespmem:v57+s0+$0x0] =	vst.idx.msk $0xffff, v36;
	v57 =	vld [tilespmem:$0x1F880];
	_ =	sdelay $0x2  }
0x3df: {  	v36 =	vld.idx.msk [tilespmem:v37+s17+$0x0], $0xffff;
	_ =	sdelay $0x2  }
0x3e0: {  	v37 =	vadd.s32 $0x2, v35;
	_ =	sdelay $0x1  }
0x3e1: {  	[tilespmem:v57+s0+$0x0] =	vst.idx.msk $0xffff, v36;
	v57 =	vld [tilespmem:$0x1F890];
	_ =	sdelay $0x2  }
0x3e2: {  	v36 =	vld.idx.msk [tilespmem:v37+s19+$0x0], $0xffff;
	_ =	sdelay $0x2  }
0x3e3: {  	v37 =	vadd.s32 $0x3, v34;
	_ =	sdelay $0x1  }
0x3e4: {  	[tilespmem:v57+s0+$0x0] =	vst.idx.msk $0xffff, v36;
	v57 =	vld [tilespmem:$0x1F8A0];
	_ =	sdelay $0x2  }
0x3e5: {  	v36 =	vld.idx.msk [tilespmem:v37+s17+$0x0], $0xffff;
	_ =	sdelay $0x2  }
0x3e6: {  	v37 =	vadd.s32 $0x3, v35;
	_ =	sdelay $0x1  }
0x3e7: {  	[tilespmem:v57+s0+$0x0] =	vst.idx.msk $0xffff, v36;
	v57 =	vld [tilespmem:$0x1F8B0];
	_ =	sdelay $0x2  }
0x3e8: {  	v36 =	vld.idx.msk [tilespmem:v37+s19+$0x0], $0xffff;
	_ =	sdelay $0x2  }
0x3e9: {  	v34 =	vadd.s32 $0x4, v34;
	_ =	sdelay $0x1  }
0x3ea: {  	[tilespmem:v57+s0+$0x0] =	vst.idx.msk $0xffff, v36;
	v57 =	vld [tilespmem:$0x1F8C0];
	_ =	sdelay $0x2  }
0x3eb: {  	v34 =	vld.idx.msk [tilespmem:v34+s17+$0x0], $0xffff  }
0x3ec: {  	v35 =	vadd.s32 $0x4, v35;
	_ =	sdelay $0x1  }
0x3ed: {  	v37 =	vld [tilespmem:$0x1F8D0];
	_ =	sdelay $0x1  }
0x3ee: {  	[tilespmem:v57+s0+$0x0] =	vst.idx.msk $0xffff, v34  }
0x3ef: {  	v34 =	vld.idx.msk [tilespmem:v35+s19+$0x0], $0xffff;
	_ =	sdelay $0x4  }
0x3f0: {  	[tilespmem:v37+s0+$0x0] =	vst.idx.msk $0xffff, v34  }
0x3f1: {  	v34 =	vld [tilespmem:$0x470];
	_ =	sdelay $0x4  }
0x3f2: {  	v34 =	vmul.u32 $0x5, v34;
	_ =	sdelay $0x1  }
0x3f3: {  	v57 =	vld [tilespmem:$0x1F8E0]  }
0x3f4: {  	v35 =	vld [tilespmem:$0x570];
	_ =	sdelay $0x2  }
0x3f5: {  	v36 =	vld.idx.msk [tilespmem:v34+s17+$0x0], $0xffff;
	_ =	sdelay $0x1  }
0x3f6: {  	v35 =	vmul.u32 $0x5, v35;
	_ =	sdelay $0x2  }
0x3f7: {  	[tilespmem:v57+s0+$0x0] =	vst.idx.msk $0xffff, v36;
	v57 =	vld [tilespmem:$0x1F8F0];
	_ =	sdelay $0x2  }
0x3f8: {  	v36 =	vld.idx.msk [tilespmem:v35+s19+$0x0], $0xffff;
	_ =	sdelay $0x2  }
0x3f9: {  	v37 =	vadd.s32 $0x1, v34;
	_ =	sdelay $0x1  }
0x3fa: {  	[tilespmem:v57+s0+$0x0] =	vst.idx.msk $0xffff, v36;
	v57 =	vld [tilespmem:$0x1F900];
	_ =	sdelay $0x2  }
0x3fb: {  	v36 =	vld.idx.msk [tilespmem:v37+s17+$0x0], $0xffff;
	_ =	sdelay $0x2  }
0x3fc: {  	v37 =	vadd.s32 $0x1, v35;
	_ =	sdelay $0x1  }
0x3fd: {  	[tilespmem:v57+s0+$0x0] =	vst.idx.msk $0xffff, v36;
	v57 =	vld [tilespmem:$0x1F910];
	_ =	sdelay $0x2  }
0x3fe: {  	v36 =	vld.idx.msk [tilespmem:v37+s19+$0x0], $0xffff;
	_ =	sdelay $0x2  }
0x3ff: {  	v37 =	vadd.s32 $0x2, v34;
	_ =	sdelay $0x1  }
0x400: {  	[tilespmem:v57+s0+$0x0] =	vst.idx.msk $0xffff, v36;
	v57 =	vld [tilespmem:$0x1F920];
	_ =	sdelay $0x2  }
0x401: {  	v36 =	vld.idx.msk [tilespmem:v37+s17+$0x0], $0xffff;
	_ =	sdelay $0x2  }
0x402: {  	v37 =	vadd.s32 $0x2, v35;
	_ =	sdelay $0x1  }
0x403: {  	[tilespmem:v57+s0+$0x0] =	vst.idx.msk $0xffff, v36;
	v57 =	vld [tilespmem:$0x1F930];
	_ =	sdelay $0x2  }
0x404: {  	v36 =	vld.idx.msk [tilespmem:v37+s19+$0x0], $0xffff;
	_ =	sdelay $0x2  }
0x405: {  	v37 =	vadd.s32 $0x3, v34;
	_ =	sdelay $0x1  }
0x406: {  	[tilespmem:v57+s0+$0x0] =	vst.idx.msk $0xffff, v36;
	v57 =	vld [tilespmem:$0x1F940];
	_ =	sdelay $0x2  }
0x407: {  	v36 =	vld.idx.msk [tilespmem:v37+s17+$0x0], $0xffff;
	_ =	sdelay $0x2  }
0x408: {  	v37 =	vadd.s32 $0x3, v35;
	_ =	sdelay $0x1  }
0x409: {  	[tilespmem:v57+s0+$0x0] =	vst.idx.msk $0xffff, v36;
	v57 =	vld [tilespmem:$0x1F950];
	_ =	sdelay $0x2  }
0x40a: {  	v36 =	vld.idx.msk [tilespmem:v37+s19+$0x0], $0xffff;
	_ =	sdelay $0x2  }
0x40b: {  	v34 =	vadd.s32 $0x4, v34;
	_ =	sdelay $0x1  }
0x40c: {  	[tilespmem:v57+s0+$0x0] =	vst.idx.msk $0xffff, v36;
	v57 =	vld [tilespmem:$0x1F960];
	_ =	sdelay $0x2  }
0x40d: {  	v34 =	vld.idx.msk [tilespmem:v34+s17+$0x0], $0xffff  }
0x40e: {  	v35 =	vadd.s32 $0x4, v35;
	_ =	sdelay $0x1  }
0x40f: {  	v37 =	vld [tilespmem:$0x1F970];
	_ =	sdelay $0x1  }
0x410: {  	[tilespmem:v57+s0+$0x0] =	vst.idx.msk $0xffff, v34  }
0x411: {  	v34 =	vld.idx.msk [tilespmem:v35+s19+$0x0], $0xffff;
	_ =	sdelay $0x4  }
0x412: {  	[tilespmem:v37+s0+$0x0] =	vst.idx.msk $0xffff, v34  }
0x413: {  	v34 =	vld [tilespmem:$0x480];
	_ =	sdelay $0x4  }
0x414: {  	v34 =	vmul.u32 $0x5, v34;
	_ =	sdelay $0x1  }
0x415: {  	v57 =	vld [tilespmem:$0x1F980]  }
0x416: {  	v35 =	vld [tilespmem:$0x580];
	_ =	sdelay $0x2  }
0x417: {  	v36 =	vld.idx.msk [tilespmem:v34+s17+$0x0], $0xffff;
	_ =	sdelay $0x1  }
0x418: {  	v35 =	vmul.u32 $0x5, v35;
	_ =	sdelay $0x2  }
0x419: {  	[tilespmem:v57+s0+$0x0] =	vst.idx.msk $0xffff, v36;
	v57 =	vld [tilespmem:$0x1F990];
	_ =	sdelay $0x2  }
0x41a: {  	v36 =	vld.idx.msk [tilespmem:v35+s19+$0x0], $0xffff;
	_ =	sdelay $0x2  }
0x41b: {  	v37 =	vadd.s32 $0x1, v34;
	_ =	sdelay $0x1  }
0x41c: {  	[tilespmem:v57+s0+$0x0] =	vst.idx.msk $0xffff, v36;
	v57 =	vld [tilespmem:$0x1F9A0];
	_ =	sdelay $0x2  }
0x41d: {  	v36 =	vld.idx.msk [tilespmem:v37+s17+$0x0], $0xffff;
	_ =	sdelay $0x2  }
0x41e: {  	v37 =	vadd.s32 $0x1, v35;
	_ =	sdelay $0x1  }
0x41f: {  	[tilespmem:v57+s0+$0x0] =	vst.idx.msk $0xffff, v36;
	v57 =	vld [tilespmem:$0x1F9B0];
	_ =	sdelay $0x2  }
0x420: {  	v36 =	vld.idx.msk [tilespmem:v37+s19+$0x0], $0xffff;
	_ =	sdelay $0x2  }
0x421: {  	v37 =	vadd.s32 $0x2, v34;
	_ =	sdelay $0x1  }
0x422: {  	[tilespmem:v57+s0+$0x0] =	vst.idx.msk $0xffff, v36;
	v57 =	vld [tilespmem:$0x1F9C0];
	_ =	sdelay $0x2  }
0x423: {  	v36 =	vld.idx.msk [tilespmem:v37+s17+$0x0], $0xffff;
	_ =	sdelay $0x2  }
0x424: {  	v37 =	vadd.s32 $0x2, v35;
	_ =	sdelay $0x1  }
0x425: {  	[tilespmem:v57+s0+$0x0] =	vst.idx.msk $0xffff, v36;
	v57 =	vld [tilespmem:$0x1F9D0];
	_ =	sdelay $0x2  }
0x426: {  	v36 =	vld.idx.msk [tilespmem:v37+s19+$0x0], $0xffff;
	_ =	sdelay $0x2  }
0x427: {  	v37 =	vadd.s32 $0x3, v34;
	_ =	sdelay $0x1  }
0x428: {  	[tilespmem:v57+s0+$0x0] =	vst.idx.msk $0xffff, v36;
	v57 =	vld [tilespmem:$0x1F9E0];
	_ =	sdelay $0x2  }
0x429: {  	v36 =	vld.idx.msk [tilespmem:v37+s17+$0x0], $0xffff;
	_ =	sdelay $0x2  }
0x42a: {  	v37 =	vadd.s32 $0x3, v35;
	_ =	sdelay $0x1  }
0x42b: {  	[tilespmem:v57+s0+$0x0] =	vst.idx.msk $0xffff, v36;
	v57 =	vld [tilespmem:$0x1F9F0];
	_ =	sdelay $0x2  }
0x42c: {  	v36 =	vld.idx.msk [tilespmem:v37+s19+$0x0], $0xffff;
	_ =	sdelay $0x2  }
0x42d: {  	v34 =	vadd.s32 $0x4, v34;
	_ =	sdelay $0x1  }
0x42e: {  	[tilespmem:v57+s0+$0x0] =	vst.idx.msk $0xffff, v36;
	v57 =	vld [tilespmem:$0x1FA00];
	_ =	sdelay $0x2  }
0x42f: {  	v34 =	vld.idx.msk [tilespmem:v34+s17+$0x0], $0xffff  }
0x430: {  	v35 =	vadd.s32 $0x4, v35;
	_ =	sdelay $0x1  }
0x431: {  	v37 =	vld [tilespmem:$0x1FA10];
	_ =	sdelay $0x1  }
0x432: {  	[tilespmem:v57+s0+$0x0] =	vst.idx.msk $0xffff, v34  }
0x433: {  	v34 =	vld.idx.msk [tilespmem:v35+s19+$0x0], $0xffff;
	_ =	sdelay $0x4  }
0x434: {  	[tilespmem:v37+s0+$0x0] =	vst.idx.msk $0xffff, v34  }
0x435: {  	v34 =	vld [tilespmem:$0x490];
	_ =	sdelay $0x4  }
0x436: {  	v34 =	vmul.u32 $0x5, v34;
	_ =	sdelay $0x1  }
0x437: {  	v57 =	vld [tilespmem:$0x1FA20]  }
0x438: {  	v35 =	vld [tilespmem:$0x590];
	_ =	sdelay $0x2  }
0x439: {  	v36 =	vld.idx.msk [tilespmem:v34+s17+$0x0], $0xffff;
	_ =	sdelay $0x1  }
0x43a: {  	v35 =	vmul.u32 $0x5, v35;
	_ =	sdelay $0x2  }
0x43b: {  	[tilespmem:v57+s0+$0x0] =	vst.idx.msk $0xffff, v36;
	v57 =	vld [tilespmem:$0x1FA30];
	_ =	sdelay $0x2  }
0x43c: {  	v36 =	vld.idx.msk [tilespmem:v35+s19+$0x0], $0xffff;
	_ =	sdelay $0x2  }
0x43d: {  	v37 =	vadd.s32 $0x1, v34;
	_ =	sdelay $0x1  }
0x43e: {  	[tilespmem:v57+s0+$0x0] =	vst.idx.msk $0xffff, v36;
	v57 =	vld [tilespmem:$0x1FA40];
	_ =	sdelay $0x2  }
0x43f: {  	v36 =	vld.idx.msk [tilespmem:v37+s17+$0x0], $0xffff;
	_ =	sdelay $0x2  }
0x440: {  	v37 =	vadd.s32 $0x1, v35;
	_ =	sdelay $0x1  }
0x441: {  	[tilespmem:v57+s0+$0x0] =	vst.idx.msk $0xffff, v36;
	v57 =	vld [tilespmem:$0x1FA50];
	_ =	sdelay $0x2  }
0x442: {  	v36 =	vld.idx.msk [tilespmem:v37+s19+$0x0], $0xffff;
	_ =	sdelay $0x2  }
0x443: {  	v37 =	vadd.s32 $0x2, v34;
	_ =	sdelay $0x1  }
0x444: {  	[tilespmem:v57+s0+$0x0] =	vst.idx.msk $0xffff, v36;
	v57 =	vld [tilespmem:$0x1FA60];
	_ =	sdelay $0x2  }
0x445: {  	v36 =	vld.idx.msk [tilespmem:v37+s17+$0x0], $0xffff;
	_ =	sdelay $0x2  }
0x446: {  	v37 =	vadd.s32 $0x2, v35;
	_ =	sdelay $0x1  }
0x447: {  	[tilespmem:v57+s0+$0x0] =	vst.idx.msk $0xffff, v36;
	v57 =	vld [tilespmem:$0x1FA70];
	_ =	sdelay $0x2  }
0x448: {  	v36 =	vld.idx.msk [tilespmem:v37+s19+$0x0], $0xffff;
	_ =	sdelay $0x2  }
0x449: {  	v37 =	vadd.s32 $0x3, v34;
	_ =	sdelay $0x1  }
0x44a: {  	[tilespmem:v57+s0+$0x0] =	vst.idx.msk $0xffff, v36;
	v57 =	vld [tilespmem:$0x1FA80];
	_ =	sdelay $0x2  }
0x44b: {  	v36 =	vld.idx.msk [tilespmem:v37+s17+$0x0], $0xffff;
	_ =	sdelay $0x2  }
0x44c: {  	v37 =	vadd.s32 $0x3, v35;
	_ =	sdelay $0x1  }
0x44d: {  	[tilespmem:v57+s0+$0x0] =	vst.idx.msk $0xffff, v36;
	v57 =	vld [tilespmem:$0x1FA90];
	_ =	sdelay $0x2  }
0x44e: {  	v36 =	vld.idx.msk [tilespmem:v37+s19+$0x0], $0xffff;
	_ =	sdelay $0x2  }
0x44f: {  	v34 =	vadd.s32 $0x4, v34;
	_ =	sdelay $0x1  }
0x450: {  	[tilespmem:v57+s0+$0x0] =	vst.idx.msk $0xffff, v36;
	v57 =	vld [tilespmem:$0x1FAA0];
	_ =	sdelay $0x2  }
0x451: {  	v34 =	vld.idx.msk [tilespmem:v34+s17+$0x0], $0xffff  }
0x452: {  	v35 =	vadd.s32 $0x4, v35;
	_ =	sdelay $0x1  }
0x453: {  	v37 =	vld [tilespmem:$0x1FAB0];
	_ =	sdelay $0x1  }
0x454: {  	[tilespmem:v57+s0+$0x0] =	vst.idx.msk $0xffff, v34  }
0x455: {  	v34 =	vld.idx.msk [tilespmem:v35+s19+$0x0], $0xffff;
	_ =	sdelay $0x4  }
0x456: {  	[tilespmem:v37+s0+$0x0] =	vst.idx.msk $0xffff, v34  }
0x457: {  	v34 =	vld [tilespmem:$0x4A0];
	_ =	sdelay $0x4  }
0x458: {  	v34 =	vmul.u32 $0x5, v34;
	_ =	sdelay $0x1  }
0x459: {  	v57 =	vld [tilespmem:$0x1FAC0]  }
0x45a: {  	v35 =	vld [tilespmem:$0x5A0];
	_ =	sdelay $0x2  }
0x45b: {  	v36 =	vld.idx.msk [tilespmem:v34+s17+$0x0], $0xffff;
	_ =	sdelay $0x1  }
0x45c: {  	v35 =	vmul.u32 $0x5, v35;
	_ =	sdelay $0x2  }
0x45d: {  	[tilespmem:v57+s0+$0x0] =	vst.idx.msk $0xffff, v36;
	v57 =	vld [tilespmem:$0x1FAD0];
	_ =	sdelay $0x2  }
0x45e: {  	v36 =	vld.idx.msk [tilespmem:v35+s19+$0x0], $0xffff;
	_ =	sdelay $0x2  }
0x45f: {  	v37 =	vadd.s32 $0x1, v34;
	_ =	sdelay $0x1  }
0x460: {  	[tilespmem:v57+s0+$0x0] =	vst.idx.msk $0xffff, v36;
	v57 =	vld [tilespmem:$0x1FAE0];
	_ =	sdelay $0x2  }
0x461: {  	v36 =	vld.idx.msk [tilespmem:v37+s17+$0x0], $0xffff;
	_ =	sdelay $0x2  }
0x462: {  	v37 =	vadd.s32 $0x1, v35;
	_ =	sdelay $0x1  }
0x463: {  	[tilespmem:v57+s0+$0x0] =	vst.idx.msk $0xffff, v36;
	v57 =	vld [tilespmem:$0x1FAF0];
	_ =	sdelay $0x2  }
0x464: {  	v36 =	vld.idx.msk [tilespmem:v37+s19+$0x0], $0xffff;
	_ =	sdelay $0x2  }
0x465: {  	v37 =	vadd.s32 $0x2, v34;
	_ =	sdelay $0x1  }
0x466: {  	[tilespmem:v57+s0+$0x0] =	vst.idx.msk $0xffff, v36;
	v57 =	vld [tilespmem:$0x1FB00];
	_ =	sdelay $0x2  }
0x467: {  	v36 =	vld.idx.msk [tilespmem:v37+s17+$0x0], $0xffff;
	_ =	sdelay $0x2  }
0x468: {  	v37 =	vadd.s32 $0x2, v35;
	_ =	sdelay $0x1  }
0x469: {  	[tilespmem:v57+s0+$0x0] =	vst.idx.msk $0xffff, v36;
	v57 =	vld [tilespmem:$0x1FB10];
	_ =	sdelay $0x2  }
0x46a: {  	v36 =	vld.idx.msk [tilespmem:v37+s19+$0x0], $0xffff;
	_ =	sdelay $0x2  }
0x46b: {  	v37 =	vadd.s32 $0x3, v34;
	_ =	sdelay $0x1  }
0x46c: {  	[tilespmem:v57+s0+$0x0] =	vst.idx.msk $0xffff, v36;
	v57 =	vld [tilespmem:$0x1FB20];
	_ =	sdelay $0x2  }
0x46d: {  	v36 =	vld.idx.msk [tilespmem:v37+s17+$0x0], $0xffff;
	_ =	sdelay $0x2  }
0x46e: {  	v37 =	vadd.s32 $0x3, v35;
	_ =	sdelay $0x1  }
0x46f: {  	[tilespmem:v57+s0+$0x0] =	vst.idx.msk $0xffff, v36;
	v57 =	vld [tilespmem:$0x1FB30];
	_ =	sdelay $0x2  }
0x470: {  	v36 =	vld.idx.msk [tilespmem:v37+s19+$0x0], $0xffff;
	_ =	sdelay $0x2  }
0x471: {  	v34 =	vadd.s32 $0x4, v34;
	_ =	sdelay $0x1  }
0x472: {  	[tilespmem:v57+s0+$0x0] =	vst.idx.msk $0xffff, v36;
	v57 =	vld [tilespmem:$0x1FB40];
	_ =	sdelay $0x2  }
0x473: {  	v34 =	vld.idx.msk [tilespmem:v34+s17+$0x0], $0xffff  }
0x474: {  	v35 =	vadd.s32 $0x4, v35;
	_ =	sdelay $0x1  }
0x475: {  	v37 =	vld [tilespmem:$0x1FB50];
	_ =	sdelay $0x1  }
0x476: {  	[tilespmem:v57+s0+$0x0] =	vst.idx.msk $0xffff, v34  }
0x477: {  	v34 =	vld.idx.msk [tilespmem:v35+s19+$0x0], $0xffff;
	_ =	sdelay $0x4  }
0x478: {  	[tilespmem:v37+s0+$0x0] =	vst.idx.msk $0xffff, v34  }
0x479: {  	v34 =	vld [tilespmem:$0x4B0];
	_ =	sdelay $0x4  }
0x47a: {  	v34 =	vmul.u32 $0x5, v34;
	_ =	sdelay $0x1  }
0x47b: {  	v57 =	vld [tilespmem:$0x1FB60]  }
0x47c: {  	v35 =	vld [tilespmem:$0x5B0];
	_ =	sdelay $0x2  }
0x47d: {  	v36 =	vld.idx.msk [tilespmem:v34+s17+$0x0], $0xffff;
	_ =	sdelay $0x1  }
0x47e: {  	v35 =	vmul.u32 $0x5, v35;
	_ =	sdelay $0x2  }
0x47f: {  	[tilespmem:v57+s0+$0x0] =	vst.idx.msk $0xffff, v36;
	v57 =	vld [tilespmem:$0x1FB70];
	_ =	sdelay $0x2  }
0x480: {  	v36 =	vld.idx.msk [tilespmem:v35+s19+$0x0], $0xffff;
	_ =	sdelay $0x2  }
0x481: {  	v37 =	vadd.s32 $0x1, v34;
	_ =	sdelay $0x1  }
0x482: {  	[tilespmem:v57+s0+$0x0] =	vst.idx.msk $0xffff, v36;
	v57 =	vld [tilespmem:$0x1FB80];
	_ =	sdelay $0x2  }
0x483: {  	v36 =	vld.idx.msk [tilespmem:v37+s17+$0x0], $0xffff;
	_ =	sdelay $0x2  }
0x484: {  	v37 =	vadd.s32 $0x1, v35;
	_ =	sdelay $0x1  }
0x485: {  	[tilespmem:v57+s0+$0x0] =	vst.idx.msk $0xffff, v36;
	v57 =	vld [tilespmem:$0x1FB90];
	_ =	sdelay $0x2  }
0x486: {  	v36 =	vld.idx.msk [tilespmem:v37+s19+$0x0], $0xffff;
	_ =	sdelay $0x2  }
0x487: {  	v37 =	vadd.s32 $0x2, v34;
	_ =	sdelay $0x1  }
0x488: {  	[tilespmem:v57+s0+$0x0] =	vst.idx.msk $0xffff, v36;
	v57 =	vld [tilespmem:$0x1FBA0];
	_ =	sdelay $0x2  }
0x489: {  	v36 =	vld.idx.msk [tilespmem:v37+s17+$0x0], $0xffff;
	_ =	sdelay $0x2  }
0x48a: {  	v37 =	vadd.s32 $0x2, v35;
	_ =	sdelay $0x1  }
0x48b: {  	[tilespmem:v57+s0+$0x0] =	vst.idx.msk $0xffff, v36;
	v57 =	vld [tilespmem:$0x1FBB0];
	_ =	sdelay $0x2  }
0x48c: {  	v36 =	vld.idx.msk [tilespmem:v37+s19+$0x0], $0xffff;
	_ =	sdelay $0x2  }
0x48d: {  	v37 =	vadd.s32 $0x3, v34;
	_ =	sdelay $0x1  }
0x48e: {  	[tilespmem:v57+s0+$0x0] =	vst.idx.msk $0xffff, v36;
	v57 =	vld [tilespmem:$0x1FBC0];
	_ =	sdelay $0x2  }
0x48f: {  	v36 =	vld.idx.msk [tilespmem:v37+s17+$0x0], $0xffff;
	_ =	sdelay $0x2  }
0x490: {  	v37 =	vadd.s32 $0x3, v35;
	_ =	sdelay $0x1  }
0x491: {  	[tilespmem:v57+s0+$0x0] =	vst.idx.msk $0xffff, v36;
	v57 =	vld [tilespmem:$0x1FBD0];
	_ =	sdelay $0x2  }
0x492: {  	v36 =	vld.idx.msk [tilespmem:v37+s19+$0x0], $0xffff;
	_ =	sdelay $0x2  }
0x493: {  	v34 =	vadd.s32 $0x4, v34;
	_ =	sdelay $0x1  }
0x494: {  	[tilespmem:v57+s0+$0x0] =	vst.idx.msk $0xffff, v36;
	v57 =	vld [tilespmem:$0x1FBE0];
	_ =	sdelay $0x2  }
0x495: {  	v34 =	vld.idx.msk [tilespmem:v34+s17+$0x0], $0xffff  }
0x496: {  	v35 =	vadd.s32 $0x4, v35;
	_ =	sdelay $0x1  }
0x497: {  	v37 =	vld [tilespmem:$0x1FBF0];
	_ =	sdelay $0x1  }
0x498: {  	[tilespmem:v57+s0+$0x0] =	vst.idx.msk $0xffff, v34  }
0x499: {  	v34 =	vld.idx.msk [tilespmem:v35+s19+$0x0], $0xffff;
	_ =	sdelay $0x4  }
0x49a: {  	[tilespmem:v37+s0+$0x0] =	vst.idx.msk $0xffff, v34  }
0x49b: {  	v34 =	vld [tilespmem:$0x4C0];
	_ =	sdelay $0x4  }
0x49c: {  	v34 =	vmul.u32 $0x5, v34  }
0x49d: {  	v35 =	vld [tilespmem:$0x5C0];
	_ =	sdelay $0x1  }
0x49e: {  	v57 =	vld [tilespmem:$0x1FC00];
	_ =	sdelay $0x2  }
0x49f: {  	v35 =	vmul.u32 $0x5, v35;
	v36 =	vld.idx.msk [tilespmem:v34+s17+$0x0], $0xffff;
	_ =	sdelay $0x4  }
0x4a0: {  	[tilespmem:v57+s0+$0x0] =	vst.idx.msk $0xffff, v36  }
0x4a1: {  	v36 =	vld.idx.msk [tilespmem:v35+s19+$0x0], $0xffff  }
0x4a2: {  	v57 =	vadd.s32 $0x1, v34;
	_ =	sdelay $0x3  }
0x4a3: {  	[tilespmem:v58+s0+$0x0] =	vst.idx.msk $0xffff, v36  }
0x4a4: {  	v36 =	vld.idx.msk [tilespmem:v57+s17+$0x0], $0xffff  }
0x4a5: {  	v58 =	vadd.s32 $0x1, v35;
	_ =	sdelay $0x3  }
0x4a6: {  	[tilespmem:v59+s0+$0x0] =	vst.idx.msk $0xffff, v36  }
0x4a7: {  	v36 =	vld.idx.msk [tilespmem:v58+s19+$0x0], $0xffff  }
0x4a8: {  	v59 =	vadd.s32 $0x2, v34;
	_ =	sdelay $0x3  }
0x4a9: {  	[tilespmem:v60+s0+$0x0] =	vst.idx.msk $0xffff, v36  }
0x4aa: {  	v36 =	vld.idx.msk [tilespmem:v59+s17+$0x0], $0xffff  }
0x4ab: {  	v60 =	vadd.s32 $0x2, v35;
	_ =	sdelay $0x3  }
0x4ac: {  	[tilespmem:v61+s0+$0x0] =	vst.idx.msk $0xffff, v36  }
0x4ad: {  	v36 =	vld.idx.msk [tilespmem:v60+s19+$0x0], $0xffff  }
0x4ae: {  	v57 =	vadd.s32 $0x3, v34;
	_ =	sdelay $0x3  }
0x4af: {  	[tilespmem:v62+s0+$0x0] =	vst.idx.msk $0xffff, v36  }
0x4b0: {  	v36 =	vld.idx.msk [tilespmem:v57+s17+$0x0], $0xffff  }
0x4b1: {  	v58 =	vadd.s32 $0x3, v35;
	_ =	sdelay $0x3  }
0x4b2: {  	[tilespmem:v63+s0+$0x0] =	vst.idx.msk $0xffff, v36  }
0x4b3: {  	v36 =	vld.idx.msk [tilespmem:v58+s19+$0x0], $0xffff  }
0x4b4: {  	v34 =	vadd.s32 $0x4, v34;
	_ =	sdelay $0x3  }
0x4b5: {  	[tilespmem:v1+s0+$0x0] =	vst.idx.msk $0xffff, v36  }
0x4b6: {  	v1 =	vld.idx.msk [tilespmem:v34+s17+$0x0], $0xffff  }
0x4b7: {  	v59 =	vadd.s32 $0x4, v35;
	_ =	sdelay $0x3  }
0x4b8: {  	[tilespmem:v2+s0+$0x0] =	vst.idx.msk $0xffff, v1  }
0x4b9: {  	v1 =	vld.idx.msk [tilespmem:v59+s19+$0x0], $0xffff;
	_ =	sdelay $0x4  }
0x4ba: {  	[tilespmem:v3+s0+$0x0] =	vst.idx.msk $0xffff, v1  }
0x4bb: {  	v1 =	vld [tilespmem:$0x4D0];
	_ =	sdelay $0x4  }
0x4bc: {  	v1 =	vmul.u32 $0x5, v1  }
0x4bd: {  	v2 =	vld [tilespmem:$0x5D0];
	_ =	sdelay $0x4  }
0x4be: {  	v2 =	vmul.u32 $0x5, v2;
	v3 =	vld.idx.msk [tilespmem:v1+s17+$0x0], $0xffff;
	_ =	sdelay $0x4  }
0x4bf: {  	[tilespmem:v4+s0+$0x0] =	vst.idx.msk $0xffff, v3  }
0x4c0: {  	v3 =	vld.idx.msk [tilespmem:v2+s19+$0x0], $0xffff  }
0x4c1: {  	v60 =	vadd.s32 $0x1, v1;
	_ =	sdelay $0x3  }
0x4c2: {  	[tilespmem:v5+s0+$0x0] =	vst.idx.msk $0xffff, v3  }
0x4c3: {  	v3 =	vld.idx.msk [tilespmem:v60+s17+$0x0], $0xffff  }
0x4c4: {  	v61 =	vadd.s32 $0x1, v2;
	_ =	sdelay $0x3  }
0x4c5: {  	[tilespmem:v6+s0+$0x0] =	vst.idx.msk $0xffff, v3  }
0x4c6: {  	v3 =	vld.idx.msk [tilespmem:v61+s19+$0x0], $0xffff  }
0x4c7: {  	v62 =	vadd.s32 $0x2, v1;
	_ =	sdelay $0x3  }
0x4c8: {  	[tilespmem:v7+s0+$0x0] =	vst.idx.msk $0xffff, v3  }
0x4c9: {  	v3 =	vld.idx.msk [tilespmem:v62+s17+$0x0], $0xffff  }
0x4ca: {  	v63 =	vadd.s32 $0x2, v2;
	_ =	sdelay $0x3  }
0x4cb: {  	[tilespmem:v8+s0+$0x0] =	vst.idx.msk $0xffff, v3  }
0x4cc: {  	v3 =	vld.idx.msk [tilespmem:v63+s19+$0x0], $0xffff  }
0x4cd: {  	v8 =	vadd.s32 $0x3, v1;
	_ =	sdelay $0x3  }
0x4ce: {  	[tilespmem:v9+s0+$0x0] =	vst.idx.msk $0xffff, v3  }
0x4cf: {  	v3 =	vld.idx.msk [tilespmem:v8+s17+$0x0], $0xffff  }
0x4d0: {  	v9 =	vadd.s32 $0x3, v2;
	_ =	sdelay $0x3  }
0x4d1: {  	[tilespmem:v10+s0+$0x0] =	vst.idx.msk $0xffff, v3  }
0x4d2: {  	v3 =	vld.idx.msk [tilespmem:v9+s19+$0x0], $0xffff  }
0x4d3: {  	v1 =	vadd.s32 $0x4, v1;
	_ =	sdelay $0x3  }
0x4d4: {  	[tilespmem:v11+s0+$0x0] =	vst.idx.msk $0xffff, v3  }
0x4d5: {  	v1 =	vld.idx.msk [tilespmem:v1+s17+$0x0], $0xffff  }
0x4d6: {  	v2 =	vadd.s32 $0x4, v2;
	_ =	sdelay $0x3  }
0x4d7: {  	[tilespmem:v12+s0+$0x0] =	vst.idx.msk $0xffff, v1  }
0x4d8: {  	v1 =	vld.idx.msk [tilespmem:v2+s19+$0x0], $0xffff;
	_ =	sdelay $0x4  }
0x4d9: {  	[tilespmem:v13+s0+$0x0] =	vst.idx.msk $0xffff, v1  }
0x4da: {  	v1 =	vld [tilespmem:$0x4E0];
	_ =	sdelay $0x4  }
0x4db: {  	v1 =	vmul.u32 $0x5, v1  }
0x4dc: {  	v2 =	vld [tilespmem:$0x5E0];
	_ =	sdelay $0x4  }
0x4dd: {  	v2 =	vmul.u32 $0x5, v2;
	v3 =	vld.idx.msk [tilespmem:v1+s17+$0x0], $0xffff;
	_ =	sdelay $0x4  }
0x4de: {  	[tilespmem:v14+s0+$0x0] =	vst.idx.msk $0xffff, v3  }
0x4df: {  	v3 =	vld.idx.msk [tilespmem:v2+s19+$0x0], $0xffff  }
0x4e0: {  	v14 =	vadd.s32 $0x1, v1;
	_ =	sdelay $0x3  }
0x4e1: {  	[tilespmem:v15+s0+$0x0] =	vst.idx.msk $0xffff, v3  }
0x4e2: {  	v3 =	vld.idx.msk [tilespmem:v14+s17+$0x0], $0xffff  }
0x4e3: {  	v34 =	vadd.s32 $0x1, v2;
	_ =	sdelay $0x3  }
0x4e4: {  	[tilespmem:v16+s0+$0x0] =	vst.idx.msk $0xffff, v3  }
0x4e5: {  	v3 =	vld.idx.msk [tilespmem:v34+s19+$0x0], $0xffff  }
0x4e6: {  	v35 =	vadd.s32 $0x2, v1;
	_ =	sdelay $0x3  }
0x4e7: {  	[tilespmem:v17+s0+$0x0] =	vst.idx.msk $0xffff, v3  }
0x4e8: {  	v3 =	vld.idx.msk [tilespmem:v35+s17+$0x0], $0xffff  }
0x4e9: {  	v36 =	vadd.s32 $0x2, v2;
	_ =	sdelay $0x3  }
0x4ea: {  	[tilespmem:v18+s0+$0x0] =	vst.idx.msk $0xffff, v3  }
0x4eb: {  	v3 =	vld.idx.msk [tilespmem:v36+s19+$0x0], $0xffff  }
0x4ec: {  	v37 =	vadd.s32 $0x3, v1;
	_ =	sdelay $0x3  }
0x4ed: {  	[tilespmem:v19+s0+$0x0] =	vst.idx.msk $0xffff, v3  }
0x4ee: {  	v3 =	vld.idx.msk [tilespmem:v37+s17+$0x0], $0xffff  }
0x4ef: {  	v57 =	vadd.s32 $0x3, v2;
	_ =	sdelay $0x3  }
0x4f0: {  	[tilespmem:v20+s0+$0x0] =	vst.idx.msk $0xffff, v3  }
0x4f1: {  	v3 =	vld.idx.msk [tilespmem:v57+s19+$0x0], $0xffff  }
0x4f2: {  	v1 =	vadd.s32 $0x4, v1;
	_ =	sdelay $0x3  }
0x4f3: {  	[tilespmem:v21+s0+$0x0] =	vst.idx.msk $0xffff, v3  }
0x4f4: {  	v1 =	vld.idx.msk [tilespmem:v1+s17+$0x0], $0xffff  }
0x4f5: {  	v2 =	vadd.s32 $0x4, v2;
	_ =	sdelay $0x3  }
0x4f6: {  	[tilespmem:v22+s0+$0x0] =	vst.idx.msk $0xffff, v1  }
0x4f7: {  	v1 =	vld.idx.msk [tilespmem:v2+s19+$0x0], $0xffff;
	_ =	sdelay $0x4  }
0x4f8: {  	[tilespmem:v23+s0+$0x0] =	vst.idx.msk $0xffff, v1  }
0x4f9: {  	v1 =	vld [tilespmem:$0x4F0];
	_ =	sdelay $0x4  }
0x4fa: {  	v1 =	vmul.u32 $0x5, v1  }
0x4fb: {  	v2 =	vld [tilespmem:$0x5F0];
	_ =	sdelay $0x4  }
0x4fc: {  	v2 =	vmul.u32 $0x5, v2;
	v3 =	vld.idx.msk [tilespmem:v1+s17+$0x0], $0xffff;
	_ =	sdelay $0x4  }
0x4fd: {  	[tilespmem:v24+s0+$0x0] =	vst.idx.msk $0xffff, v3  }
0x4fe: {  	v3 =	vld.idx.msk [tilespmem:v2+s19+$0x0], $0xffff  }
0x4ff: {  	v58 =	vadd.s32 $0x1, v1;
	_ =	sdelay $0x3  }
0x500: {  	[tilespmem:v25+s0+$0x0] =	vst.idx.msk $0xffff, v3  }
0x501: {  	v3 =	vld.idx.msk [tilespmem:v58+s17+$0x0], $0xffff  }
0x502: {  	v59 =	vadd.s32 $0x1, v2;
	_ =	sdelay $0x3  }
0x503: {  	[tilespmem:v26+s0+$0x0] =	vst.idx.msk $0xffff, v3  }
0x504: {  	v3 =	vld.idx.msk [tilespmem:v59+s19+$0x0], $0xffff  }
0x505: {  	v60 =	vadd.s32 $0x2, v1;
	_ =	sdelay $0x3  }
0x506: {  	[tilespmem:v27+s0+$0x0] =	vst.idx.msk $0xffff, v3  }
0x507: {  	v3 =	vld.idx.msk [tilespmem:v60+s17+$0x0], $0xffff  }
0x508: {  	v61 =	vadd.s32 $0x2, v2;
	_ =	sdelay $0x3  }
0x509: {  	[tilespmem:v28+s0+$0x0] =	vst.idx.msk $0xffff, v3  }
0x50a: {  	v3 =	vld.idx.msk [tilespmem:v61+s19+$0x0], $0xffff  }
0x50b: {  	v62 =	vadd.s32 $0x3, v1;
	_ =	sdelay $0x3  }
0x50c: {  	[tilespmem:v29+s0+$0x0] =	vst.idx.msk $0xffff, v3  }
0x50d: {  	v3 =	vld.idx.msk [tilespmem:v62+s17+$0x0], $0xffff  }
0x50e: {  	v63 =	vadd.s32 $0x3, v2;
	_ =	sdelay $0x3  }
0x50f: {  	[tilespmem:v30+s0+$0x0] =	vst.idx.msk $0xffff, v3  }
0x510: {  	v3 =	vld.idx.msk [tilespmem:v63+s19+$0x0], $0xffff  }
0x511: {  	v1 =	vadd.s32 $0x4, v1;
	_ =	sdelay $0x3  }
0x512: {  	[tilespmem:v31+s0+$0x0] =	vst.idx.msk $0xffff, v3  }
0x513: {  	v1 =	vld.idx.msk [tilespmem:v1+s17+$0x0], $0xffff  }
0x514: {  	v2 =	vadd.s32 $0x4, v2;
	_ =	sdelay $0x3  }
0x515: {  	[tilespmem:v32+s0+$0x0] =	vst.idx.msk $0xffff, v1  }
0x516: {  	v1 =	vld.idx.msk [tilespmem:v2+s19+$0x0], $0xffff  }
.Ltmp2:
0x517: {  	_ = 	snop;
	(pc) =	sbr.rel @p0 .LBB2_4-.Ltmp2, $3  }
0x518: {  	_ =	sdelay $0x1  }
0x519: {  	s18 =	sadd.s32 s8, s12  }
0x51a: {  	s7 =	sadd.s32 $0xA00, s18;
	[tilespmem:v33+s0+$0x0] =	vst.idx.msk $0xffff, v1  }
0x51b: {  	[hbm4b:s7+s1] =	stream.strided.scatter [tilespmem:s26], [sflag:$0x4], $0x2000, s21, s1, $0x38;
	[tilespmem:$0xB5A0] =	vst v63  }
0x51c: {  	s2 =	sadd.s32 $0xA08, s18  }
0x51d: {  	[hbm4b:s2+s22] =	stream.strided.scatter [tilespmem:s0], [sflag:$0x4], $0x800, s21, s22, $0x38;
	[tilespmem:$0xB5A0] =	vst v63  }
.Ltmp3:
0x51e: {  	s18 =	sadd.s32 s8, s11;
	(pc) =	sbr.rel .LBB2_2-.Ltmp3, $4  }
0x51f: {  	s28 =	rddreg [dreg:$0x8];
	s3 =	simm.s32 $0x9E00;
	s9 =	sadd.s32 $0x600, s9  }
0x520: {  	[hbm4b:s18+s1] =	stream.strided.scatter [tilespmem:s29], [sflag:$0x4], $0x2000, s21, s1, $0x38;
	[tilespmem:$0xB5A0] =	vst v63  }
0x521: {  	s13 =	sadd.s32 $0xC0, s13;
	s2 =	sadd.s32 s8, s28;
	s8 =	sadd.s32 $0x1400, s8  }
0x522: {  	[hbm4b:s2+s22] =	stream.strided.scatter [tilespmem:s3], [sflag:$0x4], $0x800, s21, s22, $0x38;
	[tilespmem:$0xB5A0] =	vst v63  }
.LBB2_5:
0x523: {  	_ =	sfence.sel $0x180000  }
0x524: {  	[bflag:$0x0] =	sbarrier.arrive $0xFFFF  }
0x525: {  	_ =	strace $0x90000047  }
0x526: {  	s0 =	stileid.u32;
	[bflag:$0x2] =	sbarrier.arrive $0xFFFF  }
0x527: {  	p0 =	sne.s32 s0, $0x0;
	s0 =	rddreg [dreg:$0x2]  }
0x528: {  	s0 =	sadd.s32 @!p0 $0x100000, s0  }
0x529: {  	[sflag:s0] =	ssyncadd.tile.s32 @!p0 $0x1;
	_ =	shalt  }
.Lfunc_end2:
_tile_overlayer_lowered:
.L_overlay_start_2:
0x52a: {  	(tag) =	ssettag $0x2  }
0x52b: {  	s0 =	rddreg [dreg:$0x0];
	s2 =	stileid.u32  }
0x52c: {  	s1 =	rddreg [dreg:$0x1];
	p0 =	sne.s32 s2, $0x0  }
0x52d: {  	s3 =	rddreg [dreg:$0x2];
	[bflag:$0x3] =	sbarrier.arrive $0xFFFF;
	s2 =	simm.s32 @!p0 $0x1C05  }
0x52e: {  	[timem:s3], [sflag:s2] =	dma.local @!p0 [hbm:s0], s1  }
0x52f: {  	s0 =	simm.s32 @!p0 $0x5  }
0x530: {  	_ =	swait.ge @!p0 [sflag:s0], s1  }
0x531: {  	s1 =	ssub.s32 @!p0 $0x0, s1;
	[sflag:s0] =	ssyncset.done @!p0 $0x0  }
0x532: {  	[sflag:s0] =	ssyncadd.s32 @!p0 s1  }
0x533: {  	[bflag:$0x3] =	sbarrier.arrive $0xFFFF  }
0x534: {  	_ =	shalt  }

// kernel: sparse-core-data-format-call.cloned.1.call-start
scs
called_computation_lowered:
.L_overlay_start_0:
0x0: {  	s2 =	sld [smem:$0x3FD9]  }
0x1: {  	s3 =	sld [smem:$0x3FFE];
	_ =	sdelay $0x1  }
0x2: {  	s1 =	srdreg.scid  }
0x3: {  	s0 =	sand.u32 $0x1, s1  }
0x4: {  	s18 =	sshll.u32 s0, $0xA;
	s2 =	sadd.s32 s3, s2  }
0x5: {  	s2 =	sadd.s32 s2, s18  }
0x6: {  	[smem:$0x3FC2] =	sst s2  }
0x7: {  	_ = 	snop  }
0x8: {  	s2 =	sld [smem:$0x3FD0];
	(tm) =	ssettm $0x1  }
0x9: {  	s19 =	sld [smem:$0x3FFB];
	_ =	sdelay $0x3  }
0xa: {  	_ =	strace s19  }
0xb: {  	s3 =	sld [smem:$0x3FFC];
	_ =	sdelay $0x3  }
0xc: {  	_ =	strace s3  }
0xd: {  	s3 =	sld [smem:$0x3FFD];
	_ =	sdelay $0x3  }
0xe: {  	_ =	strace s3  }
0xf: {  	_ =	strace $0x8FFFFFFF  }
0x10: {  	s20 =	sld [smem:$0x3FDB];
	_ =	sdelay $0x1  }
0x11: {  	s4 =	simm.s32 $_scs_section_size  }
0x12: {  	s5 =	simm.s32 $_size__tile_overlayer_lowered;
	s6 =	simm.s32 $_tile_overlayer_lowered  }
0x13: {  	s23 =	simm.s32 $0x1BFF;
	s22 =	sshll.u32 s6, $0x1;
	s3 =	sadd.s32 s4, s20  }
0x14: {  	s7 =	simm.s32 $0x0;
	s21 =	sshll.u32 s5, $0x1;
	s5 =	sadd.s32 s22, s3  }
0x15: {  	[timem:s7], [sflag:s23] =	dma.local [hbm:s5], s21  }
0x16: {  	_ =	swait.ge [sflag:s23], s21  }
0x17: {  	s4 =	ssub.s32 $0x0, s21;
	[sflag:s23] =	ssyncset.done $0x0  }
0x18: {  	[sflag:s23] =	ssyncadd.s32 s4;
	_ =	sdelay $0x1  }
0x19: {  	s24 =	simm.s32 $0x1B8B  }
0x1a: {  	_ =	swait.ge [sflag:s24], $0x1  }
0x1b: {  	[sflag:s24] =	ssyncset.done $0x0  }
0x1c: {  	s26 =	simm.s32 $0x1B8E;
	s25 =	sld [smem:$0x3FFE];
	[sflag:s24] =	ssyncadd.s32 $0xFFFFFFFF  }
0x1d: {  	s27 =	simm.s32 $execute0_lowered;
	[smem:$0x3FD2] =	sst s26  }
0x1e: {  	s5 =	sshll.u32 s27, $0x1;
	_ =	strace $0x80000049;
	[dreg:$0x1] =	wrdreg $0xFFFFFFFF  }
0x1f: {  	s28 =	simm.s32 $_size_execute0_lowered;
	s3 =	sadd.s32 s3, s5;
	[dreg:$0x0] =	wrdreg $0x0  }
0x20: {  	s5 =	sshll.u32 s28, $0x1;
	[dreg:$0x2] =	wrdreg s3  }
0x21: {  	[dreg:$0x3] =	wrdreg s5  }
0x22: {  	[dreg:$0x4] =	wrdreg $0xC0  }
0x23: {  	_ =	task [dreg:s7], $0x5FFFF  }
0x24: {  	[dreg:$0x1] =	wrdreg $0xFFFFFFFF  }
0x25: {  	[dreg:$0x0] =	wrdreg $0x60  }
0x26: {  	[dreg:$0x2] =	wrdreg s25  }
0x27: {  	[dreg:$0x3] =	wrdreg s2  }
0x28: {  	[dreg:$0x4] =	wrdreg $0x9  }
0x29: {  	_ =	task.clear_ibuf [dreg:s7], $0x5FFFF;
	_ =	strace $0x90000049  }
0x2a: {  	s29 =	simm.s32 $0x9;
	_ =	strace $0x8000004B  }
0x2b: {  	_ =	swait.ge [sflag:s29], $0x1  }
0x2c: {  	[sflag:s29] =	ssyncadd.s32 $0xFFFFFFFF  }
0x2d: {  	_ =	strace $0x9000004B  }
0x2e: {  	_ =	sfence  }
0x2f: {  	s30 =	sld [smem:$0x0];
	_ =	sdelay $0x2  }
0x30: {  	s31 =	sshll.u32 s1, $0xD;
	s1 =	sshrl.u32 s1, $0x2  }
0x31: {  	s3 =	sand.u32 $0x4000, s31;
	s1 =	sadd.s32 s1, s30  }
0x32: {  	s0 =	sor.u32 s3, s0;
	s1 =	sshll.u32 s1, $0x11  }
0x33: {  	s0 =	sor.u32 s1, s0  }
0x34: {  	s0 =	sadd.s32 $0x8F2B, s0  }
0x35: {  	[sflag:s0] =	ssyncadd.remote.s32 $0x1  }
0x36: {  	_ =	sfence.sel $0xFFFF  }
0x37: {  	[dreg:$0x0] =	wrdreg $0xFFFFFFFF;
	(pc) =	sbr.abs _section_cstart, $3  }
0x38: {  	[dreg:$0x1] =	wrdreg $0xFFFFFFFF  }
0x39: {  	_ =	task.clear_ibuf [dreg:s7], $0x2FFFF;
	_ =	strace $0x9FFFFFFF  }
0x3a: {  	(tm) =	ssettm $0x7FFFFFFF  }
0x3b: {  	_ =	shalt  }
tec
execute0_lowered:
.L_overlay_start_1:
0x0: {  	(tag) =	ssettag $0x1  }
0x1: {  	s0 =	srdreg.scid  }
0x2: {  	s1 =	sshll.u32 s0, $0x4  }
0x3: {  	s6 =	rddreg [dreg:$0x0];
	s0 =	stileid.u32;
	s1 =	sand.u32 $0x10, s1  }
0x4: {  	s3 =	rddreg [dreg:$0x1];
	s1 =	sor.u32 s0, s1  }
0x5: {  	s5 =	simm.s32 $0x1;
	s31 =	simm.s32 $0x2;
	s2 =	sshll.u32 s1, $0x7  }
0x6: {  	s15 =	simm.s32 $0x0;
	s8 =	simm.s32 $0xC8000;
	s4 =	ssub.s32 $0x1000, s2  }
0x7: {  	s14 =	simm.s32 $0x0;
	s9 =	simm.s32 $0x0;
	s30 =	sand.u32 $0xF80, s4  }
0x8: {  	s10 =	simm.s32 $0x0;
	s11 =	simm.s32 $0x0;
	p0 =	sne.s32 s30, $0x0  }
.Ltmp0:
0x9: {  	s7 =	sshrl.u32 s4, $0xC;
	s5 =	simm.s32 @!p0 $0x0;
	(pc) =	sbr.rel .LBB1_1-.Ltmp0, $4  }
0xa: {  	s13 =	simm.s32 $0x0;
	s1 =	rddreg [dreg:$0x2];
	s5 =	sadd.s32 s5, s7  }
0xb: {  	_ =	strace $0x8000004A;
	s4 =	simm.s32 $0x1;
	s5 =	smul.u32 $0xC8, s5  }
0xc: {  	s6 =	sadd.s32 $0x7D1600, s6;
	s12 =	smov.u32 s2;
	[sflag:s4] =	ssyncpa.u1 $0x0  }
0xd: {  	[sflag:s31] =	ssyncpa.u1 $0x0;
	p0 =	por $0x0, $0x0;
	s7 =	sor.u32 $0x1, s5  }
.LBB1_4:
0xe: {  	s20 =	sshra.s32 s20, $0x2;
	s27 =	sshll.u32 s9, $0xC  }
0xf: {  	s21 =	sand.u32 $0x78, s10;
	s22 =	sshll.u32 s10, $0x3;
	s24 =	sshll.u32 s9, $0x7  }
0x10: {  	p1 =	sgt.s32 s9, $0xC7;
	s30 =	sshra.s32 s9, $0x1F;
	s25 =	sshra.s32 s10, $0x1F  }
0x11: {  	s19 =	sadd.s32 s20, s19;
	s20 =	sand.u32 $0xFFFF8000, s27;
	s23 =	sand.u32 $0xFFFFFC00, s22  }
0x12: {  	v5 =	vld [tilespmem:s17+$0xFFFFFFD0];
	[tilespmem:s18+$0x2040 ss:$0x81] =	vst.msk $0xffff, v4;
	s22 =	sand.u32 $0xC00, s22;
	s28 =	sand.u32 $0x380, s24;
	s31 =	sand.u32 s30, s9  }
0x13: {  	v58 =	vld [tilespmem:s17+$0xFFFFFFE0];
	[tilespmem:s18+$0x2850 ss:$0x81] =	vst.msk $0xffff, v3;
	s24 =	smov.u32 s10;
	s25 =	sand.u32 s25, s10;
	s20 =	sadd.s32 s23, s20  }
0x14: {  	v59 =	vld [tilespmem:s17+$0xFFFFFFF0];
	[tilespmem:s18+$0x3060 ss:$0x81] =	vst.msk $0xffff, v2;
	s21 =	sor.u32 s21, s22;
	s22 =	smov.u32 s9;
	s20 =	sshrl.u32 s20, $0xC  }
0x15: {  	v60 =	vld [tilespmem:s17+$0x0];
	[tilespmem:s18+$0x0 ss:$0x81] =	vst.msk $0xffff, v1;
	s22 =	simm.s32 @!p1 $0xC7;
	p1 =	sgt.s32 s10, $0xF80;
	s29 =	smulhi.u32 $0x147AE15, s20  }
0x16: {  	v61 =	vld [tilespmem:s17+$0x10];
	[tilespmem:s19+$0x3870 ss:$0x81] =	vst.msk $0xffff, v0;
	s21 =	sor.u32 s28, s21;
	s18 =	ssub.s32 s22, s31;
	s24 =	simm.s32 @!p1 $0xF80  }
0x17: {  	v62 =	vld [tilespmem:s17+$0x20];
	[tilespmem:s19+$0x810 ss:$0x81] =	vst.msk $0xffff, v5;
	s22 =	ssub.s32 s24, s25;
	s26 =	ssub.s32 $0xC8, s18;
	s23 =	smul.u32 $0xC8, s29  }
0x18: {  	v63 =	vld [tilespmem:s17+$0xFFFFFFC0];
	[tilespmem:s19+$0x1020 ss:$0x81] =	vst.msk $0xffff, v58;
	s27 =	sadd.s32 $0xFFFFFF39, s18;
	s18 =	smul.u32 $0x4A, s26;
	s28 =	sadd.s32 $0xFFFFF080, s22  }
0x19: {  	[tilespmem:s19+$0x1830 ss:$0x81] =	vst.msk $0xffff, v59;
	p1 =	sgt.s32 s27, $0x0;
	s17 =	ssub.s32 $0x1000, s22;
	p2 =	sgt.s32 s28, $0x7F  }
0x1a: {  	s30 =	sand.u32 $0x7, s10;
	[tilespmem:s19+$0x2040 ss:$0x81] =	vst.msk $0xffff, v60;
	s18 =	simm.s32 @p1 $0x0;
	s17 =	simm.s32 @p2 $0x0  }
0x1b: {  	[tilespmem:s19+$0x2850 ss:$0x81] =	vst.msk $0xffff, v61;
	s29 =	sshrl.u32 s21, $0x3;
	s20 =	ssub.s32 s20, s23;
	s17 =	smul.u32 s17, s18  }
0x1c: {  	[tilespmem:s19+$0x3060 ss:$0x81] =	vst.msk $0xffff, v62;
	s21 =	sshll.u32 s30, $0x12;
	s20 =	sshll.u32 s20, $0x9;
	s18 =	sadd.s32 s3, s29  }
0x1d: {  	[tilespmem:s19+$0x0 ss:$0x81] =	vst.msk $0xffff, v63;
	s31 =	sor.u32 $0x80, s21;
	s18 =	sadd.s32 s20, s18;
	s17 =	sand.u32 $0x3FFFFFFE, s17  }
0x1e: {  	[hbm4b:s18+s31] =	stream.strided.scatter [tilespmem:s16], [sflag:$0x2], s17, s8, s31, $0x20;
	[tilespmem:$0x10100] =	vst v63  }
.LBB1_5:
0x1f: {  	p1 =	slt.u32 s13, $0x2  }
0x20: {  	s17 =	smov.u32 s15;
	p2 =	sgt.s32 @!p1 s15, $0xC7;
	s16 =	sshra.s32 @!p1 s15, $0x1F  }
0x21: {  	p3 =	sgt.s32 @!p1 s14, $0xF80;
	s18 =	sshra.s32 @!p1 s14, $0x1F;
	p2 =	por !p2, p1  }
0x22: {  	s15 =	sand.u32 @!p1 s16, s15;
	p3 =	por !p3, p1;
	s16 =	smov.u32 s14  }
0x23: {  	s14 =	sand.u32 @!p1 s18, s14;
	s17 =	simm.s32 @p2 $0xC7;
	s16 =	simm.s32 @p3 $0xF80  }
0x24: {  	s18 =	smov.u32 s12;
	s15 =	ssub.s32 @!p1 s17, s15;
	s14 =	ssub.s32 @!p1 s16, s14  }
0x25: {  	s16 =	sadd.s32 @!p1 $0xFFFFFF39, s15;
	s15 =	ssub.s32 @!p1 $0xC8, s15;
	s17 =	sadd.s32 @!p1 $0xFFFFF080, s14  }
0x26: {  	p2 =	sgt.s32 @!p1 s16, $0x0;
	s15 =	smul.u32 @!p1 $0x4A, s15;
	p3 =	sgt.s32 @!p1 s17, $0x7F  }
0x27: {  	s14 =	ssub.s32 @!p1 $0x1000, s14;
	p2 =	por !p2, p1;
	p3 =	por !p3, p1  }
0x28: {  	s16 =	sadd.s32 $0x1, s11;
	s15 =	simm.s32 @!p2 $0x0;
	s14 =	simm.s32 @!p3 $0x0  }
0x29: {  	p2 =	sgt.s32 s16, $0xC7;
	s14 =	smul.u32 @!p1 s14, s15;
	s15 =	sadd.s32 $0x1000, s12  }
0x2a: {  	s18 =	smov.u32 @p2 s15  }
0x2b: {  	s16 =	simm.s32 @p2 $0x0;
	p2 =	sgt.s32 s18, $0xFFF  }
0x2c: {  	s18 =	smov.u32 @p2 s2;
	p2 =	sne.s32 s13, s7  }
.Ltmp1:
0x2d: {  	p0 =	por !p0, !p0;
	s17 =	simm.s32 @!p1 $0x2;
	(pc) =	sbr.rel @!p2 .LBB1_6-.Ltmp1, $4  }
0x2e: {  	s15 =	smov.u32 s9;
	s9 =	smov.u32 s11;
	s14 =	sand.u32 @!p1 $0x3FFFFFFE, s14  }
0x2f: {  	s11 =	smov.u32 s16;
	_ =	swait.ge @!p1 [sflag:s17], s14;
	s19 =	ssub.s32 @!p1 $0x0, s14  }
0x30: {  	s14 =	smov.u32 s10;
	s13 =	sadd.s32 $0x1, s13;
	[sflag:s17] =	ssyncset.done @!p1 $0x0  }
0x31: {  	s10 =	smov.u32 s12;
	s12 =	smov.u32 s18;
	[sflag:s17] =	ssyncadd.s32 @!p1 s19  }
.LBB1_1:
0x32: {  	p1 =	sge.u32 s13, s5  }
0x33: {  	s16 =	sand.u32 @!p1 $0x1FFFFFF, s11  }
0x34: {  	s17 =	smulhi.u32 @!p1 $0x147AE15, s16;
	_ =	sdelay $0x1  }
0x35: {  	s17 =	smul.u32 @!p1 $0xC8, s17  }
0x36: {  	s18 =	sxor.u32 @!p1 $0xFFFFFFFF, s13;
	s19 =	smul.u32 @!p1 $0xC80, s12  }
0x37: {  	s31 =	sadd.s32 $0xFFFFFFFF, s13;
	s18 =	sshll.u32 @!p1 s18, $0xE;
	s16 =	ssub.s32 @!p1 s16, s17  }
0x38: {  	s17 =	sand.u32 @!p1 $0x4000, s18;
	s18 =	sadd.s32 @!p1 s6, s19;
	s16 =	sshll.u32 @!p1 s16, $0x4  }
0x39: {  	s19 =	simm.s32 @!p1 $0x6400;
	s16 =	sadd.s32 @!p1 s16, s18;
	s18 =	simm.s32 @!p1 $0x80  }
0x3a: {  	[tilespmem:s17], [sflag:$0x1] =	stream.strided.gather @!p1 [hbm4b:s16+s18], $0x4000, s19, s18, $0x38;
	[tilespmem:$0x10100] =	vst v63  }
0x3b: {  	p1 =	sge.u32 s31, s5  }
.Ltmp2:
0x3c: {  	_ = 	snop;
	(pc) =	sbr.rel @p1 .LBB1_5-.Ltmp2, $1  }
0x3d: {  	_ =	sdelay $0x3  }
0x3e: {  	s16 =	simm.s32 $0x1  }
0x3f: {  	_ =	swait.ge [sflag:s4], $0x4000;
	s16 =	simm.s32 @!p0 $0x0  }
0x40: {  	[sflag:s4] =	ssyncset.done $0x0;
	s17 =	sshll.u32 s16, $0xE  }
0x41: {  	[sflag:s4] =	ssyncadd.s32 $0xFFFFC000;
	s17 =	sor.u32 $0x40, s17  }
0x42: {  	s16 =	smul.u32 $0x10200, s16;
	v0 =	vld [tilespmem:s17+$0x30]  }
0x43: {  	v1 =	vld [tilespmem:s17+$0xFFFFFFD0]  }
0x44: {  	s16 =	sshrl.u32 s16, $0x2;
	v5 =	vld [tilespmem:s17+$0xFFFFFFE0]  }
0x45: {  	v6 =	vld [tilespmem:s17+$0xFFFFFFF0];
	s19 =	sor.u32 $0x8000, s16  }
0x46: {  	s31 =	sand.u32 $0x1, s13;
	v4 =	vld [tilespmem:s17+$0x0];
	s18 =	sadd.s32 $0x0, s19  }
0x47: {  	v3 =	vld [tilespmem:s17+$0x10];
	s16 =	smul.u32 $0x10200, s31;
	[tilespmem:s18+$0x3870 ss:$0x81] =	vst.msk $0xffff, v0  }
0x48: {  	v2 =	vld [tilespmem:s17+$0x20];
	[tilespmem:s18+$0x810 ss:$0x81] =	vst.msk $0xffff, v1  }
0x49: {  	s16 =	sshrl.u32 s16, $0x2;
	v1 =	vld [tilespmem:s17+$0xFFFFFFC0];
	[tilespmem:s18+$0x1020 ss:$0x81] =	vst.msk $0xffff, v5;
	s17 =	sadd.s32 $0x80, s17  }
0x4a: {  	s20 =	simm.s32 $0x4;
	s21 =	simm.s32 $0x8;
	s16 =	sor.u32 $0x8000, s16;
	[tilespmem:s18+$0x1830 ss:$0x81] =	vst.msk $0xffff, v6;
	v0 =	vld [tilespmem:s17+$0x30]  }
.LBB1_3:
0x4b: {  	p1 =	sne.s32 s21, $0x1FC;
	v5 =	vld [tilespmem:s17+$0xFFFFFFD0];
	[tilespmem:s18+$0x2040 ss:$0x81] =	vst.msk $0xffff, v4  }
0x4c: {  	v6 =	vld [tilespmem:s17+$0xFFFFFFE0];
	[tilespmem:s18+$0x2850 ss:$0x81] =	vst.msk $0xffff, v3  }
0x4d: {  	s22 =	sshra.s32 s20, $0x2;
	s20 =	smov.u32 s21;
	v7 =	vld [tilespmem:s17+$0xFFFFFFF0];
	[tilespmem:s18+$0x3060 ss:$0x81] =	vst.msk $0xffff, v2  }
.Ltmp3:
0x4e: {  	v4 =	vld [tilespmem:s17+$0x0];
	[tilespmem:s18+$0x0 ss:$0x81] =	vst.msk $0xffff, v1;
	s18 =	sadd.s32 s22, s19;
	(pc) =	sbr.rel @p1 .LBB1_3-.Ltmp3, $4  }
0x4f: {  	v3 =	vld [tilespmem:s17+$0x10];
	[tilespmem:s18+$0x3870 ss:$0x81] =	vst.msk $0xffff, v0  }
0x50: {  	[tilespmem:s18+$0x810 ss:$0x81] =	vst.msk $0xffff, v5;
	v2 =	vld [tilespmem:s17+$0x20]  }
0x51: {  	v1 =	vld [tilespmem:s17+$0xFFFFFFC0];
	[tilespmem:s18+$0x1020 ss:$0x81] =	vst.msk $0xffff, v6;
	s17 =	sadd.s32 $0x80, s17  }
0x52: {  	s21 =	sadd.s32 $0x4, s21;
	v0 =	vld [tilespmem:s17+$0x30];
	[tilespmem:s18+$0x1830 ss:$0x81] =	vst.msk $0xffff, v7  }
.Ltmp4:
0x53: {  	_ = 	snop;
	(pc) =	sbr.rel .LBB1_4-.Ltmp4, $1  }
0x54: {  	_ =	sdelay $0x3  }
.LBB1_6:
0x55: {  	_ =	sfence.sel $0x180000  }
0x56: {  	s2 =	simm.s32 $0x1;
	[bflag:$0x0] =	sbarrier.arrive $0xFFFF  }
0x57: {  	s31 =	simm.s32 $0x2;
	[sflag:s2] =	ssyncpa.u1 $0x1  }
0x58: {  	[sflag:s31] =	ssyncpa.u1 $0x1  }
0x59: {  	p0 =	sne.s32 s0, $0x0;
	_ =	strace $0x9000004A  }
0x5a: {  	s0 =	sadd.s32 @!p0 $0x100000, s1;
	[bflag:$0x2] =	sbarrier.arrive $0xFFFF  }
0x5b: {  	[sflag:s0] =	ssyncadd.tile.s32 @!p0 $0x1;
	_ =	shalt  }
.Lfunc_end1:
_tile_overlayer_lowered:
.L_overlay_start_2:
0x5c: {  	(tag) =	ssettag $0x2  }
0x5d: {  	s0 =	rddreg [dreg:$0x0];
	s2 =	stileid.u32  }
0x5e: {  	s1 =	rddreg [dreg:$0x1];
	p0 =	sne.s32 s2, $0x0  }
0x5f: {  	s3 =	rddreg [dreg:$0x2];
	[bflag:$0x3] =	sbarrier.arrive $0xFFFF;
	s2 =	simm.s32 @!p0 $0x1C01  }
0x60: {  	[timem:s3], [sflag:s2] =	dma.local @!p0 [hbm:s0], s1  }
0x61: {  	s0 =	simm.s32 @!p0 $0x1  }
0x62: {  	_ =	swait.ge @!p0 [sflag:s0], s1  }
0x63: {  	s1 =	ssub.s32 @!p0 $0x0, s1;
	[sflag:s0] =	ssyncset.done @!p0 $0x0  }
0x64: {  	[sflag:s0] =	ssyncadd.s32 @!p0 s1  }
0x65: {  	[bflag:$0x3] =	sbarrier.arrive $0xFFFF  }
0x66: {  	_ =	shalt  }

</sc_bundles>
